<compile_context>
chip_gen: v7x
topology: tpu7x:2x2x1
jax: 0.10.2.dev20260603
libtpu: 0.0.44.dev20260713+nightly
codegen_flags: <defaults>
</compile_context>

<pallas_src>
import functools
import math

import jax
import jax.numpy as jnp
from jax import lax
from jax.experimental import pallas as pl
from jax.experimental.pallas import tpu as pltpu
from jax.experimental.pallas import tpu_sc as plsc

N_PT = 100000
N_PL = 10000
E_PT = 400000
HID = 128
NFREQ = 64
NHEAD = 8
HEAD = 16


def _ln(x, g, b):
    m = x.mean(-1, keepdims=True)
    v = ((x - m) ** 2).mean(-1, keepdims=True)
    return (x - m) / jnp.sqrt(v + 1e-5) * g + b


def _wrap(a):
    return (a + jnp.pi) % (2 * jnp.pi) - jnp.pi



def _fourier_body(d, has_cat, cont_ref, cat_ref, freqs_ref, w1_ref, b1_ref,
                  g1_ref, be1_ref, w2_ref, b2_ref, go_ref, bo_ref, wo_ref,
                  boo_ref, out_ref):
    cont = cont_ref[...]
    acc = None
    for i in range(d):
        c = cont[:, i:i + 1]
        f = c * freqs_ref[i:i + 1, :] * (2.0 * math.pi)
        feat = jnp.concatenate([jnp.cos(f), jnp.sin(f), c], axis=1)
        h = jnp.dot(feat, w1_ref[i], preferred_element_type=jnp.float32)
        h = h + b1_ref[i:i + 1, :]
        h = _ln(h, g1_ref[i:i + 1, :], be1_ref[i:i + 1, :])
        h = jax.nn.relu(h)
        hh = jnp.dot(h, w2_ref[i], preferred_element_type=jnp.float32)
        hh = hh + b2_ref[i:i + 1, :]
        acc = hh if acc is None else acc + hh
    if has_cat:
        acc = acc + cat_ref[...]
    x = jax.nn.relu(_ln(acc, go_ref[0:1, :], bo_ref[0:1, :]))
    out_ref[...] = jnp.dot(x, wo_ref[...], preferred_element_type=jnp.float32) \
        + boo_ref[0:1, :]


def _fourier_pallas(cont, cat, p, block):
    n, d = cont.shape
    npad = ((n + block - 1) // block) * block
    cont_p = jnp.pad(cont, ((0, npad - n), (0, 0)))
    has_cat = cat is not None
    if has_cat:
        cat_p = jnp.pad(cat, ((0, npad - n), (0, 0)))
    else:
        cat_p = jnp.zeros((block, HID), jnp.float32)

    grid = (npad // block,)
    row_spec = lambda width: pl.BlockSpec((block, width), lambda i: (i, 0))
    full = lambda shape: pl.BlockSpec(shape, lambda i: (0,) * len(shape))

    out = pl.pallas_call(
        functools.partial(_fourier_body, d, has_cat),
        grid=grid,
        in_specs=[
            row_spec(d),
            row_spec(HID) if has_cat else full((block, HID)),
            full((d, NFREQ)),
            full((d, 2 * NFREQ + 1, HID)),
            full((d, HID)),
            full((d, HID)),
            full((d, HID)),
            full((d, HID, HID)),
            full((d, HID)),
            full((1, HID)),
            full((1, HID)),
            full((HID, HID)),
            full((1, HID)),
        ],
        out_specs=row_spec(HID),
        out_shape=jax.ShapeDtypeStruct((npad, HID), jnp.float32),
    )(cont_p, cat_p, p['freqs'], p['w1'], p['b1'], p['g1'], p['be1'],
      p['w2'], p['b2'], p['go'][None, :], p['bo'][None, :], p['wo'],
      p['boo'][None, :])
    return out[:n]


def _catonly_body(cat_ref, go_ref, bo_ref, wo_ref, boo_ref, out_ref):
    x = jax.nn.relu(_ln(cat_ref[...], go_ref[0:1, :], bo_ref[0:1, :]))
    out_ref[...] = jnp.dot(x, wo_ref[...], preferred_element_type=jnp.float32) \
        + boo_ref[0:1, :]


def _catonly_pallas(cat, p, block):
    n = cat.shape[0]
    npad = ((n + block - 1) // block) * block
    cat_p = jnp.pad(cat, ((0, npad - n), (0, 0)))
    full = lambda shape: pl.BlockSpec(shape, lambda i: (0,) * len(shape))
    out = pl.pallas_call(
        _catonly_body,
        grid=(npad // block,),
        in_specs=[
            pl.BlockSpec((block, HID), lambda i: (i, 0)),
            full((1, HID)), full((1, HID)), full((HID, HID)), full((1, HID)),
        ],
        out_specs=pl.BlockSpec((block, HID), lambda i: (i, 0)),
        out_shape=jax.ShapeDtypeStruct((npad, HID), jnp.float32),
    )(cat_p, p['go'][None, :], p['bo'][None, :], p['wo'], p['boo'][None, :])
    return out[:n]



E_PAD = 409600
GCHUNK = 128
NW = 32
B_PER_W = E_PAD // NW
NCHUNKS_A = B_PER_W // GCHUNK


def _gather3_sc(k_tab, v_tab, q_tab, src_idx, dst_idx):
    mesh = plsc.VectorSubcoreMesh(core_axis_name="c", subcore_axis_name="s")

    @functools.partial(
        pl.kernel,
        out_type=[jax.ShapeDtypeStruct((E_PAD, HID), jnp.float32)] * 3,
        mesh=mesh,
        scratch_types=[
            pltpu.VMEM((GCHUNK,), jnp.int32),
            pltpu.VMEM((GCHUNK,), jnp.int32),
            pltpu.VMEM((GCHUNK, HID), jnp.float32),
            pltpu.VMEM((GCHUNK, HID), jnp.float32),
            pltpu.VMEM((GCHUNK, HID), jnp.float32),
            pltpu.SemaphoreType.DMA,
        ],
    )
    def gather3(k_hbm, v_hbm, q_hbm, src_hbm, dst_hbm,
                kg_hbm, vg_hbm, qd_hbm,
                src_v, dst_v, krow_v, vrow_v, qrow_v, sem):
        wid = lax.axis_index("s") * 2 + lax.axis_index("c")
        base = wid * B_PER_W

        def body(j, carry):
            off = base + j * GCHUNK
            pltpu.sync_copy(src_hbm.at[pl.ds(off, GCHUNK)], src_v)
            pltpu.sync_copy(dst_hbm.at[pl.ds(off, GCHUNK)], dst_v)
            cpk = pltpu.async_copy(k_hbm.at[src_v], krow_v, sem)
            cpv = pltpu.async_copy(v_hbm.at[src_v], vrow_v, sem)
            cpq = pltpu.async_copy(q_hbm.at[dst_v], qrow_v, sem)
            cpk.wait()
            cpv.wait()
            cpq.wait()
            pltpu.sync_copy(krow_v, kg_hbm.at[pl.ds(off, GCHUNK)])
            pltpu.sync_copy(vrow_v, vg_hbm.at[pl.ds(off, GCHUNK)])
            pltpu.sync_copy(qrow_v, qd_hbm.at[pl.ds(off, GCHUNK)])
            return carry

        lax.fori_loop(0, NCHUNKS_A, body, 0)

    return gather3(k_tab, v_tab, q_tab, src_idx, dst_idx)



NPT_PAD = 102400
NCHUNKS_B = (NPT_PAD // NW) // GCHUNK


def _gather_tab_sc(tab, src_idx, dst_idx):
    mesh = plsc.VectorSubcoreMesh(core_axis_name="c", subcore_axis_name="s")

    @functools.partial(
        pl.kernel,
        out_type=[jax.ShapeDtypeStruct((E_PAD, HID), jnp.float32)] * 2,
        mesh=mesh,
        scratch_types=[
            pltpu.VMEM((GCHUNK,), jnp.int32),
            pltpu.VMEM((GCHUNK,), jnp.int32),
            pltpu.VMEM((GCHUNK, HID), jnp.float32),
            pltpu.VMEM((GCHUNK, HID), jnp.float32),
            pltpu.SemaphoreType.DMA,
        ],
    )
    def gatherT(tab_hbm, src_hbm, dst_hbm, ts_hbm, td_hbm,
                src_v, dst_v, srow_v, drow_v, sem):
        wid = lax.axis_index("s") * 2 + lax.axis_index("c")
        base = wid * B_PER_W

        def body(j, carry):
            off = base + j * GCHUNK
            pltpu.sync_copy(src_hbm.at[pl.ds(off, GCHUNK)], src_v)
            pltpu.sync_copy(dst_hbm.at[pl.ds(off, GCHUNK)], dst_v)
            cps = pltpu.async_copy(tab_hbm.at[src_v], srow_v, sem)
            cpd = pltpu.async_copy(tab_hbm.at[dst_v], drow_v, sem)
            cps.wait()
            cpd.wait()
            pltpu.sync_copy(srow_v, ts_hbm.at[pl.ds(off, GCHUNK)])
            pltpu.sync_copy(drow_v, td_hbm.at[pl.ds(off, GCHUNK)])
            return carry

        lax.fori_loop(0, NCHUNKS_A, body, 0)

    return gatherT(tab, src_idx, dst_idx)


def _gather_xpl_sc(xpl, pl_idx):
    mesh = plsc.VectorSubcoreMesh(core_axis_name="c", subcore_axis_name="s")

    @functools.partial(
        pl.kernel,
        out_type=jax.ShapeDtypeStruct((NPT_PAD, HID), jnp.float32),
        mesh=mesh,
        scratch_types=[
            pltpu.VMEM((GCHUNK,), jnp.int32),
            pltpu.VMEM((GCHUNK, HID), jnp.float32),
            pltpu.SemaphoreType.DMA,
        ],
    )
    def gatherX(xpl_hbm, pli_hbm, xg_hbm, idx_v, xrow_v, sem):
        wid = lax.axis_index("s") * 2 + lax.axis_index("c")
        base = wid * (NPT_PAD // NW)

        def body(j, carry):
            off = base + j * GCHUNK
            pltpu.sync_copy(pli_hbm.at[pl.ds(off, GCHUNK)], idx_v)
            cp = pltpu.async_copy(xpl_hbm.at[idx_v], xrow_v, sem)
            cp.wait()
            pltpu.sync_copy(xrow_v, xg_hbm.at[pl.ds(off, GCHUNK)])
            return carry

        lax.fori_loop(0, NCHUNKS_B, body, 0)

    return gatherX(xpl, pl_idx)



def kernel(pos_pt, orient_pt, magnitude_pt, type_pt, type_pl,
           is_intersection_pl, pt2pl_dst, edge_index_pt2pt, map_min, map_max,
           params):
    xg = pos_pt[:, 0]
    yg = pos_pt[:, 1]
    dx = jnp.gradient(xg)
    dy = jnp.gradient(yg)
    ddx = jnp.gradient(dx)
    ddy = jnp.gradient(dy)
    curv = jnp.abs(dx * ddy - dy * ddx) / ((dx ** 2 + dy ** 2) ** 1.5 + 1e-6)
    dmask = jnp.gradient(pt2pl_dst.astype(jnp.float32)) != 0
    curv_prev = jnp.concatenate([curv[:1], curv[:-1]])
    curv = jnp.where(dmask, curv_prev, curv)
    scaled = 2.0 * (pos_pt - map_min) / (map_max - map_min) - 1.0
    x_pt_cont = jnp.concatenate(
        [scaled, orient_pt[:, None], magnitude_pt[:, None], curv[:, None]],
        axis=-1)

    cat_pl = params['type_pl_emb'][type_pl] + params['int_pl_emb'][is_intersection_pl]
    x_pl = _catonly_pallas(cat_pl, params['x_pl_emb'], 1024)

    src = edge_index_pt2pt[0]
    dst = edge_index_pt2pt[1]
    pli_pad = jnp.pad(pt2pl_dst, (0, NPT_PAD - N_PT)).astype(jnp.int32)
    xplg = _gather_xpl_sc(x_pl, pli_pad)

    src_pad = jnp.pad(src, (0, E_PAD - E_PT)).astype(jnp.int32)
    dst_pad = jnp.pad(dst, (0, E_PAD - E_PT)).astype(jnp.int32)
    tab = jnp.zeros((N_PT, HID), jnp.float32)
    tab = tab.at[:, 0:2].set(pos_pt).at[:, 2].set(orient_pt)
    tsrc, tdst = _gather_tab_sc(tab, src_pad, dst_pad)
    tsrc = tsrc[:E_PT, 0:3]
    tdst = tdst[:E_PT, 0:3]

    cat_pt = params['type_pt_emb'][type_pt] + xplg[:N_PT]
    x_pt = _fourier_pallas(x_pt_cont, cat_pt, params['x_pt_emb'], 512)

    rel = tsrc[:, 0:2] - tdst[:, 0:2]
    rel_o = _wrap(tsrc[:, 2] - tdst[:, 2])
    rnorm = jnp.sqrt((rel ** 2).sum(-1) + 1e-12)
    ang = _wrap(jnp.arctan2(rel[:, 1], rel[:, 0]) - tdst[:, 2])
    r_cont = jnp.stack([rnorm, ang, rel_o], axis=-1)
    r = _fourier_pallas(r_cont, None, params['r_emb'], 1024)

    p = params['attn']
    h = _ln(x_pt, p['ln1g'], p['ln1b'])
    q = h @ p['wq']
    k = h @ p['wk']
    v = h @ p['wv']
    kr = r @ p['wkr']
    vr = r @ p['wvr']

    src_pad = jnp.pad(src, (0, E_PAD - E_PT)).astype(jnp.int32)
    dst_pad = jnp.pad(dst, (0, E_PAD - E_PT)).astype(jnp.int32)
    kg, vg, qd = _gather3_sc(k, v, q, src_pad, dst_pad)
    kg = kg[:E_PT]
    vg = vg[:E_PT]
    qd = qd[:E_PT]

    ke = kg + kr
    ve = vg + vr
    sim = (qd * ke).reshape(-1, NHEAD, HEAD).sum(-1) / jnp.sqrt(float(HEAD))
    smax = jax.ops.segment_max(sim, dst, num_segments=N_PT)
    ex = jnp.exp(sim - smax[dst])
    den = jax.ops.segment_sum(ex, dst, num_segments=N_PT)
    agg_un = jax.ops.segment_sum(
        ve.reshape(-1, NHEAD, HEAD) * ex[..., None], dst,
        num_segments=N_PT)
    agg = (agg_un / (den[..., None] + 1e-9)).reshape(-1, NHEAD * HEAD)
    g = jax.nn.sigmoid(jnp.concatenate([agg, h], axis=-1) @ p['wg'])
    o = agg + g * ((h @ p['ws']) - agg)
    x = x_pt + o @ p['wo']
    h2 = _ln(x, p['ln2g'], p['ln2b'])
    x = x + jax.nn.relu(h2 @ p['wff1'] + p['bff1']) @ p['wff2'] + p['bff2']

    out = _ln(x, params['out_lng'], params['out_lnb']) @ params['out_w'] \
        + params['out_b']
    return out

# --- scband reference (transcript-rebuilt; emitter-appended) ---
"""Pipeline reference for scband-qcnet-map-encoder-pt-15874199126447 (READ-ONLY COPY).

The authoritative reference and input builder live on the scoring server;
editing this copy changes nothing except your own understanding.
"""

import jax, jax.numpy as jnp
import numpy as np

N_PT=100000; N_PL=10000; E_PT=400000; HID=128; NFREQ=64; NHEAD=8; HEAD=16

def _ln(x,g,b):
    m=x.mean(-1,keepdims=True); v=x.var(-1,keepdims=True)
    return (x-m)/jnp.sqrt(v+1e-5)*g+b

def _wrap(a):
    return (a+jnp.pi)%(2*jnp.pi)-jnp.pi

def _fourier(cont,cat_sum,p):
    if cont is None:
        x=cat_sum
    else:
        f=cont[...,None]*p['freqs']*2*jnp.pi
        feat=jnp.concatenate([jnp.cos(f),jnp.sin(f),cont[...,None]],axis=-1)
        h=jnp.einsum('ndi,dio->ndo',feat,p['w1'])+p['b1']
        h=_ln(h,p['g1'],p['be1'])
        h=jax.nn.relu(h)
        h=jnp.einsum('ndi,dio->ndo',h,p['w2'])+p['b2']
        x=h.sum(axis=1)
        if cat_sum is not None:
            x=x+cat_sum
    x=jax.nn.relu(_ln(x,p['go'],p['bo']))
    return x@p['wo']+p['boo']

def _fparams(key,in_dim):
    ks=jax.random.split(key,10); p={}
    if in_dim>0:
        p['freqs']=jax.random.normal(ks[0],(in_dim,NFREQ),jnp.float32)
        p['w1']=jax.random.normal(ks[1],(in_dim,2*NFREQ+1,HID),jnp.float32)*0.02
        p['b1']=jnp.zeros((in_dim,HID),jnp.float32)
        p['g1']=jnp.ones((in_dim,HID),jnp.float32)
        p['be1']=jnp.zeros((in_dim,HID),jnp.float32)
        p['w2']=jax.random.normal(ks[2],(in_dim,HID,HID),jnp.float32)*0.02
        p['b2']=jnp.zeros((in_dim,HID),jnp.float32)
    p['go']=jnp.ones((HID,),jnp.float32); p['bo']=jnp.zeros((HID,),jnp.float32)
    p['wo']=jax.random.normal(ks[3],(HID,HID),jnp.float32)*0.02
    p['boo']=jnp.zeros((HID,),jnp.float32)
    return p

def _aparams(key):
    ks=jax.random.split(key,12); s=0.02; p={}
    for i,n in enumerate(['wq','wk','wv','wkr','wvr','ws','wo']):
        p[n]=jax.random.normal(ks[i],(HID,HID),jnp.float32)*s
    p['wg']=jax.random.normal(ks[7],(2*HID,HID),jnp.float32)*s
    p['wff1']=jax.random.normal(ks[8],(HID,4*HID),jnp.float32)*s
    p['bff1']=jnp.zeros((4*HID,),jnp.float32)
    p['wff2']=jax.random.normal(ks[9],(4*HID,HID),jnp.float32)*s
    p['bff2']=jnp.zeros((HID,),jnp.float32)
    p['ln1g']=jnp.ones((HID,),jnp.float32); p['ln1b']=jnp.zeros((HID,),jnp.float32)
    p['ln2g']=jnp.ones((HID,),jnp.float32); p['ln2b']=jnp.zeros((HID,),jnp.float32)
    return p

def setup_inputs(seed=None):
    key=jax.random.key(0 if seed is None else seed)
    ks=jax.random.split(key,20)
    inp={}
    inp['pos_pt']=jax.random.normal(ks[0],(N_PT,2),jnp.float32)*100.0
    inp['orient_pt']=jax.random.uniform(ks[1],(N_PT,),jnp.float32,-np.pi,np.pi)
    inp['magnitude_pt']=jax.random.uniform(ks[2],(N_PT,),jnp.float32)
    inp['type_pt']=jax.random.randint(ks[3],(N_PT,),0,17)
    inp['type_pl']=jax.random.randint(ks[4],(N_PL,),0,4)
    inp['is_intersection_pl']=jax.random.randint(ks[5],(N_PL,),0,2)
    inp['pt2pl_dst']=jnp.sort(jax.random.randint(ks[6],(N_PT,),0,N_PL))
    src=jax.random.randint(ks[7],(E_PT,),0,N_PT)
    off=jax.random.randint(ks[16],(E_PT,),1,N_PT)
    inp['edge_index_pt2pt']=jnp.stack([src,(src+off)%N_PT])
    inp['map_min']=jnp.zeros((2,),jnp.float32)-200.0
    inp['map_max']=jnp.ones((2,),jnp.float32)*200.0
    params={}
    params['type_pt_emb']=jax.random.normal(ks[8],(17,HID),jnp.float32)*0.02
    params['type_pl_emb']=jax.random.normal(ks[9],(4,HID),jnp.float32)*0.02
    params['int_pl_emb']=jax.random.normal(ks[10],(3,HID),jnp.float32)*0.02
    params['x_pt_emb']=_fparams(ks[11],5)
    params['x_pl_emb']=_fparams(ks[12],0)
    params['r_emb']=_fparams(ks[13],3)
    params['attn']=_aparams(ks[14])
    params['out_lng']=jnp.ones((HID,),jnp.float32)
    params['out_lnb']=jnp.zeros((HID,),jnp.float32)
    params['out_w']=jax.random.normal(ks[15],(HID,HID),jnp.float32)*0.02
    params['out_b']=jnp.zeros((HID,),jnp.float32)
    inp['params']=params
    return inp

def _attn(x,r,src,dst,p):
    h=_ln(x,p['ln1g'],p['ln1b'])
    q=(h@p['wq']).reshape(-1,NHEAD,HEAD)
    k=(h@p['wk']).reshape(-1,NHEAD,HEAD)
    v=(h@p['wv']).reshape(-1,NHEAD,HEAD)
    kr=(r@p['wkr']).reshape(-1,NHEAD,HEAD)
    vr=(r@p['wvr']).reshape(-1,NHEAD,HEAD)
    ke=k[src]+kr; ve=v[src]+vr
    sim=(q[dst]*ke).sum(-1)/jnp.sqrt(float(HEAD))
    smax=jax.ops.segment_max(sim,dst,num_segments=N_PT)
    ex=jnp.exp(sim-smax[dst])
    den=jax.ops.segment_sum(ex,dst,num_segments=N_PT)
    alpha=ex/(den[dst]+1e-9)
    agg=jax.ops.segment_sum(ve*alpha[...,None],dst,num_segments=N_PT).reshape(-1,NHEAD*HEAD)
    g=jax.nn.sigmoid(jnp.concatenate([agg,h],axis=-1)@p['wg'])
    o=agg+g*((h@p['ws'])-agg)
    x=x+o@p['wo']
    h2=_ln(x,p['ln2g'],p['ln2b'])
    return x+jax.nn.relu(h2@p['wff1']+p['bff1'])@p['wff2']+p['bff2']

def _forward(pos_pt,orient_pt,magnitude_pt,map_min,map_max,params,type_pt,type_pl,is_intersection_pl,pt2pl_dst,edge_index_pt2pt):
    orient_vector_pt=jnp.stack([jnp.cos(orient_pt),jnp.sin(orient_pt)],axis=-1)
    xg=pos_pt[:,0]; yg=pos_pt[:,1]
    dx=jnp.gradient(xg); dy=jnp.gradient(yg)
    ddx=jnp.gradient(dx); ddy=jnp.gradient(dy)
    curv=jnp.abs(dx*ddy-dy*ddx)/((dx**2+dy**2)**1.5+1e-6)
    dmask=jnp.gradient(pt2pl_dst.astype(jnp.float32))!=0
    curv_prev=jnp.concatenate([curv[:1],curv[:-1]])
    curv=jnp.where(dmask,curv_prev,curv)
    scaled=2.0*(pos_pt-map_min)/(map_max-map_min)-1.0
    x_pt_cont=jnp.concatenate([scaled,orient_pt[:,None],magnitude_pt[:,None],curv[:,None]],axis=-1)
    cat_pl=params['type_pl_emb'][type_pl]+params['int_pl_emb'][is_intersection_pl]
    x_pl=_fourier(None,cat_pl,params['x_pl_emb'])
    cat_pt=params['type_pt_emb'][type_pt]+x_pl[pt2pl_dst]
    x_pt=_fourier(x_pt_cont,cat_pt,params['x_pt_emb'])
    src=edge_index_pt2pt[0]; dst=edge_index_pt2pt[1]
    rel=pos_pt[src]-pos_pt[dst]
    rel_o=_wrap(orient_pt[src]-orient_pt[dst])
    rnorm=jnp.sqrt((rel**2).sum(-1)+1e-12)
    ang=_wrap(jnp.arctan2(rel[:,1],rel[:,0])-orient_pt[dst])
    r_cont=jnp.stack([rnorm,ang,rel_o],axis=-1)
    r=_fourier(r_cont,None,params['r_emb'])
    x_pt=_attn(x_pt,r,src,dst,params['attn'])
    out=_ln(x_pt,params['out_lng'],params['out_lnb'])@params['out_w']+params['out_b']
    return out

def reference(pos_pt,orient_pt,magnitude_pt,type_pt,type_pl,is_intersection_pl,pt2pl_dst,edge_index_pt2pt,map_min,map_max,params):
    return _forward(pos_pt,orient_pt,magnitude_pt,map_min,map_max,params,type_pt,type_pl,is_intersection_pl,pt2pl_dst,edge_index_pt2pt)

if __name__ == "__main__":
    import jax
    _d = setup_inputs()
    print(jax.jit(kernel)(*tuple(_d.values())))

</pallas_src>

<mosaic_0001>
#map = affine_map<(d0, d1) -> (0, 0)>
#map1 = affine_map<(d0, d1) -> (0)>
module attributes {stable_mosaic.version = 14 : i64} {
  func.func @gatherX(%arg0: i32, %arg1: i32, %arg2: memref<10000x128xf32, #tpu.memory_space<hbm>>, %arg3: memref<102400xi32, #tpu.memory_space<hbm>>, %arg4: memref<102400x128xf32, #tpu.memory_space<hbm>>, %arg5: memref<128xi32, #tpu.memory_space<vmem>>, %arg6: memref<128x128xf32, #tpu.memory_space<vmem>>, %arg7: memref<!tpu.dma_semaphore, #tpu.memory_space<semaphore_mem>>) attributes {dimension_semantics = [#tpu.dimension_semantics<core_parallel>, #tpu.dimension_semantics<subcore_parallel>], iteration_bounds = array<i64: 2, 16>, scalar_prefetch = 0 : i64, scratch_operands = 3 : i64, tpu.core_type = #tpu.core_type<sc_vector_subcore>, window_params = [{transform_indices = #map}, {transform_indices = #map1}, {transform_indices = #map}]} {
    %mul3A = arith.constant 2 : i32
    %mul3A_0 = arith.muli %arg1, %mul3A : i32
    %add3A = arith.addi %mul3A_0, %arg0 : i32
    %mul3A_1 = arith.constant 3200 : i32
    %mul3A_2 = arith.muli %add3A, %mul3A_1 : i32
    %scan3A = arith.constant 0 : i32
    %scan3A_3 = arith.constant 0 : i32
    %scan3A_4 = arith.constant 25 : i32
    %scan3A_5 = arith.addi %scan3A_3, %scan3A_4 : i32
    %scan3A_6 = arith.constant 1 : i32
    scf.for %scan3A_8 = %scan3A_3 to %scan3A_5 step %scan3A_6  : i32 {
      %mul3A_9 = arith.constant 128 : i32
      %mul3A_10 = arith.muli %scan3A_8, %mul3A_9 : i32
      %add3A_11 = arith.addi %mul3A_2, %mul3A_10 : i32
      "tpu.region"() ({
        %run_scoped3A = tpu.sem_alloc : memref<!tpu.dma_semaphore, #tpu.memory_space<semaphore_mem>>
        %dma_start3A_16 = tpu.memref_slice %arg3[%add3A_11] : memref<102400xi32, #tpu.memory_space<hbm>> -> memref<128xi32, #tpu.memory_space<hbm>>
        %dma_start3A_17 = tpu.memref_slice %arg3[%add3A_11] : memref<102400xi32, #tpu.memory_space<hbm>> -> memref<128xi32, #tpu.memory_space<hbm>>
        tpu.enqueue_dma source(%dma_start3A_17 : memref<128xi32, #tpu.memory_space<hbm>>) target(%arg5 : memref<128xi32, #tpu.memory_space<vmem>>) target_semaphore(%run_scoped3A : memref<!tpu.dma_semaphore, #tpu.memory_space<semaphore_mem>>)
        %dma_wait3A_18 = tpu.memref_slice %arg3[%add3A_11] : memref<102400xi32, #tpu.memory_space<hbm>> -> memref<128xi32, #tpu.memory_space<hbm>>
        %dma_wait3A_19 = tpu.memref_slice %arg3[%add3A_11] : memref<102400xi32, #tpu.memory_space<hbm>> -> memref<128xi32, #tpu.memory_space<hbm>>
        tpu.wait_dma2 semaphore(%run_scoped3A : memref<!tpu.dma_semaphore, #tpu.memory_space<semaphore_mem>>) src(%dma_wait3A_19 : memref<128xi32, #tpu.memory_space<hbm>>) dst(%arg5 : memref<128xi32, #tpu.memory_space<vmem>>)
        tpu.yield
      }) : () -> ()
      %dma_start3A = arith.constant 0 : i32
      %dma_start3A_12 = arith.constant 0 : i32
      %dma_start3A_13 = tpu.memref_slice %arg2[%dma_start3A, %dma_start3A_12] : memref<10000x128xf32, #tpu.memory_space<hbm>> -> memref<10000x128xf32, #tpu.memory_space<hbm>>
      tpu.enqueue_indirect_dma source(%dma_start3A_13 : memref<10000x128xf32, #tpu.memory_space<hbm>>) target(%arg6 : memref<128x128xf32, #tpu.memory_space<vmem>>) offsets(%arg5 : memref<128xi32, #tpu.memory_space<vmem>>) semaphore(%arg7 : memref<!tpu.dma_semaphore, #tpu.memory_space<semaphore_mem>>)
      %dma_wait3A = arith.constant 0 : i32
      %dma_wait3A_14 = arith.constant 0 : i32
      %dma_wait3A_15 = tpu.memref_slice %arg2[%dma_wait3A, %dma_wait3A_14] : memref<10000x128xf32, #tpu.memory_space<hbm>> -> memref<10000x128xf32, #tpu.memory_space<hbm>>
      tpu.wait_indirect_dma semaphore(%arg7 : memref<!tpu.dma_semaphore, #tpu.memory_space<semaphore_mem>>) src(%dma_wait3A_15 : memref<10000x128xf32, #tpu.memory_space<hbm>>) dst(%arg6 : memref<128x128xf32, #tpu.memory_space<vmem>>)
      "tpu.region"() ({
        %run_scoped3A = tpu.sem_alloc : memref<!tpu.dma_semaphore, #tpu.memory_space<semaphore_mem>>
        %dma_start3A_16 = arith.constant 0 : i32
        %dma_start3A_17 = tpu.memref_slice %arg4[%add3A_11, %dma_start3A_16] : memref<102400x128xf32, #tpu.memory_space<hbm>> -> memref<128x128xf32, #tpu.memory_space<hbm>>
        %dma_start3A_18 = arith.constant 0 : i32
        %dma_start3A_19 = tpu.memref_slice %arg4[%add3A_11, %dma_start3A_18] : memref<102400x128xf32, #tpu.memory_space<hbm>> -> memref<128x128xf32, #tpu.memory_space<hbm>>
        tpu.enqueue_dma source(%arg6 : memref<128x128xf32, #tpu.memory_space<vmem>>) target(%dma_start3A_19 : memref<128x128xf32, #tpu.memory_space<hbm>>) target_semaphore(%run_scoped3A : memref<!tpu.dma_semaphore, #tpu.memory_space<semaphore_mem>>)
        %dma_wait3A_20 = arith.constant 0 : i32
        %dma_wait3A_21 = tpu.memref_slice %arg4[%add3A_11, %dma_wait3A_20] : memref<102400x128xf32, #tpu.memory_space<hbm>> -> memref<128x128xf32, #tpu.memory_space<hbm>>
        %dma_wait3A_22 = arith.constant 0 : i32
        %dma_wait3A_23 = tpu.memref_slice %arg4[%add3A_11, %dma_wait3A_22] : memref<102400x128xf32, #tpu.memory_space<hbm>> -> memref<128x128xf32, #tpu.memory_space<hbm>>
        tpu.wait_dma2 semaphore(%run_scoped3A : memref<!tpu.dma_semaphore, #tpu.memory_space<semaphore_mem>>) src(%arg6 : memref<128x128xf32, #tpu.memory_space<vmem>>) dst(%dma_wait3A_23 : memref<128x128xf32, #tpu.memory_space<hbm>>)
        tpu.yield
      }) : () -> ()
    }
    %scan3A_7 = arith.constant 25 : i32
    return
  }
}

#map = affine_map<(d0, d1) -> (0, 0)>
#map1 = affine_map<(d0, d1) -> (0)>
module attributes {stable_mosaic.version = 14 : i64} {
  func.func @gather3(%arg0: i32, %arg1: i32, %arg2: memref<100000x128xf32, #tpu.memory_space<hbm>>, %arg3: memref<100000x128xf32, #tpu.memory_space<hbm>>, %arg4: memref<100000x128xf32, #tpu.memory_space<hbm>>, %arg5: memref<409600xi32, #tpu.memory_space<hbm>>, %arg6: memref<409600xi32, #tpu.memory_space<hbm>>, %arg7: memref<409600x128xf32, #tpu.memory_space<hbm>>, %arg8: memref<409600x128xf32, #tpu.memory_space<hbm>>, %arg9: memref<409600x128xf32, #tpu.memory_space<hbm>>, %arg10: memref<128xi32, #tpu.memory_space<vmem>>, %arg11: memref<128xi32, #tpu.memory_space<vmem>>, %arg12: memref<128x128xf32, #tpu.memory_space<vmem>>, %arg13: memref<128x128xf32, #tpu.memory_space<vmem>>, %arg14: memref<128x128xf32, #tpu.memory_space<vmem>>, %arg15: memref<!tpu.dma_semaphore, #tpu.memory_space<semaphore_mem>>) attributes {dimension_semantics = [#tpu.dimension_semantics<core_parallel>, #tpu.dimension_semantics<subcore_parallel>], iteration_bounds = array<i64: 2, 16>, scalar_prefetch = 0 : i64, scratch_operands = 6 : i64, tpu.core_type = #tpu.core_type<sc_vector_subcore>, window_params = [{transform_indices = #map}, {transform_indices = #map}, {transform_indices = #map}, {transform_indices = #map1}, {transform_indices = #map1}, {transform_indices = #map}, {transform_indices = #map}, {transform_indices = #map}]} {
    %mul3A = arith.constant 2 : i32
    %mul3A_0 = arith.muli %arg1, %mul3A : i32
    %add3A = arith.addi %mul3A_0, %arg0 : i32
    %mul3A_1 = arith.constant 12800 : i32
    %mul3A_2 = arith.muli %add3A, %mul3A_1 : i32
    %scan3A = arith.constant 0 : i32
    %scan3A_3 = arith.constant 0 : i32
    %scan3A_4 = arith.constant 100 : i32
    %scan3A_5 = arith.addi %scan3A_3, %scan3A_4 : i32
    %scan3A_6 = arith.constant 1 : i32
    scf.for %scan3A_8 = %scan3A_3 to %scan3A_5 step %scan3A_6  : i32 {
      %mul3A_9 = arith.constant 128 : i32
      %mul3A_10 = arith.muli %scan3A_8, %mul3A_9 : i32
      %add3A_11 = arith.addi %mul3A_2, %mul3A_10 : i32
      "tpu.region"() ({
        %run_scoped3A = tpu.sem_alloc : memref<!tpu.dma_semaphore, #tpu.memory_space<semaphore_mem>>
        %dma_start3A_28 = tpu.memref_slice %arg5[%add3A_11] : memref<409600xi32, #tpu.memory_space<hbm>> -> memref<128xi32, #tpu.memory_space<hbm>>
        %dma_start3A_29 = tpu.memref_slice %arg5[%add3A_11] : memref<409600xi32, #tpu.memory_space<hbm>> -> memref<128xi32, #tpu.memory_space<hbm>>
        tpu.enqueue_dma source(%dma_start3A_29 : memref<128xi32, #tpu.memory_space<hbm>>) target(%arg10 : memref<128xi32, #tpu.memory_space<vmem>>) target_semaphore(%run_scoped3A : memref<!tpu.dma_semaphore, #tpu.memory_space<semaphore_mem>>)
        %dma_wait3A_30 = tpu.memref_slice %arg5[%add3A_11] : memref<409600xi32, #tpu.memory_space<hbm>> -> memref<128xi32, #tpu.memory_space<hbm>>
        %dma_wait3A_31 = tpu.memref_slice %arg5[%add3A_11] : memref<409600xi32, #tpu.memory_space<hbm>> -> memref<128xi32, #tpu.memory_space<hbm>>
        tpu.wait_dma2 semaphore(%run_scoped3A : memref<!tpu.dma_semaphore, #tpu.memory_space<semaphore_mem>>) src(%dma_wait3A_31 : memref<128xi32, #tpu.memory_space<hbm>>) dst(%arg10 : memref<128xi32, #tpu.memory_space<vmem>>)
        tpu.yield
      }) : () -> ()
      "tpu.region"() ({
        %run_scoped3A = tpu.sem_alloc : memref<!tpu.dma_semaphore, #tpu.memory_space<semaphore_mem>>
        %dma_start3A_28 = tpu.memref_slice %arg6[%add3A_11] : memref<409600xi32, #tpu.memory_space<hbm>> -> memref<128xi32, #tpu.memory_space<hbm>>
        %dma_start3A_29 = tpu.memref_slice %arg6[%add3A_11] : memref<409600xi32, #tpu.memory_space<hbm>> -> memref<128xi32, #tpu.memory_space<hbm>>
        tpu.enqueue_dma source(%dma_start3A_29 : memref<128xi32, #tpu.memory_space<hbm>>) target(%arg11 : memref<128xi32, #tpu.memory_space<vmem>>) target_semaphore(%run_scoped3A : memref<!tpu.dma_semaphore, #tpu.memory_space<semaphore_mem>>)
        %dma_wait3A_30 = tpu.memref_slice %arg6[%add3A_11] : memref<409600xi32, #tpu.memory_space<hbm>> -> memref<128xi32, #tpu.memory_space<hbm>>
        %dma_wait3A_31 = tpu.memref_slice %arg6[%add3A_11] : memref<409600xi32, #tpu.memory_space<hbm>> -> memref<128xi32, #tpu.memory_space<hbm>>
        tpu.wait_dma2 semaphore(%run_scoped3A : memref<!tpu.dma_semaphore, #tpu.memory_space<semaphore_mem>>) src(%dma_wait3A_31 : memref<128xi32, #tpu.memory_space<hbm>>) dst(%arg11 : memref<128xi32, #tpu.memory_space<vmem>>)
        tpu.yield
      }) : () -> ()
      %dma_start3A = arith.constant 0 : i32
      %dma_start3A_12 = arith.constant 0 : i32
      %dma_start3A_13 = tpu.memref_slice %arg2[%dma_start3A, %dma_start3A_12] : memref<100000x128xf32, #tpu.memory_space<hbm>> -> memref<100000x128xf32, #tpu.memory_space<hbm>>
      tpu.enqueue_indirect_dma source(%dma_start3A_13 : memref<100000x128xf32, #tpu.memory_space<hbm>>) target(%arg12 : memref<128x128xf32, #tpu.memory_space<vmem>>) offsets(%arg10 : memref<128xi32, #tpu.memory_space<vmem>>) semaphore(%arg15 : memref<!tpu.dma_semaphore, #tpu.memory_space<semaphore_mem>>)
      %dma_start3A_14 = arith.constant 0 : i32
      %dma_start3A_15 = arith.constant 0 : i32
      %dma_start3A_16 = tpu.memref_slice %arg3[%dma_start3A_14, %dma_start3A_15] : memref<100000x128xf32, #tpu.memory_space<hbm>> -> memref<100000x128xf32, #tpu.memory_space<hbm>>
      tpu.enqueue_indirect_dma source(%dma_start3A_16 : memref<100000x128xf32, #tpu.memory_space<hbm>>) target(%arg13 : memref<128x128xf32, #tpu.memory_space<vmem>>) offsets(%arg10 : memref<128xi32, #tpu.memory_space<vmem>>) semaphore(%arg15 : memref<!tpu.dma_semaphore, #tpu.memory_space<semaphore_mem>>)
      %dma_start3A_17 = arith.constant 0 : i32
      %dma_start3A_18 = arith.constant 0 : i32
      %dma_start3A_19 = tpu.memref_slice %arg4[%dma_start3A_17, %dma_start3A_18] : memref<100000x128xf32, #tpu.memory_space<hbm>> -> memref<100000x128xf32, #tpu.memory_space<hbm>>
      tpu.enqueue_indirect_dma source(%dma_start3A_19 : memref<100000x128xf32, #tpu.memory_space<hbm>>) target(%arg14 : memref<128x128xf32, #tpu.memory_space<vmem>>) offsets(%arg11 : memref<128xi32, #tpu.memory_space<vmem>>) semaphore(%arg15 : memref<!tpu.dma_semaphore, #tpu.memory_space<semaphore_mem>>)
      %dma_wait3A = arith.constant 0 : i32
      %dma_wait3A_20 = arith.constant 0 : i32
      %dma_wait3A_21 = tpu.memref_slice %arg2[%dma_wait3A, %dma_wait3A_20] : memref<100000x128xf32, #tpu.memory_space<hbm>> -> memref<100000x128xf32, #tpu.memory_space<hbm>>
      tpu.wait_indirect_dma semaphore(%arg15 : memref<!tpu.dma_semaphore, #tpu.memory_space<semaphore_mem>>) src(%dma_wait3A_21 : memref<100000x128xf32, #tpu.memory_space<hbm>>) dst(%arg12 : memref<128x128xf32, #tpu.memory_space<vmem>>)
      %dma_wait3A_22 = arith.constant 0 : i32
      %dma_wait3A_23 = arith.constant 0 : i32
      %dma_wait3A_24 = tpu.memref_slice %arg3[%dma_wait3A_22, %dma_wait3A_23] : memref<100000x128xf32, #tpu.memory_space<hbm>> -> memref<100000x128xf32, #tpu.memory_space<hbm>>
      tpu.wait_indirect_dma semaphore(%arg15 : memref<!tpu.dma_semaphore, #tpu.memory_space<semaphore_mem>>) src(%dma_wait3A_24 : memref<100000x128xf32, #tpu.memory_space<hbm>>) dst(%arg13 : memref<128x128xf32, #tpu.memory_space<vmem>>)
      %dma_wait3A_25 = arith.constant 0 : i32
      %dma_wait3A_26 = arith.constant 0 : i32
      %dma_wait3A_27 = tpu.memref_slice %arg4[%dma_wait3A_25, %dma_wait3A_26] : memref<100000x128xf32, #tpu.memory_space<hbm>> -> memref<100000x128xf32, #tpu.memory_space<hbm>>
      tpu.wait_indirect_dma semaphore(%arg15 : memref<!tpu.dma_semaphore, #tpu.memory_space<semaphore_mem>>) src(%dma_wait3A_27 : memref<100000x128xf32, #tpu.memory_space<hbm>>) dst(%arg14 : memref<128x128xf32, #tpu.memory_space<vmem>>)
      "tpu.region"() ({
        %run_scoped3A = tpu.sem_alloc : memref<!tpu.dma_semaphore, #tpu.memory_space<semaphore_mem>>
        %dma_start3A_28 = arith.constant 0 : i32
        %dma_start3A_29 = tpu.memref_slice %arg7[%add3A_11, %dma_start3A_28] : memref<409600x128xf32, #tpu.memory_space<hbm>> -> memref<128x128xf32, #tpu.memory_space<hbm>>
        %dma_start3A_30 = arith.constant 0 : i32
        %dma_start3A_31 = tpu.memref_slice %arg7[%add3A_11, %dma_start3A_30] : memref<409600x128xf32, #tpu.memory_space<hbm>> -> memref<128x128xf32, #tpu.memory_space<hbm>>
        tpu.enqueue_dma source(%arg12 : memref<128x128xf32, #tpu.memory_space<vmem>>) target(%dma_start3A_31 : memref<128x128xf32, #tpu.memory_space<hbm>>) target_semaphore(%run_scoped3A : memref<!tpu.dma_semaphore, #tpu.memory_space<semaphore_mem>>)
        %dma_wait3A_32 = arith.constant 0 : i32
        %dma_wait3A_33 = tpu.memref_slice %arg7[%add3A_11, %dma_wait3A_32] : memref<409600x128xf32, #tpu.memory_space<hbm>> -> memref<128x128xf32, #tpu.memory_space<hbm>>
        %dma_wait3A_34 = arith.constant 0 : i32
        %dma_wait3A_35 = tpu.memref_slice %arg7[%add3A_11, %dma_wait3A_34] : memref<409600x128xf32, #tpu.memory_space<hbm>> -> memref<128x128xf32, #tpu.memory_space<hbm>>
        tpu.wait_dma2 semaphore(%run_scoped3A : memref<!tpu.dma_semaphore, #tpu.memory_space<semaphore_mem>>) src(%arg12 : memref<128x128xf32, #tpu.memory_space<vmem>>) dst(%dma_wait3A_35 : memref<128x128xf32, #tpu.memory_space<hbm>>)
        tpu.yield
      }) : () -> ()
      "tpu.region"() ({
        %run_scoped3A = tpu.sem_alloc : memref<!tpu.dma_semaphore, #tpu.memory_space<semaphore_mem>>
        %dma_start3A_28 = arith.constant 0 : i32
        %dma_start3A_29 = tpu.memref_slice %arg8[%add3A_11, %dma_start3A_28] : memref<409600x128xf32, #tpu.memory_space<hbm>> -> memref<128x128xf32, #tpu.memory_space<hbm>>
        %dma_start3A_30 = arith.constant 0 : i32
        %dma_start3A_31 = tpu.memref_slice %arg8[%add3A_11, %dma_start3A_30] : memref<409600x128xf32, #tpu.memory_space<hbm>> -> memref<128x128xf32, #tpu.memory_space<hbm>>
        tpu.enqueue_dma source(%arg13 : memref<128x128xf32, #tpu.memory_space<vmem>>) target(%dma_start3A_31 : memref<128x128xf32, #tpu.memory_space<hbm>>) target_semaphore(%run_scoped3A : memref<!tpu.dma_semaphore, #tpu.memory_space<semaphore_mem>>)
        %dma_wait3A_32 = arith.constant 0 : i32
        %dma_wait3A_33 = tpu.memref_slice %arg8[%add3A_11, %dma_wait3A_32] : memref<409600x128xf32, #tpu.memory_space<hbm>> -> memref<128x128xf32, #tpu.memory_space<hbm>>
        %dma_wait3A_34 = arith.constant 0 : i32
        %dma_wait3A_35 = tpu.memref_slice %arg8[%add3A_11, %dma_wait3A_34] : memref<409600x128xf32, #tpu.memory_space<hbm>> -> memref<128x128xf32, #tpu.memory_space<hbm>>
        tpu.wait_dma2 semaphore(%run_scoped3A : memref<!tpu.dma_semaphore, #tpu.memory_space<semaphore_mem>>) src(%arg13 : memref<128x128xf32, #tpu.memory_space<vmem>>) dst(%dma_wait3A_35 : memref<128x128xf32, #tpu.memory_space<hbm>>)
        tpu.yield
      }) : () -> ()
      "tpu.region"() ({
        %run_scoped3A = tpu.sem_alloc : memref<!tpu.dma_semaphore, #tpu.memory_space<semaphore_mem>>
        %dma_start3A_28 = arith.constant 0 : i32
        %dma_start3A_29 = tpu.memref_slice %arg9[%add3A_11, %dma_start3A_28] : memref<409600x128xf32, #tpu.memory_space<hbm>> -> memref<128x128xf32, #tpu.memory_space<hbm>>
        %dma_start3A_30 = arith.constant 0 : i32
        %dma_start3A_31 = tpu.memref_slice %arg9[%add3A_11, %dma_start3A_30] : memref<409600x128xf32, #tpu.memory_space<hbm>> -> memref<128x128xf32, #tpu.memory_space<hbm>>
        tpu.enqueue_dma source(%arg14 : memref<128x128xf32, #tpu.memory_space<vmem>>) target(%dma_start3A_31 : memref<128x128xf32, #tpu.memory_space<hbm>>) target_semaphore(%run_scoped3A : memref<!tpu.dma_semaphore, #tpu.memory_space<semaphore_mem>>)
        %dma_wait3A_32 = arith.constant 0 : i32
        %dma_wait3A_33 = tpu.memref_slice %arg9[%add3A_11, %dma_wait3A_32] : memref<409600x128xf32, #tpu.memory_space<hbm>> -> memref<128x128xf32, #tpu.memory_space<hbm>>
        %dma_wait3A_34 = arith.constant 0 : i32
        %dma_wait3A_35 = tpu.memref_slice %arg9[%add3A_11, %dma_wait3A_34] : memref<409600x128xf32, #tpu.memory_space<hbm>> -> memref<128x128xf32, #tpu.memory_space<hbm>>
        tpu.wait_dma2 semaphore(%run_scoped3A : memref<!tpu.dma_semaphore, #tpu.memory_space<semaphore_mem>>) src(%arg14 : memref<128x128xf32, #tpu.memory_space<vmem>>) dst(%dma_wait3A_35 : memref<128x128xf32, #tpu.memory_space<hbm>>)
        tpu.yield
      }) : () -> ()
    }
    %scan3A_7 = arith.constant 100 : i32
    return
  }
}

#map = affine_map<(d0, d1) -> (0, 0)>
#map1 = affine_map<(d0, d1) -> (0)>
module attributes {stable_mosaic.version = 14 : i64} {
  func.func @gatherT(%arg0: i32, %arg1: i32, %arg2: memref<100000x128xf32, #tpu.memory_space<hbm>>, %arg3: memref<409600xi32, #tpu.memory_space<hbm>>, %arg4: memref<409600xi32, #tpu.memory_space<hbm>>, %arg5: memref<409600x128xf32, #tpu.memory_space<hbm>>, %arg6: memref<409600x128xf32, #tpu.memory_space<hbm>>, %arg7: memref<128xi32, #tpu.memory_space<vmem>>, %arg8: memref<128xi32, #tpu.memory_space<vmem>>, %arg9: memref<128x128xf32, #tpu.memory_space<vmem>>, %arg10: memref<128x128xf32, #tpu.memory_space<vmem>>, %arg11: memref<!tpu.dma_semaphore, #tpu.memory_space<semaphore_mem>>) attributes {dimension_semantics = [#tpu.dimension_semantics<core_parallel>, #tpu.dimension_semantics<subcore_parallel>], iteration_bounds = array<i64: 2, 16>, scalar_prefetch = 0 : i64, scratch_operands = 5 : i64, tpu.core_type = #tpu.core_type<sc_vector_subcore>, window_params = [{transform_indices = #map}, {transform_indices = #map1}, {transform_indices = #map1}, {transform_indices = #map}, {transform_indices = #map}]} {
    %mul3A = arith.constant 2 : i32
    %mul3A_0 = arith.muli %arg1, %mul3A : i32
    %add3A = arith.addi %mul3A_0, %arg0 : i32
    %mul3A_1 = arith.constant 12800 : i32
    %mul3A_2 = arith.muli %add3A, %mul3A_1 : i32
    %scan3A = arith.constant 0 : i32
    %scan3A_3 = arith.constant 0 : i32
    %scan3A_4 = arith.constant 100 : i32
    %scan3A_5 = arith.addi %scan3A_3, %scan3A_4 : i32
    %scan3A_6 = arith.constant 1 : i32
    scf.for %scan3A_8 = %scan3A_3 to %scan3A_5 step %scan3A_6  : i32 {
      %mul3A_9 = arith.constant 128 : i32
      %mul3A_10 = arith.muli %scan3A_8, %mul3A_9 : i32
      %add3A_11 = arith.addi %mul3A_2, %mul3A_10 : i32
      "tpu.region"() ({
        %run_scoped3A = tpu.sem_alloc : memref<!tpu.dma_semaphore, #tpu.memory_space<semaphore_mem>>
        %dma_start3A_22 = tpu.memref_slice %arg3[%add3A_11] : memref<409600xi32, #tpu.memory_space<hbm>> -> memref<128xi32, #tpu.memory_space<hbm>>
        %dma_start3A_23 = tpu.memref_slice %arg3[%add3A_11] : memref<409600xi32, #tpu.memory_space<hbm>> -> memref<128xi32, #tpu.memory_space<hbm>>
        tpu.enqueue_dma source(%dma_start3A_23 : memref<128xi32, #tpu.memory_space<hbm>>) target(%arg7 : memref<128xi32, #tpu.memory_space<vmem>>) target_semaphore(%run_scoped3A : memref<!tpu.dma_semaphore, #tpu.memory_space<semaphore_mem>>)
        %dma_wait3A_24 = tpu.memref_slice %arg3[%add3A_11] : memref<409600xi32, #tpu.memory_space<hbm>> -> memref<128xi32, #tpu.memory_space<hbm>>
        %dma_wait3A_25 = tpu.memref_slice %arg3[%add3A_11] : memref<409600xi32, #tpu.memory_space<hbm>> -> memref<128xi32, #tpu.memory_space<hbm>>
        tpu.wait_dma2 semaphore(%run_scoped3A : memref<!tpu.dma_semaphore, #tpu.memory_space<semaphore_mem>>) src(%dma_wait3A_25 : memref<128xi32, #tpu.memory_space<hbm>>) dst(%arg7 : memref<128xi32, #tpu.memory_space<vmem>>)
        tpu.yield
      }) : () -> ()
      "tpu.region"() ({
        %run_scoped3A = tpu.sem_alloc : memref<!tpu.dma_semaphore, #tpu.memory_space<semaphore_mem>>
        %dma_start3A_22 = tpu.memref_slice %arg4[%add3A_11] : memref<409600xi32, #tpu.memory_space<hbm>> -> memref<128xi32, #tpu.memory_space<hbm>>
        %dma_start3A_23 = tpu.memref_slice %arg4[%add3A_11] : memref<409600xi32, #tpu.memory_space<hbm>> -> memref<128xi32, #tpu.memory_space<hbm>>
        tpu.enqueue_dma source(%dma_start3A_23 : memref<128xi32, #tpu.memory_space<hbm>>) target(%arg8 : memref<128xi32, #tpu.memory_space<vmem>>) target_semaphore(%run_scoped3A : memref<!tpu.dma_semaphore, #tpu.memory_space<semaphore_mem>>)
        %dma_wait3A_24 = tpu.memref_slice %arg4[%add3A_11] : memref<409600xi32, #tpu.memory_space<hbm>> -> memref<128xi32, #tpu.memory_space<hbm>>
        %dma_wait3A_25 = tpu.memref_slice %arg4[%add3A_11] : memref<409600xi32, #tpu.memory_space<hbm>> -> memref<128xi32, #tpu.memory_space<hbm>>
        tpu.wait_dma2 semaphore(%run_scoped3A : memref<!tpu.dma_semaphore, #tpu.memory_space<semaphore_mem>>) src(%dma_wait3A_25 : memref<128xi32, #tpu.memory_space<hbm>>) dst(%arg8 : memref<128xi32, #tpu.memory_space<vmem>>)
        tpu.yield
      }) : () -> ()
      %dma_start3A = arith.constant 0 : i32
      %dma_start3A_12 = arith.constant 0 : i32
      %dma_start3A_13 = tpu.memref_slice %arg2[%dma_start3A, %dma_start3A_12] : memref<100000x128xf32, #tpu.memory_space<hbm>> -> memref<100000x128xf32, #tpu.memory_space<hbm>>
      tpu.enqueue_indirect_dma source(%dma_start3A_13 : memref<100000x128xf32, #tpu.memory_space<hbm>>) target(%arg9 : memref<128x128xf32, #tpu.memory_space<vmem>>) offsets(%arg7 : memref<128xi32, #tpu.memory_space<vmem>>) semaphore(%arg11 : memref<!tpu.dma_semaphore, #tpu.memory_space<semaphore_mem>>)
      %dma_start3A_14 = arith.constant 0 : i32
      %dma_start3A_15 = arith.constant 0 : i32
      %dma_start3A_16 = tpu.memref_slice %arg2[%dma_start3A_14, %dma_start3A_15] : memref<100000x128xf32, #tpu.memory_space<hbm>> -> memref<100000x128xf32, #tpu.memory_space<hbm>>
      tpu.enqueue_indirect_dma source(%dma_start3A_16 : memref<100000x128xf32, #tpu.memory_space<hbm>>) target(%arg10 : memref<128x128xf32, #tpu.memory_space<vmem>>) offsets(%arg8 : memref<128xi32, #tpu.memory_space<vmem>>) semaphore(%arg11 : memref<!tpu.dma_semaphore, #tpu.memory_space<semaphore_mem>>)
      %dma_wait3A = arith.constant 0 : i32
      %dma_wait3A_17 = arith.constant 0 : i32
      %dma_wait3A_18 = tpu.memref_slice %arg2[%dma_wait3A, %dma_wait3A_17] : memref<100000x128xf32, #tpu.memory_space<hbm>> -> memref<100000x128xf32, #tpu.memory_space<hbm>>
      tpu.wait_indirect_dma semaphore(%arg11 : memref<!tpu.dma_semaphore, #tpu.memory_space<semaphore_mem>>) src(%dma_wait3A_18 : memref<100000x128xf32, #tpu.memory_space<hbm>>) dst(%arg9 : memref<128x128xf32, #tpu.memory_space<vmem>>)
      %dma_wait3A_19 = arith.constant 0 : i32
      %dma_wait3A_20 = arith.constant 0 : i32
      %dma_wait3A_21 = tpu.memref_slice %arg2[%dma_wait3A_19, %dma_wait3A_20] : memref<100000x128xf32, #tpu.memory_space<hbm>> -> memref<100000x128xf32, #tpu.memory_space<hbm>>
      tpu.wait_indirect_dma semaphore(%arg11 : memref<!tpu.dma_semaphore, #tpu.memory_space<semaphore_mem>>) src(%dma_wait3A_21 : memref<100000x128xf32, #tpu.memory_space<hbm>>) dst(%arg10 : memref<128x128xf32, #tpu.memory_space<vmem>>)
      "tpu.region"() ({
        %run_scoped3A = tpu.sem_alloc : memref<!tpu.dma_semaphore, #tpu.memory_space<semaphore_mem>>
        %dma_start3A_22 = arith.constant 0 : i32
        %dma_start3A_23 = tpu.memref_slice %arg5[%add3A_11, %dma_start3A_22] : memref<409600x128xf32, #tpu.memory_space<hbm>> -> memref<128x128xf32, #tpu.memory_space<hbm>>
        %dma_start3A_24 = arith.constant 0 : i32
        %dma_start3A_25 = tpu.memref_slice %arg5[%add3A_11, %dma_start3A_24] : memref<409600x128xf32, #tpu.memory_space<hbm>> -> memref<128x128xf32, #tpu.memory_space<hbm>>
        tpu.enqueue_dma source(%arg9 : memref<128x128xf32, #tpu.memory_space<vmem>>) target(%dma_start3A_25 : memref<128x128xf32, #tpu.memory_space<hbm>>) target_semaphore(%run_scoped3A : memref<!tpu.dma_semaphore, #tpu.memory_space<semaphore_mem>>)
        %dma_wait3A_26 = arith.constant 0 : i32
        %dma_wait3A_27 = tpu.memref_slice %arg5[%add3A_11, %dma_wait3A_26] : memref<409600x128xf32, #tpu.memory_space<hbm>> -> memref<128x128xf32, #tpu.memory_space<hbm>>
        %dma_wait3A_28 = arith.constant 0 : i32
        %dma_wait3A_29 = tpu.memref_slice %arg5[%add3A_11, %dma_wait3A_28] : memref<409600x128xf32, #tpu.memory_space<hbm>> -> memref<128x128xf32, #tpu.memory_space<hbm>>
        tpu.wait_dma2 semaphore(%run_scoped3A : memref<!tpu.dma_semaphore, #tpu.memory_space<semaphore_mem>>) src(%arg9 : memref<128x128xf32, #tpu.memory_space<vmem>>) dst(%dma_wait3A_29 : memref<128x128xf32, #tpu.memory_space<hbm>>)
        tpu.yield
      }) : () -> ()
      "tpu.region"() ({
        %run_scoped3A = tpu.sem_alloc : memref<!tpu.dma_semaphore, #tpu.memory_space<semaphore_mem>>
        %dma_start3A_22 = arith.constant 0 : i32
        %dma_start3A_23 = tpu.memref_slice %arg6[%add3A_11, %dma_start3A_22] : memref<409600x128xf32, #tpu.memory_space<hbm>> -> memref<128x128xf32, #tpu.memory_space<hbm>>
        %dma_start3A_24 = arith.constant 0 : i32
        %dma_start3A_25 = tpu.memref_slice %arg6[%add3A_11, %dma_start3A_24] : memref<409600x128xf32, #tpu.memory_space<hbm>> -> memref<128x128xf32, #tpu.memory_space<hbm>>
        tpu.enqueue_dma source(%arg10 : memref<128x128xf32, #tpu.memory_space<vmem>>) target(%dma_start3A_25 : memref<128x128xf32, #tpu.memory_space<hbm>>) target_semaphore(%run_scoped3A : memref<!tpu.dma_semaphore, #tpu.memory_space<semaphore_mem>>)
        %dma_wait3A_26 = arith.constant 0 : i32
        %dma_wait3A_27 = tpu.memref_slice %arg6[%add3A_11, %dma_wait3A_26] : memref<409600x128xf32, #tpu.memory_space<hbm>> -> memref<128x128xf32, #tpu.memory_space<hbm>>
        %dma_wait3A_28 = arith.constant 0 : i32
        %dma_wait3A_29 = tpu.memref_slice %arg6[%add3A_11, %dma_wait3A_28] : memref<409600x128xf32, #tpu.memory_space<hbm>> -> memref<128x128xf32, #tpu.memory_space<hbm>>
        tpu.wait_dma2 semaphore(%run_scoped3A : memref<!tpu.dma_semaphore, #tpu.memory_space<semaphore_mem>>) src(%arg10 : memref<128x128xf32, #tpu.memory_space<vmem>>) dst(%dma_wait3A_29 : memref<128x128xf32, #tpu.memory_space<hbm>>)
        tpu.yield
      }) : () -> ()
    }
    %scan3A_7 = arith.constant 100 : i32
    return
  }
}

module attributes {stable_mosaic.version = 14 : i64} {
  func.func @_catonly_body(%arg0: i32, %arg1: memref<1024x128xf32, #tpu.memory_space<vmem>>, %arg2: memref<1x128xf32, #tpu.memory_space<vmem>>, %arg3: memref<1x128xf32, #tpu.memory_space<vmem>>, %arg4: memref<128x128xf32, #tpu.memory_space<vmem>>, %arg5: memref<1x128xf32, #tpu.memory_space<vmem>>, %arg6: memref<1024x128xf32, #tpu.memory_space<vmem>>) attributes {dimension_semantics = [#tpu.dimension_semantics<arbitrary>], iteration_bounds = array<i64: 10>, scalar_prefetch = 0 : i64, scratch_operands = 0 : i64, tpu.core_type = #tpu.core_type<tc>, window_params = [{transform_indices = @transform_0, window_bounds = array<i64: 1024, 128>}, {pipeline_mode = #tpu.pipeline_mode<synchronous>, transform_indices = @transform_1, window_bounds = array<i64: 1, 128>}, {pipeline_mode = #tpu.pipeline_mode<synchronous>, transform_indices = @transform_2, window_bounds = array<i64: 1, 128>}, {pipeline_mode = #tpu.pipeline_mode<synchronous>, transform_indices = @transform_3, window_bounds = array<i64: 128, 128>}, {pipeline_mode = #tpu.pipeline_mode<synchronous>, transform_indices = @transform_4, window_bounds = array<i64: 1, 128>}, {transform_indices = @transform_5, window_bounds = array<i64: 1024, 128>}]} {
    %get3A = arith.constant 0 : index
    %get3A_0 = arith.constant 0 : index
    %get3A_1 = vector.load %arg1[%get3A, %get3A_0] : memref<1024x128xf32, #tpu.memory_space<vmem>>, vector<1024x128xf32>
    %get3A_2 = arith.constant 0 : index
    %get3A_3 = arith.constant 0 : index
    %get3A_4 = vector.load %arg2[%get3A_2, %get3A_3] : memref<1x128xf32, #tpu.memory_space<vmem>>, vector<1x128xf32>
    %get3A_5 = arith.constant 0 : index
    %get3A_6 = arith.constant 0 : index
    %get3A_7 = vector.load %arg3[%get3A_5, %get3A_6] : memref<1x128xf32, #tpu.memory_space<vmem>>, vector<1x128xf32>
    %reduce_sum3A = arith.constant dense<0.000000e+00> : vector<1024xf32>
    %reduce_sum3A_8 = vector.multi_reduction <add>, %get3A_1, %reduce_sum3A [1] : vector<1024x128xf32> to vector<1024xf32>
    %broadcast_in_dim3A = vector.shape_cast %reduce_sum3A_8 : vector<1024xf32> to vector<1024x1xf32>
    %div3A = arith.constant 1.280000e+02 : f32
    %div3A_9 = vector.broadcast %div3A : f32 to vector<1024x1xf32>
    %div3A_10 = arith.divf %broadcast_in_dim3A, %div3A_9 : vector<1024x1xf32>
    %jit3A = arith.constant 0 : i32
    %reduce_sum3A_11 = arith.constant dense<0.000000e+00> : vector<1024xf32>
    %reduce_sum3A_12 = vector.multi_reduction <add>, %get3A_1, %reduce_sum3A_11 [1] : vector<1024x128xf32> to vector<1024xf32>
    %broadcast_in_dim3A_13 = vector.shape_cast %reduce_sum3A_12 : vector<1024xf32> to vector<1024x1xf32>
    %div3A_14 = arith.constant 1.280000e+02 : f32
    %div3A_15 = vector.broadcast %div3A_14 : f32 to vector<1024x1xf32>
    %div3A_16 = arith.divf %broadcast_in_dim3A_13, %div3A_15 : vector<1024x1xf32>
    %sub3A = vector.broadcast %div3A_16 : vector<1024x1xf32> to vector<1024x128xf32>
    %sub3A_17 = arith.subf %get3A_1, %sub3A : vector<1024x128xf32>
    %square3A = arith.mulf %sub3A_17, %sub3A_17 : vector<1024x128xf32>
    %convert_element_type3A = arith.sitofp %jit3A : i32 to f32
    %sub3A_18 = arith.constant 1.280000e+02 : f32
    %sub3A_19 = arith.subf %sub3A_18, %convert_element_type3A : f32
    %reduce_sum3A_20 = arith.constant dense<0.000000e+00> : vector<1024xf32>
    %reduce_sum3A_21 = vector.multi_reduction <add>, %square3A, %reduce_sum3A_20 [1] : vector<1024x128xf32> to vector<1024xf32>
    %broadcast_in_dim3A_22 = vector.shape_cast %reduce_sum3A_21 : vector<1024xf32> to vector<1024x1xf32>
    %div3A_23 = vector.broadcast %sub3A_19 : f32 to vector<1024x1xf32>
    %div3A_24 = arith.divf %broadcast_in_dim3A_22, %div3A_23 : vector<1024x1xf32>
    %gt3A = arith.constant 0.000000e+00 : f32
    %gt3A_25 = arith.cmpf ogt, %sub3A_19, %gt3A : f32
    %jit3A_26 = arith.constant 0x7FC00000 : f32
    %broadcast_in_dim3A_27 = vector.broadcast %jit3A_26 : f32 to vector<1024x1xf32>
    %select_n3A = arith.select %gt3A_25, %div3A_24, %broadcast_in_dim3A_27 : vector<1024x1xf32>
    %sub3A_28 = vector.broadcast %div3A_10 : vector<1024x1xf32> to vector<1024x128xf32>
    %sub3A_29 = arith.subf %get3A_1, %sub3A_28 : vector<1024x128xf32>
    %add3A = arith.constant 9.99999974E-6 : f32
    %add3A_30 = vector.broadcast %add3A : f32 to vector<1024x1xf32>
    %add3A_31 = arith.addf %select_n3A, %add3A_30 : vector<1024x1xf32>
    %sqrt3A = math.sqrt %add3A_31 : vector<1024x1xf32>
    %div3A_32 = vector.broadcast %sqrt3A : vector<1024x1xf32> to vector<1024x128xf32>
    %div3A_33 = arith.divf %sub3A_29, %div3A_32 : vector<1024x128xf32>
    %mul3A = vector.broadcast %get3A_4 : vector<1x128xf32> to vector<1024x128xf32>
    %mul3A_34 = arith.mulf %div3A_33, %mul3A : vector<1024x128xf32>
    %add3A_35 = vector.broadcast %get3A_7 : vector<1x128xf32> to vector<1024x128xf32>
    %add3A_36 = arith.addf %mul3A_34, %add3A_35 : vector<1024x128xf32>
    %max3A = arith.constant 0.000000e+00 : f32
    %max3A_37 = vector.broadcast %max3A : f32 to vector<1024x128xf32>
    %max3A_38 = arith.maximumf %add3A_36, %max3A_37 : vector<1024x128xf32>
    %get3A_39 = arith.constant 0 : index
    %get3A_40 = arith.constant 0 : index
    %get3A_41 = vector.load %arg4[%get3A_39, %get3A_40] : memref<128x128xf32, #tpu.memory_space<vmem>>, vector<128x128xf32>
    %dot_general3A = arith.constant dense<0.000000e+00> : vector<1024x128xf32>
    %dot_general3A_42 = tpu.matmul %max3A_38, %get3A_41, %dot_general3A {dimension_numbers = #tpu.dot_dimension_numbers<[1], [0], [0], [1], [0, 0, 1, 1], [], []>, transpose_lhs_hint = false} : vector<1024x128xf32>, vector<128x128xf32>, vector<1024x128xf32> -> vector<1024x128xf32>
    %get3A_43 = arith.constant 0 : index
    %get3A_44 = arith.constant 0 : index
    %get3A_45 = vector.load %arg5[%get3A_43, %get3A_44] : memref<1x128xf32, #tpu.memory_space<vmem>>, vector<1x128xf32>
    %add3A_46 = vector.broadcast %get3A_45 : vector<1x128xf32> to vector<1024x128xf32>
    %add3A_47 = arith.addf %dot_general3A_42, %add3A_46 : vector<1024x128xf32>
    %swap3A = arith.constant 0 : index
    %swap3A_48 = arith.constant 0 : index
    %swap3A_49 = vector.load %arg6[%swap3A, %swap3A_48] : memref<1024x128xf32, #tpu.memory_space<vmem>>, vector<1024x128xf32>
    tpu.vector_store %arg6[%swap3A, %swap3A_48], %add3A_47 {strides = array<i32>} : memref<1024x128xf32, #tpu.memory_space<vmem>>, vector<1024x128xf32>,
    return
  }
  func.func @transform_0(%arg0: i32) -> (i32, i32) {
    %c0_i32 = arith.constant 0 : i32
    %c0_i32_0 = arith.constant 0 : i32
    return %arg0, %c0_i32 : i32, i32
  }
  func.func @transform_1(%arg0: i32) -> (i32, i32) {
    %c0_i32 = arith.constant 0 : i32
    %c0_i32_0 = arith.constant 0 : i32
    %c0_i32_1 = arith.constant 0 : i32
    return %c0_i32, %c0_i32_0 : i32, i32
  }
  func.func @transform_2(%arg0: i32) -> (i32, i32) {
    %c0_i32 = arith.constant 0 : i32
    %c0_i32_0 = arith.constant 0 : i32
    %c0_i32_1 = arith.constant 0 : i32
    return %c0_i32, %c0_i32_0 : i32, i32
  }
  func.func @transform_3(%arg0: i32) -> (i32, i32) {
    %c0_i32 = arith.constant 0 : i32
    %c0_i32_0 = arith.constant 0 : i32
    %c0_i32_1 = arith.constant 0 : i32
    return %c0_i32, %c0_i32_0 : i32, i32
  }
  func.func @transform_4(%arg0: i32) -> (i32, i32) {
    %c0_i32 = arith.constant 0 : i32
    %c0_i32_0 = arith.constant 0 : i32
    %c0_i32_1 = arith.constant 0 : i32
    return %c0_i32, %c0_i32_0 : i32, i32
  }
  func.func @transform_5(%arg0: i32) -> (i32, i32) {
    %c0_i32 = arith.constant 0 : i32
    %c0_i32_0 = arith.constant 0 : i32
    return %arg0, %c0_i32 : i32, i32
  }
}

module attributes {stable_mosaic.version = 14 : i64} {
  func.func @_fourier_body(%arg0: i32, %arg1: memref<512x5xf32, #tpu.memory_space<vmem>>, %arg2: memref<512x128xf32, #tpu.memory_space<vmem>>, %arg3: memref<5x64xf32, #tpu.memory_space<vmem>>, %arg4: memref<5x129x128xf32, #tpu.memory_space<vmem>>, %arg5: memref<5x128xf32, #tpu.memory_space<vmem>>, %arg6: memref<5x128xf32, #tpu.memory_space<vmem>>, %arg7: memref<5x128xf32, #tpu.memory_space<vmem>>, %arg8: memref<5x128x128xf32, #tpu.memory_space<vmem>>, %arg9: memref<5x128xf32, #tpu.memory_space<vmem>>, %arg10: memref<1x128xf32, #tpu.memory_space<vmem>>, %arg11: memref<1x128xf32, #tpu.memory_space<vmem>>, %arg12: memref<128x128xf32, #tpu.memory_space<vmem>>, %arg13: memref<1x128xf32, #tpu.memory_space<vmem>>, %arg14: memref<512x128xf32, #tpu.memory_space<vmem>>) attributes {dimension_semantics = [#tpu.dimension_semantics<arbitrary>], iteration_bounds = array<i64: 196>, scalar_prefetch = 0 : i64, scratch_operands = 0 : i64, tpu.core_type = #tpu.core_type<tc>, window_params = [{transform_indices = @transform_0, window_bounds = array<i64: 512, 5>}, {transform_indices = @transform_1, window_bounds = array<i64: 512, 128>}, {pipeline_mode = #tpu.pipeline_mode<synchronous>, transform_indices = @transform_2, window_bounds = array<i64: 5, 64>}, {pipeline_mode = #tpu.pipeline_mode<synchronous>, transform_indices = @transform_3, window_bounds = array<i64: 5, 129, 128>}, {pipeline_mode = #tpu.pipeline_mode<synchronous>, transform_indices = @transform_4, window_bounds = array<i64: 5, 128>}, {pipeline_mode = #tpu.pipeline_mode<synchronous>, transform_indices = @transform_5, window_bounds = array<i64: 5, 128>}, {pipeline_mode = #tpu.pipeline_mode<synchronous>, transform_indices = @transform_6, window_bounds = array<i64: 5, 128>}, {pipeline_mode = #tpu.pipeline_mode<synchronous>, transform_indices = @transform_7, window_bounds = array<i64: 5, 128, 128>}, {pipeline_mode = #tpu.pipeline_mode<synchronous>, transform_indices = @transform_8, window_bounds = array<i64: 5, 128>}, {pipeline_mode = #tpu.pipeline_mode<synchronous>, transform_indices = @transform_9, window_bounds = array<i64: 1, 128>}, {pipeline_mode = #tpu.pipeline_mode<synchronous>, transform_indices = @transform_10, window_bounds = array<i64: 1, 128>}, {pipeline_mode = #tpu.pipeline_mode<synchronous>, transform_indices = @transform_11, window_bounds = array<i64: 128, 128>}, {pipeline_mode = #tpu.pipeline_mode<synchronous>, transform_indices = @transform_12, window_bounds = array<i64: 1, 128>}, {transform_indices = @transform_13, window_bounds = array<i64: 512, 128>}]} {
    %get3A = arith.constant 0 : index
    %get3A_0 = arith.constant 0 : index
    %get3A_1 = vector.load %arg1[%get3A, %get3A_0] : memref<512x5xf32, #tpu.memory_space<vmem>>, vector<512x5xf32>
    %slice3A = vector.extract_strided_slice %get3A_1 {offsets = [0, 0], sizes = [512, 1], strides = [1, 1]} : vector<512x5xf32> to vector<512x1xf32>
    %get3A_2 = arith.constant 0 : index
    %get3A_3 = arith.constant 0 : index
    %get3A_4 = vector.load %arg3[%get3A_2, %get3A_3] : memref<5x64xf32, #tpu.memory_space<vmem>>, vector<1x64xf32>
    %mul3A = vector.broadcast %slice3A : vector<512x1xf32> to vector<512x64xf32>
    %mul3A_5 = vector.broadcast %get3A_4 : vector<1x64xf32> to vector<512x64xf32>
    %mul3A_6 = arith.mulf %mul3A, %mul3A_5 : vector<512x64xf32>
    %mul3A_7 = arith.constant 6.28318548 : f32
    %mul3A_8 = vector.broadcast %mul3A_7 : f32 to vector<512x64xf32>
    %mul3A_9 = arith.mulf %mul3A_6, %mul3A_8 : vector<512x64xf32>
    %cos3A = math.cos %mul3A_9 : vector<512x64xf32>
    %sin3A = math.sin %mul3A_9 : vector<512x64xf32>
    %concatenate3A = tpu.concatenate %cos3A, %sin3A, %slice3A in 1 : vector<512x64xf32>, vector<512x64xf32>, vector<512x1xf32> -> vector<512x129xf32>
    %get3A_10 = arith.constant 0 : index
    %get3A_11 = arith.constant 0 : index
    %get3A_12 = arith.constant 0 : index
    %get3A_13 = vector.load %arg4[%get3A_10, %get3A_11, %get3A_12] : memref<5x129x128xf32, #tpu.memory_space<vmem>>, vector<1x129x128xf32>
    %get3A_14 = vector.shape_cast %get3A_13 : vector<1x129x128xf32> to vector<129x128xf32>
    %dot_general3A = arith.constant dense<0.000000e+00> : vector<512x128xf32>
    %dot_general3A_15 = tpu.matmul %concatenate3A, %get3A_14, %dot_general3A {dimension_numbers = #tpu.dot_dimension_numbers<[1], [0], [0], [1], [0, 0, 1, 1], [], []>, transpose_lhs_hint = false} : vector<512x129xf32>, vector<129x128xf32>, vector<512x128xf32> -> vector<512x128xf32>
    %get3A_16 = arith.constant 0 : index
    %get3A_17 = arith.constant 0 : index
    %get3A_18 = vector.load %arg5[%get3A_16, %get3A_17] : memref<5x128xf32, #tpu.memory_space<vmem>>, vector<1x128xf32>
    %add3A = vector.broadcast %get3A_18 : vector<1x128xf32> to vector<512x128xf32>
    %add3A_19 = arith.addf %dot_general3A_15, %add3A : vector<512x128xf32>
    %get3A_20 = arith.constant 0 : index
    %get3A_21 = arith.constant 0 : index
    %get3A_22 = vector.load %arg6[%get3A_20, %get3A_21] : memref<5x128xf32, #tpu.memory_space<vmem>>, vector<1x128xf32>
    %get3A_23 = arith.constant 0 : index
    %get3A_24 = arith.constant 0 : index
    %get3A_25 = vector.load %arg7[%get3A_23, %get3A_24] : memref<5x128xf32, #tpu.memory_space<vmem>>, vector<1x128xf32>
    %reduce_sum3A = arith.constant dense<0.000000e+00> : vector<512xf32>
    %reduce_sum3A_26 = vector.multi_reduction <add>, %add3A_19, %reduce_sum3A [1] : vector<512x128xf32> to vector<512xf32>
    %broadcast_in_dim3A = vector.shape_cast %reduce_sum3A_26 : vector<512xf32> to vector<512x1xf32>
    %div3A = arith.constant 1.280000e+02 : f32
    %div3A_27 = vector.broadcast %div3A : f32 to vector<512x1xf32>
    %div3A_28 = arith.divf %broadcast_in_dim3A, %div3A_27 : vector<512x1xf32>
    %jit3A = arith.constant 0 : i32
    %reduce_sum3A_29 = arith.constant dense<0.000000e+00> : vector<512xf32>
    %reduce_sum3A_30 = vector.multi_reduction <add>, %add3A_19, %reduce_sum3A_29 [1] : vector<512x128xf32> to vector<512xf32>
    %broadcast_in_dim3A_31 = vector.shape_cast %reduce_sum3A_30 : vector<512xf32> to vector<512x1xf32>
    %div3A_32 = arith.constant 1.280000e+02 : f32
    %div3A_33 = vector.broadcast %div3A_32 : f32 to vector<512x1xf32>
    %div3A_34 = arith.divf %broadcast_in_dim3A_31, %div3A_33 : vector<512x1xf32>
    %sub3A = vector.broadcast %div3A_34 : vector<512x1xf32> to vector<512x128xf32>
    %sub3A_35 = arith.subf %add3A_19, %sub3A : vector<512x128xf32>
    %square3A = arith.mulf %sub3A_35, %sub3A_35 : vector<512x128xf32>
    %convert_element_type3A = arith.sitofp %jit3A : i32 to f32
    %sub3A_36 = arith.constant 1.280000e+02 : f32
    %sub3A_37 = arith.subf %sub3A_36, %convert_element_type3A : f32
    %reduce_sum3A_38 = arith.constant dense<0.000000e+00> : vector<512xf32>
    %reduce_sum3A_39 = vector.multi_reduction <add>, %square3A, %reduce_sum3A_38 [1] : vector<512x128xf32> to vector<512xf32>
    %broadcast_in_dim3A_40 = vector.shape_cast %reduce_sum3A_39 : vector<512xf32> to vector<512x1xf32>
    %div3A_41 = vector.broadcast %sub3A_37 : f32 to vector<512x1xf32>
    %div3A_42 = arith.divf %broadcast_in_dim3A_40, %div3A_41 : vector<512x1xf32>
    %gt3A = arith.constant 0.000000e+00 : f32
    %gt3A_43 = arith.cmpf ogt, %sub3A_37, %gt3A : f32
    %jit3A_44 = arith.constant 0x7FC00000 : f32
    %broadcast_in_dim3A_45 = vector.broadcast %jit3A_44 : f32 to vector<512x1xf32>
    %select_n3A = arith.select %gt3A_43, %div3A_42, %broadcast_in_dim3A_45 : vector<512x1xf32>
    %sub3A_46 = vector.broadcast %div3A_28 : vector<512x1xf32> to vector<512x128xf32>
    %sub3A_47 = arith.subf %add3A_19, %sub3A_46 : vector<512x128xf32>
    %add3A_48 = arith.constant 9.99999974E-6 : f32
    %add3A_49 = vector.broadcast %add3A_48 : f32 to vector<512x1xf32>
    %add3A_50 = arith.addf %select_n3A, %add3A_49 : vector<512x1xf32>
    %sqrt3A = math.sqrt %add3A_50 : vector<512x1xf32>
    %div3A_51 = vector.broadcast %sqrt3A : vector<512x1xf32> to vector<512x128xf32>
    %div3A_52 = arith.divf %sub3A_47, %div3A_51 : vector<512x128xf32>
    %mul3A_53 = vector.broadcast %get3A_22 : vector<1x128xf32> to vector<512x128xf32>
    %mul3A_54 = arith.mulf %div3A_52, %mul3A_53 : vector<512x128xf32>
    %add3A_55 = vector.broadcast %get3A_25 : vector<1x128xf32> to vector<512x128xf32>
    %add3A_56 = arith.addf %mul3A_54, %add3A_55 : vector<512x128xf32>
    %max3A = arith.constant 0.000000e+00 : f32
    %max3A_57 = vector.broadcast %max3A : f32 to vector<512x128xf32>
    %max3A_58 = arith.maximumf %add3A_56, %max3A_57 : vector<512x128xf32>
    %get3A_59 = arith.constant 0 : index
    %get3A_60 = arith.constant 0 : index
    %get3A_61 = arith.constant 0 : index
    %get3A_62 = vector.load %arg8[%get3A_59, %get3A_60, %get3A_61] : memref<5x128x128xf32, #tpu.memory_space<vmem>>, vector<1x128x128xf32>
    %get3A_63 = vector.shape_cast %get3A_62 : vector<1x128x128xf32> to vector<128x128xf32>
    %dot_general3A_64 = arith.constant dense<0.000000e+00> : vector<512x128xf32>
    %dot_general3A_65 = tpu.matmul %max3A_58, %get3A_63, %dot_general3A_64 {dimension_numbers = #tpu.dot_dimension_numbers<[1], [0], [0], [1], [0, 0, 1, 1], [], []>, transpose_lhs_hint = false} : vector<512x128xf32>, vector<128x128xf32>, vector<512x128xf32> -> vector<512x128xf32>
    %get3A_66 = arith.constant 0 : index
    %get3A_67 = arith.constant 0 : index
    %get3A_68 = vector.load %arg9[%get3A_66, %get3A_67] : memref<5x128xf32, #tpu.memory_space<vmem>>, vector<1x128xf32>
    %add3A_69 = vector.broadcast %get3A_68 : vector<1x128xf32> to vector<512x128xf32>
    %add3A_70 = arith.addf %dot_general3A_65, %add3A_69 : vector<512x128xf32>
    %slice3A_71 = vector.extract_strided_slice %get3A_1 {offsets = [0, 1], sizes = [512, 1], strides = [1, 1]} : vector<512x5xf32> to vector<512x1xf32>
    %get3A_72 = arith.constant 1 : index
    %get3A_73 = arith.constant 0 : index
    %get3A_74 = vector.load %arg3[%get3A_72, %get3A_73] : memref<5x64xf32, #tpu.memory_space<vmem>>, vector<1x64xf32>
    %mul3A_75 = vector.broadcast %slice3A_71 : vector<512x1xf32> to vector<512x64xf32>
    %mul3A_76 = vector.broadcast %get3A_74 : vector<1x64xf32> to vector<512x64xf32>
    %mul3A_77 = arith.mulf %mul3A_75, %mul3A_76 : vector<512x64xf32>
    %mul3A_78 = arith.constant 6.28318548 : f32
    %mul3A_79 = vector.broadcast %mul3A_78 : f32 to vector<512x64xf32>
    %mul3A_80 = arith.mulf %mul3A_77, %mul3A_79 : vector<512x64xf32>
    %cos3A_81 = math.cos %mul3A_80 : vector<512x64xf32>
    %sin3A_82 = math.sin %mul3A_80 : vector<512x64xf32>
    %concatenate3A_83 = tpu.concatenate %cos3A_81, %sin3A_82, %slice3A_71 in 1 : vector<512x64xf32>, vector<512x64xf32>, vector<512x1xf32> -> vector<512x129xf32>
    %get3A_84 = arith.constant 1 : index
    %get3A_85 = arith.constant 0 : index
    %get3A_86 = arith.constant 0 : index
    %get3A_87 = vector.load %arg4[%get3A_84, %get3A_85, %get3A_86] : memref<5x129x128xf32, #tpu.memory_space<vmem>>, vector<1x129x128xf32>
    %get3A_88 = vector.shape_cast %get3A_87 : vector<1x129x128xf32> to vector<129x128xf32>
    %dot_general3A_89 = arith.constant dense<0.000000e+00> : vector<512x128xf32>
    %dot_general3A_90 = tpu.matmul %concatenate3A_83, %get3A_88, %dot_general3A_89 {dimension_numbers = #tpu.dot_dimension_numbers<[1], [0], [0], [1], [0, 0, 1, 1], [], []>, transpose_lhs_hint = false} : vector<512x129xf32>, vector<129x128xf32>, vector<512x128xf32> -> vector<512x128xf32>
    %get3A_91 = arith.constant 1 : index
    %get3A_92 = arith.constant 0 : index
    %get3A_93 = vector.load %arg5[%get3A_91, %get3A_92] : memref<5x128xf32, #tpu.memory_space<vmem>>, vector<1x128xf32>
    %add3A_94 = vector.broadcast %get3A_93 : vector<1x128xf32> to vector<512x128xf32>
    %add3A_95 = arith.addf %dot_general3A_90, %add3A_94 : vector<512x128xf32>
    %get3A_96 = arith.constant 1 : index
    %get3A_97 = arith.constant 0 : index
    %get3A_98 = vector.load %arg6[%get3A_96, %get3A_97] : memref<5x128xf32, #tpu.memory_space<vmem>>, vector<1x128xf32>
    %get3A_99 = arith.constant 1 : index
    %get3A_100 = arith.constant 0 : index
    %get3A_101 = vector.load %arg7[%get3A_99, %get3A_100] : memref<5x128xf32, #tpu.memory_space<vmem>>, vector<1x128xf32>
    %reduce_sum3A_102 = arith.constant dense<0.000000e+00> : vector<512xf32>
    %reduce_sum3A_103 = vector.multi_reduction <add>, %add3A_95, %reduce_sum3A_102 [1] : vector<512x128xf32> to vector<512xf32>
    %broadcast_in_dim3A_104 = vector.shape_cast %reduce_sum3A_103 : vector<512xf32> to vector<512x1xf32>
    %div3A_105 = arith.constant 1.280000e+02 : f32
    %div3A_106 = vector.broadcast %div3A_105 : f32 to vector<512x1xf32>
    %div3A_107 = arith.divf %broadcast_in_dim3A_104, %div3A_106 : vector<512x1xf32>
    %jit3A_108 = arith.constant 0 : i32
    %reduce_sum3A_109 = arith.constant dense<0.000000e+00> : vector<512xf32>
    %reduce_sum3A_110 = vector.multi_reduction <add>, %add3A_95, %reduce_sum3A_109 [1] : vector<512x128xf32> to vector<512xf32>
    %broadcast_in_dim3A_111 = vector.shape_cast %reduce_sum3A_110 : vector<512xf32> to vector<512x1xf32>
    %div3A_112 = arith.constant 1.280000e+02 : f32
    %div3A_113 = vector.broadcast %div3A_112 : f32 to vector<512x1xf32>
    %div3A_114 = arith.divf %broadcast_in_dim3A_111, %div3A_113 : vector<512x1xf32>
    %sub3A_115 = vector.broadcast %div3A_114 : vector<512x1xf32> to vector<512x128xf32>
    %sub3A_116 = arith.subf %add3A_95, %sub3A_115 : vector<512x128xf32>
    %square3A_117 = arith.mulf %sub3A_116, %sub3A_116 : vector<512x128xf32>
    %convert_element_type3A_118 = arith.sitofp %jit3A_108 : i32 to f32
    %sub3A_119 = arith.constant 1.280000e+02 : f32
    %sub3A_120 = arith.subf %sub3A_119, %convert_element_type3A_118 : f32
    %reduce_sum3A_121 = arith.constant dense<0.000000e+00> : vector<512xf32>
    %reduce_sum3A_122 = vector.multi_reduction <add>, %square3A_117, %reduce_sum3A_121 [1] : vector<512x128xf32> to vector<512xf32>
    %broadcast_in_dim3A_123 = vector.shape_cast %reduce_sum3A_122 : vector<512xf32> to vector<512x1xf32>
    %div3A_124 = vector.broadcast %sub3A_120 : f32 to vector<512x1xf32>
    %div3A_125 = arith.divf %broadcast_in_dim3A_123, %div3A_124 : vector<512x1xf32>
    %gt3A_126 = arith.constant 0.000000e+00 : f32
    %gt3A_127 = arith.cmpf ogt, %sub3A_120, %gt3A_126 : f32
    %jit3A_128 = arith.constant 0x7FC00000 : f32
    %broadcast_in_dim3A_129 = vector.broadcast %jit3A_128 : f32 to vector<512x1xf32>
    %select_n3A_130 = arith.select %gt3A_127, %div3A_125, %broadcast_in_dim3A_129 : vector<512x1xf32>
    %sub3A_131 = vector.broadcast %div3A_107 : vector<512x1xf32> to vector<512x128xf32>
    %sub3A_132 = arith.subf %add3A_95, %sub3A_131 : vector<512x128xf32>
    %add3A_133 = arith.constant 9.99999974E-6 : f32
    %add3A_134 = vector.broadcast %add3A_133 : f32 to vector<512x1xf32>
    %add3A_135 = arith.addf %select_n3A_130, %add3A_134 : vector<512x1xf32>
    %sqrt3A_136 = math.sqrt %add3A_135 : vector<512x1xf32>
    %div3A_137 = vector.broadcast %sqrt3A_136 : vector<512x1xf32> to vector<512x128xf32>
    %div3A_138 = arith.divf %sub3A_132, %div3A_137 : vector<512x128xf32>
    %mul3A_139 = vector.broadcast %get3A_98 : vector<1x128xf32> to vector<512x128xf32>
    %mul3A_140 = arith.mulf %div3A_138, %mul3A_139 : vector<512x128xf32>
    %add3A_141 = vector.broadcast %get3A_101 : vector<1x128xf32> to vector<512x128xf32>
    %add3A_142 = arith.addf %mul3A_140, %add3A_141 : vector<512x128xf32>
    %max3A_143 = arith.constant 0.000000e+00 : f32
    %max3A_144 = vector.broadcast %max3A_143 : f32 to vector<512x128xf32>
    %max3A_145 = arith.maximumf %add3A_142, %max3A_144 : vector<512x128xf32>
    %get3A_146 = arith.constant 1 : index
    %get3A_147 = arith.constant 0 : index
    %get3A_148 = arith.constant 0 : index
    %get3A_149 = vector.load %arg8[%get3A_146, %get3A_147, %get3A_148] : memref<5x128x128xf32, #tpu.memory_space<vmem>>, vector<1x128x128xf32>
    %get3A_150 = vector.shape_cast %get3A_149 : vector<1x128x128xf32> to vector<128x128xf32>
    %dot_general3A_151 = arith.constant dense<0.000000e+00> : vector<512x128xf32>
    %dot_general3A_152 = tpu.matmul %max3A_145, %get3A_150, %dot_general3A_151 {dimension_numbers = #tpu.dot_dimension_numbers<[1], [0], [0], [1], [0, 0, 1, 1], [], []>, transpose_lhs_hint = false} : vector<512x128xf32>, vector<128x128xf32>, vector<512x128xf32> -> vector<512x128xf32>
    %get3A_153 = arith.constant 1 : index
    %get3A_154 = arith.constant 0 : index
    %get3A_155 = vector.load %arg9[%get3A_153, %get3A_154] : memref<5x128xf32, #tpu.memory_space<vmem>>, vector<1x128xf32>
    %add3A_156 = vector.broadcast %get3A_155 : vector<1x128xf32> to vector<512x128xf32>
    %add3A_157 = arith.addf %dot_general3A_152, %add3A_156 : vector<512x128xf32>
    %add3A_158 = arith.addf %add3A_70, %add3A_157 : vector<512x128xf32>
    %slice3A_159 = vector.extract_strided_slice %get3A_1 {offsets = [0, 2], sizes = [512, 1], strides = [1, 1]} : vector<512x5xf32> to vector<512x1xf32>
    %get3A_160 = arith.constant 2 : index
    %get3A_161 = arith.constant 0 : index
    %get3A_162 = vector.load %arg3[%get3A_160, %get3A_161] : memref<5x64xf32, #tpu.memory_space<vmem>>, vector<1x64xf32>
    %mul3A_163 = vector.broadcast %slice3A_159 : vector<512x1xf32> to vector<512x64xf32>
    %mul3A_164 = vector.broadcast %get3A_162 : vector<1x64xf32> to vector<512x64xf32>
    %mul3A_165 = arith.mulf %mul3A_163, %mul3A_164 : vector<512x64xf32>
    %mul3A_166 = arith.constant 6.28318548 : f32
    %mul3A_167 = vector.broadcast %mul3A_166 : f32 to vector<512x64xf32>
    %mul3A_168 = arith.mulf %mul3A_165, %mul3A_167 : vector<512x64xf32>
    %cos3A_169 = math.cos %mul3A_168 : vector<512x64xf32>
    %sin3A_170 = math.sin %mul3A_168 : vector<512x64xf32>
    %concatenate3A_171 = tpu.concatenate %cos3A_169, %sin3A_170, %slice3A_159 in 1 : vector<512x64xf32>, vector<512x64xf32>, vector<512x1xf32> -> vector<512x129xf32>
    %get3A_172 = arith.constant 2 : index
    %get3A_173 = arith.constant 0 : index
    %get3A_174 = arith.constant 0 : index
    %get3A_175 = vector.load %arg4[%get3A_172, %get3A_173, %get3A_174] : memref<5x129x128xf32, #tpu.memory_space<vmem>>, vector<1x129x128xf32>
    %get3A_176 = vector.shape_cast %get3A_175 : vector<1x129x128xf32> to vector<129x128xf32>
    %dot_general3A_177 = arith.constant dense<0.000000e+00> : vector<512x128xf32>
    %dot_general3A_178 = tpu.matmul %concatenate3A_171, %get3A_176, %dot_general3A_177 {dimension_numbers = #tpu.dot_dimension_numbers<[1], [0], [0], [1], [0, 0, 1, 1], [], []>, transpose_lhs_hint = false} : vector<512x129xf32>, vector<129x128xf32>, vector<512x128xf32> -> vector<512x128xf32>
    %get3A_179 = arith.constant 2 : index
    %get3A_180 = arith.constant 0 : index
    %get3A_181 = vector.load %arg5[%get3A_179, %get3A_180] : memref<5x128xf32, #tpu.memory_space<vmem>>, vector<1x128xf32>
    %add3A_182 = vector.broadcast %get3A_181 : vector<1x128xf32> to vector<512x128xf32>
    %add3A_183 = arith.addf %dot_general3A_178, %add3A_182 : vector<512x128xf32>
    %get3A_184 = arith.constant 2 : index
    %get3A_185 = arith.constant 0 : index
    %get3A_186 = vector.load %arg6[%get3A_184, %get3A_185] : memref<5x128xf32, #tpu.memory_space<vmem>>, vector<1x128xf32>
    %get3A_187 = arith.constant 2 : index
    %get3A_188 = arith.constant 0 : index
    %get3A_189 = vector.load %arg7[%get3A_187, %get3A_188] : memref<5x128xf32, #tpu.memory_space<vmem>>, vector<1x128xf32>
    %reduce_sum3A_190 = arith.constant dense<0.000000e+00> : vector<512xf32>
    %reduce_sum3A_191 = vector.multi_reduction <add>, %add3A_183, %reduce_sum3A_190 [1] : vector<512x128xf32> to vector<512xf32>
    %broadcast_in_dim3A_192 = vector.shape_cast %reduce_sum3A_191 : vector<512xf32> to vector<512x1xf32>
    %div3A_193 = arith.constant 1.280000e+02 : f32
    %div3A_194 = vector.broadcast %div3A_193 : f32 to vector<512x1xf32>
    %div3A_195 = arith.divf %broadcast_in_dim3A_192, %div3A_194 : vector<512x1xf32>
    %jit3A_196 = arith.constant 0 : i32
    %reduce_sum3A_197 = arith.constant dense<0.000000e+00> : vector<512xf32>
    %reduce_sum3A_198 = vector.multi_reduction <add>, %add3A_183, %reduce_sum3A_197 [1] : vector<512x128xf32> to vector<512xf32>
    %broadcast_in_dim3A_199 = vector.shape_cast %reduce_sum3A_198 : vector<512xf32> to vector<512x1xf32>
    %div3A_200 = arith.constant 1.280000e+02 : f32
    %div3A_201 = vector.broadcast %div3A_200 : f32 to vector<512x1xf32>
    %div3A_202 = arith.divf %broadcast_in_dim3A_199, %div3A_201 : vector<512x1xf32>
    %sub3A_203 = vector.broadcast %div3A_202 : vector<512x1xf32> to vector<512x128xf32>
    %sub3A_204 = arith.subf %add3A_183, %sub3A_203 : vector<512x128xf32>
    %square3A_205 = arith.mulf %sub3A_204, %sub3A_204 : vector<512x128xf32>
    %convert_element_type3A_206 = arith.sitofp %jit3A_196 : i32 to f32
    %sub3A_207 = arith.constant 1.280000e+02 : f32
    %sub3A_208 = arith.subf %sub3A_207, %convert_element_type3A_206 : f32
    %reduce_sum3A_209 = arith.constant dense<0.000000e+00> : vector<512xf32>
    %reduce_sum3A_210 = vector.multi_reduction <add>, %square3A_205, %reduce_sum3A_209 [1] : vector<512x128xf32> to vector<512xf32>
    %broadcast_in_dim3A_211 = vector.shape_cast %reduce_sum3A_210 : vector<512xf32> to vector<512x1xf32>
    %div3A_212 = vector.broadcast %sub3A_208 : f32 to vector<512x1xf32>
    %div3A_213 = arith.divf %broadcast_in_dim3A_211, %div3A_212 : vector<512x1xf32>
    %gt3A_214 = arith.constant 0.000000e+00 : f32
    %gt3A_215 = arith.cmpf ogt, %sub3A_208, %gt3A_214 : f32
    %jit3A_216 = arith.constant 0x7FC00000 : f32
    %broadcast_in_dim3A_217 = vector.broadcast %jit3A_216 : f32 to vector<512x1xf32>
    %select_n3A_218 = arith.select %gt3A_215, %div3A_213, %broadcast_in_dim3A_217 : vector<512x1xf32>
    %sub3A_219 = vector.broadcast %div3A_195 : vector<512x1xf32> to vector<512x128xf32>
    %sub3A_220 = arith.subf %add3A_183, %sub3A_219 : vector<512x128xf32>
    %add3A_221 = arith.constant 9.99999974E-6 : f32
    %add3A_222 = vector.broadcast %add3A_221 : f32 to vector<512x1xf32>
    %add3A_223 = arith.addf %select_n3A_218, %add3A_222 : vector<512x1xf32>
    %sqrt3A_224 = math.sqrt %add3A_223 : vector<512x1xf32>
    %div3A_225 = vector.broadcast %sqrt3A_224 : vector<512x1xf32> to vector<512x128xf32>
    %div3A_226 = arith.divf %sub3A_220, %div3A_225 : vector<512x128xf32>
    %mul3A_227 = vector.broadcast %get3A_186 : vector<1x128xf32> to vector<512x128xf32>
    %mul3A_228 = arith.mulf %div3A_226, %mul3A_227 : vector<512x128xf32>
    %add3A_229 = vector.broadcast %get3A_189 : vector<1x128xf32> to vector<512x128xf32>
    %add3A_230 = arith.addf %mul3A_228, %add3A_229 : vector<512x128xf32>
    %max3A_231 = arith.constant 0.000000e+00 : f32
    %max3A_232 = vector.broadcast %max3A_231 : f32 to vector<512x128xf32>
    %max3A_233 = arith.maximumf %add3A_230, %max3A_232 : vector<512x128xf32>
    %get3A_234 = arith.constant 2 : index
    %get3A_235 = arith.constant 0 : index
    %get3A_236 = arith.constant 0 : index
    %get3A_237 = vector.load %arg8[%get3A_234, %get3A_235, %get3A_236] : memref<5x128x128xf32, #tpu.memory_space<vmem>>, vector<1x128x128xf32>
    %get3A_238 = vector.shape_cast %get3A_237 : vector<1x128x128xf32> to vector<128x128xf32>
    %dot_general3A_239 = arith.constant dense<0.000000e+00> : vector<512x128xf32>
    %dot_general3A_240 = tpu.matmul %max3A_233, %get3A_238, %dot_general3A_239 {dimension_numbers = #tpu.dot_dimension_numbers<[1], [0], [0], [1], [0, 0, 1, 1], [], []>, transpose_lhs_hint = false} : vector<512x128xf32>, vector<128x128xf32>, vector<512x128xf32> -> vector<512x128xf32>
    %get3A_241 = arith.constant 2 : index
    %get3A_242 = arith.constant 0 : index
    %get3A_243 = vector.load %arg9[%get3A_241, %get3A_242] : memref<5x128xf32, #tpu.memory_space<vmem>>, vector<1x128xf32>
    %add3A_244 = vector.broadcast %get3A_243 : vector<1x128xf32> to vector<512x128xf32>
    %add3A_245 = arith.addf %dot_general3A_240, %add3A_244 : vector<512x128xf32>
    %add3A_246 = arith.addf %add3A_158, %add3A_245 : vector<512x128xf32>
    %slice3A_247 = vector.extract_strided_slice %get3A_1 {offsets = [0, 3], sizes = [512, 1], strides = [1, 1]} : vector<512x5xf32> to vector<512x1xf32>
    %get3A_248 = arith.constant 3 : index
    %get3A_249 = arith.constant 0 : index
    %get3A_250 = vector.load %arg3[%get3A_248, %get3A_249] : memref<5x64xf32, #tpu.memory_space<vmem>>, vector<1x64xf32>
    %mul3A_251 = vector.broadcast %slice3A_247 : vector<512x1xf32> to vector<512x64xf32>
    %mul3A_252 = vector.broadcast %get3A_250 : vector<1x64xf32> to vector<512x64xf32>
    %mul3A_253 = arith.mulf %mul3A_251, %mul3A_252 : vector<512x64xf32>
    %mul3A_254 = arith.constant 6.28318548 : f32
    %mul3A_255 = vector.broadcast %mul3A_254 : f32 to vector<512x64xf32>
    %mul3A_256 = arith.mulf %mul3A_253, %mul3A_255 : vector<512x64xf32>
    %cos3A_257 = math.cos %mul3A_256 : vector<512x64xf32>
    %sin3A_258 = math.sin %mul3A_256 : vector<512x64xf32>
    %concatenate3A_259 = tpu.concatenate %cos3A_257, %sin3A_258, %slice3A_247 in 1 : vector<512x64xf32>, vector<512x64xf32>, vector<512x1xf32> -> vector<512x129xf32>
    %get3A_260 = arith.constant 3 : index
    %get3A_261 = arith.constant 0 : index
    %get3A_262 = arith.constant 0 : index
    %get3A_263 = vector.load %arg4[%get3A_260, %get3A_261, %get3A_262] : memref<5x129x128xf32, #tpu.memory_space<vmem>>, vector<1x129x128xf32>
    %get3A_264 = vector.shape_cast %get3A_263 : vector<1x129x128xf32> to vector<129x128xf32>
    %dot_general3A_265 = arith.constant dense<0.000000e+00> : vector<512x128xf32>
    %dot_general3A_266 = tpu.matmul %concatenate3A_259, %get3A_264, %dot_general3A_265 {dimension_numbers = #tpu.dot_dimension_numbers<[1], [0], [0], [1], [0, 0, 1, 1], [], []>, transpose_lhs_hint = false} : vector<512x129xf32>, vector<129x128xf32>, vector<512x128xf32> -> vector<512x128xf32>
    %get3A_267 = arith.constant 3 : index
    %get3A_268 = arith.constant 0 : index
    %get3A_269 = vector.load %arg5[%get3A_267, %get3A_268] : memref<5x128xf32, #tpu.memory_space<vmem>>, vector<1x128xf32>
    %add3A_270 = vector.broadcast %get3A_269 : vector<1x128xf32> to vector<512x128xf32>
    %add3A_271 = arith.addf %dot_general3A_266, %add3A_270 : vector<512x128xf32>
    %get3A_272 = arith.constant 3 : index
    %get3A_273 = arith.constant 0 : index
    %get3A_274 = vector.load %arg6[%get3A_272, %get3A_273] : memref<5x128xf32, #tpu.memory_space<vmem>>, vector<1x128xf32>
    %get3A_275 = arith.constant 3 : index
    %get3A_276 = arith.constant 0 : index
    %get3A_277 = vector.load %arg7[%get3A_275, %get3A_276] : memref<5x128xf32, #tpu.memory_space<vmem>>, vector<1x128xf32>
    %reduce_sum3A_278 = arith.constant dense<0.000000e+00> : vector<512xf32>
    %reduce_sum3A_279 = vector.multi_reduction <add>, %add3A_271, %reduce_sum3A_278 [1] : vector<512x128xf32> to vector<512xf32>
    %broadcast_in_dim3A_280 = vector.shape_cast %reduce_sum3A_279 : vector<512xf32> to vector<512x1xf32>
    %div3A_281 = arith.constant 1.280000e+02 : f32
    %div3A_282 = vector.broadcast %div3A_281 : f32 to vector<512x1xf32>
    %div3A_283 = arith.divf %broadcast_in_dim3A_280, %div3A_282 : vector<512x1xf32>
    %jit3A_284 = arith.constant 0 : i32
    %reduce_sum3A_285 = arith.constant dense<0.000000e+00> : vector<512xf32>
    %reduce_sum3A_286 = vector.multi_reduction <add>, %add3A_271, %reduce_sum3A_285 [1] : vector<512x128xf32> to vector<512xf32>
    %broadcast_in_dim3A_287 = vector.shape_cast %reduce_sum3A_286 : vector<512xf32> to vector<512x1xf32>
    %div3A_288 = arith.constant 1.280000e+02 : f32
    %div3A_289 = vector.broadcast %div3A_288 : f32 to vector<512x1xf32>
    %div3A_290 = arith.divf %broadcast_in_dim3A_287, %div3A_289 : vector<512x1xf32>
    %sub3A_291 = vector.broadcast %div3A_290 : vector<512x1xf32> to vector<512x128xf32>
    %sub3A_292 = arith.subf %add3A_271, %sub3A_291 : vector<512x128xf32>
    %square3A_293 = arith.mulf %sub3A_292, %sub3A_292 : vector<512x128xf32>
    %convert_element_type3A_294 = arith.sitofp %jit3A_284 : i32 to f32
    %sub3A_295 = arith.constant 1.280000e+02 : f32
    %sub3A_296 = arith.subf %sub3A_295, %convert_element_type3A_294 : f32
    %reduce_sum3A_297 = arith.constant dense<0.000000e+00> : vector<512xf32>
    %reduce_sum3A_298 = vector.multi_reduction <add>, %square3A_293, %reduce_sum3A_297 [1] : vector<512x128xf32> to vector<512xf32>
    %broadcast_in_dim3A_299 = vector.shape_cast %reduce_sum3A_298 : vector<512xf32> to vector<512x1xf32>
    %div3A_300 = vector.broadcast %sub3A_296 : f32 to vector<512x1xf32>
    %div3A_301 = arith.divf %broadcast_in_dim3A_299, %div3A_300 : vector<512x1xf32>
    %gt3A_302 = arith.constant 0.000000e+00 : f32
    %gt3A_303 = arith.cmpf ogt, %sub3A_296, %gt3A_302 : f32
    %jit3A_304 = arith.constant 0x7FC00000 : f32
    %broadcast_in_dim3A_305 = vector.broadcast %jit3A_304 : f32 to vector<512x1xf32>
    %select_n3A_306 = arith.select %gt3A_303, %div3A_301, %broadcast_in_dim3A_305 : vector<512x1xf32>
    %sub3A_307 = vector.broadcast %div3A_283 : vector<512x1xf32> to vector<512x128xf32>
    %sub3A_308 = arith.subf %add3A_271, %sub3A_307 : vector<512x128xf32>
    %add3A_309 = arith.constant 9.99999974E-6 : f32
    %add3A_310 = vector.broadcast %add3A_309 : f32 to vector<512x1xf32>
    %add3A_311 = arith.addf %select_n3A_306, %add3A_310 : vector<512x1xf32>
    %sqrt3A_312 = math.sqrt %add3A_311 : vector<512x1xf32>
    %div3A_313 = vector.broadcast %sqrt3A_312 : vector<512x1xf32> to vector<512x128xf32>
    %div3A_314 = arith.divf %sub3A_308, %div3A_313 : vector<512x128xf32>
    %mul3A_315 = vector.broadcast %get3A_274 : vector<1x128xf32> to vector<512x128xf32>
    %mul3A_316 = arith.mulf %div3A_314, %mul3A_315 : vector<512x128xf32>
    %add3A_317 = vector.broadcast %get3A_277 : vector<1x128xf32> to vector<512x128xf32>
    %add3A_318 = arith.addf %mul3A_316, %add3A_317 : vector<512x128xf32>
    %max3A_319 = arith.constant 0.000000e+00 : f32
    %max3A_320 = vector.broadcast %max3A_319 : f32 to vector<512x128xf32>
    %max3A_321 = arith.maximumf %add3A_318, %max3A_320 : vector<512x128xf32>
    %get3A_322 = arith.constant 3 : index
    %get3A_323 = arith.constant 0 : index
    %get3A_324 = arith.constant 0 : index
    %get3A_325 = vector.load %arg8[%get3A_322, %get3A_323, %get3A_324] : memref<5x128x128xf32, #tpu.memory_space<vmem>>, vector<1x128x128xf32>
    %get3A_326 = vector.shape_cast %get3A_325 : vector<1x128x128xf32> to vector<128x128xf32>
    %dot_general3A_327 = arith.constant dense<0.000000e+00> : vector<512x128xf32>
    %dot_general3A_328 = tpu.matmul %max3A_321, %get3A_326, %dot_general3A_327 {dimension_numbers = #tpu.dot_dimension_numbers<[1], [0], [0], [1], [0, 0, 1, 1], [], []>, transpose_lhs_hint = false} : vector<512x128xf32>, vector<128x128xf32>, vector<512x128xf32> -> vector<512x128xf32>
    %get3A_329 = arith.constant 3 : index
    %get3A_330 = arith.constant 0 : index
    %get3A_331 = vector.load %arg9[%get3A_329, %get3A_330] : memref<5x128xf32, #tpu.memory_space<vmem>>, vector<1x128xf32>
    %add3A_332 = vector.broadcast %get3A_331 : vector<1x128xf32> to vector<512x128xf32>
    %add3A_333 = arith.addf %dot_general3A_328, %add3A_332 : vector<512x128xf32>
    %add3A_334 = arith.addf %add3A_246, %add3A_333 : vector<512x128xf32>
    %slice3A_335 = vector.extract_strided_slice %get3A_1 {offsets = [0, 4], sizes = [512, 1], strides = [1, 1]} : vector<512x5xf32> to vector<512x1xf32>
    %get3A_336 = arith.constant 4 : index
    %get3A_337 = arith.constant 0 : index
    %get3A_338 = vector.load %arg3[%get3A_336, %get3A_337] : memref<5x64xf32, #tpu.memory_space<vmem>>, vector<1x64xf32>
    %mul3A_339 = vector.broadcast %slice3A_335 : vector<512x1xf32> to vector<512x64xf32>
    %mul3A_340 = vector.broadcast %get3A_338 : vector<1x64xf32> to vector<512x64xf32>
    %mul3A_341 = arith.mulf %mul3A_339, %mul3A_340 : vector<512x64xf32>
    %mul3A_342 = arith.constant 6.28318548 : f32
    %mul3A_343 = vector.broadcast %mul3A_342 : f32 to vector<512x64xf32>
    %mul3A_344 = arith.mulf %mul3A_341, %mul3A_343 : vector<512x64xf32>
    %cos3A_345 = math.cos %mul3A_344 : vector<512x64xf32>
    %sin3A_346 = math.sin %mul3A_344 : vector<512x64xf32>
    %concatenate3A_347 = tpu.concatenate %cos3A_345, %sin3A_346, %slice3A_335 in 1 : vector<512x64xf32>, vector<512x64xf32>, vector<512x1xf32> -> vector<512x129xf32>
    %get3A_348 = arith.constant 4 : index
    %get3A_349 = arith.constant 0 : index
    %get3A_350 = arith.constant 0 : index
    %get3A_351 = vector.load %arg4[%get3A_348, %get3A_349, %get3A_350] : memref<5x129x128xf32, #tpu.memory_space<vmem>>, vector<1x129x128xf32>
    %get3A_352 = vector.shape_cast %get3A_351 : vector<1x129x128xf32> to vector<129x128xf32>
    %dot_general3A_353 = arith.constant dense<0.000000e+00> : vector<512x128xf32>
    %dot_general3A_354 = tpu.matmul %concatenate3A_347, %get3A_352, %dot_general3A_353 {dimension_numbers = #tpu.dot_dimension_numbers<[1], [0], [0], [1], [0, 0, 1, 1], [], []>, transpose_lhs_hint = false} : vector<512x129xf32>, vector<129x128xf32>, vector<512x128xf32> -> vector<512x128xf32>
    %get3A_355 = arith.constant 4 : index
    %get3A_356 = arith.constant 0 : index
    %get3A_357 = vector.load %arg5[%get3A_355, %get3A_356] : memref<5x128xf32, #tpu.memory_space<vmem>>, vector<1x128xf32>
    %add3A_358 = vector.broadcast %get3A_357 : vector<1x128xf32> to vector<512x128xf32>
    %add3A_359 = arith.addf %dot_general3A_354, %add3A_358 : vector<512x128xf32>
    %get3A_360 = arith.constant 4 : index
    %get3A_361 = arith.constant 0 : index
    %get3A_362 = vector.load %arg6[%get3A_360, %get3A_361] : memref<5x128xf32, #tpu.memory_space<vmem>>, vector<1x128xf32>
    %get3A_363 = arith.constant 4 : index
    %get3A_364 = arith.constant 0 : index
    %get3A_365 = vector.load %arg7[%get3A_363, %get3A_364] : memref<5x128xf32, #tpu.memory_space<vmem>>, vector<1x128xf32>
    %reduce_sum3A_366 = arith.constant dense<0.000000e+00> : vector<512xf32>
    %reduce_sum3A_367 = vector.multi_reduction <add>, %add3A_359, %reduce_sum3A_366 [1] : vector<512x128xf32> to vector<512xf32>
    %broadcast_in_dim3A_368 = vector.shape_cast %reduce_sum3A_367 : vector<512xf32> to vector<512x1xf32>
    %div3A_369 = arith.constant 1.280000e+02 : f32
    %div3A_370 = vector.broadcast %div3A_369 : f32 to vector<512x1xf32>
    %div3A_371 = arith.divf %broadcast_in_dim3A_368, %div3A_370 : vector<512x1xf32>
    %jit3A_372 = arith.constant 0 : i32
    %reduce_sum3A_373 = arith.constant dense<0.000000e+00> : vector<512xf32>
    %reduce_sum3A_374 = vector.multi_reduction <add>, %add3A_359, %reduce_sum3A_373 [1] : vector<512x128xf32> to vector<512xf32>
    %broadcast_in_dim3A_375 = vector.shape_cast %reduce_sum3A_374 : vector<512xf32> to vector<512x1xf32>
    %div3A_376 = arith.constant 1.280000e+02 : f32
    %div3A_377 = vector.broadcast %div3A_376 : f32 to vector<512x1xf32>
    %div3A_378 = arith.divf %broadcast_in_dim3A_375, %div3A_377 : vector<512x1xf32>
    %sub3A_379 = vector.broadcast %div3A_378 : vector<512x1xf32> to vector<512x128xf32>
    %sub3A_380 = arith.subf %add3A_359, %sub3A_379 : vector<512x128xf32>
    %square3A_381 = arith.mulf %sub3A_380, %sub3A_380 : vector<512x128xf32>
    %convert_element_type3A_382 = arith.sitofp %jit3A_372 : i32 to f32
    %sub3A_383 = arith.constant 1.280000e+02 : f32
    %sub3A_384 = arith.subf %sub3A_383, %convert_element_type3A_382 : f32
    %reduce_sum3A_385 = arith.constant dense<0.000000e+00> : vector<512xf32>
    %reduce_sum3A_386 = vector.multi_reduction <add>, %square3A_381, %reduce_sum3A_385 [1] : vector<512x128xf32> to vector<512xf32>
    %broadcast_in_dim3A_387 = vector.shape_cast %reduce_sum3A_386 : vector<512xf32> to vector<512x1xf32>
    %div3A_388 = vector.broadcast %sub3A_384 : f32 to vector<512x1xf32>
    %div3A_389 = arith.divf %broadcast_in_dim3A_387, %div3A_388 : vector<512x1xf32>
    %gt3A_390 = arith.constant 0.000000e+00 : f32
    %gt3A_391 = arith.cmpf ogt, %sub3A_384, %gt3A_390 : f32
    %jit3A_392 = arith.constant 0x7FC00000 : f32
    %broadcast_in_dim3A_393 = vector.broadcast %jit3A_392 : f32 to vector<512x1xf32>
    %select_n3A_394 = arith.select %gt3A_391, %div3A_389, %broadcast_in_dim3A_393 : vector<512x1xf32>
    %sub3A_395 = vector.broadcast %div3A_371 : vector<512x1xf32> to vector<512x128xf32>
    %sub3A_396 = arith.subf %add3A_359, %sub3A_395 : vector<512x128xf32>
    %add3A_397 = arith.constant 9.99999974E-6 : f32
    %add3A_398 = vector.broadcast %add3A_397 : f32 to vector<512x1xf32>
    %add3A_399 = arith.addf %select_n3A_394, %add3A_398 : vector<512x1xf32>
    %sqrt3A_400 = math.sqrt %add3A_399 : vector<512x1xf32>
    %div3A_401 = vector.broadcast %sqrt3A_400 : vector<512x1xf32> to vector<512x128xf32>
    %div3A_402 = arith.divf %sub3A_396, %div3A_401 : vector<512x128xf32>
    %mul3A_403 = vector.broadcast %get3A_362 : vector<1x128xf32> to vector<512x128xf32>
    %mul3A_404 = arith.mulf %div3A_402, %mul3A_403 : vector<512x128xf32>
    %add3A_405 = vector.broadcast %get3A_365 : vector<1x128xf32> to vector<512x128xf32>
    %add3A_406 = arith.addf %mul3A_404, %add3A_405 : vector<512x128xf32>
    %max3A_407 = arith.constant 0.000000e+00 : f32
    %max3A_408 = vector.broadcast %max3A_407 : f32 to vector<512x128xf32>
    %max3A_409 = arith.maximumf %add3A_406, %max3A_408 : vector<512x128xf32>
    %get3A_410 = arith.constant 4 : index
    %get3A_411 = arith.constant 0 : index
    %get3A_412 = arith.constant 0 : index
    %get3A_413 = vector.load %arg8[%get3A_410, %get3A_411, %get3A_412] : memref<5x128x128xf32, #tpu.memory_space<vmem>>, vector<1x128x128xf32>
    %get3A_414 = vector.shape_cast %get3A_413 : vector<1x128x128xf32> to vector<128x128xf32>
    %dot_general3A_415 = arith.constant dense<0.000000e+00> : vector<512x128xf32>
    %dot_general3A_416 = tpu.matmul %max3A_409, %get3A_414, %dot_general3A_415 {dimension_numbers = #tpu.dot_dimension_numbers<[1], [0], [0], [1], [0, 0, 1, 1], [], []>, transpose_lhs_hint = false} : vector<512x128xf32>, vector<128x128xf32>, vector<512x128xf32> -> vector<512x128xf32>
    %get3A_417 = arith.constant 4 : index
    %get3A_418 = arith.constant 0 : index
    %get3A_419 = vector.load %arg9[%get3A_417, %get3A_418] : memref<5x128xf32, #tpu.memory_space<vmem>>, vector<1x128xf32>
    %add3A_420 = vector.broadcast %get3A_419 : vector<1x128xf32> to vector<512x128xf32>
    %add3A_421 = arith.addf %dot_general3A_416, %add3A_420 : vector<512x128xf32>
    %add3A_422 = arith.addf %add3A_334, %add3A_421 : vector<512x128xf32>
    %get3A_423 = arith.constant 0 : index
    %get3A_424 = arith.constant 0 : index
    %get3A_425 = vector.load %arg2[%get3A_423, %get3A_424] : memref<512x128xf32, #tpu.memory_space<vmem>>, vector<512x128xf32>
    %add3A_426 = arith.addf %add3A_422, %get3A_425 : vector<512x128xf32>
    %get3A_427 = arith.constant 0 : index
    %get3A_428 = arith.constant 0 : index
    %get3A_429 = vector.load %arg10[%get3A_427, %get3A_428] : memref<1x128xf32, #tpu.memory_space<vmem>>, vector<1x128xf32>
    %get3A_430 = arith.constant 0 : index
    %get3A_431 = arith.constant 0 : index
    %get3A_432 = vector.load %arg11[%get3A_430, %get3A_431] : memref<1x128xf32, #tpu.memory_space<vmem>>, vector<1x128xf32>
    %reduce_sum3A_433 = arith.constant dense<0.000000e+00> : vector<512xf32>
    %reduce_sum3A_434 = vector.multi_reduction <add>, %add3A_426, %reduce_sum3A_433 [1] : vector<512x128xf32> to vector<512xf32>
    %broadcast_in_dim3A_435 = vector.shape_cast %reduce_sum3A_434 : vector<512xf32> to vector<512x1xf32>
    %div3A_436 = arith.constant 1.280000e+02 : f32
    %div3A_437 = vector.broadcast %div3A_436 : f32 to vector<512x1xf32>
    %div3A_438 = arith.divf %broadcast_in_dim3A_435, %div3A_437 : vector<512x1xf32>
    %jit3A_439 = arith.constant 0 : i32
    %reduce_sum3A_440 = arith.constant dense<0.000000e+00> : vector<512xf32>
    %reduce_sum3A_441 = vector.multi_reduction <add>, %add3A_426, %reduce_sum3A_440 [1] : vector<512x128xf32> to vector<512xf32>
    %broadcast_in_dim3A_442 = vector.shape_cast %reduce_sum3A_441 : vector<512xf32> to vector<512x1xf32>
    %div3A_443 = arith.constant 1.280000e+02 : f32
    %div3A_444 = vector.broadcast %div3A_443 : f32 to vector<512x1xf32>
    %div3A_445 = arith.divf %broadcast_in_dim3A_442, %div3A_444 : vector<512x1xf32>
    %sub3A_446 = vector.broadcast %div3A_445 : vector<512x1xf32> to vector<512x128xf32>
    %sub3A_447 = arith.subf %add3A_426, %sub3A_446 : vector<512x128xf32>
    %square3A_448 = arith.mulf %sub3A_447, %sub3A_447 : vector<512x128xf32>
    %convert_element_type3A_449 = arith.sitofp %jit3A_439 : i32 to f32
    %sub3A_450 = arith.constant 1.280000e+02 : f32
    %sub3A_451 = arith.subf %sub3A_450, %convert_element_type3A_449 : f32
    %reduce_sum3A_452 = arith.constant dense<0.000000e+00> : vector<512xf32>
    %reduce_sum3A_453 = vector.multi_reduction <add>, %square3A_448, %reduce_sum3A_452 [1] : vector<512x128xf32> to vector<512xf32>
    %broadcast_in_dim3A_454 = vector.shape_cast %reduce_sum3A_453 : vector<512xf32> to vector<512x1xf32>
    %div3A_455 = vector.broadcast %sub3A_451 : f32 to vector<512x1xf32>
    %div3A_456 = arith.divf %broadcast_in_dim3A_454, %div3A_455 : vector<512x1xf32>
    %gt3A_457 = arith.constant 0.000000e+00 : f32
    %gt3A_458 = arith.cmpf ogt, %sub3A_451, %gt3A_457 : f32
    %jit3A_459 = arith.constant 0x7FC00000 : f32
    %broadcast_in_dim3A_460 = vector.broadcast %jit3A_459 : f32 to vector<512x1xf32>
    %select_n3A_461 = arith.select %gt3A_458, %div3A_456, %broadcast_in_dim3A_460 : vector<512x1xf32>
    %sub3A_462 = vector.broadcast %div3A_438 : vector<512x1xf32> to vector<512x128xf32>
    %sub3A_463 = arith.subf %add3A_426, %sub3A_462 : vector<512x128xf32>
    %add3A_464 = arith.constant 9.99999974E-6 : f32
    %add3A_465 = vector.broadcast %add3A_464 : f32 to vector<512x1xf32>
    %add3A_466 = arith.addf %select_n3A_461, %add3A_465 : vector<512x1xf32>
    %sqrt3A_467 = math.sqrt %add3A_466 : vector<512x1xf32>
    %div3A_468 = vector.broadcast %sqrt3A_467 : vector<512x1xf32> to vector<512x128xf32>
    %div3A_469 = arith.divf %sub3A_463, %div3A_468 : vector<512x128xf32>
    %mul3A_470 = vector.broadcast %get3A_429 : vector<1x128xf32> to vector<512x128xf32>
    %mul3A_471 = arith.mulf %div3A_469, %mul3A_470 : vector<512x128xf32>
    %add3A_472 = vector.broadcast %get3A_432 : vector<1x128xf32> to vector<512x128xf32>
    %add3A_473 = arith.addf %mul3A_471, %add3A_472 : vector<512x128xf32>
    %max3A_474 = arith.constant 0.000000e+00 : f32
    %max3A_475 = vector.broadcast %max3A_474 : f32 to vector<512x128xf32>
    %max3A_476 = arith.maximumf %add3A_473, %max3A_475 : vector<512x128xf32>
    %get3A_477 = arith.constant 0 : index
    %get3A_478 = arith.constant 0 : index
    %get3A_479 = vector.load %arg12[%get3A_477, %get3A_478] : memref<128x128xf32, #tpu.memory_space<vmem>>, vector<128x128xf32>
    %dot_general3A_480 = arith.constant dense<0.000000e+00> : vector<512x128xf32>
    %dot_general3A_481 = tpu.matmul %max3A_476, %get3A_479, %dot_general3A_480 {dimension_numbers = #tpu.dot_dimension_numbers<[1], [0], [0], [1], [0, 0, 1, 1], [], []>, transpose_lhs_hint = false} : vector<512x128xf32>, vector<128x128xf32>, vector<512x128xf32> -> vector<512x128xf32>
    %get3A_482 = arith.constant 0 : index
    %get3A_483 = arith.constant 0 : index
    %get3A_484 = vector.load %arg13[%get3A_482, %get3A_483] : memref<1x128xf32, #tpu.memory_space<vmem>>, vector<1x128xf32>
    %add3A_485 = vector.broadcast %get3A_484 : vector<1x128xf32> to vector<512x128xf32>
    %add3A_486 = arith.addf %dot_general3A_481, %add3A_485 : vector<512x128xf32>
    %swap3A = arith.constant 0 : index
    %swap3A_487 = arith.constant 0 : index
    %swap3A_488 = vector.load %arg14[%swap3A, %swap3A_487] : memref<512x128xf32, #tpu.memory_space<vmem>>, vector<512x128xf32>
    tpu.vector_store %arg14[%swap3A, %swap3A_487], %add3A_486 {strides = array<i32>} : memref<512x128xf32, #tpu.memory_space<vmem>>, vector<512x128xf32>,
    return
  }
  func.func @transform_0(%arg0: i32) -> (i32, i32) {
    %c0_i32 = arith.constant 0 : i32
    %c0_i32_0 = arith.constant 0 : i32
    return %arg0, %c0_i32 : i32, i32
  }
  func.func @transform_1(%arg0: i32) -> (i32, i32) {
    %c0_i32 = arith.constant 0 : i32
    %c0_i32_0 = arith.constant 0 : i32
    return %arg0, %c0_i32 : i32, i32
  }
  func.func @transform_2(%arg0: i32) -> (i32, i32) {
    %c0_i32 = arith.constant 0 : i32
    %c0_i32_0 = arith.constant 0 : i32
    %c0_i32_1 = arith.constant 0 : i32
    return %c0_i32, %c0_i32_0 : i32, i32
  }
  func.func @transform_3(%arg0: i32) -> (i32, i32, i32) {
    %c0_i32 = arith.constant 0 : i32
    %c0_i32_0 = arith.constant 0 : i32
    %c0_i32_1 = arith.constant 0 : i32
    %c0_i32_2 = arith.constant 0 : i32
    return %c0_i32, %c0_i32_0, %c0_i32_1 : i32, i32, i32
  }
  func.func @transform_4(%arg0: i32) -> (i32, i32) {
    %c0_i32 = arith.constant 0 : i32
    %c0_i32_0 = arith.constant 0 : i32
    %c0_i32_1 = arith.constant 0 : i32
    return %c0_i32, %c0_i32_0 : i32, i32
  }
  func.func @transform_5(%arg0: i32) -> (i32, i32) {
    %c0_i32 = arith.constant 0 : i32
    %c0_i32_0 = arith.constant 0 : i32
    %c0_i32_1 = arith.constant 0 : i32
    return %c0_i32, %c0_i32_0 : i32, i32
  }
  func.func @transform_6(%arg0: i32) -> (i32, i32) {
    %c0_i32 = arith.constant 0 : i32
    %c0_i32_0 = arith.constant 0 : i32
    %c0_i32_1 = arith.constant 0 : i32
    return %c0_i32, %c0_i32_0 : i32, i32
  }
  func.func @transform_7(%arg0: i32) -> (i32, i32, i32) {
    %c0_i32 = arith.constant 0 : i32
    %c0_i32_0 = arith.constant 0 : i32
    %c0_i32_1 = arith.constant 0 : i32
    %c0_i32_2 = arith.constant 0 : i32
    return %c0_i32, %c0_i32_0, %c0_i32_1 : i32, i32, i32
  }
  func.func @transform_8(%arg0: i32) -> (i32, i32) {
    %c0_i32 = arith.constant 0 : i32
    %c0_i32_0 = arith.constant 0 : i32
    %c0_i32_1 = arith.constant 0 : i32
    return %c0_i32, %c0_i32_0 : i32, i32
  }
  func.func @transform_9(%arg0: i32) -> (i32, i32) {
    %c0_i32 = arith.constant 0 : i32
    %c0_i32_0 = arith.constant 0 : i32
    %c0_i32_1 = arith.constant 0 : i32
    return %c0_i32, %c0_i32_0 : i32, i32
  }
  func.func @transform_10(%arg0: i32) -> (i32, i32) {
    %c0_i32 = arith.constant 0 : i32
    %c0_i32_0 = arith.constant 0 : i32
    %c0_i32_1 = arith.constant 0 : i32
    return %c0_i32, %c0_i32_0 : i32, i32
  }
  func.func @transform_11(%arg0: i32) -> (i32, i32) {
    %c0_i32 = arith.constant 0 : i32
    %c0_i32_0 = arith.constant 0 : i32
    %c0_i32_1 = arith.constant 0 : i32
    return %c0_i32, %c0_i32_0 : i32, i32
  }
  func.func @transform_12(%arg0: i32) -> (i32, i32) {
    %c0_i32 = arith.constant 0 : i32
    %c0_i32_0 = arith.constant 0 : i32
    %c0_i32_1 = arith.constant 0 : i32
    return %c0_i32, %c0_i32_0 : i32, i32
  }
  func.func @transform_13(%arg0: i32) -> (i32, i32) {
    %c0_i32 = arith.constant 0 : i32
    %c0_i32_0 = arith.constant 0 : i32
    return %arg0, %c0_i32 : i32, i32
  }
}

module attributes {stable_mosaic.version = 14 : i64} {
  func.func @_fourier_body(%arg0: i32, %arg1: memref<1024x3xf32, #tpu.memory_space<vmem>>, %arg2: memref<1024x128xf32, #tpu.memory_space<vmem>>, %arg3: memref<3x64xf32, #tpu.memory_space<vmem>>, %arg4: memref<3x129x128xf32, #tpu.memory_space<vmem>>, %arg5: memref<3x128xf32, #tpu.memory_space<vmem>>, %arg6: memref<3x128xf32, #tpu.memory_space<vmem>>, %arg7: memref<3x128xf32, #tpu.memory_space<vmem>>, %arg8: memref<3x128x128xf32, #tpu.memory_space<vmem>>, %arg9: memref<3x128xf32, #tpu.memory_space<vmem>>, %arg10: memref<1x128xf32, #tpu.memory_space<vmem>>, %arg11: memref<1x128xf32, #tpu.memory_space<vmem>>, %arg12: memref<128x128xf32, #tpu.memory_space<vmem>>, %arg13: memref<1x128xf32, #tpu.memory_space<vmem>>, %arg14: memref<1024x128xf32, #tpu.memory_space<vmem>>) attributes {dimension_semantics = [#tpu.dimension_semantics<arbitrary>], iteration_bounds = array<i64: 391>, scalar_prefetch = 0 : i64, scratch_operands = 0 : i64, tpu.core_type = #tpu.core_type<tc>, window_params = [{transform_indices = @transform_0, window_bounds = array<i64: 1024, 3>}, {pipeline_mode = #tpu.pipeline_mode<synchronous>, transform_indices = @transform_1, window_bounds = array<i64: 1024, 128>}, {pipeline_mode = #tpu.pipeline_mode<synchronous>, transform_indices = @transform_2, window_bounds = array<i64: 3, 64>}, {pipeline_mode = #tpu.pipeline_mode<synchronous>, transform_indices = @transform_3, window_bounds = array<i64: 3, 129, 128>}, {pipeline_mode = #tpu.pipeline_mode<synchronous>, transform_indices = @transform_4, window_bounds = array<i64: 3, 128>}, {pipeline_mode = #tpu.pipeline_mode<synchronous>, transform_indices = @transform_5, window_bounds = array<i64: 3, 128>}, {pipeline_mode = #tpu.pipeline_mode<synchronous>, transform_indices = @transform_6, window_bounds = array<i64: 3, 128>}, {pipeline_mode = #tpu.pipeline_mode<synchronous>, transform_indices = @transform_7, window_bounds = array<i64: 3, 128, 128>}, {pipeline_mode = #tpu.pipeline_mode<synchronous>, transform_indices = @transform_8, window_bounds = array<i64: 3, 128>}, {pipeline_mode = #tpu.pipeline_mode<synchronous>, transform_indices = @transform_9, window_bounds = array<i64: 1, 128>}, {pipeline_mode = #tpu.pipeline_mode<synchronous>, transform_indices = @transform_10, window_bounds = array<i64: 1, 128>}, {pipeline_mode = #tpu.pipeline_mode<synchronous>, transform_indices = @transform_11, window_bounds = array<i64: 128, 128>}, {pipeline_mode = #tpu.pipeline_mode<synchronous>, transform_indices = @transform_12, window_bounds = array<i64: 1, 128>}, {transform_indices = @transform_13, window_bounds = array<i64: 1024, 128>}]} {
    %get3A = arith.constant 0 : index
    %get3A_0 = arith.constant 0 : index
    %get3A_1 = vector.load %arg1[%get3A, %get3A_0] : memref<1024x3xf32, #tpu.memory_space<vmem>>, vector<1024x3xf32>
    %slice3A = vector.extract_strided_slice %get3A_1 {offsets = [0, 0], sizes = [1024, 1], strides = [1, 1]} : vector<1024x3xf32> to vector<1024x1xf32>
    %get3A_2 = arith.constant 0 : index
    %get3A_3 = arith.constant 0 : index
    %get3A_4 = vector.load %arg3[%get3A_2, %get3A_3] : memref<3x64xf32, #tpu.memory_space<vmem>>, vector<1x64xf32>
    %mul3A = vector.broadcast %slice3A : vector<1024x1xf32> to vector<1024x64xf32>
    %mul3A_5 = vector.broadcast %get3A_4 : vector<1x64xf32> to vector<1024x64xf32>
    %mul3A_6 = arith.mulf %mul3A, %mul3A_5 : vector<1024x64xf32>
    %mul3A_7 = arith.constant 6.28318548 : f32
    %mul3A_8 = vector.broadcast %mul3A_7 : f32 to vector<1024x64xf32>
    %mul3A_9 = arith.mulf %mul3A_6, %mul3A_8 : vector<1024x64xf32>
    %cos3A = math.cos %mul3A_9 : vector<1024x64xf32>
    %sin3A = math.sin %mul3A_9 : vector<1024x64xf32>
    %concatenate3A = tpu.concatenate %cos3A, %sin3A, %slice3A in 1 : vector<1024x64xf32>, vector<1024x64xf32>, vector<1024x1xf32> -> vector<1024x129xf32>
    %get3A_10 = arith.constant 0 : index
    %get3A_11 = arith.constant 0 : index
    %get3A_12 = arith.constant 0 : index
    %get3A_13 = vector.load %arg4[%get3A_10, %get3A_11, %get3A_12] : memref<3x129x128xf32, #tpu.memory_space<vmem>>, vector<1x129x128xf32>
    %get3A_14 = vector.shape_cast %get3A_13 : vector<1x129x128xf32> to vector<129x128xf32>
    %dot_general3A = arith.constant dense<0.000000e+00> : vector<1024x128xf32>
    %dot_general3A_15 = tpu.matmul %concatenate3A, %get3A_14, %dot_general3A {dimension_numbers = #tpu.dot_dimension_numbers<[1], [0], [0], [1], [0, 0, 1, 1], [], []>, transpose_lhs_hint = false} : vector<1024x129xf32>, vector<129x128xf32>, vector<1024x128xf32> -> vector<1024x128xf32>
    %get3A_16 = arith.constant 0 : index
    %get3A_17 = arith.constant 0 : index
    %get3A_18 = vector.load %arg5[%get3A_16, %get3A_17] : memref<3x128xf32, #tpu.memory_space<vmem>>, vector<1x128xf32>
    %add3A = vector.broadcast %get3A_18 : vector<1x128xf32> to vector<1024x128xf32>
    %add3A_19 = arith.addf %dot_general3A_15, %add3A : vector<1024x128xf32>
    %get3A_20 = arith.constant 0 : index
    %get3A_21 = arith.constant 0 : index
    %get3A_22 = vector.load %arg6[%get3A_20, %get3A_21] : memref<3x128xf32, #tpu.memory_space<vmem>>, vector<1x128xf32>
    %get3A_23 = arith.constant 0 : index
    %get3A_24 = arith.constant 0 : index
    %get3A_25 = vector.load %arg7[%get3A_23, %get3A_24] : memref<3x128xf32, #tpu.memory_space<vmem>>, vector<1x128xf32>
    %reduce_sum3A = arith.constant dense<0.000000e+00> : vector<1024xf32>
    %reduce_sum3A_26 = vector.multi_reduction <add>, %add3A_19, %reduce_sum3A [1] : vector<1024x128xf32> to vector<1024xf32>
    %broadcast_in_dim3A = vector.shape_cast %reduce_sum3A_26 : vector<1024xf32> to vector<1024x1xf32>
    %div3A = arith.constant 1.280000e+02 : f32
    %div3A_27 = vector.broadcast %div3A : f32 to vector<1024x1xf32>
    %div3A_28 = arith.divf %broadcast_in_dim3A, %div3A_27 : vector<1024x1xf32>
    %jit3A = arith.constant 0 : i32
    %reduce_sum3A_29 = arith.constant dense<0.000000e+00> : vector<1024xf32>
    %reduce_sum3A_30 = vector.multi_reduction <add>, %add3A_19, %reduce_sum3A_29 [1] : vector<1024x128xf32> to vector<1024xf32>
    %broadcast_in_dim3A_31 = vector.shape_cast %reduce_sum3A_30 : vector<1024xf32> to vector<1024x1xf32>
    %div3A_32 = arith.constant 1.280000e+02 : f32
    %div3A_33 = vector.broadcast %div3A_32 : f32 to vector<1024x1xf32>
    %div3A_34 = arith.divf %broadcast_in_dim3A_31, %div3A_33 : vector<1024x1xf32>
    %sub3A = vector.broadcast %div3A_34 : vector<1024x1xf32> to vector<1024x128xf32>
    %sub3A_35 = arith.subf %add3A_19, %sub3A : vector<1024x128xf32>
    %square3A = arith.mulf %sub3A_35, %sub3A_35 : vector<1024x128xf32>
    %convert_element_type3A = arith.sitofp %jit3A : i32 to f32
    %sub3A_36 = arith.constant 1.280000e+02 : f32
    %sub3A_37 = arith.subf %sub3A_36, %convert_element_type3A : f32
    %reduce_sum3A_38 = arith.constant dense<0.000000e+00> : vector<1024xf32>
    %reduce_sum3A_39 = vector.multi_reduction <add>, %square3A, %reduce_sum3A_38 [1] : vector<1024x128xf32> to vector<1024xf32>
    %broadcast_in_dim3A_40 = vector.shape_cast %reduce_sum3A_39 : vector<1024xf32> to vector<1024x1xf32>
    %div3A_41 = vector.broadcast %sub3A_37 : f32 to vector<1024x1xf32>
    %div3A_42 = arith.divf %broadcast_in_dim3A_40, %div3A_41 : vector<1024x1xf32>
    %gt3A = arith.constant 0.000000e+00 : f32
    %gt3A_43 = arith.cmpf ogt, %sub3A_37, %gt3A : f32
    %jit3A_44 = arith.constant 0x7FC00000 : f32
    %broadcast_in_dim3A_45 = vector.broadcast %jit3A_44 : f32 to vector<1024x1xf32>
    %select_n3A = arith.select %gt3A_43, %div3A_42, %broadcast_in_dim3A_45 : vector<1024x1xf32>
    %sub3A_46 = vector.broadcast %div3A_28 : vector<1024x1xf32> to vector<1024x128xf32>
    %sub3A_47 = arith.subf %add3A_19, %sub3A_46 : vector<1024x128xf32>
    %add3A_48 = arith.constant 9.99999974E-6 : f32
    %add3A_49 = vector.broadcast %add3A_48 : f32 to vector<1024x1xf32>
    %add3A_50 = arith.addf %select_n3A, %add3A_49 : vector<1024x1xf32>
    %sqrt3A = math.sqrt %add3A_50 : vector<1024x1xf32>
    %div3A_51 = vector.broadcast %sqrt3A : vector<1024x1xf32> to vector<1024x128xf32>
    %div3A_52 = arith.divf %sub3A_47, %div3A_51 : vector<1024x128xf32>
    %mul3A_53 = vector.broadcast %get3A_22 : vector<1x128xf32> to vector<1024x128xf32>
    %mul3A_54 = arith.mulf %div3A_52, %mul3A_53 : vector<1024x128xf32>
    %add3A_55 = vector.broadcast %get3A_25 : vector<1x128xf32> to vector<1024x128xf32>
    %add3A_56 = arith.addf %mul3A_54, %add3A_55 : vector<1024x128xf32>
    %max3A = arith.constant 0.000000e+00 : f32
    %max3A_57 = vector.broadcast %max3A : f32 to vector<1024x128xf32>
    %max3A_58 = arith.maximumf %add3A_56, %max3A_57 : vector<1024x128xf32>
    %get3A_59 = arith.constant 0 : index
    %get3A_60 = arith.constant 0 : index
    %get3A_61 = arith.constant 0 : index
    %get3A_62 = vector.load %arg8[%get3A_59, %get3A_60, %get3A_61] : memref<3x128x128xf32, #tpu.memory_space<vmem>>, vector<1x128x128xf32>
    %get3A_63 = vector.shape_cast %get3A_62 : vector<1x128x128xf32> to vector<128x128xf32>
    %dot_general3A_64 = arith.constant dense<0.000000e+00> : vector<1024x128xf32>
    %dot_general3A_65 = tpu.matmul %max3A_58, %get3A_63, %dot_general3A_64 {dimension_numbers = #tpu.dot_dimension_numbers<[1], [0], [0], [1], [0, 0, 1, 1], [], []>, transpose_lhs_hint = false} : vector<1024x128xf32>, vector<128x128xf32>, vector<1024x128xf32> -> vector<1024x128xf32>
    %get3A_66 = arith.constant 0 : index
    %get3A_67 = arith.constant 0 : index
    %get3A_68 = vector.load %arg9[%get3A_66, %get3A_67] : memref<3x128xf32, #tpu.memory_space<vmem>>, vector<1x128xf32>
    %add3A_69 = vector.broadcast %get3A_68 : vector<1x128xf32> to vector<1024x128xf32>
    %add3A_70 = arith.addf %dot_general3A_65, %add3A_69 : vector<1024x128xf32>
    %slice3A_71 = vector.extract_strided_slice %get3A_1 {offsets = [0, 1], sizes = [1024, 1], strides = [1, 1]} : vector<1024x3xf32> to vector<1024x1xf32>
    %get3A_72 = arith.constant 1 : index
    %get3A_73 = arith.constant 0 : index
    %get3A_74 = vector.load %arg3[%get3A_72, %get3A_73] : memref<3x64xf32, #tpu.memory_space<vmem>>, vector<1x64xf32>
    %mul3A_75 = vector.broadcast %slice3A_71 : vector<1024x1xf32> to vector<1024x64xf32>
    %mul3A_76 = vector.broadcast %get3A_74 : vector<1x64xf32> to vector<1024x64xf32>
    %mul3A_77 = arith.mulf %mul3A_75, %mul3A_76 : vector<1024x64xf32>
    %mul3A_78 = arith.constant 6.28318548 : f32
    %mul3A_79 = vector.broadcast %mul3A_78 : f32 to vector<1024x64xf32>
    %mul3A_80 = arith.mulf %mul3A_77, %mul3A_79 : vector<1024x64xf32>
    %cos3A_81 = math.cos %mul3A_80 : vector<1024x64xf32>
    %sin3A_82 = math.sin %mul3A_80 : vector<1024x64xf32>
    %concatenate3A_83 = tpu.concatenate %cos3A_81, %sin3A_82, %slice3A_71 in 1 : vector<1024x64xf32>, vector<1024x64xf32>, vector<1024x1xf32> -> vector<1024x129xf32>
    %get3A_84 = arith.constant 1 : index
    %get3A_85 = arith.constant 0 : index
    %get3A_86 = arith.constant 0 : index
    %get3A_87 = vector.load %arg4[%get3A_84, %get3A_85, %get3A_86] : memref<3x129x128xf32, #tpu.memory_space<vmem>>, vector<1x129x128xf32>
    %get3A_88 = vector.shape_cast %get3A_87 : vector<1x129x128xf32> to vector<129x128xf32>
    %dot_general3A_89 = arith.constant dense<0.000000e+00> : vector<1024x128xf32>
    %dot_general3A_90 = tpu.matmul %concatenate3A_83, %get3A_88, %dot_general3A_89 {dimension_numbers = #tpu.dot_dimension_numbers<[1], [0], [0], [1], [0, 0, 1, 1], [], []>, transpose_lhs_hint = false} : vector<1024x129xf32>, vector<129x128xf32>, vector<1024x128xf32> -> vector<1024x128xf32>
    %get3A_91 = arith.constant 1 : index
    %get3A_92 = arith.constant 0 : index
    %get3A_93 = vector.load %arg5[%get3A_91, %get3A_92] : memref<3x128xf32, #tpu.memory_space<vmem>>, vector<1x128xf32>
    %add3A_94 = vector.broadcast %get3A_93 : vector<1x128xf32> to vector<1024x128xf32>
    %add3A_95 = arith.addf %dot_general3A_90, %add3A_94 : vector<1024x128xf32>
    %get3A_96 = arith.constant 1 : index
    %get3A_97 = arith.constant 0 : index
    %get3A_98 = vector.load %arg6[%get3A_96, %get3A_97] : memref<3x128xf32, #tpu.memory_space<vmem>>, vector<1x128xf32>
    %get3A_99 = arith.constant 1 : index
    %get3A_100 = arith.constant 0 : index
    %get3A_101 = vector.load %arg7[%get3A_99, %get3A_100] : memref<3x128xf32, #tpu.memory_space<vmem>>, vector<1x128xf32>
    %reduce_sum3A_102 = arith.constant dense<0.000000e+00> : vector<1024xf32>
    %reduce_sum3A_103 = vector.multi_reduction <add>, %add3A_95, %reduce_sum3A_102 [1] : vector<1024x128xf32> to vector<1024xf32>
    %broadcast_in_dim3A_104 = vector.shape_cast %reduce_sum3A_103 : vector<1024xf32> to vector<1024x1xf32>
    %div3A_105 = arith.constant 1.280000e+02 : f32
    %div3A_106 = vector.broadcast %div3A_105 : f32 to vector<1024x1xf32>
    %div3A_107 = arith.divf %broadcast_in_dim3A_104, %div3A_106 : vector<1024x1xf32>
    %jit3A_108 = arith.constant 0 : i32
    %reduce_sum3A_109 = arith.constant dense<0.000000e+00> : vector<1024xf32>
    %reduce_sum3A_110 = vector.multi_reduction <add>, %add3A_95, %reduce_sum3A_109 [1] : vector<1024x128xf32> to vector<1024xf32>
    %broadcast_in_dim3A_111 = vector.shape_cast %reduce_sum3A_110 : vector<1024xf32> to vector<1024x1xf32>
    %div3A_112 = arith.constant 1.280000e+02 : f32
    %div3A_113 = vector.broadcast %div3A_112 : f32 to vector<1024x1xf32>
    %div3A_114 = arith.divf %broadcast_in_dim3A_111, %div3A_113 : vector<1024x1xf32>
    %sub3A_115 = vector.broadcast %div3A_114 : vector<1024x1xf32> to vector<1024x128xf32>
    %sub3A_116 = arith.subf %add3A_95, %sub3A_115 : vector<1024x128xf32>
    %square3A_117 = arith.mulf %sub3A_116, %sub3A_116 : vector<1024x128xf32>
    %convert_element_type3A_118 = arith.sitofp %jit3A_108 : i32 to f32
    %sub3A_119 = arith.constant 1.280000e+02 : f32
    %sub3A_120 = arith.subf %sub3A_119, %convert_element_type3A_118 : f32
    %reduce_sum3A_121 = arith.constant dense<0.000000e+00> : vector<1024xf32>
    %reduce_sum3A_122 = vector.multi_reduction <add>, %square3A_117, %reduce_sum3A_121 [1] : vector<1024x128xf32> to vector<1024xf32>
    %broadcast_in_dim3A_123 = vector.shape_cast %reduce_sum3A_122 : vector<1024xf32> to vector<1024x1xf32>
    %div3A_124 = vector.broadcast %sub3A_120 : f32 to vector<1024x1xf32>
    %div3A_125 = arith.divf %broadcast_in_dim3A_123, %div3A_124 : vector<1024x1xf32>
    %gt3A_126 = arith.constant 0.000000e+00 : f32
    %gt3A_127 = arith.cmpf ogt, %sub3A_120, %gt3A_126 : f32
    %jit3A_128 = arith.constant 0x7FC00000 : f32
    %broadcast_in_dim3A_129 = vector.broadcast %jit3A_128 : f32 to vector<1024x1xf32>
    %select_n3A_130 = arith.select %gt3A_127, %div3A_125, %broadcast_in_dim3A_129 : vector<1024x1xf32>
    %sub3A_131 = vector.broadcast %div3A_107 : vector<1024x1xf32> to vector<1024x128xf32>
    %sub3A_132 = arith.subf %add3A_95, %sub3A_131 : vector<1024x128xf32>
    %add3A_133 = arith.constant 9.99999974E-6 : f32
    %add3A_134 = vector.broadcast %add3A_133 : f32 to vector<1024x1xf32>
    %add3A_135 = arith.addf %select_n3A_130, %add3A_134 : vector<1024x1xf32>
    %sqrt3A_136 = math.sqrt %add3A_135 : vector<1024x1xf32>
    %div3A_137 = vector.broadcast %sqrt3A_136 : vector<1024x1xf32> to vector<1024x128xf32>
    %div3A_138 = arith.divf %sub3A_132, %div3A_137 : vector<1024x128xf32>
    %mul3A_139 = vector.broadcast %get3A_98 : vector<1x128xf32> to vector<1024x128xf32>
    %mul3A_140 = arith.mulf %div3A_138, %mul3A_139 : vector<1024x128xf32>
    %add3A_141 = vector.broadcast %get3A_101 : vector<1x128xf32> to vector<1024x128xf32>
    %add3A_142 = arith.addf %mul3A_140, %add3A_141 : vector<1024x128xf32>
    %max3A_143 = arith.constant 0.000000e+00 : f32
    %max3A_144 = vector.broadcast %max3A_143 : f32 to vector<1024x128xf32>
    %max3A_145 = arith.maximumf %add3A_142, %max3A_144 : vector<1024x128xf32>
    %get3A_146 = arith.constant 1 : index
    %get3A_147 = arith.constant 0 : index
    %get3A_148 = arith.constant 0 : index
    %get3A_149 = vector.load %arg8[%get3A_146, %get3A_147, %get3A_148] : memref<3x128x128xf32, #tpu.memory_space<vmem>>, vector<1x128x128xf32>
    %get3A_150 = vector.shape_cast %get3A_149 : vector<1x128x128xf32> to vector<128x128xf32>
    %dot_general3A_151 = arith.constant dense<0.000000e+00> : vector<1024x128xf32>
    %dot_general3A_152 = tpu.matmul %max3A_145, %get3A_150, %dot_general3A_151 {dimension_numbers = #tpu.dot_dimension_numbers<[1], [0], [0], [1], [0, 0, 1, 1], [], []>, transpose_lhs_hint = false} : vector<1024x128xf32>, vector<128x128xf32>, vector<1024x128xf32> -> vector<1024x128xf32>
    %get3A_153 = arith.constant 1 : index
    %get3A_154 = arith.constant 0 : index
    %get3A_155 = vector.load %arg9[%get3A_153, %get3A_154] : memref<3x128xf32, #tpu.memory_space<vmem>>, vector<1x128xf32>
    %add3A_156 = vector.broadcast %get3A_155 : vector<1x128xf32> to vector<1024x128xf32>
    %add3A_157 = arith.addf %dot_general3A_152, %add3A_156 : vector<1024x128xf32>
    %add3A_158 = arith.addf %add3A_70, %add3A_157 : vector<1024x128xf32>
    %slice3A_159 = vector.extract_strided_slice %get3A_1 {offsets = [0, 2], sizes = [1024, 1], strides = [1, 1]} : vector<1024x3xf32> to vector<1024x1xf32>
    %get3A_160 = arith.constant 2 : index
    %get3A_161 = arith.constant 0 : index
    %get3A_162 = vector.load %arg3[%get3A_160, %get3A_161] : memref<3x64xf32, #tpu.memory_space<vmem>>, vector<1x64xf32>
    %mul3A_163 = vector.broadcast %slice3A_159 : vector<1024x1xf32> to vector<1024x64xf32>
    %mul3A_164 = vector.broadcast %get3A_162 : vector<1x64xf32> to vector<1024x64xf32>
    %mul3A_165 = arith.mulf %mul3A_163, %mul3A_164 : vector<1024x64xf32>
    %mul3A_166 = arith.constant 6.28318548 : f32
    %mul3A_167 = vector.broadcast %mul3A_166 : f32 to vector<1024x64xf32>
    %mul3A_168 = arith.mulf %mul3A_165, %mul3A_167 : vector<1024x64xf32>
    %cos3A_169 = math.cos %mul3A_168 : vector<1024x64xf32>
    %sin3A_170 = math.sin %mul3A_168 : vector<1024x64xf32>
    %concatenate3A_171 = tpu.concatenate %cos3A_169, %sin3A_170, %slice3A_159 in 1 : vector<1024x64xf32>, vector<1024x64xf32>, vector<1024x1xf32> -> vector<1024x129xf32>
    %get3A_172 = arith.constant 2 : index
    %get3A_173 = arith.constant 0 : index
    %get3A_174 = arith.constant 0 : index
    %get3A_175 = vector.load %arg4[%get3A_172, %get3A_173, %get3A_174] : memref<3x129x128xf32, #tpu.memory_space<vmem>>, vector<1x129x128xf32>
    %get3A_176 = vector.shape_cast %get3A_175 : vector<1x129x128xf32> to vector<129x128xf32>
    %dot_general3A_177 = arith.constant dense<0.000000e+00> : vector<1024x128xf32>
    %dot_general3A_178 = tpu.matmul %concatenate3A_171, %get3A_176, %dot_general3A_177 {dimension_numbers = #tpu.dot_dimension_numbers<[1], [0], [0], [1], [0, 0, 1, 1], [], []>, transpose_lhs_hint = false} : vector<1024x129xf32>, vector<129x128xf32>, vector<1024x128xf32> -> vector<1024x128xf32>
    %get3A_179 = arith.constant 2 : index
    %get3A_180 = arith.constant 0 : index
    %get3A_181 = vector.load %arg5[%get3A_179, %get3A_180] : memref<3x128xf32, #tpu.memory_space<vmem>>, vector<1x128xf32>
    %add3A_182 = vector.broadcast %get3A_181 : vector<1x128xf32> to vector<1024x128xf32>
    %add3A_183 = arith.addf %dot_general3A_178, %add3A_182 : vector<1024x128xf32>
    %get3A_184 = arith.constant 2 : index
    %get3A_185 = arith.constant 0 : index
    %get3A_186 = vector.load %arg6[%get3A_184, %get3A_185] : memref<3x128xf32, #tpu.memory_space<vmem>>, vector<1x128xf32>
    %get3A_187 = arith.constant 2 : index
    %get3A_188 = arith.constant 0 : index
    %get3A_189 = vector.load %arg7[%get3A_187, %get3A_188] : memref<3x128xf32, #tpu.memory_space<vmem>>, vector<1x128xf32>
    %reduce_sum3A_190 = arith.constant dense<0.000000e+00> : vector<1024xf32>
    %reduce_sum3A_191 = vector.multi_reduction <add>, %add3A_183, %reduce_sum3A_190 [1] : vector<1024x128xf32> to vector<1024xf32>
    %broadcast_in_dim3A_192 = vector.shape_cast %reduce_sum3A_191 : vector<1024xf32> to vector<1024x1xf32>
    %div3A_193 = arith.constant 1.280000e+02 : f32
    %div3A_194 = vector.broadcast %div3A_193 : f32 to vector<1024x1xf32>
    %div3A_195 = arith.divf %broadcast_in_dim3A_192, %div3A_194 : vector<1024x1xf32>
    %jit3A_196 = arith.constant 0 : i32
    %reduce_sum3A_197 = arith.constant dense<0.000000e+00> : vector<1024xf32>
    %reduce_sum3A_198 = vector.multi_reduction <add>, %add3A_183, %reduce_sum3A_197 [1] : vector<1024x128xf32> to vector<1024xf32>
    %broadcast_in_dim3A_199 = vector.shape_cast %reduce_sum3A_198 : vector<1024xf32> to vector<1024x1xf32>
    %div3A_200 = arith.constant 1.280000e+02 : f32
    %div3A_201 = vector.broadcast %div3A_200 : f32 to vector<1024x1xf32>
    %div3A_202 = arith.divf %broadcast_in_dim3A_199, %div3A_201 : vector<1024x1xf32>
    %sub3A_203 = vector.broadcast %div3A_202 : vector<1024x1xf32> to vector<1024x128xf32>
    %sub3A_204 = arith.subf %add3A_183, %sub3A_203 : vector<1024x128xf32>
    %square3A_205 = arith.mulf %sub3A_204, %sub3A_204 : vector<1024x128xf32>
    %convert_element_type3A_206 = arith.sitofp %jit3A_196 : i32 to f32
    %sub3A_207 = arith.constant 1.280000e+02 : f32
    %sub3A_208 = arith.subf %sub3A_207, %convert_element_type3A_206 : f32
    %reduce_sum3A_209 = arith.constant dense<0.000000e+00> : vector<1024xf32>
    %reduce_sum3A_210 = vector.multi_reduction <add>, %square3A_205, %reduce_sum3A_209 [1] : vector<1024x128xf32> to vector<1024xf32>
    %broadcast_in_dim3A_211 = vector.shape_cast %reduce_sum3A_210 : vector<1024xf32> to vector<1024x1xf32>
    %div3A_212 = vector.broadcast %sub3A_208 : f32 to vector<1024x1xf32>
    %div3A_213 = arith.divf %broadcast_in_dim3A_211, %div3A_212 : vector<1024x1xf32>
    %gt3A_214 = arith.constant 0.000000e+00 : f32
    %gt3A_215 = arith.cmpf ogt, %sub3A_208, %gt3A_214 : f32
    %jit3A_216 = arith.constant 0x7FC00000 : f32
    %broadcast_in_dim3A_217 = vector.broadcast %jit3A_216 : f32 to vector<1024x1xf32>
    %select_n3A_218 = arith.select %gt3A_215, %div3A_213, %broadcast_in_dim3A_217 : vector<1024x1xf32>
    %sub3A_219 = vector.broadcast %div3A_195 : vector<1024x1xf32> to vector<1024x128xf32>
    %sub3A_220 = arith.subf %add3A_183, %sub3A_219 : vector<1024x128xf32>
    %add3A_221 = arith.constant 9.99999974E-6 : f32
    %add3A_222 = vector.broadcast %add3A_221 : f32 to vector<1024x1xf32>
    %add3A_223 = arith.addf %select_n3A_218, %add3A_222 : vector<1024x1xf32>
    %sqrt3A_224 = math.sqrt %add3A_223 : vector<1024x1xf32>
    %div3A_225 = vector.broadcast %sqrt3A_224 : vector<1024x1xf32> to vector<1024x128xf32>
    %div3A_226 = arith.divf %sub3A_220, %div3A_225 : vector<1024x128xf32>
    %mul3A_227 = vector.broadcast %get3A_186 : vector<1x128xf32> to vector<1024x128xf32>
    %mul3A_228 = arith.mulf %div3A_226, %mul3A_227 : vector<1024x128xf32>
    %add3A_229 = vector.broadcast %get3A_189 : vector<1x128xf32> to vector<1024x128xf32>
    %add3A_230 = arith.addf %mul3A_228, %add3A_229 : vector<1024x128xf32>
    %max3A_231 = arith.constant 0.000000e+00 : f32
    %max3A_232 = vector.broadcast %max3A_231 : f32 to vector<1024x128xf32>
    %max3A_233 = arith.maximumf %add3A_230, %max3A_232 : vector<1024x128xf32>
    %get3A_234 = arith.constant 2 : index
    %get3A_235 = arith.constant 0 : index
    %get3A_236 = arith.constant 0 : index
    %get3A_237 = vector.load %arg8[%get3A_234, %get3A_235, %get3A_236] : memref<3x128x128xf32, #tpu.memory_space<vmem>>, vector<1x128x128xf32>
    %get3A_238 = vector.shape_cast %get3A_237 : vector<1x128x128xf32> to vector<128x128xf32>
    %dot_general3A_239 = arith.constant dense<0.000000e+00> : vector<1024x128xf32>
    %dot_general3A_240 = tpu.matmul %max3A_233, %get3A_238, %dot_general3A_239 {dimension_numbers = #tpu.dot_dimension_numbers<[1], [0], [0], [1], [0, 0, 1, 1], [], []>, transpose_lhs_hint = false} : vector<1024x128xf32>, vector<128x128xf32>, vector<1024x128xf32> -> vector<1024x128xf32>
    %get3A_241 = arith.constant 2 : index
    %get3A_242 = arith.constant 0 : index
    %get3A_243 = vector.load %arg9[%get3A_241, %get3A_242] : memref<3x128xf32, #tpu.memory_space<vmem>>, vector<1x128xf32>
    %add3A_244 = vector.broadcast %get3A_243 : vector<1x128xf32> to vector<1024x128xf32>
    %add3A_245 = arith.addf %dot_general3A_240, %add3A_244 : vector<1024x128xf32>
    %add3A_246 = arith.addf %add3A_158, %add3A_245 : vector<1024x128xf32>
    %get3A_247 = arith.constant 0 : index
    %get3A_248 = arith.constant 0 : index
    %get3A_249 = vector.load %arg10[%get3A_247, %get3A_248] : memref<1x128xf32, #tpu.memory_space<vmem>>, vector<1x128xf32>
    %get3A_250 = arith.constant 0 : index
    %get3A_251 = arith.constant 0 : index
    %get3A_252 = vector.load %arg11[%get3A_250, %get3A_251] : memref<1x128xf32, #tpu.memory_space<vmem>>, vector<1x128xf32>
    %reduce_sum3A_253 = arith.constant dense<0.000000e+00> : vector<1024xf32>
    %reduce_sum3A_254 = vector.multi_reduction <add>, %add3A_246, %reduce_sum3A_253 [1] : vector<1024x128xf32> to vector<1024xf32>
    %broadcast_in_dim3A_255 = vector.shape_cast %reduce_sum3A_254 : vector<1024xf32> to vector<1024x1xf32>
    %div3A_256 = arith.constant 1.280000e+02 : f32
    %div3A_257 = vector.broadcast %div3A_256 : f32 to vector<1024x1xf32>
    %div3A_258 = arith.divf %broadcast_in_dim3A_255, %div3A_257 : vector<1024x1xf32>
    %jit3A_259 = arith.constant 0 : i32
    %reduce_sum3A_260 = arith.constant dense<0.000000e+00> : vector<1024xf32>
    %reduce_sum3A_261 = vector.multi_reduction <add>, %add3A_246, %reduce_sum3A_260 [1] : vector<1024x128xf32> to vector<1024xf32>
    %broadcast_in_dim3A_262 = vector.shape_cast %reduce_sum3A_261 : vector<1024xf32> to vector<1024x1xf32>
    %div3A_263 = arith.constant 1.280000e+02 : f32
    %div3A_264 = vector.broadcast %div3A_263 : f32 to vector<1024x1xf32>
    %div3A_265 = arith.divf %broadcast_in_dim3A_262, %div3A_264 : vector<1024x1xf32>
    %sub3A_266 = vector.broadcast %div3A_265 : vector<1024x1xf32> to vector<1024x128xf32>
    %sub3A_267 = arith.subf %add3A_246, %sub3A_266 : vector<1024x128xf32>
    %square3A_268 = arith.mulf %sub3A_267, %sub3A_267 : vector<1024x128xf32>
    %convert_element_type3A_269 = arith.sitofp %jit3A_259 : i32 to f32
    %sub3A_270 = arith.constant 1.280000e+02 : f32
    %sub3A_271 = arith.subf %sub3A_270, %convert_element_type3A_269 : f32
    %reduce_sum3A_272 = arith.constant dense<0.000000e+00> : vector<1024xf32>
    %reduce_sum3A_273 = vector.multi_reduction <add>, %square3A_268, %reduce_sum3A_272 [1] : vector<1024x128xf32> to vector<1024xf32>
    %broadcast_in_dim3A_274 = vector.shape_cast %reduce_sum3A_273 : vector<1024xf32> to vector<1024x1xf32>
    %div3A_275 = vector.broadcast %sub3A_271 : f32 to vector<1024x1xf32>
    %div3A_276 = arith.divf %broadcast_in_dim3A_274, %div3A_275 : vector<1024x1xf32>
    %gt3A_277 = arith.constant 0.000000e+00 : f32
    %gt3A_278 = arith.cmpf ogt, %sub3A_271, %gt3A_277 : f32
    %jit3A_279 = arith.constant 0x7FC00000 : f32
    %broadcast_in_dim3A_280 = vector.broadcast %jit3A_279 : f32 to vector<1024x1xf32>
    %select_n3A_281 = arith.select %gt3A_278, %div3A_276, %broadcast_in_dim3A_280 : vector<1024x1xf32>
    %sub3A_282 = vector.broadcast %div3A_258 : vector<1024x1xf32> to vector<1024x128xf32>
    %sub3A_283 = arith.subf %add3A_246, %sub3A_282 : vector<1024x128xf32>
    %add3A_284 = arith.constant 9.99999974E-6 : f32
    %add3A_285 = vector.broadcast %add3A_284 : f32 to vector<1024x1xf32>
    %add3A_286 = arith.addf %select_n3A_281, %add3A_285 : vector<1024x1xf32>
    %sqrt3A_287 = math.sqrt %add3A_286 : vector<1024x1xf32>
    %div3A_288 = vector.broadcast %sqrt3A_287 : vector<1024x1xf32> to vector<1024x128xf32>
    %div3A_289 = arith.divf %sub3A_283, %div3A_288 : vector<1024x128xf32>
    %mul3A_290 = vector.broadcast %get3A_249 : vector<1x128xf32> to vector<1024x128xf32>
    %mul3A_291 = arith.mulf %div3A_289, %mul3A_290 : vector<1024x128xf32>
    %add3A_292 = vector.broadcast %get3A_252 : vector<1x128xf32> to vector<1024x128xf32>
    %add3A_293 = arith.addf %mul3A_291, %add3A_292 : vector<1024x128xf32>
    %max3A_294 = arith.constant 0.000000e+00 : f32
    %max3A_295 = vector.broadcast %max3A_294 : f32 to vector<1024x128xf32>
    %max3A_296 = arith.maximumf %add3A_293, %max3A_295 : vector<1024x128xf32>
    %get3A_297 = arith.constant 0 : index
    %get3A_298 = arith.constant 0 : index
    %get3A_299 = vector.load %arg12[%get3A_297, %get3A_298] : memref<128x128xf32, #tpu.memory_space<vmem>>, vector<128x128xf32>
    %dot_general3A_300 = arith.constant dense<0.000000e+00> : vector<1024x128xf32>
    %dot_general3A_301 = tpu.matmul %max3A_296, %get3A_299, %dot_general3A_300 {dimension_numbers = #tpu.dot_dimension_numbers<[1], [0], [0], [1], [0, 0, 1, 1], [], []>, transpose_lhs_hint = false} : vector<1024x128xf32>, vector<128x128xf32>, vector<1024x128xf32> -> vector<1024x128xf32>
    %get3A_302 = arith.constant 0 : index
    %get3A_303 = arith.constant 0 : index
    %get3A_304 = vector.load %arg13[%get3A_302, %get3A_303] : memref<1x128xf32, #tpu.memory_space<vmem>>, vector<1x128xf32>
    %add3A_305 = vector.broadcast %get3A_304 : vector<1x128xf32> to vector<1024x128xf32>
    %add3A_306 = arith.addf %dot_general3A_301, %add3A_305 : vector<1024x128xf32>
    %swap3A = arith.constant 0 : index
    %swap3A_307 = arith.constant 0 : index
    %swap3A_308 = vector.load %arg14[%swap3A, %swap3A_307] : memref<1024x128xf32, #tpu.memory_space<vmem>>, vector<1024x128xf32>
    tpu.vector_store %arg14[%swap3A, %swap3A_307], %add3A_306 {strides = array<i32>} : memref<1024x128xf32, #tpu.memory_space<vmem>>, vector<1024x128xf32>,
    return
  }
  func.func @transform_0(%arg0: i32) -> (i32, i32) {
    %c0_i32 = arith.constant 0 : i32
    %c0_i32_0 = arith.constant 0 : i32
    return %arg0, %c0_i32 : i32, i32
  }
  func.func @transform_1(%arg0: i32) -> (i32, i32) {
    %c0_i32 = arith.constant 0 : i32
    %c0_i32_0 = arith.constant 0 : i32
    %c0_i32_1 = arith.constant 0 : i32
    return %c0_i32, %c0_i32_0 : i32, i32
  }
  func.func @transform_2(%arg0: i32) -> (i32, i32) {
    %c0_i32 = arith.constant 0 : i32
    %c0_i32_0 = arith.constant 0 : i32
    %c0_i32_1 = arith.constant 0 : i32
    return %c0_i32, %c0_i32_0 : i32, i32
  }
  func.func @transform_3(%arg0: i32) -> (i32, i32, i32) {
    %c0_i32 = arith.constant 0 : i32
    %c0_i32_0 = arith.constant 0 : i32
    %c0_i32_1 = arith.constant 0 : i32
    %c0_i32_2 = arith.constant 0 : i32
    return %c0_i32, %c0_i32_0, %c0_i32_1 : i32, i32, i32
  }
  func.func @transform_4(%arg0: i32) -> (i32, i32) {
    %c0_i32 = arith.constant 0 : i32
    %c0_i32_0 = arith.constant 0 : i32
    %c0_i32_1 = arith.constant 0 : i32
    return %c0_i32, %c0_i32_0 : i32, i32
  }
  func.func @transform_5(%arg0: i32) -> (i32, i32) {
    %c0_i32 = arith.constant 0 : i32
    %c0_i32_0 = arith.constant 0 : i32
    %c0_i32_1 = arith.constant 0 : i32
    return %c0_i32, %c0_i32_0 : i32, i32
  }
  func.func @transform_6(%arg0: i32) -> (i32, i32) {
    %c0_i32 = arith.constant 0 : i32
    %c0_i32_0 = arith.constant 0 : i32
    %c0_i32_1 = arith.constant 0 : i32
    return %c0_i32, %c0_i32_0 : i32, i32
  }
  func.func @transform_7(%arg0: i32) -> (i32, i32, i32) {
    %c0_i32 = arith.constant 0 : i32
    %c0_i32_0 = arith.constant 0 : i32
    %c0_i32_1 = arith.constant 0 : i32
    %c0_i32_2 = arith.constant 0 : i32
    return %c0_i32, %c0_i32_0, %c0_i32_1 : i32, i32, i32
  }
  func.func @transform_8(%arg0: i32) -> (i32, i32) {
    %c0_i32 = arith.constant 0 : i32
    %c0_i32_0 = arith.constant 0 : i32
    %c0_i32_1 = arith.constant 0 : i32
    return %c0_i32, %c0_i32_0 : i32, i32
  }
  func.func @transform_9(%arg0: i32) -> (i32, i32) {
    %c0_i32 = arith.constant 0 : i32
    %c0_i32_0 = arith.constant 0 : i32
    %c0_i32_1 = arith.constant 0 : i32
    return %c0_i32, %c0_i32_0 : i32, i32
  }
  func.func @transform_10(%arg0: i32) -> (i32, i32) {
    %c0_i32 = arith.constant 0 : i32
    %c0_i32_0 = arith.constant 0 : i32
    %c0_i32_1 = arith.constant 0 : i32
    return %c0_i32, %c0_i32_0 : i32, i32
  }
  func.func @transform_11(%arg0: i32) -> (i32, i32) {
    %c0_i32 = arith.constant 0 : i32
    %c0_i32_0 = arith.constant 0 : i32
    %c0_i32_1 = arith.constant 0 : i32
    return %c0_i32, %c0_i32_0 : i32, i32
  }
  func.func @transform_12(%arg0: i32) -> (i32, i32) {
    %c0_i32 = arith.constant 0 : i32
    %c0_i32_0 = arith.constant 0 : i32
    %c0_i32_1 = arith.constant 0 : i32
    return %c0_i32, %c0_i32_0 : i32, i32
  }
  func.func @transform_13(%arg0: i32) -> (i32, i32) {
    %c0_i32 = arith.constant 0 : i32
    %c0_i32_0 = arith.constant 0 : i32
    return %arg0, %c0_i32 : i32, i32
  }
}

</mosaic_0001>

<sc_bundles>
// kernel: kernel.11.cloned.1.call-start
scs
__scs_entry_jumppad:
0x0: {  	(pc) =	sbr.rel $0x88, $3  }
0x1: {  	(tag) =	ssettag $0x0;
	lr =	simm.s32 $0x1  }
0x2: {  	[smem:$0x3F66] =	sst lr;
	_ =	strace $0xD0000000  }
0x3: {  	_ = 	snop  }
0x4: {  	_ = 	snop  }
0x5: {  	_ = 	snop  }
0x6: {  	_ = 	snop  }
0x7: {  	_ = 	snop  }
__scs_overlays_trampoline_lowered:
0x8: {  	[smem:$0x3F75] =	sst s0  }
0x9: {  	[smem:$0x3F76] =	sst s1  }
0xa: {  	[smem:$0x3F77] =	sst s2  }
0xb: {  	[smem:$0x3F78] =	sst s3  }
0xc: {  	[smem:$0x3F79] =	sst s4  }
0xd: {  	[smem:$0x3F7A] =	sst s5  }
0xe: {  	[smem:$0x3F7B] =	sst s6  }
0xf: {  	[smem:$0x3F7C] =	sst s7  }
0x10: {  	[smem:$0x3F7D] =	sst s8  }
0x11: {  	[smem:$0x3F7E] =	sst s9;
	s0 =	simm.s32 @!p0 $0x0  }
0x12: {  	s1 =	sld [smem:$0x3F64];
	s0 =	simm.s32 @p0 $0x1  }
0x13: {  	[smem:$0x3F7F] =	sst s0;
	s0 =	simm.s32 @!p1 $0x0  }
0x14: {  	s2 =	sld [smem:$0x3F63];
	s0 =	simm.s32 @p1 $0x1  }
0x15: {  	[smem:$0x3F80] =	sst s0;
	s0 =	simm.s32 @!p2 $0x0  }
0x16: {  	s3 =	sld [smem:$0x3FDB];
	s0 =	simm.s32 @p2 $0x1  }
0x17: {  	s4 =	simm.s32 $0x1BF5;
	[smem:$0x3F82] =	sst s0  }
0x18: {  	s0 =	sld [smem:$0x3F65];
	_ =	swait.ge [sflag:s4], $0x0  }
0x19: {  	s7 =	sld [smem:$0x3F66]  }
0x1a: {  	s8 =	sadd.s32 $0xFFFFE003, lr  }
0x1b: {  	s9 =	sadd.s32 $0xFFFFFEF7, lr;
	s5 =	simm.s32 $0xFFFFFFFF;
	p2 =	slt.u32 s8, $0xFFFFF086  }
0x1c: {  	p1 =	slt.u32 s9, $0xF7A;
	s5 =	simm.s32 @!p2 $0x0  }
0x1d: {  	s5 =	simm.s32 @p1 $0x1;
	p0 =	seq.s32 s7, s2  }
0x1e: {  	s7 =	smul.u32 @!p0 $0xF7A, s2;
	p2 =	seq.s32 @!p0 s5, $0x0  }
0x1f: {  	s9 =	smul.u32 $0xF7A, s1;
	s8 =	simm.s32 @!p0 $0x1BF5;
	p2 =	por !p2, p0  }
0x20: {  	[sflag:s8] =	ssyncset.s32 @!p0 $0xFFFFF086;
	s6 =	sadd.s32 @!p0 s3, s7;
	s7 =	simm.s32 @!p0 $0x108  }
0x21: {  	s3 =	sadd.s32 s3, s9;
	s6 =	sadd.s32 @!p0 $0x88, s6;
	s7 =	simm.s32 @p2 $0x1082  }
0x22: {  	[simem:s7], [sflag:s8] =	dma.local @!p0 [hbm:s6], $0xF7A  }
0x23: {  	s9 =	sor.u32 $0xD0000000, s2;
	s6 =	simm.s32 $0x108;
	_ =	swait.ge @!p0 [sflag:s8], $0x0  }
0x24: {  	s3 =	sadd.s32 $0x88, s3;
	s6 =	simm.s32 @!p1 $0x1082;
	[sflag:s4] =	ssyncset.s32 $0xFFFFF086  }
0x25: {  	[simem:s6], [sflag:s4] =	dma.local [hbm:s3], $0xF7A  }
0x26: {  	[smem:$0x3F66] =	sst s1;
	(tag) =	ssettag s2;
	_ =	strace s9  }
0x27: {  	s1 =	sld [smem:$0x3F76]  }
0x28: {  	s2 =	sld [smem:$0x3F77]  }
0x29: {  	s4 =	sld [smem:$0x3F79]  }
0x2a: {  	p0 =	seq.s32 s5, $0x0;
	s5 =	sld [smem:$0x3F7A]  }
0x2b: {  	s6 =	sld [smem:$0x3F7B]  }
0x2c: {  	s7 =	sld [smem:$0x3F7C]  }
0x2d: {  	s3 =	simm.s32 $0x108;
	s8 =	sld [smem:$0x3F7D]  }
0x2e: {  	s3 =	simm.s32 @!p0 $0x1082;
	s9 =	sld [smem:$0x3F7E]  }
0x2f: {  	lr =	sadd.s32 s0, s3;
	s0 =	sld [smem:$0x3F75]  }
0x30: {  	s3 =	sld [smem:$0x3F78]  }
0x31: {  	[smem:$0x3F81] =	sst s10  }
0x32: {  	s10 =	sld [smem:$0x3F7F];
	_ =	sdelay $0x3  }
0x33: {  	p0 =	seq.s32 s10, $0x1;
	s10 =	sld [smem:$0x3F81];
	_ =	sdelay $0x3  }
0x34: {  	[smem:$0x3F81] =	sst s10  }
0x35: {  	s10 =	sld [smem:$0x3F80];
	_ =	sdelay $0x3  }
0x36: {  	p1 =	seq.s32 s10, $0x1;
	s10 =	sld [smem:$0x3F81];
	_ =	sdelay $0x3  }
0x37: {  	[smem:$0x3F81] =	sst s10  }
0x38: {  	s10 =	sld [smem:$0x3F82]  }
0x39: {  	_ = 	snop;
	(pc) =	sbr.ind lr, $3  }
0x3a: {  	_ = 	snop  }
0x3b: {  	_ = 	snop  }
0x3c: {  	p2 =	seq.s32 s10, $0x1;
	s10 =	sld [smem:$0x3F81]  }
0x3d: {  	_ =	shalt  }
0x3e: {  	_ =	shalt  }
0x3f: {  	_ =	shalt  }
0x40: {  	_ =	shalt  }
0x41: {  	_ =	shalt  }
0x42: {  	_ =	shalt  }
0x43: {  	_ =	shalt  }
0x44: {  	_ =	shalt  }
0x45: {  	_ =	shalt  }
0x46: {  	_ =	shalt  }
0x47: {  	_ =	shalt  }
0x48: {  	_ =	shalt  }
0x49: {  	_ =	shalt  }
0x4a: {  	_ =	shalt  }
0x4b: {  	_ =	shalt  }
0x4c: {  	_ =	shalt  }
0x4d: {  	_ =	shalt  }
0x4e: {  	_ =	shalt  }
0x4f: {  	_ =	shalt  }
0x50: {  	_ =	shalt  }
0x51: {  	_ =	shalt  }
0x52: {  	_ =	shalt  }
0x53: {  	_ =	shalt  }
0x54: {  	_ =	shalt  }
0x55: {  	_ =	shalt  }
0x56: {  	_ =	shalt  }
0x57: {  	_ =	shalt  }
0x58: {  	_ =	shalt  }
0x59: {  	_ =	shalt  }
0x5a: {  	_ =	shalt  }
0x5b: {  	_ =	shalt  }
0x5c: {  	_ =	shalt  }
0x5d: {  	_ =	shalt  }
0x5e: {  	_ =	shalt  }
0x5f: {  	_ =	shalt  }
0x60: {  	_ =	shalt  }
0x61: {  	_ =	shalt  }
0x62: {  	_ =	shalt  }
0x63: {  	_ =	shalt  }
0x64: {  	_ =	shalt  }
0x65: {  	_ =	shalt  }
0x66: {  	_ =	shalt  }
0x67: {  	_ =	shalt  }
0x68: {  	_ =	shalt  }
0x69: {  	_ =	shalt  }
0x6a: {  	_ =	shalt  }
0x6b: {  	_ =	shalt  }
0x6c: {  	_ =	shalt  }
0x6d: {  	_ =	shalt  }
0x6e: {  	_ =	shalt  }
0x6f: {  	_ =	shalt  }
0x70: {  	_ =	shalt  }
0x71: {  	_ =	shalt  }
0x72: {  	_ =	shalt  }
0x73: {  	_ =	shalt  }
0x74: {  	_ =	shalt  }
0x75: {  	_ =	shalt  }
0x76: {  	_ =	shalt  }
0x77: {  	_ =	shalt  }
0x78: {  	_ =	shalt  }
0x79: {  	_ =	shalt  }
0x7a: {  	_ =	shalt  }
0x7b: {  	_ =	shalt  }
0x7c: {  	_ =	shalt  }
0x7d: {  	_ =	shalt  }
0x7e: {  	_ =	shalt  }
0x7f: {  	_ =	shalt  }
0x80: {  	_ =	shalt  }
0x81: {  	_ =	shalt  }
0x82: {  	_ =	shalt  }
0x83: {  	_ =	shalt  }
0x84: {  	_ =	shalt  }
0x85: {  	_ =	shalt  }
0x86: {  	_ =	shalt  }
0x87: {  	_ =	shalt  }
.Lfunc_end0:
.L_simem_size_0:
called_computation.8_lowered:
.L_overlay_start_0:
0x88: {  	s2 =	sld [smem:$0x3FD9]  }
0x89: {  	s3 =	sld [smem:$0x3FFE];
	_ =	sdelay $0x1  }
0x8a: {  	s1 =	srdreg.scid  }
0x8b: {  	s0 =	sand.u32 $0x1, s1  }
0x8c: {  	s17 =	sshll.u32 s0, $0xA;
	s2 =	sadd.s32 s3, s2  }
0x8d: {  	s2 =	sadd.s32 s2, s17  }
0x8e: {  	[smem:$0x3F8D] =	sst s2  }
0x8f: {  	_ = 	snop  }
0x90: {  	(tm) =	ssettm $0x1  }
0x91: {  	s18 =	sld [smem:$0x3FFB];
	_ =	sdelay $0x3  }
0x92: {  	_ =	strace s18  }
0x93: {  	s2 =	sld [smem:$0x3FFC];
	_ =	sdelay $0x3  }
0x94: {  	_ =	strace s2  }
0x95: {  	s2 =	sld [smem:$0x3FFD];
	_ =	sdelay $0x3  }
0x96: {  	_ =	strace s2  }
0x97: {  	_ =	strace $0x8FFFFFFF  }
0x98: {  	s19 =	sld [smem:$0x3FDB];
	_ =	sdelay $0x1  }
0x99: {  	s20 =	simm.s32 $_scs_section_size  }
0x9a: {  	s4 =	simm.s32 $_size__tile_overlayer_lowered;
	s5 =	simm.s32 $_tile_overlayer_lowered  }
0x9b: {  	s6 =	simm.s32 $0x1BFF;
	s21 =	sshll.u32 s5, $0x1;
	s3 =	sadd.s32 s20, s19  }
0x9c: {  	s22 =	simm.s32 $0x0;
	s4 =	sshll.u32 s4, $0x1;
	s5 =	sadd.s32 s21, s3  }
0x9d: {  	[timem:s22], [sflag:s6] =	dma.local [hbm:s5], s4  }
0x9e: {  	_ =	swait.ge [sflag:s6], s4  }
0x9f: {  	s4 =	ssub.s32 $0x0, s4;
	[sflag:s6] =	ssyncset.done $0x0  }
0xa0: {  	[sflag:s6] =	ssyncadd.s32 s4;
	_ =	sdelay $0x1  }
0xa1: {  	s23 =	simm.s32 $0x1B8B  }
0xa2: {  	_ =	swait.ge [sflag:s23], $0x1  }
0xa3: {  	[sflag:s23] =	ssyncset.done $0x0  }
0xa4: {  	[sflag:s23] =	ssyncadd.s32 $0xFFFFFFFF  }
0xa5: {  	s4 =	sld [smem:$0x0]  }
0xa6: {  	s5 =	sand.u32 $0xFFFFFFFE, s1  }
0xa7: {  	p0 =	sne.s32 s1, s5  }
0xa8: {  	s5 =	sshll.u32 @p0 s5, $0xE  }
0xa9: {  	s5 =	sadd.s32 @p0 $0x11B8D, s5;
	s6 =	sshll.u32 @p0 s4, $0x11  }
0xaa: {  	s5 =	sor.u32 @p0 s6, s5  }
0xab: {  	[sflag:s5] =	ssyncadd.remote.s32 @p0 $0x1;
	_ =	sdelay $0x1  }
0xac: {  	s5 =	simm.s32 @p0 $0x1B8D  }
0xad: {  	_ =	swait.eq @p0 [sflag:s5], $0x1  }
0xae: {  	[sflag:s5] =	ssyncadd.s32 @p0 $0xFFFFFFFF  }
0xaf: {  	s6 =	sshll.u32 @!p0 s1, $0xE  }
0xb0: {  	s6 =	sor.u32 @!p0 $0x4000, s6;
	s5 =	simm.s32 @!p0 $0x1B8D  }
0xb1: {  	s4 =	sshll.u32 @!p0 s4, $0x11;
	s6 =	sadd.s32 @!p0 $0x11B8D, s6;
	_ =	swait.eq @!p0 [sflag:s5], $0x1  }
0xb2: {  	s4 =	sor.u32 @!p0 s4, s6;
	[sflag:s5] =	ssyncadd.s32 @!p0 $0xFFFFFFFF  }
0xb3: {  	s25 =	simm.s32 $0x1B8E;
	s24 =	sld [smem:$0x3FFE];
	[sflag:s4] =	ssyncadd.remote.s32 @!p0 $0x1  }
0xb4: {  	s26 =	simm.s32 $execute0_lowered;
	[smem:$0x3FD2] =	sst s25  }
0xb5: {  	s5 =	sshll.u32 s26, $0x1;
	_ =	strace $0x80000049;
	[dreg:$0x1] =	wrdreg $0xFFFFFFFF  }
0xb6: {  	s28 =	simm.s32 $_size_execute0_lowered;
	s3 =	sadd.s32 s3, s5;
	[dreg:$0x0] =	wrdreg $0x0  }
0xb7: {  	s5 =	sshll.u32 s28, $0x1;
	[dreg:$0x2] =	wrdreg s3  }
0xb8: {  	[dreg:$0x3] =	wrdreg s5  }
0xb9: {  	[dreg:$0x4] =	wrdreg $0xC0  }
0xba: {  	_ =	task [dreg:s22], $0x5FFFF  }
0xbb: {  	[dreg:$0x1] =	wrdreg $0xFFFFFFFF  }
0xbc: {  	[dreg:$0x0] =	wrdreg $0x60  }
0xbd: {  	[dreg:$0x2] =	wrdreg s24  }
0xbe: {  	[dreg:$0x3] =	wrdreg $0x9  }
0xbf: {  	_ =	task.clear_ibuf [dreg:s22], $0x4FFFF;
	_ =	strace $0x90000049  }
0xc0: {  	s29 =	simm.s32 $0x9;
	_ =	strace $0x8000004B  }
0xc1: {  	_ =	swait.ge [sflag:s29], $0x1  }
0xc2: {  	[sflag:s29] =	ssyncadd.s32 $0xFFFFFFFF  }
0xc3: {  	_ =	strace $0x9000004B  }
0xc4: {  	_ =	sfence  }
0xc5: {  	s30 =	sld [smem:$0x0];
	_ =	sdelay $0x2  }
0xc6: {  	s31 =	sshll.u32 s1, $0xD;
	s1 =	sshrl.u32 s1, $0x2  }
0xc7: {  	s4 =	sand.u32 $0x4000, s31;
	s1 =	sadd.s32 s1, s30  }
0xc8: {  	s0 =	sor.u32 s4, s0;
	s1 =	sshll.u32 s1, $0x11  }
0xc9: {  	s0 =	sor.u32 s1, s0  }
0xca: {  	s0 =	sadd.s32 $0x8F2B, s0  }
0xcb: {  	[sflag:s0] =	ssyncadd.remote.s32 $0x1  }
0xcc: {  	_ =	sfence.sel $0xFFFF  }
0xcd: {  	[dreg:$0x0] =	wrdreg $0xFFFFFFFF;
	(pc) =	sbr.abs _section_cstart, $3  }
0xce: {  	[dreg:$0x1] =	wrdreg $0xFFFFFFFF  }
0xcf: {  	_ =	task.clear_ibuf [dreg:s22], $0x2FFFF;
	_ =	strace $0x9FFFFFFF  }
0xd0: {  	(tm) =	ssettm $0x7FFFFFFF  }
0xd1: {  	_ =	shalt  }
tec
execute0_lowered:
.L_overlay_start_1:
0x0: {  	(tag) =	ssettag $0x1  }
0x1: {  	s4 =	rddreg [dreg:$0x0]  }
0x2: {  	s0 =	rddreg [dreg:$0x1]  }
0x3: {  	s3 =	srdreg.scid;
	s1 =	stileid.u32;
	s2 =	simm.s32 $0x0  }
0x4: {  	s10 =	simm.s32 $0x80;
	s11 =	simm.s32 $0x100;
	s6 =	smul.u32 $0x6400, s1  }
0x5: {  	s12 =	simm.s32 $0x4100;
	s5 =	sand.u32 $0x1, s3;
	s8 =	smul.u32 $0x64000, s1  }
0x6: {  	s13 =	simm.s32 $0x1;
	s14 =	simm.s32 $0x0;
	s7 =	smul.u32 $0x3200, s5  }
0x7: {  	[smem:$0x7FF] =	sst s2;
	s3 =	sadd.s32 $0x1E3C00, s4;
	s28 =	smul.u32 $0x32000, s5  }
0x8: {  	_ =	strace $0x8000004A;
	s5 =	ssub.s32 $0x2, s5;
	s8 =	sadd.s32 s8, s4  }
0x9: {  	s29 =	sshrl.u32 s5, $0x1;
	s6 =	sadd.s32 s7, s6;
	s30 =	sadd.s32 s28, s8  }
0xa: {  	s31 =	ssub.s32 s5, s29;
	s6 =	sshrl.u32 s6, $0x3;
	s5 =	sadd.s32 $0x9AA600, s30  }
0xb: {  	s9 =	sadd.s32 s6, s4;
	s4 =	sadd.s32 $0x36A600, s30;
	s6 =	smax.u32 s31, $0x1  }
0xc: {  	s7 =	sadd.s32 $0x1CAC00, s9;
	s8 =	sadd.s32 $0x1D7400, s9;
	s9 =	simm.s32 $0x2  }
.LBB2_1:
0xd: {  	s15 =	sadd.s32 $0x0, s8  }
0xe: {  	[tilespmem:s2], [sflag:$0x2] =	stream.linear.gather [hbm4b:s15+s2], $0x80, $0x38;
	[tilespmem:$0x8100] =	vst v63  }
0xf: {  	_ =	swait.ge [sflag:s9], $0x80  }
0x10: {  	[sflag:s9] =	ssyncset.done $0x0  }
0x11: {  	s31 =	sadd.s32 $0x0, s7;
	[sflag:s9] =	ssyncadd.s32 $0xFFFFFF80  }
0x12: {  	[tilespmem:s10], [sflag:$0x2] =	stream.linear.gather [hbm4b:s31+s2], $0x80, $0x38;
	[tilespmem:$0x8100] =	vst v63  }
0x13: {  	_ =	swait.ge [sflag:s9], $0x80  }
0x14: {  	[sflag:s9] =	ssyncset.done $0x0  }
0x15: {  	[sflag:s9] =	ssyncadd.s32 $0xFFFFFF80  }
0x16: {  	[tilespmem:s11], [sflag:$0x1] =	stream.indirect.gather [hbm4b:s3+s10], $0x80, s2, s10, $0xb8;
	[tilespmem:$0x8100] =	vst v63  }
0x17: {  	_ = 	snop  }
0x18: {  	[tilespmem:s12], [sflag:$0x1] =	stream.indirect.gather [hbm4b:s3+s10], $0x80, s10, s10, $0xb8;
	[tilespmem:$0x8100] =	vst v63  }
0x19: {  	_ =	swait.ge [sflag:s13], $0x4000  }
0x1a: {  	[sflag:s13] =	ssyncset.done $0x0  }
0x1b: {  	[sflag:s13] =	ssyncadd.s32 $0xFFFFC000  }
0x1c: {  	_ =	swait.ge [sflag:s13], $0x4000  }
0x1d: {  	[sflag:s13] =	ssyncset.done $0x0  }
0x1e: {  	[sflag:s13] =	ssyncadd.s32 $0xFFFFC000  }
0x1f: {  	[hbm4b:s4+s2] =	stream.linear.scatter [tilespmem:s11], [sflag:$0x2], $0x4000, $0x38;
	[tilespmem:$0x8100] =	vst v63  }
0x20: {  	_ =	swait.ge [sflag:s9], $0x4000  }
0x21: {  	[sflag:s9] =	ssyncset.done $0x0  }
0x22: {  	[sflag:s9] =	ssyncadd.s32 $0xFFFFC000  }
0x23: {  	[hbm4b:s5+s2] =	stream.linear.scatter [tilespmem:s12], [sflag:$0x2], $0x4000, $0x38;
	[tilespmem:$0x8100] =	vst v63  }
0x24: {  	s17 =	simm.s32 $0x10;
	s18 =	simm.s32 $0x20;
	_ =	swait.ge [sflag:s9], $0x4000  }
0x25: {  	s16 =	sadd.s32 $0x800, s4;
	s15 =	sadd.s32 $0x800, s5;
	[sflag:s9] =	ssyncset.done $0x0  }
.LBB2_2:
0x26: {  	s19 =	sadd.s32 s17, s8  }
0x27: {  	[sflag:s9] =	ssyncadd.s32 $0xFFFFC000;
	s20 =	smov.u32 s18;
	s21 =	sadd.s32 $0x10, s18  }
0x28: {  	[tilespmem:s2], [sflag:$0x2] =	stream.linear.gather [hbm4b:s19+s2], $0x80, $0x38;
	[tilespmem:$0x8100] =	vst v63  }
0x29: {  	p0 =	sne.s32 s18, $0x630;
	_ =	swait.ge [sflag:s9], $0x80  }
0x2a: {  	[sflag:s9] =	ssyncset.done $0x0  }
0x2b: {  	s18 =	sadd.s32 s17, s7;
	s17 =	smov.u32 s20;
	[sflag:s9] =	ssyncadd.s32 $0xFFFFFF80  }
0x2c: {  	[tilespmem:s10], [sflag:$0x2] =	stream.linear.gather [hbm4b:s18+s2], $0x80, $0x38;
	[tilespmem:$0x8100] =	vst v63  }
0x2d: {  	_ =	swait.ge [sflag:s9], $0x80  }
0x2e: {  	[sflag:s9] =	ssyncset.done $0x0  }
0x2f: {  	[sflag:s9] =	ssyncadd.s32 $0xFFFFFF80  }
0x30: {  	[tilespmem:s11], [sflag:$0x1] =	stream.indirect.gather [hbm4b:s3+s10], $0x80, s2, s10, $0xb8;
	[tilespmem:$0x8100] =	vst v63  }
0x31: {  	_ = 	snop  }
0x32: {  	[tilespmem:s12], [sflag:$0x1] =	stream.indirect.gather [hbm4b:s3+s10], $0x80, s10, s10, $0xb8;
	[tilespmem:$0x8100] =	vst v63  }
0x33: {  	_ =	swait.ge [sflag:s13], $0x4000  }
0x34: {  	[sflag:s13] =	ssyncset.done $0x0  }
0x35: {  	[sflag:s13] =	ssyncadd.s32 $0xFFFFC000  }
0x36: {  	_ =	swait.ge [sflag:s13], $0x4000  }
0x37: {  	[sflag:s13] =	ssyncset.done $0x0  }
0x38: {  	[sflag:s13] =	ssyncadd.s32 $0xFFFFC000  }
0x39: {  	[hbm4b:s16+s2] =	stream.linear.scatter [tilespmem:s11], [sflag:$0x2], $0x4000, $0x38;
	[tilespmem:$0x8100] =	vst v63  }
0x3a: {  	_ =	swait.ge [sflag:s9], $0x4000  }
.Ltmp0:
0x3b: {  	[sflag:s9] =	ssyncset.done $0x0;
	(pc) =	sbr.rel @p0 .LBB2_2-.Ltmp0, $4  }
0x3c: {  	[sflag:s9] =	ssyncadd.s32 $0xFFFFC000  }
0x3d: {  	[hbm4b:s15+s2] =	stream.linear.scatter [tilespmem:s12], [sflag:$0x2], $0x4000, $0x38;
	[tilespmem:$0x8100] =	vst v63  }
0x3e: {  	s18 =	smov.u32 s21;
	_ =	swait.ge [sflag:s9], $0x4000  }
0x3f: {  	s16 =	sadd.s32 $0x800, s16;
	s15 =	sadd.s32 $0x800, s15;
	[sflag:s9] =	ssyncset.done $0x0  }
0x40: {  	s18 =	sadd.s32 s17, s8;
	[sflag:s9] =	ssyncadd.s32 $0xFFFFC000  }
0x41: {  	[tilespmem:s2], [sflag:$0x2] =	stream.linear.gather [hbm4b:s18+s2], $0x80, $0x38;
	[tilespmem:$0x8100] =	vst v63  }
0x42: {  	_ =	swait.ge [sflag:s9], $0x80  }
0x43: {  	[sflag:s9] =	ssyncset.done $0x0  }
0x44: {  	s31 =	sadd.s32 s17, s7;
	[sflag:s9] =	ssyncadd.s32 $0xFFFFFF80  }
0x45: {  	[tilespmem:s10], [sflag:$0x2] =	stream.linear.gather [hbm4b:s31+s2], $0x80, $0x38;
	[tilespmem:$0x8100] =	vst v63  }
0x46: {  	_ =	swait.ge [sflag:s9], $0x80  }
0x47: {  	[sflag:s9] =	ssyncset.done $0x0  }
0x48: {  	[sflag:s9] =	ssyncadd.s32 $0xFFFFFF80  }
0x49: {  	[tilespmem:s11], [sflag:$0x1] =	stream.indirect.gather [hbm4b:s3+s10], $0x80, s2, s10, $0xb8;
	[tilespmem:$0x8100] =	vst v63  }
0x4a: {  	_ = 	snop  }
0x4b: {  	[tilespmem:s12], [sflag:$0x1] =	stream.indirect.gather [hbm4b:s3+s10], $0x80, s10, s10, $0xb8;
	[tilespmem:$0x8100] =	vst v63  }
0x4c: {  	_ =	swait.ge [sflag:s13], $0x4000  }
0x4d: {  	[sflag:s13] =	ssyncset.done $0x0  }
0x4e: {  	[sflag:s13] =	ssyncadd.s32 $0xFFFFC000  }
0x4f: {  	_ =	swait.ge [sflag:s13], $0x4000  }
0x50: {  	[sflag:s13] =	ssyncset.done $0x0  }
0x51: {  	[sflag:s13] =	ssyncadd.s32 $0xFFFFC000  }
0x52: {  	[hbm4b:s16+s2] =	stream.linear.scatter [tilespmem:s11], [sflag:$0x2], $0x4000, $0x38;
	[tilespmem:$0x8100] =	vst v63  }
0x53: {  	s14 =	sadd.s32 $0x1, s14;
	_ =	swait.ge [sflag:s9], $0x4000  }
0x54: {  	p0 =	sne.s32 s14, s6;
	[sflag:s9] =	ssyncset.done $0x0  }
.Ltmp1:
0x55: {  	[sflag:s9] =	ssyncadd.s32 $0xFFFFC000;
	(pc) =	sbr.rel @p0 .LBB2_1-.Ltmp1, $4  }
0x56: {  	[hbm4b:s15+s2] =	stream.linear.scatter [tilespmem:s12], [sflag:$0x2], $0x4000, $0x38;
	[tilespmem:$0x8100] =	vst v63  }
0x57: {  	_ =	swait.ge [sflag:s9], $0x4000  }
0x58: {  	[sflag:s9] =	ssyncset.done $0x0  }
0x59: {  	[sflag:s9] =	ssyncadd.s32 $0xFFFFC000  }
0x5a: {  	_ =	sfence.sel $0x180000  }
0x5b: {  	[bflag:$0x0] =	sbarrier.arrive $0xFFFF  }
0x5c: {  	p0 =	sne.s32 s1, $0x0;
	_ =	strace $0x9000004A  }
0x5d: {  	s0 =	sadd.s32 @!p0 $0x100000, s0;
	[bflag:$0x2] =	sbarrier.arrive $0xFFFF  }
0x5e: {  	[sflag:s0] =	ssyncadd.tile.s32 @!p0 $0x1;
	_ =	shalt  }
.Lfunc_end2:
_tile_overlayer_lowered:
.L_overlay_start_2:
0x5f: {  	(tag) =	ssettag $0x2  }
0x60: {  	s0 =	rddreg [dreg:$0x0];
	s2 =	stileid.u32  }
0x61: {  	s1 =	rddreg [dreg:$0x1];
	p0 =	sne.s32 s2, $0x0  }
0x62: {  	s3 =	rddreg [dreg:$0x2];
	[bflag:$0x3] =	sbarrier.arrive $0xFFFF;
	s2 =	simm.s32 @!p0 $0x1C02  }
0x63: {  	[timem:s3], [sflag:s2] =	dma.local @!p0 [hbm:s0], s1  }
0x64: {  	s0 =	simm.s32 @!p0 $0x2  }
0x65: {  	_ =	swait.ge @!p0 [sflag:s0], s1  }
0x66: {  	s1 =	ssub.s32 @!p0 $0x0, s1;
	[sflag:s0] =	ssyncset.done @!p0 $0x0  }
0x67: {  	[sflag:s0] =	ssyncadd.s32 @!p0 s1  }
0x68: {  	[bflag:$0x3] =	sbarrier.arrive $0xFFFF  }
0x69: {  	_ =	shalt  }

// kernel: kernel.14.cloned.1.call-start
scs
__scs_entry_jumppad:
0x0: {  	(pc) =	sbr.rel $0x88, $3  }
0x1: {  	(tag) =	ssettag $0x0;
	lr =	simm.s32 $0x1  }
0x2: {  	[smem:$0x3F66] =	sst lr;
	_ =	strace $0xD0000000  }
0x3: {  	_ = 	snop  }
0x4: {  	_ = 	snop  }
0x5: {  	_ = 	snop  }
0x6: {  	_ = 	snop  }
0x7: {  	_ = 	snop  }
__scs_overlays_trampoline_lowered:
0x8: {  	[smem:$0x3F75] =	sst s0  }
0x9: {  	[smem:$0x3F76] =	sst s1  }
0xa: {  	[smem:$0x3F77] =	sst s2  }
0xb: {  	[smem:$0x3F78] =	sst s3  }
0xc: {  	[smem:$0x3F79] =	sst s4  }
0xd: {  	[smem:$0x3F7A] =	sst s5  }
0xe: {  	[smem:$0x3F7B] =	sst s6  }
0xf: {  	[smem:$0x3F7C] =	sst s7  }
0x10: {  	[smem:$0x3F7D] =	sst s8  }
0x11: {  	[smem:$0x3F7E] =	sst s9;
	s0 =	simm.s32 @!p0 $0x0  }
0x12: {  	s1 =	sld [smem:$0x3F64];
	s0 =	simm.s32 @p0 $0x1  }
0x13: {  	[smem:$0x3F7F] =	sst s0;
	s0 =	simm.s32 @!p1 $0x0  }
0x14: {  	s2 =	sld [smem:$0x3F63];
	s0 =	simm.s32 @p1 $0x1  }
0x15: {  	[smem:$0x3F80] =	sst s0;
	s0 =	simm.s32 @!p2 $0x0  }
0x16: {  	s3 =	sld [smem:$0x3FDB];
	s0 =	simm.s32 @p2 $0x1  }
0x17: {  	s4 =	simm.s32 $0x1BF5;
	[smem:$0x3F82] =	sst s0  }
0x18: {  	s0 =	sld [smem:$0x3F65];
	_ =	swait.ge [sflag:s4], $0x0  }
0x19: {  	s7 =	sld [smem:$0x3F66]  }
0x1a: {  	s8 =	sadd.s32 $0xFFFFE003, lr  }
0x1b: {  	s9 =	sadd.s32 $0xFFFFFEF7, lr;
	s5 =	simm.s32 $0xFFFFFFFF;
	p2 =	slt.u32 s8, $0xFFFFF086  }
0x1c: {  	p1 =	slt.u32 s9, $0xF7A;
	s5 =	simm.s32 @!p2 $0x0  }
0x1d: {  	s5 =	simm.s32 @p1 $0x1;
	p0 =	seq.s32 s7, s2  }
0x1e: {  	s7 =	smul.u32 @!p0 $0xF7A, s2;
	p2 =	seq.s32 @!p0 s5, $0x0  }
0x1f: {  	s9 =	smul.u32 $0xF7A, s1;
	s8 =	simm.s32 @!p0 $0x1BF5;
	p2 =	por !p2, p0  }
0x20: {  	[sflag:s8] =	ssyncset.s32 @!p0 $0xFFFFF086;
	s6 =	sadd.s32 @!p0 s3, s7;
	s7 =	simm.s32 @!p0 $0x108  }
0x21: {  	s3 =	sadd.s32 s3, s9;
	s6 =	sadd.s32 @!p0 $0x88, s6;
	s7 =	simm.s32 @p2 $0x1082  }
0x22: {  	[simem:s7], [sflag:s8] =	dma.local @!p0 [hbm:s6], $0xF7A  }
0x23: {  	s9 =	sor.u32 $0xD0000000, s2;
	s6 =	simm.s32 $0x108;
	_ =	swait.ge @!p0 [sflag:s8], $0x0  }
0x24: {  	s3 =	sadd.s32 $0x88, s3;
	s6 =	simm.s32 @!p1 $0x1082;
	[sflag:s4] =	ssyncset.s32 $0xFFFFF086  }
0x25: {  	[simem:s6], [sflag:s4] =	dma.local [hbm:s3], $0xF7A  }
0x26: {  	[smem:$0x3F66] =	sst s1;
	(tag) =	ssettag s2;
	_ =	strace s9  }
0x27: {  	s1 =	sld [smem:$0x3F76]  }
0x28: {  	s2 =	sld [smem:$0x3F77]  }
0x29: {  	s4 =	sld [smem:$0x3F79]  }
0x2a: {  	p0 =	seq.s32 s5, $0x0;
	s5 =	sld [smem:$0x3F7A]  }
0x2b: {  	s6 =	sld [smem:$0x3F7B]  }
0x2c: {  	s7 =	sld [smem:$0x3F7C]  }
0x2d: {  	s3 =	simm.s32 $0x108;
	s8 =	sld [smem:$0x3F7D]  }
0x2e: {  	s3 =	simm.s32 @!p0 $0x1082;
	s9 =	sld [smem:$0x3F7E]  }
0x2f: {  	lr =	sadd.s32 s0, s3;
	s0 =	sld [smem:$0x3F75]  }
0x30: {  	s3 =	sld [smem:$0x3F78]  }
0x31: {  	[smem:$0x3F81] =	sst s10  }
0x32: {  	s10 =	sld [smem:$0x3F7F];
	_ =	sdelay $0x3  }
0x33: {  	p0 =	seq.s32 s10, $0x1;
	s10 =	sld [smem:$0x3F81];
	_ =	sdelay $0x3  }
0x34: {  	[smem:$0x3F81] =	sst s10  }
0x35: {  	s10 =	sld [smem:$0x3F80];
	_ =	sdelay $0x3  }
0x36: {  	p1 =	seq.s32 s10, $0x1;
	s10 =	sld [smem:$0x3F81];
	_ =	sdelay $0x3  }
0x37: {  	[smem:$0x3F81] =	sst s10  }
0x38: {  	s10 =	sld [smem:$0x3F82]  }
0x39: {  	_ = 	snop;
	(pc) =	sbr.ind lr, $3  }
0x3a: {  	_ = 	snop  }
0x3b: {  	_ = 	snop  }
0x3c: {  	p2 =	seq.s32 s10, $0x1;
	s10 =	sld [smem:$0x3F81]  }
0x3d: {  	_ =	shalt  }
0x3e: {  	_ =	shalt  }
0x3f: {  	_ =	shalt  }
0x40: {  	_ =	shalt  }
0x41: {  	_ =	shalt  }
0x42: {  	_ =	shalt  }
0x43: {  	_ =	shalt  }
0x44: {  	_ =	shalt  }
0x45: {  	_ =	shalt  }
0x46: {  	_ =	shalt  }
0x47: {  	_ =	shalt  }
0x48: {  	_ =	shalt  }
0x49: {  	_ =	shalt  }
0x4a: {  	_ =	shalt  }
0x4b: {  	_ =	shalt  }
0x4c: {  	_ =	shalt  }
0x4d: {  	_ =	shalt  }
0x4e: {  	_ =	shalt  }
0x4f: {  	_ =	shalt  }
0x50: {  	_ =	shalt  }
0x51: {  	_ =	shalt  }
0x52: {  	_ =	shalt  }
0x53: {  	_ =	shalt  }
0x54: {  	_ =	shalt  }
0x55: {  	_ =	shalt  }
0x56: {  	_ =	shalt  }
0x57: {  	_ =	shalt  }
0x58: {  	_ =	shalt  }
0x59: {  	_ =	shalt  }
0x5a: {  	_ =	shalt  }
0x5b: {  	_ =	shalt  }
0x5c: {  	_ =	shalt  }
0x5d: {  	_ =	shalt  }
0x5e: {  	_ =	shalt  }
0x5f: {  	_ =	shalt  }
0x60: {  	_ =	shalt  }
0x61: {  	_ =	shalt  }
0x62: {  	_ =	shalt  }
0x63: {  	_ =	shalt  }
0x64: {  	_ =	shalt  }
0x65: {  	_ =	shalt  }
0x66: {  	_ =	shalt  }
0x67: {  	_ =	shalt  }
0x68: {  	_ =	shalt  }
0x69: {  	_ =	shalt  }
0x6a: {  	_ =	shalt  }
0x6b: {  	_ =	shalt  }
0x6c: {  	_ =	shalt  }
0x6d: {  	_ =	shalt  }
0x6e: {  	_ =	shalt  }
0x6f: {  	_ =	shalt  }
0x70: {  	_ =	shalt  }
0x71: {  	_ =	shalt  }
0x72: {  	_ =	shalt  }
0x73: {  	_ =	shalt  }
0x74: {  	_ =	shalt  }
0x75: {  	_ =	shalt  }
0x76: {  	_ =	shalt  }
0x77: {  	_ =	shalt  }
0x78: {  	_ =	shalt  }
0x79: {  	_ =	shalt  }
0x7a: {  	_ =	shalt  }
0x7b: {  	_ =	shalt  }
0x7c: {  	_ =	shalt  }
0x7d: {  	_ =	shalt  }
0x7e: {  	_ =	shalt  }
0x7f: {  	_ =	shalt  }
0x80: {  	_ =	shalt  }
0x81: {  	_ =	shalt  }
0x82: {  	_ =	shalt  }
0x83: {  	_ =	shalt  }
0x84: {  	_ =	shalt  }
0x85: {  	_ =	shalt  }
0x86: {  	_ =	shalt  }
0x87: {  	_ =	shalt  }
.Lfunc_end0:
.L_simem_size_0:
called_computation.9_lowered:
.L_overlay_start_0:
0x88: {  	s2 =	sld [smem:$0x3FD9]  }
0x89: {  	s3 =	sld [smem:$0x3FFE];
	_ =	sdelay $0x1  }
0x8a: {  	s1 =	srdreg.scid  }
0x8b: {  	s0 =	sand.u32 $0x1, s1  }
0x8c: {  	s17 =	sshll.u32 s0, $0xA;
	s2 =	sadd.s32 s3, s2  }
0x8d: {  	s2 =	sadd.s32 s2, s17  }
0x8e: {  	[smem:$0x3F8D] =	sst s2  }
0x8f: {  	_ = 	snop  }
0x90: {  	s18 =	sld [smem:$0x3FD0];
	(tm) =	ssettm $0x1  }
0x91: {  	s19 =	sld [smem:$0x3FFB];
	_ =	sdelay $0x3  }
0x92: {  	_ =	strace s19  }
0x93: {  	s2 =	sld [smem:$0x3FFC];
	_ =	sdelay $0x3  }
0x94: {  	_ =	strace s2  }
0x95: {  	s2 =	sld [smem:$0x3FFD];
	_ =	sdelay $0x3  }
0x96: {  	_ =	strace s2  }
0x97: {  	_ =	strace $0x8FFFFFFF  }
0x98: {  	s20 =	sld [smem:$0x3FDB];
	_ =	sdelay $0x1  }
0x99: {  	s4 =	simm.s32 $_scs_section_size  }
0x9a: {  	s5 =	simm.s32 $_size__tile_overlayer_lowered;
	s6 =	simm.s32 $_tile_overlayer_lowered  }
0x9b: {  	s7 =	simm.s32 $0x1BFF;
	s21 =	sshll.u32 s6, $0x1;
	s4 =	sadd.s32 s4, s20  }
0x9c: {  	s22 =	simm.s32 $0x0;
	s5 =	sshll.u32 s5, $0x1;
	s6 =	sadd.s32 s21, s4  }
0x9d: {  	[timem:s22], [sflag:s7] =	dma.local [hbm:s6], s5  }
0x9e: {  	_ =	swait.ge [sflag:s7], s5  }
0x9f: {  	s5 =	ssub.s32 $0x0, s5;
	[sflag:s7] =	ssyncset.done $0x0  }
0xa0: {  	[sflag:s7] =	ssyncadd.s32 s5;
	_ =	sdelay $0x1  }
0xa1: {  	s23 =	simm.s32 $0x1B8B  }
0xa2: {  	_ =	swait.ge [sflag:s23], $0x1  }
0xa3: {  	[sflag:s23] =	ssyncset.done $0x0  }
0xa4: {  	[sflag:s23] =	ssyncadd.s32 $0xFFFFFFFF  }
0xa5: {  	s5 =	sld [smem:$0x0]  }
0xa6: {  	s6 =	sand.u32 $0xFFFFFFFE, s1  }
0xa7: {  	p0 =	sne.s32 s1, s6  }
0xa8: {  	s6 =	sshll.u32 @p0 s6, $0xE  }
0xa9: {  	s6 =	sadd.s32 @p0 $0x11B8D, s6;
	s7 =	sshll.u32 @p0 s5, $0x11  }
0xaa: {  	s6 =	sor.u32 @p0 s7, s6  }
0xab: {  	[sflag:s6] =	ssyncadd.remote.s32 @p0 $0x1;
	_ =	sdelay $0x1  }
0xac: {  	s6 =	simm.s32 @p0 $0x1B8D  }
0xad: {  	_ =	swait.eq @p0 [sflag:s6], $0x1  }
0xae: {  	[sflag:s6] =	ssyncadd.s32 @p0 $0xFFFFFFFF  }
0xaf: {  	s7 =	sshll.u32 @!p0 s1, $0xE  }
0xb0: {  	s7 =	sor.u32 @!p0 $0x4000, s7;
	s6 =	simm.s32 @!p0 $0x1B8D  }
0xb1: {  	s5 =	sshll.u32 @!p0 s5, $0x11;
	s7 =	sadd.s32 @!p0 $0x11B8D, s7;
	_ =	swait.eq @!p0 [sflag:s6], $0x1  }
0xb2: {  	s5 =	sor.u32 @!p0 s5, s7;
	[sflag:s6] =	ssyncadd.s32 @!p0 $0xFFFFFFFF  }
0xb3: {  	s25 =	simm.s32 $0x1B8E;
	s24 =	sld [smem:$0x3FFE];
	[sflag:s5] =	ssyncadd.remote.s32 @!p0 $0x1  }
0xb4: {  	s26 =	simm.s32 $execute0_lowered;
	[smem:$0x3FD2] =	sst s25  }
0xb5: {  	s6 =	sshll.u32 s26, $0x1;
	_ =	strace $0x8000004C;
	[dreg:$0x1] =	wrdreg $0xFFFFFFFF  }
0xb6: {  	s28 =	simm.s32 $_size_execute0_lowered;
	s4 =	sadd.s32 s4, s6;
	[dreg:$0x0] =	wrdreg $0x0  }
0xb7: {  	s6 =	sshll.u32 s28, $0x1;
	[dreg:$0x2] =	wrdreg s4  }
0xb8: {  	[dreg:$0x3] =	wrdreg s6  }
0xb9: {  	[dreg:$0x4] =	wrdreg $0xC0  }
0xba: {  	_ =	task [dreg:s22], $0x5FFFF  }
0xbb: {  	[dreg:$0x1] =	wrdreg $0xFFFFFFFF  }
0xbc: {  	[dreg:$0x0] =	wrdreg $0x60  }
0xbd: {  	[dreg:$0x2] =	wrdreg s18  }
0xbe: {  	[dreg:$0x3] =	wrdreg s24  }
0xbf: {  	[dreg:$0x4] =	wrdreg $0xA  }
0xc0: {  	_ =	task.clear_ibuf [dreg:s22], $0x5FFFF;
	_ =	strace $0x9000004C  }
0xc1: {  	s29 =	simm.s32 $0xA;
	_ =	strace $0x8000004E  }
0xc2: {  	_ =	swait.ge [sflag:s29], $0x1  }
0xc3: {  	[sflag:s29] =	ssyncadd.s32 $0xFFFFFFFF  }
0xc4: {  	_ =	strace $0x9000004E  }
0xc5: {  	_ =	sfence  }
0xc6: {  	s30 =	sld [smem:$0x0];
	_ =	sdelay $0x2  }
0xc7: {  	s31 =	sshll.u32 s1, $0xD;
	s1 =	sshrl.u32 s1, $0x2  }
0xc8: {  	s4 =	sand.u32 $0x4000, s31;
	s1 =	sadd.s32 s1, s30  }
0xc9: {  	s0 =	sor.u32 s4, s0;
	s1 =	sshll.u32 s1, $0x11  }
0xca: {  	s0 =	sor.u32 s1, s0  }
0xcb: {  	s0 =	sadd.s32 $0x8F2B, s0  }
0xcc: {  	[sflag:s0] =	ssyncadd.remote.s32 $0x1  }
0xcd: {  	_ =	sfence.sel $0xFFFF  }
0xce: {  	[dreg:$0x0] =	wrdreg $0xFFFFFFFF;
	(pc) =	sbr.abs _section_cstart, $3  }
0xcf: {  	[dreg:$0x1] =	wrdreg $0xFFFFFFFF  }
0xd0: {  	_ =	task.clear_ibuf [dreg:s22], $0x2FFFF;
	_ =	strace $0x9FFFFFFF  }
0xd1: {  	(tm) =	ssettm $0x7FFFFFFF  }
tec
execute0_lowered:
.L_overlay_start_1:
0x0: {  	(tag) =	ssettag $0x1  }
0x1: {  	s1 =	rddreg [dreg:$0x0]  }
0x2: {  	s6 =	rddreg [dreg:$0x1]  }
0x3: {  	s0 =	rddreg [dreg:$0x2]  }
0x4: {  	s3 =	simm.s32 $0x0;
	s4 =	srdreg.scid;
	s2 =	stileid.u32  }
0x5: {  	s12 =	simm.s32 $0x2;
	s13 =	simm.s32 $0x80;
	s14 =	simm.s32 $0x100  }
0x6: {  	s15 =	simm.s32 $0x4100;
	s16 =	simm.s32 $0x8100;
	s8 =	smul.u32 $0x6400, s2  }
0x7: {  	s17 =	simm.s32 $0x1;
	s7 =	sand.u32 $0x1, s4;
	s10 =	smul.u32 $0x64000, s2  }
0x8: {  	[smem:$0x7FF] =	sst s3;
	s4 =	sadd.s32 $0x4400, s6;
	s9 =	smul.u32 $0x3200, s7  }
0x9: {  	s5 =	sadd.s32 $0x12FA600, s6;
	s11 =	ssub.s32 $0x2, s7;
	s7 =	smul.u32 $0x32000, s7  }
0xa: {  	_ =	strace $0x8000004D;
	s10 =	sadd.s32 s10, s6;
	s8 =	sadd.s32 s9, s8  }
0xb: {  	s29 =	sshrl.u32 s11, $0x1;
	s31 =	sadd.s32 s7, s10;
	s8 =	sshrl.u32 s8, $0x3  }
0xc: {  	s9 =	ssub.s32 s11, s29;
	s7 =	sadd.s32 $0x1481000, s31;
	s30 =	sadd.s32 s8, s6  }
0xd: {  	s6 =	smax.u32 s9, $0x1;
	s8 =	sadd.s32 $0x2101000, s31;
	s9 =	sadd.s32 $0x1AC1000, s31  }
0xe: {  	s18 =	simm.s32 $0x0;
	s10 =	sadd.s32 $0x1CAC00, s30;
	s11 =	sadd.s32 $0x1D7400, s30  }
.LBB2_1:
0xf: {  	[tilespmem:s3], [sflag:$0x2] =	stream.linear.gather [hbm4b:s11+s3], $0x80, $0x38;
	[tilespmem:$0xC100] =	vst v63  }
0x10: {  	_ =	swait.ge [sflag:s12], $0x80  }
0x11: {  	[sflag:s12] =	ssyncset.done $0x0  }
0x12: {  	[sflag:s12] =	ssyncadd.s32 $0xFFFFFF80  }
0x13: {  	[tilespmem:s13], [sflag:$0x2] =	stream.linear.gather [hbm4b:s10+s3], $0x80, $0x38;
	[tilespmem:$0xC100] =	vst v63  }
0x14: {  	_ =	swait.ge [sflag:s12], $0x80  }
0x15: {  	[sflag:s12] =	ssyncset.done $0x0  }
0x16: {  	[sflag:s12] =	ssyncadd.s32 $0xFFFFFF80  }
0x17: {  	[tilespmem:s14], [sflag:$0x1] =	stream.indirect.gather [hbm4b:s1+s13], $0x80, s3, s13, $0xb8;
	[tilespmem:$0xC100] =	vst v63  }
0x18: {  	_ = 	snop  }
0x19: {  	[tilespmem:s15], [sflag:$0x1] =	stream.indirect.gather [hbm4b:s4+s13], $0x80, s3, s13, $0xb8;
	[tilespmem:$0xC100] =	vst v63  }
0x1a: {  	_ = 	snop  }
0x1b: {  	[tilespmem:s16], [sflag:$0x1] =	stream.indirect.gather [hbm4b:s5+s13], $0x80, s13, s13, $0xb8;
	[tilespmem:$0xC100] =	vst v63  }
0x1c: {  	_ =	swait.ge [sflag:s17], $0x4000  }
0x1d: {  	[sflag:s17] =	ssyncset.done $0x0  }
0x1e: {  	[sflag:s17] =	ssyncadd.s32 $0xFFFFC000  }
0x1f: {  	_ =	swait.ge [sflag:s17], $0x4000  }
0x20: {  	[sflag:s17] =	ssyncset.done $0x0  }
0x21: {  	[sflag:s17] =	ssyncadd.s32 $0xFFFFC000  }
0x22: {  	_ =	swait.ge [sflag:s17], $0x4000  }
0x23: {  	[sflag:s17] =	ssyncset.done $0x0  }
0x24: {  	s19 =	sadd.s32 $0x0, s7;
	[sflag:s17] =	ssyncadd.s32 $0xFFFFC000  }
0x25: {  	[hbm4b:s19+s3] =	stream.linear.scatter [tilespmem:s14], [sflag:$0x2], $0x4000, $0x38;
	[tilespmem:$0xC100] =	vst v63  }
0x26: {  	_ =	swait.ge [sflag:s12], $0x4000  }
0x27: {  	[sflag:s12] =	ssyncset.done $0x0  }
0x28: {  	s30 =	sadd.s32 $0x0, s8;
	[sflag:s12] =	ssyncadd.s32 $0xFFFFC000  }
0x29: {  	[hbm4b:s30+s3] =	stream.linear.scatter [tilespmem:s15], [sflag:$0x2], $0x4000, $0x38;
	[tilespmem:$0xC100] =	vst v63  }
0x2a: {  	_ =	swait.ge [sflag:s12], $0x4000  }
0x2b: {  	[sflag:s12] =	ssyncset.done $0x0  }
0x2c: {  	s31 =	sadd.s32 $0x0, s9;
	[sflag:s12] =	ssyncadd.s32 $0xFFFFC000  }
0x2d: {  	[hbm4b:s31+s3] =	stream.linear.scatter [tilespmem:s16], [sflag:$0x2], $0x4000, $0x38;
	[tilespmem:$0xC100] =	vst v63  }
0x2e: {  	s20 =	smov.u32 s10;
	_ =	swait.ge [sflag:s12], $0x4000  }
0x2f: {  	s21 =	smov.u32 s11;
	s19 =	simm.s32 $0x800;
	[sflag:s12] =	ssyncset.done $0x0  }
.LBB2_2:
0x30: {  	[sflag:s12] =	ssyncadd.s32 $0xFFFFC000  }
0x31: {  	s20 =	sadd.s32 $0x10, s20;
	s21 =	sadd.s32 $0x10, s21;
	s22 =	smov.u32 s19  }
0x32: {  	[tilespmem:s3], [sflag:$0x2] =	stream.linear.gather [hbm4b:s21+s3], $0x80, $0x38;
	[tilespmem:$0xC100] =	vst v63  }
0x33: {  	p0 =	sne.s32 s19, $0x31800;
	s19 =	sadd.s32 $0x800, s19;
	_ =	swait.ge [sflag:s12], $0x80  }
0x34: {  	[sflag:s12] =	ssyncset.done $0x0  }
0x35: {  	[sflag:s12] =	ssyncadd.s32 $0xFFFFFF80  }
0x36: {  	[tilespmem:s13], [sflag:$0x2] =	stream.linear.gather [hbm4b:s20+s3], $0x80, $0x38;
	[tilespmem:$0xC100] =	vst v63  }
0x37: {  	_ =	swait.ge [sflag:s12], $0x80  }
0x38: {  	[sflag:s12] =	ssyncset.done $0x0  }
0x39: {  	[sflag:s12] =	ssyncadd.s32 $0xFFFFFF80  }
0x3a: {  	[tilespmem:s14], [sflag:$0x1] =	stream.indirect.gather [hbm4b:s1+s13], $0x80, s3, s13, $0xb8;
	[tilespmem:$0xC100] =	vst v63  }
0x3b: {  	_ = 	snop  }
0x3c: {  	[tilespmem:s15], [sflag:$0x1] =	stream.indirect.gather [hbm4b:s4+s13], $0x80, s3, s13, $0xb8;
	[tilespmem:$0xC100] =	vst v63  }
0x3d: {  	_ = 	snop  }
0x3e: {  	[tilespmem:s16], [sflag:$0x1] =	stream.indirect.gather [hbm4b:s5+s13], $0x80, s13, s13, $0xb8;
	[tilespmem:$0xC100] =	vst v63  }
0x3f: {  	_ =	swait.ge [sflag:s17], $0x4000  }
0x40: {  	[sflag:s17] =	ssyncset.done $0x0  }
0x41: {  	[sflag:s17] =	ssyncadd.s32 $0xFFFFC000  }
0x42: {  	_ =	swait.ge [sflag:s17], $0x4000  }
0x43: {  	[sflag:s17] =	ssyncset.done $0x0  }
0x44: {  	[sflag:s17] =	ssyncadd.s32 $0xFFFFC000  }
0x45: {  	_ =	swait.ge [sflag:s17], $0x4000  }
0x46: {  	[sflag:s17] =	ssyncset.done $0x0  }
0x47: {  	s23 =	sadd.s32 s22, s7;
	[sflag:s17] =	ssyncadd.s32 $0xFFFFC000  }
0x48: {  	[hbm4b:s23+s3] =	stream.linear.scatter [tilespmem:s14], [sflag:$0x2], $0x4000, $0x38;
	[tilespmem:$0xC100] =	vst v63  }
0x49: {  	_ =	swait.ge [sflag:s12], $0x4000  }
0x4a: {  	[sflag:s12] =	ssyncset.done $0x0  }
0x4b: {  	s23 =	sadd.s32 s22, s8;
	[sflag:s12] =	ssyncadd.s32 $0xFFFFC000  }
0x4c: {  	[hbm4b:s23+s3] =	stream.linear.scatter [tilespmem:s15], [sflag:$0x2], $0x4000, $0x38;
	[tilespmem:$0xC100] =	vst v63  }
0x4d: {  	_ =	swait.ge [sflag:s12], $0x4000  }
.Ltmp0:
0x4e: {  	[sflag:s12] =	ssyncset.done $0x0;
	(pc) =	sbr.rel @p0 .LBB2_2-.Ltmp0, $4  }
0x4f: {  	s22 =	sadd.s32 s22, s9;
	[sflag:s12] =	ssyncadd.s32 $0xFFFFC000  }
0x50: {  	[hbm4b:s22+s3] =	stream.linear.scatter [tilespmem:s16], [sflag:$0x2], $0x4000, $0x38;
	[tilespmem:$0xC100] =	vst v63  }
0x51: {  	_ =	swait.ge [sflag:s12], $0x4000  }
0x52: {  	[sflag:s12] =	ssyncset.done $0x0  }
0x53: {  	s18 =	sadd.s32 $0x1, s18  }
0x54: {  	p0 =	sne.s32 s18, s6  }
.Ltmp1:
0x55: {  	_ = 	snop;
	(pc) =	sbr.rel @p0 .LBB2_1-.Ltmp1, $2  }
0x56: {  	_ =	sdelay $0x2  }
0x57: {  	[sflag:s12] =	ssyncadd.s32 $0xFFFFC000  }
0x58: {  	_ =	sfence.sel $0x180000  }
0x59: {  	[bflag:$0x0] =	sbarrier.arrive $0xFFFF  }
0x5a: {  	p0 =	sne.s32 s2, $0x0;
	_ =	strace $0x9000004D  }
0x5b: {  	s0 =	sadd.s32 @!p0 $0x100000, s0;
	[bflag:$0x2] =	sbarrier.arrive $0xFFFF  }
0x5c: {  	[sflag:s0] =	ssyncadd.tile.s32 @!p0 $0x1;
	_ =	shalt  }
.Lfunc_end2:
_tile_overlayer_lowered:
.L_overlay_start_2:
0x5d: {  	(tag) =	ssettag $0x2  }
0x5e: {  	s0 =	rddreg [dreg:$0x0];
	s2 =	stileid.u32  }
0x5f: {  	s1 =	rddreg [dreg:$0x1];
	p0 =	sne.s32 s2, $0x0  }
0x60: {  	s3 =	rddreg [dreg:$0x2];
	[bflag:$0x3] =	sbarrier.arrive $0xFFFF;
	s2 =	simm.s32 @!p0 $0x1C02  }
0x61: {  	[timem:s3], [sflag:s2] =	dma.local @!p0 [hbm:s0], s1  }
0x62: {  	s0 =	simm.s32 @!p0 $0x2  }
0x63: {  	_ =	swait.ge @!p0 [sflag:s0], s1  }
0x64: {  	s1 =	ssub.s32 @!p0 $0x0, s1;
	[sflag:s0] =	ssyncset.done @!p0 $0x0  }
0x65: {  	[sflag:s0] =	ssyncadd.s32 @!p0 s1  }
0x66: {  	[bflag:$0x3] =	sbarrier.arrive $0xFFFF  }
0x67: {  	_ =	shalt  }

// kernel: kernel.8.cloned.1.call-start
scs
__scs_entry_jumppad:
0x0: {  	(pc) =	sbr.rel $0x88, $3  }
0x1: {  	(tag) =	ssettag $0x0;
	lr =	simm.s32 $0x1  }
0x2: {  	[smem:$0x3F66] =	sst lr;
	_ =	strace $0xD0000000  }
0x3: {  	_ = 	snop  }
0x4: {  	_ = 	snop  }
0x5: {  	_ = 	snop  }
0x6: {  	_ = 	snop  }
0x7: {  	_ = 	snop  }
__scs_overlays_trampoline_lowered:
0x8: {  	[smem:$0x3F75] =	sst s0  }
0x9: {  	[smem:$0x3F76] =	sst s1  }
0xa: {  	[smem:$0x3F77] =	sst s2  }
0xb: {  	[smem:$0x3F78] =	sst s3  }
0xc: {  	[smem:$0x3F79] =	sst s4  }
0xd: {  	[smem:$0x3F7A] =	sst s5  }
0xe: {  	[smem:$0x3F7B] =	sst s6  }
0xf: {  	[smem:$0x3F7C] =	sst s7  }
0x10: {  	[smem:$0x3F7D] =	sst s8  }
0x11: {  	[smem:$0x3F7E] =	sst s9;
	s0 =	simm.s32 @!p0 $0x0  }
0x12: {  	s1 =	sld [smem:$0x3F64];
	s0 =	simm.s32 @p0 $0x1  }
0x13: {  	[smem:$0x3F7F] =	sst s0;
	s0 =	simm.s32 @!p1 $0x0  }
0x14: {  	s2 =	sld [smem:$0x3F63];
	s0 =	simm.s32 @p1 $0x1  }
0x15: {  	[smem:$0x3F80] =	sst s0;
	s0 =	simm.s32 @!p2 $0x0  }
0x16: {  	s3 =	sld [smem:$0x3FDB];
	s0 =	simm.s32 @p2 $0x1  }
0x17: {  	s4 =	simm.s32 $0x1BF5;
	[smem:$0x3F82] =	sst s0  }
0x18: {  	s0 =	sld [smem:$0x3F65];
	_ =	swait.ge [sflag:s4], $0x0  }
0x19: {  	s7 =	sld [smem:$0x3F66]  }
0x1a: {  	s8 =	sadd.s32 $0xFFFFE003, lr  }
0x1b: {  	s9 =	sadd.s32 $0xFFFFFEF7, lr;
	s5 =	simm.s32 $0xFFFFFFFF;
	p2 =	slt.u32 s8, $0xFFFFF086  }
0x1c: {  	p1 =	slt.u32 s9, $0xF7A;
	s5 =	simm.s32 @!p2 $0x0  }
0x1d: {  	s5 =	simm.s32 @p1 $0x1;
	p0 =	seq.s32 s7, s2  }
0x1e: {  	s7 =	smul.u32 @!p0 $0xF7A, s2;
	p2 =	seq.s32 @!p0 s5, $0x0  }
0x1f: {  	s9 =	smul.u32 $0xF7A, s1;
	s8 =	simm.s32 @!p0 $0x1BF5;
	p2 =	por !p2, p0  }
0x20: {  	[sflag:s8] =	ssyncset.s32 @!p0 $0xFFFFF086;
	s6 =	sadd.s32 @!p0 s3, s7;
	s7 =	simm.s32 @!p0 $0x108  }
0x21: {  	s3 =	sadd.s32 s3, s9;
	s6 =	sadd.s32 @!p0 $0x88, s6;
	s7 =	simm.s32 @p2 $0x1082  }
0x22: {  	[simem:s7], [sflag:s8] =	dma.local @!p0 [hbm:s6], $0xF7A  }
0x23: {  	s9 =	sor.u32 $0xD0000000, s2;
	s6 =	simm.s32 $0x108;
	_ =	swait.ge @!p0 [sflag:s8], $0x0  }
0x24: {  	s3 =	sadd.s32 $0x88, s3;
	s6 =	simm.s32 @!p1 $0x1082;
	[sflag:s4] =	ssyncset.s32 $0xFFFFF086  }
0x25: {  	[simem:s6], [sflag:s4] =	dma.local [hbm:s3], $0xF7A  }
0x26: {  	[smem:$0x3F66] =	sst s1;
	(tag) =	ssettag s2;
	_ =	strace s9  }
0x27: {  	s1 =	sld [smem:$0x3F76]  }
0x28: {  	s2 =	sld [smem:$0x3F77]  }
0x29: {  	s4 =	sld [smem:$0x3F79]  }
0x2a: {  	p0 =	seq.s32 s5, $0x0;
	s5 =	sld [smem:$0x3F7A]  }
0x2b: {  	s6 =	sld [smem:$0x3F7B]  }
0x2c: {  	s7 =	sld [smem:$0x3F7C]  }
0x2d: {  	s3 =	simm.s32 $0x108;
	s8 =	sld [smem:$0x3F7D]  }
0x2e: {  	s3 =	simm.s32 @!p0 $0x1082;
	s9 =	sld [smem:$0x3F7E]  }
0x2f: {  	lr =	sadd.s32 s0, s3;
	s0 =	sld [smem:$0x3F75]  }
0x30: {  	s3 =	sld [smem:$0x3F78]  }
0x31: {  	[smem:$0x3F81] =	sst s10  }
0x32: {  	s10 =	sld [smem:$0x3F7F];
	_ =	sdelay $0x3  }
0x33: {  	p0 =	seq.s32 s10, $0x1;
	s10 =	sld [smem:$0x3F81];
	_ =	sdelay $0x3  }
0x34: {  	[smem:$0x3F81] =	sst s10  }
0x35: {  	s10 =	sld [smem:$0x3F80];
	_ =	sdelay $0x3  }
0x36: {  	p1 =	seq.s32 s10, $0x1;
	s10 =	sld [smem:$0x3F81];
	_ =	sdelay $0x3  }
0x37: {  	[smem:$0x3F81] =	sst s10  }
0x38: {  	s10 =	sld [smem:$0x3F82]  }
0x39: {  	_ = 	snop;
	(pc) =	sbr.ind lr, $3  }
0x3a: {  	_ = 	snop  }
0x3b: {  	_ = 	snop  }
0x3c: {  	p2 =	seq.s32 s10, $0x1;
	s10 =	sld [smem:$0x3F81]  }
0x3d: {  	_ =	shalt  }
0x3e: {  	_ =	shalt  }
0x3f: {  	_ =	shalt  }
0x40: {  	_ =	shalt  }
0x41: {  	_ =	shalt  }
0x42: {  	_ =	shalt  }
0x43: {  	_ =	shalt  }
0x44: {  	_ =	shalt  }
0x45: {  	_ =	shalt  }
0x46: {  	_ =	shalt  }
0x47: {  	_ =	shalt  }
0x48: {  	_ =	shalt  }
0x49: {  	_ =	shalt  }
0x4a: {  	_ =	shalt  }
0x4b: {  	_ =	shalt  }
0x4c: {  	_ =	shalt  }
0x4d: {  	_ =	shalt  }
0x4e: {  	_ =	shalt  }
0x4f: {  	_ =	shalt  }
0x50: {  	_ =	shalt  }
0x51: {  	_ =	shalt  }
0x52: {  	_ =	shalt  }
0x53: {  	_ =	shalt  }
0x54: {  	_ =	shalt  }
0x55: {  	_ =	shalt  }
0x56: {  	_ =	shalt  }
0x57: {  	_ =	shalt  }
0x58: {  	_ =	shalt  }
0x59: {  	_ =	shalt  }
0x5a: {  	_ =	shalt  }
0x5b: {  	_ =	shalt  }
0x5c: {  	_ =	shalt  }
0x5d: {  	_ =	shalt  }
0x5e: {  	_ =	shalt  }
0x5f: {  	_ =	shalt  }
0x60: {  	_ =	shalt  }
0x61: {  	_ =	shalt  }
0x62: {  	_ =	shalt  }
0x63: {  	_ =	shalt  }
0x64: {  	_ =	shalt  }
0x65: {  	_ =	shalt  }
0x66: {  	_ =	shalt  }
0x67: {  	_ =	shalt  }
0x68: {  	_ =	shalt  }
0x69: {  	_ =	shalt  }
0x6a: {  	_ =	shalt  }
0x6b: {  	_ =	shalt  }
0x6c: {  	_ =	shalt  }
0x6d: {  	_ =	shalt  }
0x6e: {  	_ =	shalt  }
0x6f: {  	_ =	shalt  }
0x70: {  	_ =	shalt  }
0x71: {  	_ =	shalt  }
0x72: {  	_ =	shalt  }
0x73: {  	_ =	shalt  }
0x74: {  	_ =	shalt  }
0x75: {  	_ =	shalt  }
0x76: {  	_ =	shalt  }
0x77: {  	_ =	shalt  }
0x78: {  	_ =	shalt  }
0x79: {  	_ =	shalt  }
0x7a: {  	_ =	shalt  }
0x7b: {  	_ =	shalt  }
0x7c: {  	_ =	shalt  }
0x7d: {  	_ =	shalt  }
0x7e: {  	_ =	shalt  }
0x7f: {  	_ =	shalt  }
0x80: {  	_ =	shalt  }
0x81: {  	_ =	shalt  }
0x82: {  	_ =	shalt  }
0x83: {  	_ =	shalt  }
0x84: {  	_ =	shalt  }
0x85: {  	_ =	shalt  }
0x86: {  	_ =	shalt  }
0x87: {  	_ =	shalt  }
.Lfunc_end0:
.L_simem_size_0:
called_computation.7_lowered:
.L_overlay_start_0:
0x88: {  	s2 =	sld [smem:$0x3FD9]  }
0x89: {  	s3 =	sld [smem:$0x3FFE];
	_ =	sdelay $0x1  }
0x8a: {  	s1 =	srdreg.scid  }
0x8b: {  	s0 =	sand.u32 $0x1, s1  }
0x8c: {  	s16 =	sshll.u32 s0, $0xA;
	s2 =	sadd.s32 s3, s2  }
0x8d: {  	s2 =	sadd.s32 s2, s16  }
0x8e: {  	[smem:$0x3F8D] =	sst s2  }
0x8f: {  	_ = 	snop  }
0x90: {  	(tm) =	ssettm $0x1  }
0x91: {  	s17 =	sld [smem:$0x3FFB];
	_ =	sdelay $0x3  }
0x92: {  	_ =	strace s17  }
0x93: {  	s2 =	sld [smem:$0x3FFC];
	_ =	sdelay $0x3  }
0x94: {  	_ =	strace s2  }
0x95: {  	s2 =	sld [smem:$0x3FFD];
	_ =	sdelay $0x3  }
0x96: {  	_ =	strace s2  }
0x97: {  	_ =	strace $0x8FFFFFFF  }
0x98: {  	s18 =	sld [smem:$0x3FDB];
	_ =	sdelay $0x1  }
0x99: {  	s19 =	simm.s32 $_scs_section_size  }
0x9a: {  	s4 =	simm.s32 $_size__tile_overlayer_lowered;
	s5 =	simm.s32 $_tile_overlayer_lowered  }
0x9b: {  	s22 =	simm.s32 $0x1BFF;
	s21 =	sshll.u32 s5, $0x1;
	s2 =	sadd.s32 s19, s18  }
0x9c: {  	s6 =	simm.s32 $0x0;
	s20 =	sshll.u32 s4, $0x1;
	s4 =	sadd.s32 s21, s2  }
0x9d: {  	[timem:s6], [sflag:s22] =	dma.local [hbm:s4], s20  }
0x9e: {  	_ =	swait.ge [sflag:s22], s20  }
0x9f: {  	s3 =	ssub.s32 $0x0, s20;
	[sflag:s22] =	ssyncset.done $0x0  }
0xa0: {  	[sflag:s22] =	ssyncadd.s32 s3;
	_ =	sdelay $0x1  }
0xa1: {  	s23 =	simm.s32 $0x1B8B  }
0xa2: {  	_ =	swait.ge [sflag:s23], $0x1  }
0xa3: {  	[sflag:s23] =	ssyncset.done $0x0  }
0xa4: {  	s25 =	simm.s32 $0x1B8E;
	s24 =	sld [smem:$0x3FFE];
	[sflag:s23] =	ssyncadd.s32 $0xFFFFFFFF  }
0xa5: {  	s26 =	simm.s32 $execute0_lowered;
	[smem:$0x3FD2] =	sst s25  }
0xa6: {  	s4 =	sshll.u32 s26, $0x1;
	_ =	strace $0x80000046;
	[dreg:$0x1] =	wrdreg $0xFFFFFFFF  }
0xa7: {  	s28 =	simm.s32 $_size_execute0_lowered;
	s2 =	sadd.s32 s2, s4;
	[dreg:$0x0] =	wrdreg $0x0  }
0xa8: {  	s4 =	sshll.u32 s28, $0x1;
	[dreg:$0x2] =	wrdreg s2  }
0xa9: {  	[dreg:$0x3] =	wrdreg s4  }
0xaa: {  	[dreg:$0x4] =	wrdreg $0xC0  }
0xab: {  	_ =	task [dreg:s6], $0x5FFFF  }
0xac: {  	[dreg:$0x1] =	wrdreg $0xFFFFFFFF  }
0xad: {  	[dreg:$0x0] =	wrdreg $0x60  }
0xae: {  	[dreg:$0x2] =	wrdreg s24  }
0xaf: {  	[dreg:$0x3] =	wrdreg $0xA  }
0xb0: {  	_ =	task.clear_ibuf [dreg:s6], $0x4FFFF;
	_ =	strace $0x90000046  }
0xb1: {  	s29 =	simm.s32 $0xA;
	_ =	strace $0x80000048  }
0xb2: {  	_ =	swait.ge [sflag:s29], $0x1  }
0xb3: {  	[sflag:s29] =	ssyncadd.s32 $0xFFFFFFFF  }
0xb4: {  	_ =	strace $0x90000048  }
0xb5: {  	_ =	sfence  }
0xb6: {  	s30 =	sld [smem:$0x0];
	_ =	sdelay $0x2  }
0xb7: {  	s31 =	sshll.u32 s1, $0xD;
	s1 =	sshrl.u32 s1, $0x2  }
0xb8: {  	s3 =	sand.u32 $0x4000, s31;
	s1 =	sadd.s32 s1, s30  }
0xb9: {  	s0 =	sor.u32 s3, s0;
	s1 =	sshll.u32 s1, $0x11  }
0xba: {  	s0 =	sor.u32 s1, s0  }
0xbb: {  	s0 =	sadd.s32 $0x8F2B, s0  }
0xbc: {  	[sflag:s0] =	ssyncadd.remote.s32 $0x1  }
0xbd: {  	_ =	sfence.sel $0xFFFF  }
0xbe: {  	[dreg:$0x0] =	wrdreg $0xFFFFFFFF;
	(pc) =	sbr.abs _section_cstart, $3  }
0xbf: {  	[dreg:$0x1] =	wrdreg $0xFFFFFFFF  }
0xc0: {  	_ =	task.clear_ibuf [dreg:s6], $0x2FFFF;
	_ =	strace $0x9FFFFFFF  }
0xc1: {  	(tm) =	ssettm $0x7FFFFFFF  }
tec
execute0_lowered:
.L_overlay_start_1:
0x0: {  	(tag) =	ssettag $0x1  }
0x1: {  	s4 =	rddreg [dreg:$0x0]  }
0x2: {  	s0 =	rddreg [dreg:$0x1];
	s2 =	simm.s32 $0x0;
	s1 =	stileid.u32  }
0x3: {  	s3 =	srdreg.scid;
	s10 =	simm.s32 $0x0;
	s6 =	smul.u32 $0x1900, s1  }
0x4: {  	[smem:$0x7FF] =	sst s2;
	s5 =	sand.u32 $0x1, s3;
	s8 =	smul.u32 $0x19000, s1  }
0x5: {  	s3 =	sadd.s32 $0x4400, s4;
	s7 =	smul.u32 $0xC80, s5;
	s9 =	ssub.s32 $0x2, s5  }
0x6: {  	_ =	strace $0x80000047;
	s5 =	smul.u32 $0xC800, s5;
	s31 =	sshrl.u32 s9, $0x1  }
0x7: {  	s8 =	sadd.s32 s8, s4;
	s6 =	sadd.s32 s7, s6;
	s7 =	ssub.s32 s9, s31  }
0x8: {  	s5 =	sadd.s32 s5, s8;
	s8 =	simm.s32 $0x80;
	s6 =	sshrl.u32 s6, $0x3  }
0x9: {  	s9 =	simm.s32 $0x1;
	s5 =	sadd.s32 $0x2E800, s5;
	s6 =	sadd.s32 s6, s4  }
0xa: {  	s4 =	smax.u32 s7, $0x1;
	s7 =	simm.s32 $0x2;
	s6 =	sadd.s32 $0x2B600, s6  }
.LBB2_1:
0xb: {  	s11 =	sadd.s32 $0x0, s6  }
0xc: {  	[tilespmem:s2], [sflag:$0x2] =	stream.linear.gather [hbm4b:s11+s2], $0x80, $0x38;
	[tilespmem:$0x4080] =	vst v63  }
0xd: {  	_ =	swait.ge [sflag:s7], $0x80  }
0xe: {  	[sflag:s7] =	ssyncset.done $0x0  }
0xf: {  	[sflag:s7] =	ssyncadd.s32 $0xFFFFFF80  }
0x10: {  	[tilespmem:s8], [sflag:$0x1] =	stream.indirect.gather [hbm4b:s3+s8], $0x80, s2, s8, $0xb8;
	[tilespmem:$0x4080] =	vst v63  }
0x11: {  	_ =	swait.ge [sflag:s9], $0x4000  }
0x12: {  	[sflag:s9] =	ssyncset.done $0x0  }
0x13: {  	[sflag:s9] =	ssyncadd.s32 $0xFFFFC000  }
0x14: {  	[hbm4b:s5+s2] =	stream.linear.scatter [tilespmem:s8], [sflag:$0x2], $0x4000, $0x38;
	[tilespmem:$0x4080] =	vst v63  }
0x15: {  	s12 =	simm.s32 $0x10;
	_ =	swait.ge [sflag:s7], $0x4000  }
0x16: {  	s13 =	simm.s32 $0x20;
	s11 =	sadd.s32 $0x800, s5;
	[sflag:s7] =	ssyncset.done $0x0  }
.LBB2_2:
0x17: {  	s14 =	sadd.s32 s12, s6  }
0x18: {  	[sflag:s7] =	ssyncadd.s32 $0xFFFFC000;
	s12 =	smov.u32 s13;
	s15 =	sadd.s32 $0x10, s13  }
0x19: {  	[tilespmem:s2], [sflag:$0x2] =	stream.linear.gather [hbm4b:s14+s2], $0x80, $0x38;
	[tilespmem:$0x4080] =	vst v63  }
0x1a: {  	p0 =	sne.s32 s13, $0x180;
	_ =	swait.ge [sflag:s7], $0x80  }
0x1b: {  	[sflag:s7] =	ssyncset.done $0x0  }
0x1c: {  	[sflag:s7] =	ssyncadd.s32 $0xFFFFFF80  }
0x1d: {  	[tilespmem:s8], [sflag:$0x1] =	stream.indirect.gather [hbm4b:s3+s8], $0x80, s2, s8, $0xb8;
	[tilespmem:$0x4080] =	vst v63  }
0x1e: {  	_ =	swait.ge [sflag:s9], $0x4000  }
.Ltmp0:
0x1f: {  	[sflag:s9] =	ssyncset.done $0x0;
	(pc) =	sbr.rel @p0 .LBB2_2-.Ltmp0, $4  }
0x20: {  	[sflag:s9] =	ssyncadd.s32 $0xFFFFC000  }
0x21: {  	[hbm4b:s11+s2] =	stream.linear.scatter [tilespmem:s8], [sflag:$0x2], $0x4000, $0x38;
	[tilespmem:$0x4080] =	vst v63  }
0x22: {  	_ =	swait.ge [sflag:s7], $0x4000  }
0x23: {  	s13 =	smov.u32 s15;
	s11 =	sadd.s32 $0x800, s11;
	[sflag:s7] =	ssyncset.done $0x0  }
0x24: {  	s12 =	sadd.s32 s12, s6;
	[sflag:s7] =	ssyncadd.s32 $0xFFFFC000  }
0x25: {  	[tilespmem:s2], [sflag:$0x2] =	stream.linear.gather [hbm4b:s12+s2], $0x80, $0x38;
	[tilespmem:$0x4080] =	vst v63  }
0x26: {  	_ =	swait.ge [sflag:s7], $0x80  }
0x27: {  	[sflag:s7] =	ssyncset.done $0x0  }
0x28: {  	[sflag:s7] =	ssyncadd.s32 $0xFFFFFF80  }
0x29: {  	[tilespmem:s8], [sflag:$0x1] =	stream.indirect.gather [hbm4b:s3+s8], $0x80, s2, s8, $0xb8;
	[tilespmem:$0x4080] =	vst v63  }
0x2a: {  	s10 =	sadd.s32 $0x1, s10;
	_ =	swait.ge [sflag:s9], $0x4000  }
0x2b: {  	p0 =	sne.s32 s10, s4;
	[sflag:s9] =	ssyncset.done $0x0  }
.Ltmp1:
0x2c: {  	[sflag:s9] =	ssyncadd.s32 $0xFFFFC000;
	(pc) =	sbr.rel @p0 .LBB2_1-.Ltmp1, $4  }
0x2d: {  	[hbm4b:s11+s2] =	stream.linear.scatter [tilespmem:s8], [sflag:$0x2], $0x4000, $0x38;
	[tilespmem:$0x4080] =	vst v63  }
0x2e: {  	_ =	swait.ge [sflag:s7], $0x4000  }
0x2f: {  	[sflag:s7] =	ssyncset.done $0x0  }
0x30: {  	[sflag:s7] =	ssyncadd.s32 $0xFFFFC000  }
0x31: {  	_ =	sfence.sel $0x180000  }
0x32: {  	[bflag:$0x0] =	sbarrier.arrive $0xFFFF  }
0x33: {  	p0 =	sne.s32 s1, $0x0;
	_ =	strace $0x90000047  }
0x34: {  	s0 =	sadd.s32 @!p0 $0x100000, s0;
	[bflag:$0x2] =	sbarrier.arrive $0xFFFF  }
0x35: {  	[sflag:s0] =	ssyncadd.tile.s32 @!p0 $0x1;
	_ =	shalt  }
.Lfunc_end2:
_tile_overlayer_lowered:
.L_overlay_start_2:
0x36: {  	(tag) =	ssettag $0x2  }
0x37: {  	s0 =	rddreg [dreg:$0x0];
	s2 =	stileid.u32  }
0x38: {  	s1 =	rddreg [dreg:$0x1];
	p0 =	sne.s32 s2, $0x0  }
0x39: {  	s3 =	rddreg [dreg:$0x2];
	[bflag:$0x3] =	sbarrier.arrive $0xFFFF;
	s2 =	simm.s32 @!p0 $0x1C02  }
0x3a: {  	[timem:s3], [sflag:s2] =	dma.local @!p0 [hbm:s0], s1  }
0x3b: {  	s0 =	simm.s32 @!p0 $0x2  }
0x3c: {  	_ =	swait.ge @!p0 [sflag:s0], s1  }
0x3d: {  	s1 =	ssub.s32 @!p0 $0x0, s1;
	[sflag:s0] =	ssyncset.done @!p0 $0x0  }
0x3e: {  	[sflag:s0] =	ssyncadd.s32 @!p0 s1  }
0x3f: {  	[bflag:$0x3] =	sbarrier.arrive $0xFFFF  }
0x40: {  	_ =	shalt  }

// kernel: scatter_offload_async_start.1
scs
__scs_entry_jumppad:
0x0: {  	(pc) =	sbr.rel $0x88, $3  }
0x1: {  	(tag) =	ssettag $0x0;
	lr =	simm.s32 $0x1  }
0x2: {  	[smem:$0x3F66] =	sst lr;
	_ =	strace $0xD0000000  }
0x3: {  	_ = 	snop  }
0x4: {  	_ = 	snop  }
0x5: {  	_ = 	snop  }
0x6: {  	_ = 	snop  }
0x7: {  	_ = 	snop  }
__scs_overlays_trampoline_lowered:
0x8: {  	[smem:$0x3F75] =	sst s0  }
0x9: {  	[smem:$0x3F76] =	sst s1  }
0xa: {  	[smem:$0x3F77] =	sst s2  }
0xb: {  	[smem:$0x3F78] =	sst s3  }
0xc: {  	[smem:$0x3F79] =	sst s4  }
0xd: {  	[smem:$0x3F7A] =	sst s5  }
0xe: {  	[smem:$0x3F7B] =	sst s6  }
0xf: {  	[smem:$0x3F7C] =	sst s7  }
0x10: {  	[smem:$0x3F7D] =	sst s8  }
0x11: {  	[smem:$0x3F7E] =	sst s9;
	s0 =	simm.s32 @!p0 $0x0  }
0x12: {  	s1 =	sld [smem:$0x3F64];
	s0 =	simm.s32 @p0 $0x1  }
0x13: {  	[smem:$0x3F7F] =	sst s0;
	s0 =	simm.s32 @!p1 $0x0  }
0x14: {  	s2 =	sld [smem:$0x3F63];
	s0 =	simm.s32 @p1 $0x1  }
0x15: {  	[smem:$0x3F80] =	sst s0;
	s0 =	simm.s32 @!p2 $0x0  }
0x16: {  	s3 =	sld [smem:$0x3FDB];
	s0 =	simm.s32 @p2 $0x1  }
0x17: {  	s4 =	simm.s32 $0x1BF5;
	[smem:$0x3F82] =	sst s0  }
0x18: {  	s0 =	sld [smem:$0x3F65];
	_ =	swait.ge [sflag:s4], $0x0  }
0x19: {  	s7 =	sld [smem:$0x3F66]  }
0x1a: {  	s8 =	sadd.s32 $0xFFFFE003, lr  }
0x1b: {  	s9 =	sadd.s32 $0xFFFFFEF7, lr;
	s5 =	simm.s32 $0xFFFFFFFF;
	p2 =	slt.u32 s8, $0xFFFFF086  }
0x1c: {  	p1 =	slt.u32 s9, $0xF7A;
	s5 =	simm.s32 @!p2 $0x0  }
0x1d: {  	s5 =	simm.s32 @p1 $0x1;
	p0 =	seq.s32 s7, s2  }
0x1e: {  	s7 =	smul.u32 @!p0 $0xF7A, s2;
	p2 =	seq.s32 @!p0 s5, $0x0  }
0x1f: {  	s9 =	smul.u32 $0xF7A, s1;
	s8 =	simm.s32 @!p0 $0x1BF5;
	p2 =	por !p2, p0  }
0x20: {  	[sflag:s8] =	ssyncset.s32 @!p0 $0xFFFFF086;
	s6 =	sadd.s32 @!p0 s3, s7;
	s7 =	simm.s32 @!p0 $0x108  }
0x21: {  	s3 =	sadd.s32 s3, s9;
	s6 =	sadd.s32 @!p0 $0x88, s6;
	s7 =	simm.s32 @p2 $0x1082  }
0x22: {  	[simem:s7], [sflag:s8] =	dma.local @!p0 [hbm:s6], $0xF7A  }
0x23: {  	s9 =	sor.u32 $0xD0000000, s2;
	s6 =	simm.s32 $0x108;
	_ =	swait.ge @!p0 [sflag:s8], $0x0  }
0x24: {  	s3 =	sadd.s32 $0x88, s3;
	s6 =	simm.s32 @!p1 $0x1082;
	[sflag:s4] =	ssyncset.s32 $0xFFFFF086  }
0x25: {  	[simem:s6], [sflag:s4] =	dma.local [hbm:s3], $0xF7A  }
0x26: {  	[smem:$0x3F66] =	sst s1;
	(tag) =	ssettag s2;
	_ =	strace s9  }
0x27: {  	s1 =	sld [smem:$0x3F76]  }
0x28: {  	s2 =	sld [smem:$0x3F77]  }
0x29: {  	s4 =	sld [smem:$0x3F79]  }
0x2a: {  	p0 =	seq.s32 s5, $0x0;
	s5 =	sld [smem:$0x3F7A]  }
0x2b: {  	s6 =	sld [smem:$0x3F7B]  }
0x2c: {  	s7 =	sld [smem:$0x3F7C]  }
0x2d: {  	s3 =	simm.s32 $0x108;
	s8 =	sld [smem:$0x3F7D]  }
0x2e: {  	s3 =	simm.s32 @!p0 $0x1082;
	s9 =	sld [smem:$0x3F7E]  }
0x2f: {  	lr =	sadd.s32 s0, s3;
	s0 =	sld [smem:$0x3F75]  }
0x30: {  	s3 =	sld [smem:$0x3F78]  }
0x31: {  	[smem:$0x3F81] =	sst s10  }
0x32: {  	s10 =	sld [smem:$0x3F7F];
	_ =	sdelay $0x3  }
0x33: {  	p0 =	seq.s32 s10, $0x1;
	s10 =	sld [smem:$0x3F81];
	_ =	sdelay $0x3  }
0x34: {  	[smem:$0x3F81] =	sst s10  }
0x35: {  	s10 =	sld [smem:$0x3F80];
	_ =	sdelay $0x3  }
0x36: {  	p1 =	seq.s32 s10, $0x1;
	s10 =	sld [smem:$0x3F81];
	_ =	sdelay $0x3  }
0x37: {  	[smem:$0x3F81] =	sst s10  }
0x38: {  	s10 =	sld [smem:$0x3F82]  }
0x39: {  	_ = 	snop;
	(pc) =	sbr.ind lr, $3  }
0x3a: {  	_ = 	snop  }
0x3b: {  	_ = 	snop  }
0x3c: {  	p2 =	seq.s32 s10, $0x1;
	s10 =	sld [smem:$0x3F81]  }
0x3d: {  	_ =	shalt  }
0x3e: {  	_ =	shalt  }
0x3f: {  	_ =	shalt  }
0x40: {  	_ =	shalt  }
0x41: {  	_ =	shalt  }
0x42: {  	_ =	shalt  }
0x43: {  	_ =	shalt  }
0x44: {  	_ =	shalt  }
0x45: {  	_ =	shalt  }
0x46: {  	_ =	shalt  }
0x47: {  	_ =	shalt  }
0x48: {  	_ =	shalt  }
0x49: {  	_ =	shalt  }
0x4a: {  	_ =	shalt  }
0x4b: {  	_ =	shalt  }
0x4c: {  	_ =	shalt  }
0x4d: {  	_ =	shalt  }
0x4e: {  	_ =	shalt  }
0x4f: {  	_ =	shalt  }
0x50: {  	_ =	shalt  }
0x51: {  	_ =	shalt  }
0x52: {  	_ =	shalt  }
0x53: {  	_ =	shalt  }
0x54: {  	_ =	shalt  }
0x55: {  	_ =	shalt  }
0x56: {  	_ =	shalt  }
0x57: {  	_ =	shalt  }
0x58: {  	_ =	shalt  }
0x59: {  	_ =	shalt  }
0x5a: {  	_ =	shalt  }
0x5b: {  	_ =	shalt  }
0x5c: {  	_ =	shalt  }
0x5d: {  	_ =	shalt  }
0x5e: {  	_ =	shalt  }
0x5f: {  	_ =	shalt  }
0x60: {  	_ =	shalt  }
0x61: {  	_ =	shalt  }
0x62: {  	_ =	shalt  }
0x63: {  	_ =	shalt  }
0x64: {  	_ =	shalt  }
0x65: {  	_ =	shalt  }
0x66: {  	_ =	shalt  }
0x67: {  	_ =	shalt  }
0x68: {  	_ =	shalt  }
0x69: {  	_ =	shalt  }
0x6a: {  	_ =	shalt  }
0x6b: {  	_ =	shalt  }
0x6c: {  	_ =	shalt  }
0x6d: {  	_ =	shalt  }
0x6e: {  	_ =	shalt  }
0x6f: {  	_ =	shalt  }
0x70: {  	_ =	shalt  }
0x71: {  	_ =	shalt  }
0x72: {  	_ =	shalt  }
0x73: {  	_ =	shalt  }
0x74: {  	_ =	shalt  }
0x75: {  	_ =	shalt  }
0x76: {  	_ =	shalt  }
0x77: {  	_ =	shalt  }
0x78: {  	_ =	shalt  }
0x79: {  	_ =	shalt  }
0x7a: {  	_ =	shalt  }
0x7b: {  	_ =	shalt  }
0x7c: {  	_ =	shalt  }
0x7d: {  	_ =	shalt  }
0x7e: {  	_ =	shalt  }
0x7f: {  	_ =	shalt  }
0x80: {  	_ =	shalt  }
0x81: {  	_ =	shalt  }
0x82: {  	_ =	shalt  }
0x83: {  	_ =	shalt  }
0x84: {  	_ =	shalt  }
0x85: {  	_ =	shalt  }
0x86: {  	_ =	shalt  }
0x87: {  	_ =	shalt  }
.Lfunc_end0:
.L_simem_size_0:
called_computation.1_lowered:
.L_overlay_start_0:
0x88: {  	s2 =	sld [smem:$0x3FD9]  }
0x89: {  	s3 =	sld [smem:$0x3FFE];
	_ =	sdelay $0x1  }
0x8a: {  	s1 =	srdreg.scid  }
0x8b: {  	s0 =	sand.u32 $0x1, s1  }
0x8c: {  	s17 =	sshll.u32 s0, $0xA;
	s2 =	sadd.s32 s3, s2  }
0x8d: {  	s2 =	sadd.s32 s2, s17  }
0x8e: {  	[smem:$0x3F8D] =	sst s2  }
0x8f: {  	_ = 	snop  }
0x90: {  	s18 =	sld [smem:$0x3FD0];
	(tm) =	ssettm $0x1  }
0x91: {  	s19 =	sld [smem:$0x3FFB];
	_ =	sdelay $0x3  }
0x92: {  	_ =	strace s19  }
0x93: {  	s2 =	sld [smem:$0x3FFC];
	_ =	sdelay $0x3  }
0x94: {  	_ =	strace s2  }
0x95: {  	s2 =	sld [smem:$0x3FFD];
	_ =	sdelay $0x3  }
0x96: {  	_ =	strace s2  }
0x97: {  	_ =	strace $0x8FFFFFFF  }
0x98: {  	s20 =	sld [smem:$0x3FDB];
	_ =	sdelay $0x1  }
0x99: {  	s4 =	simm.s32 $_scs_section_size  }
0x9a: {  	s5 =	simm.s32 $_size__tile_overlayer_lowered;
	s6 =	simm.s32 $_tile_overlayer_lowered  }
0x9b: {  	s7 =	simm.s32 $0x1BFF;
	s21 =	sshll.u32 s6, $0x1;
	s4 =	sadd.s32 s4, s20  }
0x9c: {  	s22 =	simm.s32 $0x0;
	s5 =	sshll.u32 s5, $0x1;
	s6 =	sadd.s32 s21, s4  }
0x9d: {  	[timem:s22], [sflag:s7] =	dma.local [hbm:s6], s5  }
0x9e: {  	_ =	swait.ge [sflag:s7], s5  }
0x9f: {  	s5 =	ssub.s32 $0x0, s5;
	[sflag:s7] =	ssyncset.done $0x0  }
0xa0: {  	[sflag:s7] =	ssyncadd.s32 s5;
	_ =	sdelay $0x1  }
0xa1: {  	s23 =	simm.s32 $0x1B8B  }
0xa2: {  	_ =	swait.ge [sflag:s23], $0x1  }
0xa3: {  	[sflag:s23] =	ssyncset.done $0x0  }
0xa4: {  	[sflag:s23] =	ssyncadd.s32 $0xFFFFFFFF  }
0xa5: {  	s5 =	sld [smem:$0x0]  }
0xa6: {  	s6 =	sand.u32 $0xFFFFFFFE, s1  }
0xa7: {  	p0 =	sne.s32 s1, s6  }
0xa8: {  	s6 =	sshll.u32 @p0 s6, $0xE  }
0xa9: {  	s6 =	sadd.s32 @p0 $0x11B8D, s6;
	s7 =	sshll.u32 @p0 s5, $0x11  }
0xaa: {  	s6 =	sor.u32 @p0 s7, s6  }
0xab: {  	[sflag:s6] =	ssyncadd.remote.s32 @p0 $0x1;
	_ =	sdelay $0x1  }
0xac: {  	s6 =	simm.s32 @p0 $0x1B8D  }
0xad: {  	_ =	swait.eq @p0 [sflag:s6], $0x1  }
0xae: {  	[sflag:s6] =	ssyncadd.s32 @p0 $0xFFFFFFFF  }
0xaf: {  	s7 =	sshll.u32 @!p0 s1, $0xE  }
0xb0: {  	s7 =	sor.u32 @!p0 $0x4000, s7;
	s6 =	simm.s32 @!p0 $0x1B8D  }
0xb1: {  	s8 =	sshll.u32 @!p0 s5, $0x11;
	s7 =	sadd.s32 @!p0 $0x11B8D, s7;
	_ =	swait.eq @!p0 [sflag:s6], $0x1  }
0xb2: {  	[sflag:s6] =	ssyncadd.s32 @!p0 $0xFFFFFFFF;
	s6 =	sor.u32 @!p0 s8, s7  }
0xb3: {  	s25 =	simm.s32 $0x1B8E;
	s24 =	sld [smem:$0x3FFE];
	[sflag:s6] =	ssyncadd.remote.s32 @!p0 $0x1  }
0xb4: {  	s26 =	simm.s32 $execute0_lowered;
	[smem:$0x3FD2] =	sst s25  }
0xb5: {  	s7 =	sshll.u32 s26, $0x1;
	_ =	strace $0x8000005B;
	[dreg:$0x1] =	wrdreg $0xFFFFFFFF  }
0xb6: {  	s28 =	simm.s32 $_size_execute0_lowered;
	s4 =	sadd.s32 s4, s7;
	[dreg:$0x0] =	wrdreg $0x0  }
0xb7: {  	s7 =	sshll.u32 s28, $0x1;
	[dreg:$0x2] =	wrdreg s4  }
0xb8: {  	[dreg:$0x3] =	wrdreg s7  }
0xb9: {  	[dreg:$0x4] =	wrdreg $0xC0  }
0xba: {  	_ =	task [dreg:s22], $0x5FFFF  }
0xbb: {  	[dreg:$0x1] =	wrdreg $0xFFFFFFFF  }
0xbc: {  	[dreg:$0x0] =	wrdreg $0x60  }
0xbd: {  	[dreg:$0x2] =	wrdreg s18  }
0xbe: {  	[dreg:$0x3] =	wrdreg s24  }
0xbf: {  	[dreg:$0x4] =	wrdreg s1  }
0xc0: {  	[dreg:$0x5] =	wrdreg s5  }
0xc1: {  	[dreg:$0x6] =	wrdreg $0x9  }
0xc2: {  	_ =	task.clear_ibuf [dreg:s22], $0x7FFFF;
	_ =	strace $0x9000005B  }
0xc3: {  	s29 =	simm.s32 $0x9;
	_ =	strace $0x8000005D  }
0xc4: {  	_ =	swait.ge [sflag:s29], $0x1  }
0xc5: {  	[sflag:s29] =	ssyncadd.s32 $0xFFFFFFFF  }
0xc6: {  	_ =	strace $0x9000005D  }
0xc7: {  	_ =	sfence  }
0xc8: {  	s30 =	sld [smem:$0x0];
	_ =	sdelay $0x2  }
0xc9: {  	s31 =	sshll.u32 s1, $0xD;
	s1 =	sshrl.u32 s1, $0x2  }
0xca: {  	s4 =	sand.u32 $0x4000, s31;
	s1 =	sadd.s32 s1, s30  }
0xcb: {  	s0 =	sor.u32 s4, s0;
	s1 =	sshll.u32 s1, $0x11  }
0xcc: {  	s0 =	sor.u32 s1, s0  }
0xcd: {  	s0 =	sadd.s32 $0x8F2B, s0  }
0xce: {  	[sflag:s0] =	ssyncadd.remote.s32 $0x1  }
0xcf: {  	_ =	sfence.sel $0xFFFF  }
0xd0: {  	[dreg:$0x0] =	wrdreg $0xFFFFFFFF;
	(pc) =	sbr.abs _section_cstart, $3  }
0xd1: {  	[dreg:$0x1] =	wrdreg $0xFFFFFFFF  }
0xd2: {  	_ =	task.clear_ibuf [dreg:s22], $0x2FFFF;
	_ =	strace $0x9FFFFFFF  }
0xd3: {  	(tm) =	ssettm $0x7FFFFFFF  }
tec
execute0_lowered:
.L_overlay_start_1:
0x0: {  	(tag) =	ssettag $0x1  }
0x1: {  	s1 =	rddreg [dreg:$0x0]  }
0x2: {  	s11 =	rddreg [dreg:$0x1]  }
0x3: {  	s2 =	rddreg [dreg:$0x2];
	_ =	strace $0x8000005C;
	s12 =	simm.s32 $0x1  }
0x4: {  	v0 =	vimm.s32 $0x0;
	[sflag:s12] =	ssyncpa.u1 $0x0  }
0x5: {  	[tilespmem:$0x28] =	vst v0  }
0x6: {  	[tilespmem:$0x38] =	vst v0  }
0x7: {  	[tilespmem:$0x48] =	vst v0  }
0x8: {  	[tilespmem:$0x58] =	vst v0  }
0x9: {  	[tilespmem:$0x68] =	vst v0  }
0xa: {  	[tilespmem:$0x78] =	vst v0  }
0xb: {  	[tilespmem:$0x88] =	vst v0  }
0xc: {  	[tilespmem:$0x98] =	vst v0  }
0xd: {  	[tilespmem:$0xA8] =	vst v0  }
0xe: {  	[tilespmem:$0xB8] =	vst v0  }
0xf: {  	[tilespmem:$0xC8] =	vst v0  }
0x10: {  	[tilespmem:$0xD8] =	vst v0  }
0x11: {  	[tilespmem:$0xE8] =	vst v0  }
0x12: {  	[tilespmem:$0xF8] =	vst v0  }
0x13: {  	[tilespmem:$0x108] =	vst v0  }
0x14: {  	[tilespmem:$0x118] =	vst v0  }
0x15: {  	[tilespmem:$0x128] =	vst v0  }
0x16: {  	[tilespmem:$0x138] =	vst v0  }
0x17: {  	[tilespmem:$0x148] =	vst v0  }
0x18: {  	[tilespmem:$0x158] =	vst v0  }
0x19: {  	[tilespmem:$0x168] =	vst v0  }
0x1a: {  	[tilespmem:$0x178] =	vst v0  }
0x1b: {  	[tilespmem:$0x188] =	vst v0  }
0x1c: {  	[tilespmem:$0x198] =	vst v0  }
0x1d: {  	[tilespmem:$0x1A8] =	vst v0  }
0x1e: {  	[tilespmem:$0x1B8] =	vst v0  }
0x1f: {  	[tilespmem:$0x1C8] =	vst v0  }
0x20: {  	[tilespmem:$0x1D8] =	vst v0  }
0x21: {  	[tilespmem:$0x1E8] =	vst v0  }
0x22: {  	[tilespmem:$0x1F8] =	vst v0  }
0x23: {  	[tilespmem:$0x208] =	vst v0  }
0x24: {  	[tilespmem:$0x218] =	vst v0  }
0x25: {  	[tilespmem:$0x228] =	vst v0  }
0x26: {  	[tilespmem:$0x238] =	vst v0  }
0x27: {  	[tilespmem:$0x248] =	vst v0  }
0x28: {  	[tilespmem:$0x258] =	vst v0  }
0x29: {  	[tilespmem:$0x268] =	vst v0  }
0x2a: {  	[tilespmem:$0x278] =	vst v0  }
0x2b: {  	[tilespmem:$0x288] =	vst v0  }
0x2c: {  	[tilespmem:$0x298] =	vst v0  }
0x2d: {  	[tilespmem:$0x2A8] =	vst v0  }
0x2e: {  	[tilespmem:$0x2B8] =	vst v0  }
0x2f: {  	[tilespmem:$0x2C8] =	vst v0  }
0x30: {  	[tilespmem:$0x2D8] =	vst v0  }
0x31: {  	[tilespmem:$0x2E8] =	vst v0  }
0x32: {  	[tilespmem:$0x2F8] =	vst v0  }
0x33: {  	[tilespmem:$0x308] =	vst v0  }
0x34: {  	[tilespmem:$0x318] =	vst v0  }
0x35: {  	[tilespmem:$0x328] =	vst v0  }
0x36: {  	[tilespmem:$0x338] =	vst v0  }
0x37: {  	[tilespmem:$0x348] =	vst v0  }
0x38: {  	[tilespmem:$0x358] =	vst v0  }
0x39: {  	[tilespmem:$0x368] =	vst v0  }
0x3a: {  	[tilespmem:$0x378] =	vst v0  }
0x3b: {  	[tilespmem:$0x388] =	vst v0  }
0x3c: {  	[tilespmem:$0x398] =	vst v0  }
0x3d: {  	[tilespmem:$0x3A8] =	vst v0  }
0x3e: {  	[tilespmem:$0x3B8] =	vst v0  }
0x3f: {  	[tilespmem:$0x3C8] =	vst v0  }
0x40: {  	[tilespmem:$0x3D8] =	vst v0  }
0x41: {  	[tilespmem:$0x3E8] =	vst v0  }
0x42: {  	[tilespmem:$0x3F8] =	vst v0  }
0x43: {  	[tilespmem:$0x408] =	vst v0  }
0x44: {  	[tilespmem:$0x418] =	vst v0  }
0x45: {  	[tilespmem:$0x428] =	vst v0  }
0x46: {  	[tilespmem:$0x438] =	vst v0  }
0x47: {  	[tilespmem:$0x448] =	vst v0  }
0x48: {  	[tilespmem:$0x458] =	vst v0  }
0x49: {  	[tilespmem:$0x468] =	vst v0  }
0x4a: {  	[tilespmem:$0x478] =	vst v0  }
0x4b: {  	[tilespmem:$0x488] =	vst v0  }
0x4c: {  	[tilespmem:$0x498] =	vst v0  }
0x4d: {  	[tilespmem:$0x4A8] =	vst v0  }
0x4e: {  	[tilespmem:$0x4B8] =	vst v0  }
0x4f: {  	[tilespmem:$0x4C8] =	vst v0  }
0x50: {  	[tilespmem:$0x4D8] =	vst v0  }
0x51: {  	[tilespmem:$0x4E8] =	vst v0  }
0x52: {  	[tilespmem:$0x4F8] =	vst v0  }
0x53: {  	[tilespmem:$0x508] =	vst v0  }
0x54: {  	[tilespmem:$0x518] =	vst v0  }
0x55: {  	[tilespmem:$0x528] =	vst v0  }
0x56: {  	[tilespmem:$0x538] =	vst v0  }
0x57: {  	[tilespmem:$0x548] =	vst v0  }
0x58: {  	[tilespmem:$0x558] =	vst v0  }
0x59: {  	[tilespmem:$0x568] =	vst v0  }
0x5a: {  	[tilespmem:$0x578] =	vst v0  }
0x5b: {  	[tilespmem:$0x588] =	vst v0  }
0x5c: {  	[tilespmem:$0x598] =	vst v0  }
0x5d: {  	[tilespmem:$0x5A8] =	vst v0  }
0x5e: {  	[tilespmem:$0x5B8] =	vst v0  }
0x5f: {  	[tilespmem:$0x5C8] =	vst v0  }
0x60: {  	[tilespmem:$0x5D8] =	vst v0  }
0x61: {  	[tilespmem:$0x5E8] =	vst v0  }
0x62: {  	[tilespmem:$0x5F8] =	vst v0  }
0x63: {  	[tilespmem:$0x608] =	vst v0  }
0x64: {  	[tilespmem:$0x618] =	vst v0  }
0x65: {  	[tilespmem:$0x628] =	vst v0  }
0x66: {  	[tilespmem:$0x638] =	vst v0  }
0x67: {  	[tilespmem:$0x648] =	vst v0  }
0x68: {  	[tilespmem:$0x658] =	vst v0  }
0x69: {  	[tilespmem:$0x668] =	vst v0  }
0x6a: {  	[tilespmem:$0x678] =	vst v0  }
0x6b: {  	[tilespmem:$0x688] =	vst v0  }
0x6c: {  	[tilespmem:$0x698] =	vst v0  }
0x6d: {  	[tilespmem:$0x6A8] =	vst v0  }
0x6e: {  	[tilespmem:$0x6B8] =	vst v0  }
0x6f: {  	[tilespmem:$0x6C8] =	vst v0  }
0x70: {  	[tilespmem:$0x6D8] =	vst v0  }
0x71: {  	[tilespmem:$0x6E8] =	vst v0  }
0x72: {  	[tilespmem:$0x6F8] =	vst v0  }
0x73: {  	[tilespmem:$0x708] =	vst v0  }
0x74: {  	[tilespmem:$0x718] =	vst v0  }
0x75: {  	[tilespmem:$0x728] =	vst v0  }
0x76: {  	[tilespmem:$0x738] =	vst v0  }
0x77: {  	[tilespmem:$0x748] =	vst v0  }
0x78: {  	[tilespmem:$0x758] =	vst v0  }
0x79: {  	[tilespmem:$0x768] =	vst v0  }
0x7a: {  	[tilespmem:$0x778] =	vst v0  }
0x7b: {  	[tilespmem:$0x788] =	vst v0  }
0x7c: {  	[tilespmem:$0x798] =	vst v0  }
0x7d: {  	[tilespmem:$0x7A8] =	vst v0  }
0x7e: {  	[tilespmem:$0x7B8] =	vst v0  }
0x7f: {  	[tilespmem:$0x7C8] =	vst v0  }
0x80: {  	[tilespmem:$0x7D8] =	vst v0  }
0x81: {  	[tilespmem:$0x7E8] =	vst v0  }
0x82: {  	[tilespmem:$0x7F8] =	vst v0  }
0x83: {  	[tilespmem:$0x808] =	vst v0  }
0x84: {  	[tilespmem:$0x818] =	vst v0  }
0x85: {  	[tilespmem:$0x828] =	vst v0  }
0x86: {  	[tilespmem:$0x838] =	vst v0  }
0x87: {  	[tilespmem:$0x848] =	vst v0  }
0x88: {  	[tilespmem:$0x858] =	vst v0  }
0x89: {  	[tilespmem:$0x868] =	vst v0  }
0x8a: {  	[tilespmem:$0x878] =	vst v0  }
0x8b: {  	[tilespmem:$0x888] =	vst v0  }
0x8c: {  	[tilespmem:$0x898] =	vst v0  }
0x8d: {  	[tilespmem:$0x8A8] =	vst v0  }
0x8e: {  	[tilespmem:$0x8B8] =	vst v0  }
0x8f: {  	[tilespmem:$0x8C8] =	vst v0  }
0x90: {  	[tilespmem:$0x8D8] =	vst v0  }
0x91: {  	[tilespmem:$0x8E8] =	vst v0  }
0x92: {  	[tilespmem:$0x8F8] =	vst v0  }
0x93: {  	[tilespmem:$0x908] =	vst v0  }
0x94: {  	[tilespmem:$0x918] =	vst v0  }
0x95: {  	[tilespmem:$0x928] =	vst v0  }
0x96: {  	[tilespmem:$0x938] =	vst v0  }
0x97: {  	[tilespmem:$0x948] =	vst v0  }
0x98: {  	[tilespmem:$0x958] =	vst v0  }
0x99: {  	[tilespmem:$0x968] =	vst v0  }
0x9a: {  	[tilespmem:$0x978] =	vst v0  }
0x9b: {  	[tilespmem:$0x988] =	vst v0  }
0x9c: {  	[tilespmem:$0x998] =	vst v0  }
0x9d: {  	[tilespmem:$0x9A8] =	vst v0  }
0x9e: {  	[tilespmem:$0x9B8] =	vst v0  }
0x9f: {  	[tilespmem:$0x9C8] =	vst v0  }
0xa0: {  	[tilespmem:$0x9D8] =	vst v0  }
0xa1: {  	[tilespmem:$0x9E8] =	vst v0  }
0xa2: {  	[tilespmem:$0x9F8] =	vst v0  }
0xa3: {  	[tilespmem:$0xA08] =	vst v0  }
0xa4: {  	[tilespmem:$0xA18] =	vst v0  }
0xa5: {  	[tilespmem:$0xA28] =	vst v0  }
0xa6: {  	[tilespmem:$0xA38] =	vst v0  }
0xa7: {  	[tilespmem:$0xA48] =	vst v0  }
0xa8: {  	[tilespmem:$0xA58] =	vst v0  }
0xa9: {  	[tilespmem:$0xA68] =	vst v0  }
0xaa: {  	[tilespmem:$0xA78] =	vst v0  }
0xab: {  	[tilespmem:$0xA88] =	vst v0  }
0xac: {  	[tilespmem:$0xA98] =	vst v0  }
0xad: {  	[tilespmem:$0xAA8] =	vst v0  }
0xae: {  	[tilespmem:$0xAB8] =	vst v0  }
0xaf: {  	[tilespmem:$0xAC8] =	vst v0  }
0xb0: {  	[tilespmem:$0xAD8] =	vst v0  }
0xb1: {  	[tilespmem:$0xAE8] =	vst v0  }
0xb2: {  	[tilespmem:$0xAF8] =	vst v0  }
0xb3: {  	[tilespmem:$0xB08] =	vst v0  }
0xb4: {  	[tilespmem:$0xB18] =	vst v0  }
0xb5: {  	[tilespmem:$0xB28] =	vst v0  }
0xb6: {  	[tilespmem:$0xB38] =	vst v0  }
0xb7: {  	[tilespmem:$0xB48] =	vst v0  }
0xb8: {  	[tilespmem:$0xB58] =	vst v0  }
0xb9: {  	[tilespmem:$0xB68] =	vst v0  }
0xba: {  	[tilespmem:$0xB78] =	vst v0  }
0xbb: {  	[tilespmem:$0xB88] =	vst v0  }
0xbc: {  	[tilespmem:$0xB98] =	vst v0  }
0xbd: {  	[tilespmem:$0xBA8] =	vst v0  }
0xbe: {  	[tilespmem:$0xBB8] =	vst v0  }
0xbf: {  	[tilespmem:$0xBC8] =	vst v0  }
0xc0: {  	[tilespmem:$0xBD8] =	vst v0  }
0xc1: {  	[tilespmem:$0xBE8] =	vst v0  }
0xc2: {  	[tilespmem:$0xBF8] =	vst v0  }
0xc3: {  	[tilespmem:$0xC08] =	vst v0  }
0xc4: {  	[tilespmem:$0xC18] =	vst v0  }
0xc5: {  	[tilespmem:$0xC28] =	vst v0  }
0xc6: {  	[tilespmem:$0xC38] =	vst v0  }
0xc7: {  	[tilespmem:$0xC48] =	vst v0  }
0xc8: {  	[tilespmem:$0xC58] =	vst v0  }
0xc9: {  	[tilespmem:$0xC68] =	vst v0  }
0xca: {  	[tilespmem:$0xC78] =	vst v0  }
0xcb: {  	[tilespmem:$0xC88] =	vst v0  }
0xcc: {  	[tilespmem:$0xC98] =	vst v0  }
0xcd: {  	[tilespmem:$0xCA8] =	vst v0  }
0xce: {  	[tilespmem:$0xCB8] =	vst v0  }
0xcf: {  	[tilespmem:$0xCC8] =	vst v0  }
0xd0: {  	[tilespmem:$0xCD8] =	vst v0  }
0xd1: {  	[tilespmem:$0xCE8] =	vst v0  }
0xd2: {  	[tilespmem:$0xCF8] =	vst v0  }
0xd3: {  	[tilespmem:$0xD08] =	vst v0  }
0xd4: {  	[tilespmem:$0xD18] =	vst v0  }
0xd5: {  	[tilespmem:$0xD28] =	vst v0  }
0xd6: {  	[tilespmem:$0xD38] =	vst v0  }
0xd7: {  	[tilespmem:$0xD48] =	vst v0  }
0xd8: {  	[tilespmem:$0xD58] =	vst v0  }
0xd9: {  	[tilespmem:$0xD68] =	vst v0  }
0xda: {  	[tilespmem:$0xD78] =	vst v0  }
0xdb: {  	[tilespmem:$0xD88] =	vst v0  }
0xdc: {  	[tilespmem:$0xD98] =	vst v0  }
0xdd: {  	[tilespmem:$0xDA8] =	vst v0  }
0xde: {  	[tilespmem:$0xDB8] =	vst v0  }
0xdf: {  	[tilespmem:$0xDC8] =	vst v0  }
0xe0: {  	[tilespmem:$0xDD8] =	vst v0  }
0xe1: {  	[tilespmem:$0xDE8] =	vst v0  }
0xe2: {  	[tilespmem:$0xDF8] =	vst v0  }
0xe3: {  	[tilespmem:$0xE08] =	vst v0  }
0xe4: {  	[tilespmem:$0xE18] =	vst v0  }
0xe5: {  	[tilespmem:$0xE28] =	vst v0  }
0xe6: {  	[tilespmem:$0xE38] =	vst v0  }
0xe7: {  	[tilespmem:$0xE48] =	vst v0  }
0xe8: {  	[tilespmem:$0xE58] =	vst v0  }
0xe9: {  	[tilespmem:$0xE68] =	vst v0  }
0xea: {  	[tilespmem:$0xE78] =	vst v0  }
0xeb: {  	[tilespmem:$0xE88] =	vst v0  }
0xec: {  	[tilespmem:$0xE98] =	vst v0  }
0xed: {  	[tilespmem:$0xEA8] =	vst v0  }
0xee: {  	[tilespmem:$0xEB8] =	vst v0  }
0xef: {  	[tilespmem:$0xEC8] =	vst v0  }
0xf0: {  	[tilespmem:$0xED8] =	vst v0  }
0xf1: {  	[tilespmem:$0xEE8] =	vst v0  }
0xf2: {  	[tilespmem:$0xEF8] =	vst v0  }
0xf3: {  	[tilespmem:$0xF08] =	vst v0  }
0xf4: {  	[tilespmem:$0xF18] =	vst v0  }
0xf5: {  	[tilespmem:$0xF28] =	vst v0  }
0xf6: {  	[tilespmem:$0xF38] =	vst v0  }
0xf7: {  	[tilespmem:$0xF48] =	vst v0  }
0xf8: {  	[tilespmem:$0xF58] =	vst v0  }
0xf9: {  	[tilespmem:$0xF68] =	vst v0  }
0xfa: {  	[tilespmem:$0xF78] =	vst v0  }
0xfb: {  	[tilespmem:$0xF88] =	vst v0  }
0xfc: {  	[tilespmem:$0xF98] =	vst v0  }
0xfd: {  	[tilespmem:$0xFA8] =	vst v0  }
0xfe: {  	[tilespmem:$0xFB8] =	vst v0  }
0xff: {  	[tilespmem:$0xFC8] =	vst v0  }
0x100: {  	[tilespmem:$0xFD8] =	vst v0  }
0x101: {  	[tilespmem:$0xFE8] =	vst v0  }
0x102: {  	[tilespmem:$0xFF8] =	vst v0  }
0x103: {  	[tilespmem:$0x1028] =	vst v0  }
0x104: {  	[tilespmem:$0x10A8] =	vst v0  }
0x105: {  	[tilespmem:$0x1038] =	vst v0  }
0x106: {  	[tilespmem:$0x1068] =	vst v0  }
0x107: {  	[tilespmem:$0x1B28] =	vst v0  }
0x108: {  	[tilespmem:$0x1B18] =	vst v0  }
0x109: {  	[tilespmem:$0x1B08] =	vst v0  }
0x10a: {  	[tilespmem:$0x1AF8] =	vst v0  }
0x10b: {  	[tilespmem:$0x1AE8] =	vst v0  }
0x10c: {  	[tilespmem:$0x1AD8] =	vst v0  }
0x10d: {  	[tilespmem:$0x1AC8] =	vst v0  }
0x10e: {  	[tilespmem:$0x1AB8] =	vst v0  }
0x10f: {  	[tilespmem:$0x1AA8] =	vst v0  }
0x110: {  	[tilespmem:$0x1A98] =	vst v0  }
0x111: {  	[tilespmem:$0x1A88] =	vst v0  }
0x112: {  	[tilespmem:$0x1A78] =	vst v0  }
0x113: {  	[tilespmem:$0x1A68] =	vst v0  }
0x114: {  	[tilespmem:$0x1A58] =	vst v0  }
0x115: {  	[tilespmem:$0x1A48] =	vst v0  }
0x116: {  	[tilespmem:$0x1A38] =	vst v0  }
0x117: {  	[tilespmem:$0x1A28] =	vst v0  }
0x118: {  	[tilespmem:$0x1A18] =	vst v0  }
0x119: {  	[tilespmem:$0x1A08] =	vst v0  }
0x11a: {  	[tilespmem:$0x19F8] =	vst v0  }
0x11b: {  	[tilespmem:$0x19E8] =	vst v0  }
0x11c: {  	[tilespmem:$0x19D8] =	vst v0  }
0x11d: {  	[tilespmem:$0x19C8] =	vst v0  }
0x11e: {  	[tilespmem:$0x19B8] =	vst v0  }
0x11f: {  	[tilespmem:$0x19A8] =	vst v0  }
0x120: {  	[tilespmem:$0x1998] =	vst v0  }
0x121: {  	[tilespmem:$0x1988] =	vst v0  }
0x122: {  	[tilespmem:$0x1978] =	vst v0  }
0x123: {  	[tilespmem:$0x1968] =	vst v0  }
0x124: {  	[tilespmem:$0x1958] =	vst v0  }
0x125: {  	[tilespmem:$0x1948] =	vst v0  }
0x126: {  	[tilespmem:$0x1938] =	vst v0  }
0x127: {  	[tilespmem:$0x1928] =	vst v0  }
0x128: {  	[tilespmem:$0x1918] =	vst v0  }
0x129: {  	[tilespmem:$0x1908] =	vst v0  }
0x12a: {  	[tilespmem:$0x18F8] =	vst v0  }
0x12b: {  	[tilespmem:$0x18E8] =	vst v0  }
0x12c: {  	[tilespmem:$0x18D8] =	vst v0  }
0x12d: {  	[tilespmem:$0x18C8] =	vst v0  }
0x12e: {  	[tilespmem:$0x18B8] =	vst v0  }
0x12f: {  	[tilespmem:$0x18A8] =	vst v0  }
0x130: {  	[tilespmem:$0x1898] =	vst v0  }
0x131: {  	[tilespmem:$0x1888] =	vst v0  }
0x132: {  	[tilespmem:$0x1878] =	vst v0  }
0x133: {  	[tilespmem:$0x1868] =	vst v0  }
0x134: {  	[tilespmem:$0x1858] =	vst v0  }
0x135: {  	[tilespmem:$0x1848] =	vst v0  }
0x136: {  	[tilespmem:$0x1838] =	vst v0  }
0x137: {  	[tilespmem:$0x1828] =	vst v0  }
0x138: {  	[tilespmem:$0x1818] =	vst v0  }
0x139: {  	[tilespmem:$0x1808] =	vst v0  }
0x13a: {  	[tilespmem:$0x17F8] =	vst v0  }
0x13b: {  	[tilespmem:$0x17E8] =	vst v0  }
0x13c: {  	[tilespmem:$0x17D8] =	vst v0  }
0x13d: {  	[tilespmem:$0x17C8] =	vst v0  }
0x13e: {  	[tilespmem:$0x17B8] =	vst v0  }
0x13f: {  	[tilespmem:$0x17A8] =	vst v0  }
0x140: {  	[tilespmem:$0x1798] =	vst v0  }
0x141: {  	[tilespmem:$0x1788] =	vst v0  }
0x142: {  	[tilespmem:$0x1778] =	vst v0  }
0x143: {  	[tilespmem:$0x1768] =	vst v0  }
0x144: {  	[tilespmem:$0x1758] =	vst v0  }
0x145: {  	[tilespmem:$0x1748] =	vst v0  }
0x146: {  	[tilespmem:$0x1738] =	vst v0  }
0x147: {  	[tilespmem:$0x1728] =	vst v0  }
0x148: {  	[tilespmem:$0x1718] =	vst v0  }
0x149: {  	[tilespmem:$0x1708] =	vst v0  }
0x14a: {  	[tilespmem:$0x16F8] =	vst v0  }
0x14b: {  	[tilespmem:$0x16E8] =	vst v0  }
0x14c: {  	[tilespmem:$0x16D8] =	vst v0  }
0x14d: {  	[tilespmem:$0x16C8] =	vst v0  }
0x14e: {  	[tilespmem:$0x16B8] =	vst v0  }
0x14f: {  	[tilespmem:$0x16A8] =	vst v0  }
0x150: {  	[tilespmem:$0x1698] =	vst v0  }
0x151: {  	[tilespmem:$0x1688] =	vst v0  }
0x152: {  	[tilespmem:$0x1678] =	vst v0  }
0x153: {  	[tilespmem:$0x1668] =	vst v0  }
0x154: {  	[tilespmem:$0x1658] =	vst v0  }
0x155: {  	[tilespmem:$0x1648] =	vst v0  }
0x156: {  	[tilespmem:$0x1638] =	vst v0  }
0x157: {  	[tilespmem:$0x1628] =	vst v0  }
0x158: {  	[tilespmem:$0x1618] =	vst v0  }
0x159: {  	[tilespmem:$0x1608] =	vst v0  }
0x15a: {  	[tilespmem:$0x15F8] =	vst v0  }
0x15b: {  	[tilespmem:$0x15E8] =	vst v0  }
0x15c: {  	[tilespmem:$0x15D8] =	vst v0  }
0x15d: {  	[tilespmem:$0x15C8] =	vst v0  }
0x15e: {  	[tilespmem:$0x15B8] =	vst v0  }
0x15f: {  	[tilespmem:$0x15A8] =	vst v0  }
0x160: {  	[tilespmem:$0x1598] =	vst v0  }
0x161: {  	[tilespmem:$0x1588] =	vst v0  }
0x162: {  	[tilespmem:$0x1578] =	vst v0  }
0x163: {  	[tilespmem:$0x1568] =	vst v0  }
0x164: {  	[tilespmem:$0x1558] =	vst v0  }
0x165: {  	[tilespmem:$0x1548] =	vst v0  }
0x166: {  	[tilespmem:$0x1538] =	vst v0  }
0x167: {  	[tilespmem:$0x1528] =	vst v0  }
0x168: {  	[tilespmem:$0x1518] =	vst v0  }
0x169: {  	[tilespmem:$0x1508] =	vst v0  }
0x16a: {  	[tilespmem:$0x14F8] =	vst v0  }
0x16b: {  	[tilespmem:$0x14E8] =	vst v0  }
0x16c: {  	[tilespmem:$0x14D8] =	vst v0  }
0x16d: {  	[tilespmem:$0x14C8] =	vst v0  }
0x16e: {  	[tilespmem:$0x14B8] =	vst v0  }
0x16f: {  	[tilespmem:$0x14A8] =	vst v0  }
0x170: {  	[tilespmem:$0x1498] =	vst v0  }
0x171: {  	[tilespmem:$0x1488] =	vst v0  }
0x172: {  	[tilespmem:$0x1478] =	vst v0  }
0x173: {  	[tilespmem:$0x1468] =	vst v0  }
0x174: {  	[tilespmem:$0x1458] =	vst v0  }
0x175: {  	[tilespmem:$0x1448] =	vst v0  }
0x176: {  	[tilespmem:$0x1438] =	vst v0  }
0x177: {  	[tilespmem:$0x1428] =	vst v0  }
0x178: {  	[tilespmem:$0x1418] =	vst v0  }
0x179: {  	[tilespmem:$0x1408] =	vst v0  }
0x17a: {  	[tilespmem:$0x13F8] =	vst v0  }
0x17b: {  	[tilespmem:$0x13E8] =	vst v0  }
0x17c: {  	[tilespmem:$0x13D8] =	vst v0  }
0x17d: {  	[tilespmem:$0x13C8] =	vst v0  }
0x17e: {  	[tilespmem:$0x13B8] =	vst v0  }
0x17f: {  	[tilespmem:$0x13A8] =	vst v0  }
0x180: {  	[tilespmem:$0x1398] =	vst v0  }
0x181: {  	[tilespmem:$0x1388] =	vst v0  }
0x182: {  	[tilespmem:$0x1378] =	vst v0  }
0x183: {  	[tilespmem:$0x1368] =	vst v0  }
0x184: {  	[tilespmem:$0x1358] =	vst v0  }
0x185: {  	[tilespmem:$0x1348] =	vst v0  }
0x186: {  	[tilespmem:$0x1338] =	vst v0  }
0x187: {  	[tilespmem:$0x1328] =	vst v0  }
0x188: {  	[tilespmem:$0x1318] =	vst v0  }
0x189: {  	[tilespmem:$0x1308] =	vst v0  }
0x18a: {  	[tilespmem:$0x12F8] =	vst v0  }
0x18b: {  	[tilespmem:$0x12E8] =	vst v0  }
0x18c: {  	[tilespmem:$0x12D8] =	vst v0  }
0x18d: {  	[tilespmem:$0x12C8] =	vst v0  }
0x18e: {  	[tilespmem:$0x12B8] =	vst v0  }
0x18f: {  	[tilespmem:$0x12A8] =	vst v0  }
0x190: {  	[tilespmem:$0x1298] =	vst v0  }
0x191: {  	[tilespmem:$0x1288] =	vst v0  }
0x192: {  	[tilespmem:$0x1278] =	vst v0  }
0x193: {  	[tilespmem:$0x1268] =	vst v0  }
0x194: {  	[tilespmem:$0x1258] =	vst v0  }
0x195: {  	[tilespmem:$0x1248] =	vst v0  }
0x196: {  	[tilespmem:$0x1238] =	vst v0  }
0x197: {  	[tilespmem:$0x1228] =	vst v0  }
0x198: {  	[tilespmem:$0x1218] =	vst v0  }
0x199: {  	[tilespmem:$0x1208] =	vst v0  }
0x19a: {  	[tilespmem:$0x11F8] =	vst v0  }
0x19b: {  	[tilespmem:$0x11E8] =	vst v0  }
0x19c: {  	[tilespmem:$0x11D8] =	vst v0  }
0x19d: {  	[tilespmem:$0x11C8] =	vst v0  }
0x19e: {  	[tilespmem:$0x11B8] =	vst v0  }
0x19f: {  	[tilespmem:$0x11A8] =	vst v0  }
0x1a0: {  	[tilespmem:$0x1198] =	vst v0  }
0x1a1: {  	[tilespmem:$0x1188] =	vst v0  }
0x1a2: {  	[tilespmem:$0x1178] =	vst v0  }
0x1a3: {  	[tilespmem:$0x1168] =	vst v0  }
0x1a4: {  	[tilespmem:$0x1158] =	vst v0  }
0x1a5: {  	[tilespmem:$0x1148] =	vst v0  }
0x1a6: {  	[tilespmem:$0x1138] =	vst v0  }
0x1a7: {  	[tilespmem:$0x1128] =	vst v0  }
0x1a8: {  	[tilespmem:$0x1118] =	vst v0  }
0x1a9: {  	[tilespmem:$0x1108] =	vst v0  }
0x1aa: {  	[tilespmem:$0x10F8] =	vst v0  }
0x1ab: {  	s4 =	stileid.u32;
	[tilespmem:$0x10E8] =	vst v0  }
0x1ac: {  	s0 =	simm.s32 $0x2F40;
	s6 =	smul.u32 $0x30F0, s4;
	p0 =	seq.s32 s4, $0xF;
	[tilespmem:$0x10D8] =	vst v0  }
0x1ad: {  	[tilespmem:$0x10C8] =	vst v0;
	s0 =	simm.s32 @!p0 $0x30F0  }
0x1ae: {  	s5 =	simm.s32 $0x2;
	[tilespmem:$0x10B8] =	vst v0;
	s0 =	sadd.s32 s6, s0  }
0x1af: {  	s8 =	simm.s32 $0x9;
	s10 =	simm.s32 $0xA;
	[tilespmem:$0x1048] =	vst v0;
	s7 =	smin.u32 s0, $0x30D40  }
0x1b0: {  	s30 =	simm.s32 $0xB;
	s16 =	simm.s32 $0x0;
	[tilespmem:$0x1098] =	vst v0;
	s0 =	ssub.s32 s7, s6  }
0x1b1: {  	p4 =	por $0x0, $0x0;
	s17 =	simm.s32 $0xC;
	[tilespmem:$0x1088] =	vst v0;
	p0 =	sgt.s32 s0, $0x0  }
0x1b2: {  	s21 =	simm.s32 $0x0;
	s18 =	simm.s32 $0x0;
	[tilespmem:$0x1078] =	vst v0;
	s0 =	simm.s32 @!p0 $0x0  }
0x1b3: {  	s20 =	simm.s32 $0x0;
	s3 =	sand.u32 $0x1, s2;
	[tilespmem:$0x1058] =	vst v0;
	s28 =	smulhi.u32 $0x97B426, s0  }
0x1b4: {  	s31 =	sshll.u32 s4, $0x5;
	[tilespmem:$0x1018] =	vst v0;
	[dreg:$0x6] =	wrdreg s3;
	s3 =	smul.u32 $0x61A8, s3  }
0x1b5: {  	[tilespmem:$0x1008] =	vst v0;
	[sflag:s5] =	ssyncpa.u1 $0x0;
	v0 =	vimm.s32 $0xFFFFFFFF;
	[dreg:$0x5] =	wrdreg s31;
	s29 =	smul.u32 $0x1B0, s28  }
.Ltmp0:
0x1b6: {  	[tilespmem:$0x3648] =	vst v0;
	[sflag:s8] =	ssyncpa.u1 $0x0;
	s19 =	smov.u32 s6;
	(pc) =	sbr.rel .LBB2_1-.Ltmp0, $4  }
0x1b7: {  	[dreg:$0x7] =	wrdreg s6;
	s3 =	sadd.s32 s3, s11;
	p0 =	sne.s32 s0, s29  }
0x1b8: {  	[sflag:s10] =	ssyncpa.u1 $0x0;
	s11 =	sadd.s32 $0x7FDC00, s11;
	s12 =	simm.s32 @!p0 $0x0  }
0x1b9: {  	[sflag:s30] =	ssyncpa.u1 $0x0;
	s14 =	sadd.s32 $0x7F1800, s3;
	s12 =	sadd.s32 s12, s28  }
0x1ba: {  	v0 =	vlaneseq.u32;
	s15 =	sadd.s32 $0x7E5400, s3;
	p0 =	por $0x1, $0x1;
	s4 =	sadd.s32 $0x1, s12  }
.LBB2_18:
0x1bb: {  	s0 =	simm.s32 $0x2  }
0x1bc: {  	_ =	swait.ge [sflag:s0], $0x0  }
0x1bd: {  	[sflag:s0] =	ssyncset.done $0x0;
	s0 =	simm.s32 $0x0  }
.LBB2_19:
0x1be: {  	_ =	swait.ge [sflag:s17], s0  }
0x1bf: {  	s31 =	ssub.s32 $0x0, s0;
	v1 =	vmov s23;
	vm0 =	veq.s32 v0, $0x0;
	[sflag:s17] =	ssyncset.done $0x0  }
0x1c0: {  	vm15 =	veq.s32 v0, $0x2;
	v1 =	vsel vm0, s28, v1;
	[sflag:s17] =	ssyncadd.s32 s31  }
0x1c1: {  	v1 =	vsel vm15, s21, v1;
	[sflag:s17] =	ssyncpa.u1 $0x1  }
0x1c2: {  	[tilespmem:$0x3648] =	vst v1  }
.LBB2_20:
0x1c3: {  	s0 =	sadd.s32 $0x1B0, s19  }
0x1c4: {  	s2 =	smov.u32 s6;
	p1 =	slt.s32 s0, s7  }
0x1c5: {  	s2 =	smov.u32 @p1 s0;
	p1 =	sne.s32 s20, s4  }
.Ltmp1:
0x1c6: {  	_ = 	snop;
	(pc) =	sbr.rel @!p1 .LBB2_21-.Ltmp1, $4  }
0x1c7: {  	_ = 	snop  }
0x1c8: {  	s21 =	smov.u32 s18  }
0x1c9: {  	s31 =	sadd.s32 $0x1, s20;
	s18 =	smov.u32 s19;
	p0 =	por !p0, !p0  }
0x1ca: {  	p4 =	por !p4, !p4;
	s20 =	smov.u32 s31;
	s19 =	smov.u32 s2  }
.LBB2_1:
0x1cb: {  	p2 =	sge.u32 s20, s12  }
0x1cc: {  	s0 =	smulhi.u32 @!p2 $0xAAAAAAAB, s20  }
0x1cd: {  	s2 =	smov.u32 s19;
	p3 =	sgt.s32 @!p2 s19, $0x30B90  }
0x1ce: {  	s3 =	sshra.s32 @!p2 s19, $0x1F;
	p3 =	por !p3, p2;
	s0 =	sshrl.u32 @!p2 s0, $0x1  }
0x1cf: {  	s3 =	sand.u32 @!p2 s3, s19;
	s2 =	simm.s32 @p3 $0x30B90;
	s0 =	smul.u32 @!p2 $0x3, s0  }
0x1d0: {  	s2 =	ssub.s32 @!p2 s2, s3  }
0x1d1: {  	s23 =	sadd.s32 $0xFFFFFFFF, s20;
	s2 =	sadd.s32 @!p2 $0xFFFCF470, s2;
	s0 =	ssub.s32 @!p2 s20, s0  }
0x1d2: {  	s3 =	sshll.u32 @!p2 s2, $0x2;
	p3 =	sgt.s32 @!p2 s2, $0x1AF;
	s0 =	smul.u32 @!p2 $0x6C0, s0  }
0x1d3: {  	s5 =	sand.u32 @!p2 $0x7, s19;
	s2 =	ssub.s32 @!p2 $0x6C0, s3;
	p3 =	por !p3, p2  }
0x1d4: {  	s3 =	sshrl.u32 @!p2 s19, $0x3;
	s2 =	sshrl.u32 @!p2 s2, $0x2;
	s0 =	sshrl.u32 @!p2 s0, $0x2  }
0x1d5: {  	s3 =	sadd.s32 @!p2 s3, s14;
	s2 =	simm.s32 @!p3 $0x0;
	s0 =	sadd.s32 @!p2 $0x3888, s0  }
0x1d6: {  	[tilespmem:s0], [sflag:$0xA] =	stream.linear.gather @!p2 [hbm4b:s3+s5], s2, $0x38;
	[tilespmem:$0x1F0F8] =	vst v63  }
0x1d7: {  	p2 =	sge.u32 s23, s12  }
0x1d8: {  	p3 =	sgt.s32 @!p2 s18, $0x30B90  }
0x1d9: {  	s0 =	smov.u32 s18;
	s2 =	sshra.s32 @!p2 s18, $0x1F;
	p3 =	por !p3, p2  }
0x1da: {  	s2 =	sand.u32 @!p2 s2, s18;
	s0 =	simm.s32 @p3 $0x30B90  }
0x1db: {  	s0 =	ssub.s32 @!p2 s0, s2  }
0x1dc: {  	s0 =	sadd.s32 @!p2 $0xFFFCF470, s0  }
0x1dd: {  	s2 =	sshll.u32 @!p2 s0, $0x2  }
0x1de: {  	p3 =	sgt.s32 @!p2 s0, $0x1AF;
	s0 =	ssub.s32 @!p2 $0x6C0, s2  }
0x1df: {  	s22 =	ssub.s32 @!p2 $0x30D40, s18;
	p3 =	por !p3, p2;
	s0 =	sshrl.u32 @!p2 s0, $0x2  }
0x1e0: {  	s2 =	sand.u32 @!p2 $0x1, s23;
	s0 =	simm.s32 @!p3 $0x0;
	p3 =	slt.s32 @!p2 s22, $0x1  }
0x1e1: {  	s3 =	simm.s32 @!p2 $0xA;
	s2 =	smul.u32 @!p2 $0x6C0, s2;
	p3 =	por p2, p3  }
.Ltmp2:
0x1e2: {  	_ =	swait.ge @!p2 [sflag:s3], s0;
	(pc) =	sbr.rel @p3 .LBB2_7-.Ltmp2, $4  }
0x1e3: {  	s5 =	ssub.s32 @!p2 $0x0, s0;
	[sflag:s3] =	ssyncset.done @!p2 $0x0  }
0x1e4: {  	s2 =	sshrl.u32 @!p2 s2, $0x2;
	[sflag:s3] =	ssyncadd.s32 @!p2 s5;
	s3 =	sshrl.u32 @!p2 s18, $0x3  }
0x1e5: {  	s2 =	sadd.s32 @!p2 $0x3D98, s2;
	s5 =	sand.u32 @!p2 $0x7, s18;
	s3 =	sadd.s32 @!p2 s3, s15  }
0x1e6: {  	[tilespmem:s2], [sflag:$0xB] =	stream.linear.gather @!p2 [hbm4b:s3+s5], s0, $0x38;
	[tilespmem:$0x1F0F8] =	vst v63  }
0x1e7: {  	s0 =	smulhi.u32 $0xAAAAAAAB, s23;
	_ =	sdelay $0x1  }
0x1e8: {  	s0 =	sshrl.u32 s0, $0x1  }
0x1e9: {  	s0 =	smul.u32 $0x3, s0;
	_ =	sdelay $0x1  }
0x1ea: {  	s0 =	ssub.s32 s23, s0  }
0x1eb: {  	s2 =	simm.s32 $0x1;
	s0 =	smul.u32 $0x6C0, s0  }
.Ltmp3:
0x1ec: {  	s2 =	simm.s32 @!p0 $0x0;
	(pc) =	sbr.rel .LBB2_4-.Ltmp3, $4  }
0x1ed: {  	s2 =	smul.u32 $0x36000, s2  }
0x1ee: {  	p3 =	slt.s32 @!p2 s22, $0x1B0;
	s0 =	sshrl.u32 s0, $0x2  }
0x1ef: {  	p2 =	por !p3, p2;
	s2 =	sshrl.u32 s2, $0x2;
	s0 =	sadd.s32 $0x3888, s0  }
0x1f0: {  	s24 =	simm.s32 $0x0;
	s22 =	simm.s32 @p2 $0x1B0;
	s23 =	sadd.s32 $0x40F8, s2;
	v1 =	vmov s0  }
.LBB2_3:
0x1f1: {  	p2 =	sge.s32 s24, s22  }
.Ltmp4:
0x1f2: {  	_ = 	snop;
	(pc) =	sbr.rel @p2 .LBB2_7-.Ltmp4, $2  }
0x1f3: {  	_ =	sdelay $0x2  }
0x1f4: {  	s23 =	sadd.s32 $0x800, s23  }
.LBB2_4:
0x1f5: {  	p2 =	sle.s32 s22, s24  }
.Ltmp5:
0x1f6: {  	_ = 	snop;
	(pc) =	sbr.rel @p2 .LBB2_3-.Ltmp5, $2  }
0x1f7: {  	_ =	sdelay $0x2  }
0x1f8: {  	s0 =	smov.u32 s24;
	s24 =	sadd.s32 $0x10, s24  }
0x1f9: {  	s2 =	ssub.s32 s22, s0  }
0x1fa: {  	p2 =	slt.s32 s2, $0x10  }
0x1fb: {  	s2 =	simm.s32 @!p2 $0x10  }
0x1fc: {  	v2 =	vmov s2  }
0x1fd: {  	vm0 =	vgt.s32 v2, v0;
	_ =	sdelay $0x5  }
0x1fe: {  	v2 =	vld.idx.msk [tilespmem:v1+s0+$0x0 ss:$0x1], vm0;
	_ =	sdelay $0x2  }
0x1ff: {  	p2 =	slt.s32 s24, s22;
	s2 =	smov.u32 s22  }
0x200: {  	s3 =	smov.u32 s23;
	s25 =	simm.s32 $0x0;
	s2 =	smov.u32 @p2 s24  }
.LBB2_6:
0x201: {  	(v2sf) =	vpush v2, s25;
	_ =	sdelay $0xc  }
0x202: {  	s25 =	sadd.s32 $0x1, s25  }
0x203: {  	s31 =	sadd.s32 s25, s0  }
0x204: {  	p2 =	slt.s32 s31, s2;
	s5 =	spop (v2sf)  }
.Ltmp6:
0x205: {  	s5 =	sshll.u32 s5, $0x4;
	(pc) =	sbr.rel @p2 .LBB2_6-.Ltmp6, $4  }
0x206: {  	s5 =	sand.u32 $0x1FFFFFF0, s5  }
0x207: {  	s5 =	sadd.s32 s11, s5  }
0x208: {  	[tilespmem:s3], [sflag:$0x9] =	stream.linear.gather [hbm4b:s5+s16], $0x8, $0x38;
	[tilespmem:$0x1F0F8] =	vst v63  }
0x209: {  	s3 =	sadd.s32 $0x80, s3  }
.Ltmp7:
0x20a: {  	_ = 	snop;
	(pc) =	sbr.rel .LBB2_3-.Ltmp7, $1  }
0x20b: {  	_ =	sdelay $0x3  }
.LBB2_7:
0x20c: {  	p2 =	slt.u32 s20, $0x2  }
.Ltmp8:
0x20d: {  	_ = 	snop;
	(pc) =	sbr.rel @p2 .LBB2_20-.Ltmp8, $1  }
0x20e: {  	_ =	sdelay $0x3  }
0x20f: {  	p2 =	sgt.s32 s21, $0x30B90  }
0x210: {  	s0 =	smov.u32 s21;
	s2 =	sshra.s32 s21, $0x1F;
	s3 =	ssub.s32 $0x30D40, s21  }
0x211: {  	s0 =	simm.s32 @!p2 $0x30B90;
	s2 =	sand.u32 s2, s21;
	p2 =	slt.s32 s3, $0x1B0  }
0x212: {  	s0 =	ssub.s32 s0, s2;
	s3 =	simm.s32 @!p2 $0x1B0  }
0x213: {  	s0 =	sadd.s32 $0xFFFCF470, s0;
	s24 =	sshll.u32 s3, $0x3  }
0x214: {  	s28 =	simm.s32 $0x9;
	s25 =	sshll.u32 s0, $0x2;
	s2 =	sand.u32 $0x3FFFFFF8, s24  }
0x215: {  	p2 =	sgt.s32 s0, $0x1AF;
	s26 =	ssub.s32 $0x6C0, s25;
	_ =	swait.ge [sflag:s28], s2  }
0x216: {  	s2 =	ssub.s32 $0x0, s2;
	[sflag:s28] =	ssyncset.done $0x0;
	s0 =	sshrl.u32 s26, $0x2  }
0x217: {  	s30 =	simm.s32 $0xB;
	[sflag:s28] =	ssyncadd.s32 s2;
	s0 =	simm.s32 @p2 $0x0  }
0x218: {  	_ =	swait.ge [sflag:s30], s0  }
0x219: {  	s0 =	ssub.s32 $0x0, s0;
	[sflag:s30] =	ssyncset.done $0x0  }
0x21a: {  	[sflag:s30] =	ssyncadd.s32 s0  }
0x21b: {  	v1 =	vld [tilespmem:$0x3648];
	_ =	sdelay $0x4  }
0x21c: {  	(v2sf) =	vpush v1, $0x0  }
0x21d: {  	(v2sf) =	vpush v1, $0x1  }
0x21e: {  	(v2sf) =	vpush v1, $0x2;
	_ =	sdelay $0x3  }
0x21f: {  	s0 =	sadd.s32 $0x1B0, s21  }
0x220: {  	s2 =	ssub.s32 $0x61A80, s21;
	p2 =	slt.s32 s7, s0  }
0x221: {  	s0 =	smov.u32 @p2 s7;
	p2 =	sgt.s32 s2, $0x0  }
0x222: {  	s25 =	ssub.s32 s0, s21;
	s2 =	simm.s32 @!p2 $0x0  }
0x223: {  	p2 =	slt.s32 s2, s25  }
0x224: {  	s25 =	smov.u32 @p2 s2  }
0x225: {  	s24 =	simm.s32 $0x1;
	p2 =	slt.s32 s25, $0x1  }
.Ltmp9:
0x226: {  	s24 =	simm.s32 @!p4 $0x0;
	(pc) =	sbr.rel @p2 .LBB2_12-.Ltmp9, $4  }
0x227: {  	s31 =	smul.u32 $0x6C0, s24  }
0x228: {  	s26 =	spop (v2sf)  }
0x229: {  	s0 =	sshrl.u32 s31, $0x2;
	s29 =	spop (v2sf)  }
0x22a: {  	s22 =	sadd.s32 $0x3D98, s0;
	s21 =	spop (v2sf)  }
0x22b: {  	s0 =	smin.u32 s25, $0x10  }
0x22c: {  	v1 =	vmov s0  }
0x22d: {  	p3 =	sgt.s32 s25, $0x10;
	vm1 =	vgt.u32 v1, v0  }
.Ltmp10:
0x22e: {  	_ = 	snop;
	(pc) =	sbr.rel @!p3 .LBB2_11-.Ltmp10, $2  }
0x22f: {  	_ =	sdelay $0x2  }
0x230: {  	s23 =	simm.s32 $0x10;
	s28 =	sadd.s32 $0xFFFFFFF0, s25;
	s0 =	smov.u32 s22;
	vm0 =	vmmov vm1  }
.LBB2_10:
0x231: {  	s2 =	smin.u32 s28, $0x10;
	s23 =	sadd.s32 $0x10, s23;
	v1 =	vld.msk [tilespmem:s0+$0x0 ss:$0x1], vm1  }
0x232: {  	v2 =	vmov s2;
	p3 =	slt.s32 s23, s25  }
0x233: {  	vm1 =	vgt.u32 v2, v0  }
.Ltmp11:
0x234: {  	(pc) =	sbr.rel @p3 .LBB2_10-.Ltmp11, $3  }
0x235: {  	_ =	sdelay $0x1  }
0x236: {  	v1 =	vshll.u32 v1, $0x4  }
0x237: {  	s28 =	sadd.s32 $0xFFFFFFF0, s28;
	[tilespmem:s0+$0x0] =	vst.msk vm0, v1;
	s0 =	sadd.s32 $0x10, s0;
	vm0 =	vmmov vm1  }
.LBB2_11:
0x238: {  	_ =	sdelay $0x4  }
0x239: {  	v1 =	vld.msk [tilespmem:s0+$0x0 ss:$0x1], vm1;
	_ =	sdelay $0x4  }
0x23a: {  	v1 =	vshll.u32 v1, $0x4  }
0x23b: {  	[tilespmem:s0+$0x0] =	vst.msk vm0, v1  }
.LBB2_12:
0x23c: {  	s0 =	sand.u32 $0x1, s20  }
0x23d: {  	s0 =	smul.u32 $0x1B0, s0  }
0x23e: {  	p3 =	sne.s32 s29, $0xFFFFFFFF  }
0x23f: {  	v1 =	vld.msk @!p3 [tilespmem:s0+$0x3D98], $0x1;
	_ =	sdelay $0x4  }
0x240: {  	(v2sf) =	vpush @!p3 v1, $0x0;
	_ =	sdelay $0xc  }
.Ltmp12:
0x241: {  	_ = 	snop;
	(pc) =	sbr.rel @p2 .LBB2_18-.Ltmp12, $4  }
0x242: {  	_ = 	snop  }
0x243: {  	s28 =	spop @!p3 (v2sf)  }
0x244: {  	s21 =	simm.s32 @!p3 $0x0;
	s23 =	smov.u32 s28  }
0x245: {  	[sflag:s17] =	ssyncpa.u1 $0x0;
	s28 =	smov.u32 @p3 s26;
	s23 =	smov.u32 @p3 s29  }
0x246: {  	v1 =	vld.msk [tilespmem:s22+$0x0], $0x1;
	_ =	sdelay $0x4  }
0x247: {  	(v2sf) =	vpush v1, $0x0;
	_ =	sdelay $0xe  }
0x248: {  	s0 =	simm.s32 @!p4 $0x0;
	s26 =	smul.u32 $0x36000, s24;
	s31 =	spop (v2sf)  }
0x249: {  	s29 =	ssub.s32 $0x0, s25;
	s0 =	simm.s32 @p4 $0x1;
	p2 =	seq.s32 s28, s31  }
0x24a: {  	s2 =	smov.u32 s28;
	[smem:$0x7FD] =	sst s0;
	p3 =	sgt.s32 @!p2 s28, $0x0  }
0x24b: {  	s0 =	sshrl.u32 s26, $0x2;
	s26 =	sadd.s32 $0x1, s29;
	p3 =	por !p3, p2  }
0x24c: {  	s2 =	simm.s32 @p3 $0x0;
	p3 =	seq.s32 s26, $0x0  }
.Ltmp13:
0x24d: {  	_ = 	snop;
	(pc) =	sbr.rel @p3 .LBB2_15-.Ltmp13, $4  }
0x24e: {  	s6 =	smov.u32 s4;
	s25 =	simm.s32 $0x0  }
0x24f: {  	s24 =	sadd.s32 $0x40F8, s0;
	s0 =	simm.s32 @!p2 $0x1;
	s3 =	smin.u32 @!p2 s2, $0x1869FF  }
0x250: {  	s30 =	sadd.s32 $0x1, s22;
	s0 =	smov.u32 @p2 s25;
	s5 =	sand.u32 @!p2 $0x1FFFF8, s3  }
0x251: {  	s2 =	simm.s32 @!p2 $0x1B38;
	s3 =	sand.u32 @!p2 $0x7, s3;
	s5 =	sadd.s32 @!p2 s1, s5  }
.LBB2_14:
0x252: {  	s4 =	smov.u32 s0  }
0x253: {  	[tilespmem:s2], [sflag:$0x2] =	stream.linear.gather @!p2 [hbm4b:s5+s3], $0x8, $0x38;
	[tilespmem:$0x1F0F8] =	vst v63  }
0x254: {  	s26 =	sadd.s32 $0x1, s26;
	s3 =	smov.u32 s31;
	v1 =	vld.msk [tilespmem:s30+$0x0], $0x1  }
0x255: {  	p3 =	seq.s32 s26, $0x0;
	_ =	sdelay $0x3  }
0x256: {  	(v2sf) =	vpush v1, $0x0;
	_ =	sdelay $0xe  }
0x257: {  	s31 =	spop (v2sf)  }
0x258: {  	p2 =	seq.s32 s3, s31  }
0x259: {  	p4 =	sgt.s32 @!p2 s3, $0x0;
	s2 =	sshll.u32 @!p2 s0, $0x6;
	s0 =	sadd.s32 @!p2 $0x1, s0  }
.Ltmp14:
0x25a: {  	p4 =	por !p4, p2;
	s2 =	sshra.s32 @!p2 s2, $0x2;
	(pc) =	sbr.rel @!p3 .LBB2_14-.Ltmp14, $4  }
0x25b: {  	s0 =	smov.u32 @p2 s4;
	s3 =	simm.s32 @p4 $0x0;
	s2 =	sadd.s32 @!p2 $0x1B38, s2  }
0x25c: {  	s3 =	smin.u32 @!p2 s3, $0x1869FF  }
0x25d: {  	s4 =	sand.u32 @!p2 $0x1FFFF8, s3;
	s3 =	sand.u32 @!p2 $0x7, s3  }
0x25e: {  	s30 =	sadd.s32 $0x1, s30;
	s5 =	sadd.s32 @!p2 s1, s4  }
.LBB2_15:
0x25f: {  	[tilespmem:s2], [sflag:$0x2] =	stream.linear.gather @!p2 [hbm4b:s5+s3], $0x8, $0x38;
	[tilespmem:$0x1F0F8] =	vst v63  }
0x260: {  	s0 =	sshll.u32 s0, $0x3  }
0x261: {  	s31 =	simm.s32 $0x2;
	s0 =	sand.u32 $0x3FFFFFF8, s0  }
0x262: {  	_ =	swait.ge [sflag:s31], s0  }
0x263: {  	s0 =	ssub.s32 $0x0, s0;
	[sflag:s31] =	ssyncset.done $0x0  }
0x264: {  	[sflag:s31] =	ssyncadd.s32 s0  }
0x265: {  	v1 =	vld.msk [tilespmem:s22+$0x0], $0x1;
	_ =	sdelay $0x4  }
0x266: {  	(v2sf) =	vpush v1, $0x0;
	_ =	sdelay $0xe  }
0x267: {  	s26 =	spop (v2sf)  }
0x268: {  	p2 =	sne.s32 s28, s26  }
0x269: {  	p4 =	sne.s32 @p2 s28, s23  }
0x26a: {  	p3 =	por !p4, !p2  }
0x26b: {  	s0 =	simm.s32 @!p3 $0x0  }
0x26c: {  	v1 =	vld.msk @!p3 [tilespmem:s0+$0x1B38], $0xff  }
0x26d: {  	p5 =	sgt.u32 @!p3 s28, $0x1869FF  }
0x26e: {  	s2 =	sshll.u32 @!p3 s21, $0x6;
	p6 =	por @p2 p5, !p4  }
0x26f: {  	s2 =	sshra.s32 @!p3 s2, $0x2;
	p1 =	por p6, !p2;
	p6 =	por p4, !p2  }
0x270: {  	s3 =	sadd.s32 @!p3 $0x28, s2;
	s4 =	sand.u32 @!p1 $0x1FFFF8, s28;
	s5 =	sshll.u32 @!p6 s21, $0x6  }
0x271: {  	s28 =	sand.u32 @!p1 $0x7, s28;
	[tilespmem:s2+$0x28] =	vst.add.f32.msk @!p3 $0xff, v1;
	s2 =	sadd.s32 @!p1 s1, s4;
	s4 =	sshra.s32 @!p6 s5, $0x2  }
0x272: {  	[hbm4b:s2+s28] =	stream.linear.scatter @!p1 [tilespmem:s3], [sflag:$0xC], $0x8, $0x38;
	[tilespmem:$0x1F0F8] =	vst v63  }
0x273: {  	s0 =	rddreg [dreg:$0x5];
	s2 =	sadd.s32 @!p6 $0x28, s4;
	s3 =	simm.s32 @!p6 $0x1  }
0x274: {  	[spmem:s0] =	stream.linear.scatter @!p6 [tilespmem:s2], [sflag:$0x1], $0x8, $0x38;
	[tilespmem:$0x1F0F8] =	vst v63  }
0x275: {  	s0 =	sadd.s32 @p2 $0x1, s21;
	_ =	swait.ge @!p6 [sflag:s3], $0x8  }
0x276: {  	s2 =	sshrl.u32 @p2 s0, $0x4;
	[sflag:s3] =	ssyncset.done @!p6 $0x0  }
0x277: {  	s2 =	smulhi.u32 @p2 $0x97B425F, s2;
	[sflag:s3] =	ssyncadd.s32 @!p6 $0xFFFFFFF8  }
0x278: {  	s28 =	sadd.s32 $0x1, s29;
	v1 =	vld.msk @p2 [tilespmem:s24+$0x0], $0xff  }
0x279: {  	p1 =	por @p2 !p5, !p4;
	p4 =	seq.s32 s28, $0x0;
	s2 =	smul.u32 @p2 $0x1B0, s2  }
.Ltmp15:
0x27a: {  	p1 =	por !p1, !p2;
	s3 =	simm.s32 @!p3 $0x0;
	(pc) =	sbr.rel @p4 .LBB2_17-.Ltmp15, $4  }
0x27b: {  	s4 =	sshll.u32 @!p2 s21, $0x6;
	s3 =	simm.s32 @!p1 $0x20;
	s0 =	ssub.s32 @p2 s0, s2  }
0x27c: {  	s29 =	simm.s32 $0x0;
	s3 =	sadd.s32 @!p3 $0x0, s3;
	s5 =	sshll.u32 @p2 s0, $0x4  }
0x27d: {  	s30 =	sshra.s32 @!p2 s4, $0x2;
	s2 =	simm.s32 @p2 $0x1;
	s3 =	smov.u32 @p3 s25;
	[tilespmem:s5+$0x28] =	vst.msk @p2 $0xff, v1  }
0x27e: {  	s21 =	smov.u32 @p2 s0;
	s29 =	smov.u32 @p2 s3;
	s25 =	smov.u32 @p2 s2;
	v1 =	vld.msk @!p2 [tilespmem:s24+$0x0], $0xff  }
.LBB2_16:
0x27f: {  	_ =	sdelay $0x3  }
0x280: {  	s22 =	sadd.s32 $0x1, s22;
	[tilespmem:s30+$0x28] =	vst.add.f32.msk @!p2 $0xff, v1  }
0x281: {  	v1 =	vld.msk [tilespmem:s22+$0x0], $0x1;
	_ =	sdelay $0x4  }
0x282: {  	(v2sf) =	vpush v1, $0x0;
	_ =	sdelay $0xe  }
0x283: {  	s0 =	smov.u32 s26;
	s26 =	spop (v2sf)  }
0x284: {  	p2 =	sne.s32 s0, s26  }
0x285: {  	p5 =	sne.s32 @p2 s0, s23  }
0x286: {  	s4 =	sshll.u32 @!p2 s21, $0x6;
	p4 =	por !p5, !p2  }
0x287: {  	s30 =	sshra.s32 @!p2 s4, $0x2;
	s4 =	sshll.u32 @!p4 s25, $0x6  }
0x288: {  	s4 =	sshra.s32 @!p4 s4, $0x2  }
0x289: {  	p1 =	sgt.u32 @!p4 s0, $0x1869FF;
	v1 =	vld.msk @!p4 [tilespmem:s4+$0x1B38], $0xff  }
0x28a: {  	s31 =	sshll.u32 @!p4 s21, $0x6;
	p6 =	por @p2 p1, !p5;
	p1 =	por @p2 !p1, !p5  }
0x28b: {  	s8 =	simm.s32 @!p4 $0x0;
	s31 =	sshra.s32 @!p4 s31, $0x2;
	p1 =	por !p1, !p2  }
0x28c: {  	p5 =	por p5, !p2;
	s8 =	simm.s32 @!p1 $0x20;
	p1 =	por p6, !p2  }
0x28d: {  	s4 =	sadd.s32 @!p4 $0x28, s31;
	s13 =	sshll.u32 @!p5 s21, $0x6;
	s10 =	sand.u32 @!p1 $0x1FFFF8, s0  }
0x28e: {  	s13 =	sshra.s32 @!p5 s13, $0x2;
	s0 =	sand.u32 @!p1 $0x7, s0;
	s10 =	sadd.s32 @!p1 s1, s10;
	[tilespmem:s31+$0x28] =	vst.add.f32.msk @!p4 $0xff, v1  }
0x28f: {  	[hbm4b:s10+s0] =	stream.linear.scatter @!p1 [tilespmem:s4], [sflag:$0xC], $0x8, $0x38;
	[tilespmem:$0x1F0F8] =	vst v63  }
0x290: {  	s2 =	rddreg [dreg:$0x5];
	s0 =	sadd.s32 @!p5 $0x28, s13;
	s4 =	simm.s32 @!p5 $0x1  }
0x291: {  	[spmem:s2] =	stream.linear.scatter @!p5 [tilespmem:s0], [sflag:$0x1], $0x8, $0x38;
	[tilespmem:$0x1F0F8] =	vst v63  }
0x292: {  	s3 =	sadd.s32 @p2 $0x1, s21;
	_ =	swait.ge @!p5 [sflag:s4], $0x8  }
0x293: {  	s5 =	sshrl.u32 @p2 s3, $0x4;
	[sflag:s4] =	ssyncset.done @!p5 $0x0  }
0x294: {  	s24 =	sadd.s32 $0x80, s24;
	s5 =	smulhi.u32 @p2 $0x97B425F, s5;
	[sflag:s4] =	ssyncadd.s32 @!p5 $0xFFFFFFF8  }
0x295: {  	s28 =	sadd.s32 $0x1, s28;
	v1 =	vld.msk @p2 [tilespmem:s24+$0x0], $0xff  }
0x296: {  	p3 =	seq.s32 s28, $0x0;
	s5 =	smul.u32 @p2 $0x1B0, s5  }
.Ltmp16:
0x297: {  	_ = 	snop;
	(pc) =	sbr.rel @!p3 .LBB2_16-.Ltmp16, $4  }
0x298: {  	s3 =	ssub.s32 @p2 s3, s5  }
0x299: {  	s8 =	sadd.s32 @!p4 s8, s29;
	s5 =	sshll.u32 @p2 s3, $0x4  }
0x29a: {  	s9 =	sadd.s32 @p2 $0x1, s25;
	s8 =	smov.u32 @p4 s29;
	[tilespmem:s5+$0x28] =	vst.msk @p2 $0xff, v1  }
0x29b: {  	s25 =	smov.u32 @p2 s9;
	s21 =	smov.u32 @p2 s3;
	s29 =	smov.u32 @p2 s8;
	v1 =	vld.msk @!p2 [tilespmem:s24+$0x0], $0xff  }
.LBB2_17:
.Ltmp17:
0x29c: {  	_ = 	snop;
	(pc) =	sbr.rel .LBB2_19-.Ltmp17, $3  }
0x29d: {  	s2 =	sld [smem:$0x7FD];
	_ =	sdelay $0x1  }
0x29e: {  	s0 =	sshrl.u32 s29, $0x2;
	s28 =	smov.u32 s26  }
0x29f: {  	s4 =	smov.u32 s6;
	s6 =	rddreg [dreg:$0x7];
	p4 =	seq.s32 s2, $0x1;
	[tilespmem:s30+$0x28] =	vst.add.f32.msk @!p2 $0xff, v1  }
.LBB2_21:
0x2a0: {  	_ =	sfence.sel $0x180000  }
0x2a1: {  	s0 =	simm.s32 $0x9;
	[bflag:$0x0] =	sbarrier.arrive $0xFFFF  }
0x2a2: {  	s24 =	simm.s32 $0xA;
	[sflag:s0] =	ssyncpa.u1 $0x1  }
0x2a3: {  	s25 =	simm.s32 $0xB;
	[sflag:s24] =	ssyncpa.u1 $0x1  }
0x2a4: {  	s26 =	simm.s32 $0x2;
	[sflag:s25] =	ssyncpa.u1 $0x1  }
0x2a5: {  	[sflag:s26] =	ssyncpa.u1 $0x1  }
0x2a6: {  	v0 =	vld [tilespmem:$0x3648];
	_ =	sdelay $0x4  }
0x2a7: {  	(v2sf) =	vpush v0, $0x0  }
0x2a8: {  	(v2sf) =	vpush v0, $0x1;
	_ =	sdelay $0x1  }
0x2a9: {  	(v2sf) =	vpush v0, $0x2;
	_ =	sdelay $0xb  }
0x2aa: {  	s0 =	spop (v2sf)  }
0x2ab: {  	s2 =	spop (v2sf)  }
0x2ac: {  	s3 =	smov.u32 s0;
	p0 =	sne.s32 s0, s2  }
0x2ad: {  	s4 =	spop (v2sf);
	s3 =	simm.s32 @!p0 $0xFFFFFFFF  }
0x2ae: {  	v2 =	vimm.s32 $0x1;
	v3 =	vlaneseq.u32;
	p0 =	seq.s32 s4, $0xFFFFFFFF;
	v1 =	vmov s3  }
0x2af: {  	s16 =	stileid.u32;
	v0 =	vperm.xlane v0, v2;
	p1 =	sne.s32 @!p0 s0, s2;
	v1 =	vperm.xlane v1, v3  }
0x2b0: {  	vm0 =	vcmask $0x3F04;
	s6 =	simm.s32 $0x3648;
	s0 =	simm.s32 @!p0 $0x1;
	p1 =	por !p1, p0  }
0x2b1: {  	s3 =	sshll.u32 s16, $0x1;
	s2 =	sshll.u32 @!p0 s4, $0x6;
	s0 =	simm.s32 @p1 $0x0;
	v0 =	vsel vm0, v1, v0  }
0x2b2: {  	s5 =	sor.u32 $0x200, s3;
	s2 =	sshra.s32 @!p0 s2, $0x2;
	s0 =	sor.u32 @!p0 s0, s3;
	[tilespmem:$0x3648] =	vst v0  }
0x2b3: {  	[spmem:s5] =	stream.linear.scatter [tilespmem:s6], [sflag:$0x1], $0x2, $0x38;
	[tilespmem:$0x1F0F8] =	vst v63  }
0x2b4: {  	s2 =	sadd.s32 @!p0 $0x28, s2;
	s0 =	sshll.u32 @!p0 s0, $0x4  }
0x2b5: {  	[spmem:s0] =	stream.linear.scatter @!p0 [tilespmem:s2], [sflag:$0x1], $0x10, $0x38;
	[tilespmem:$0x1F0F8] =	vst v63  }
0x2b6: {  	s0 =	simm.s32 @!p0 $0x12  }
0x2b7: {  	s28 =	simm.s32 $0x1;
	s0 =	simm.s32 @p0 $0x2  }
0x2b8: {  	_ =	swait.ge [sflag:s28], s0  }
0x2b9: {  	s0 =	ssub.s32 $0x0, s0;
	[sflag:s28] =	ssyncset.done $0x0  }
0x2ba: {  	p0 =	sne.s32 s16, $0x0;
	[sflag:s28] =	ssyncadd.s32 s0  }
.Ltmp18:
0x2bb: {  	_ =	sfence.stream.spmem;
	(pc) =	sbr.rel @p0 .LBB2_38-.Ltmp18, $4  }
0x2bc: {  	s29 =	simm.s32 $0x3;
	[bflag:$0x0] =	sbarrier.arrive $0xFFFF  }
0x2bd: {  	s30 =	simm.s32 $0x4;
	[sflag:s29] =	ssyncpa.u1 $0x1  }
0x2be: {  	s31 =	simm.s32 $0x3C;
	[sflag:s30] =	ssyncpa.u1 $0x1  }
0x2bf: {  	s17 =	rddreg [dreg:$0x6];
	[sflag:s31] =	ssyncpa.u1 $0x1  }
0x2c0: {  	_ =	sfence.stream.spmem;
	s0 =	simm.s32 $0x5  }
0x2c1: {  	s2 =	simm.s32 $0x200;
	s3 =	simm.s32 $0x3658;
	[sflag:s0] =	ssyncpa.u1 $0x0  }
0x2c2: {  	[tilespmem:s3], [sflag:$0x5] =	stream.linear.gather [spmem:s2], $0x20, $0x38;
	[tilespmem:$0x1F0F8] =	vst v63  }
0x2c3: {  	s26 =	simm.s32 $0x0;
	s28 =	simm.s32 $0x3678  }
0x2c4: {  	[tilespmem:s28], [sflag:$0x5] =	stream.linear.gather [spmem:s26], $0x200, $0x38;
	[tilespmem:$0x1F0F8] =	vst v63  }
0x2c5: {  	_ =	swait.ge [sflag:s0], $0x220  }
0x2c6: {  	[sflag:s0] =	ssyncset.done $0x0  }
0x2c7: {  	s29 =	simm.s32 $0x0;
	[sflag:s0] =	ssyncadd.s32 $0xFFFFFDE0  }
0x2c8: {  	v0 =	vld.msk [tilespmem:s29+$0x3658], $0x1;
	_ =	sdelay $0x1  }
0x2c9: {  	s30 =	simm.s32 $0x1  }
0x2ca: {  	v1 =	vld.msk [tilespmem:s30+$0x3658], $0x1;
	_ =	sdelay $0x1  }
0x2cb: {  	(v2sf) =	vpush v0, $0x0;
	_ =	sdelay $0x2  }
0x2cc: {  	(v2sf) =	vpush v1, $0x0;
	_ =	sdelay $0x2  }
0x2cd: {  	s31 =	simm.s32 $0x2  }
0x2ce: {  	v0 =	vld.msk [tilespmem:s31+$0x3658], $0x1;
	_ =	sdelay $0x2  }
0x2cf: {  	s6 =	simm.s32 $0xFFFFFFFF;
	s2 =	simm.s32 $0xFFFFFFFF;
	s0 =	simm.s32 $0xC  }
.LBB2_23:
0x2d0: {  	s3 =	smov.u32 s6;
	s4 =	smov.u32 s2  }
0x2d1: {  	s2 =	sshra.s32 s0, $0x2;
	p1 =	sne.s32 s0, $0x7C;
	s0 =	sadd.s32 $0x4, s0;
	(v2sf) =	vpush v0, $0x0  }
0x2d2: {  	v0 =	vld.msk [tilespmem:s2+$0x3658], $0x1  }
.Ltmp19:
0x2d3: {  	(pc) =	sbr.rel @p1 .LBB2_23-.Ltmp19, $4  }
0x2d4: {  	s6 =	spop (v2sf)  }
0x2d5: {  	p2 =	sne.s32 s4, $0xFFFFFFFF;
	s2 =	smov.u32 s6  }
0x2d6: {  	p3 =	seq.s32 s6, $0xFFFFFFFF;
	s2 =	smov.u32 @p2 s4  }
0x2d7: {  	s6 =	smov.u32 @p3 s3;
	s2 =	smov.u32 @p3 s4  }
0x2d8: {  	(v2sf) =	vpush v0, $0x0;
	_ =	sdelay $0x8  }
0x2d9: {  	s0 =	spop (v2sf)  }
0x2da: {  	p1 =	sne.s32 s2, $0xFFFFFFFF;
	s3 =	smov.u32 s0  }
0x2db: {  	s9 =	simm.s32 $0x6;
	p2 =	seq.s32 s0, $0xFFFFFFFF;
	s3 =	smov.u32 @p1 s2  }
0x2dc: {  	s10 =	simm.s32 $0x3638;
	s3 =	smov.u32 @p2 s2;
	s2 =	spop (v2sf)  }
0x2dd: {  	s0 =	smov.u32 @p2 s6;
	p1 =	sne.s32 s3, $0xFFFFFFFF;
	s4 =	smov.u32 s2  }
.Ltmp20:
0x2de: {  	p2 =	seq.s32 s2, $0xFFFFFFFF;
	s4 =	smov.u32 @p1 s3;
	(pc) =	sbr.rel .LBB2_25-.Ltmp20, $4  }
0x2df: {  	s11 =	simm.s32 $0x0;
	s4 =	smov.u32 @p2 s3;
	s7 =	spop (v2sf)  }
0x2e0: {  	[sflag:s9] =	ssyncpa.u1 $0x0;
	p1 =	sne.s32 s4, $0xFFFFFFFF;
	s8 =	smov.u32 s7  }
0x2e1: {  	s2 =	smov.u32 @p2 s0;
	p2 =	seq.s32 s7, $0xFFFFFFFF;
	s8 =	smov.u32 @p1 s4  }
0x2e2: {  	s6 =	simm.s32 $0x0;
	s7 =	smov.u32 @p2 s2;
	s8 =	smov.u32 @p2 s4  }
.LBB2_30:
0x2e3: {  	p1 =	sgt.u32 s12, $0x1869FF  }
0x2e4: {  	p2 =	seq.s32 @!p1 s12, s8  }
0x2e5: {  	p1 =	por p1, p2  }
0x2e6: {  	p2 =	sne.s32 @!p1 s12, s7  }
0x2e7: {  	p1 =	por p1, !p2  }
0x2e8: {  	s0 =	sshll.u32 @p1 s11, $0x6  }
0x2e9: {  	s0 =	sand.u32 @!p1 $0x1FFFF8, s12  }
0x2ea: {  	s2 =	sand.u32 @!p1 $0x7, s12;
	s0 =	sadd.s32 @!p1 s1, s0  }
0x2eb: {  	[tilespmem:s10], [sflag:$0x6] =	stream.linear.gather @!p1 [hbm4b:s0+s2], $0x8, $0x38;
	[tilespmem:$0x1F0F8] =	vst v63  }
0x2ec: {  	_ =	swait.ge @!p1 [sflag:s9], $0x8  }
0x2ed: {  	[sflag:s9] =	ssyncset.done @!p1 $0x0  }
0x2ee: {  	[sflag:s9] =	ssyncadd.s32 @!p1 $0xFFFFFFF8  }
0x2ef: {  	v1 =	vld @!p1 [tilespmem:$0x3638];
	_ =	sdelay $0x2  }
0x2f0: {  	s0 =	sshll.u32 @!p1 s11, $0x6  }
0x2f1: {  	s2 =	sshrl.u32 @!p1 s0, $0x2  }
0x2f2: {  	[tilespmem:s2+$0x3678] =	vst.add.f32.msk @!p1 $0xffff, v1  }
0x2f3: {  	s0 =	sshrl.u32 s0, $0x2;
	[tilespmem:s6+$0x3658] =	vst.msk $0x1, v0  }
0x2f4: {  	v0 =	vld [tilespmem:s0+$0x3678];
	_ =	sdelay $0x2  }
0x2f5: {  	s31 =	sshll.u32 s6, $0x6  }
0x2f6: {  	s0 =	sshra.s32 s31, $0x2  }
0x2f7: {  	s6 =	sadd.s32 $0x1, s6;
	[tilespmem:s0+$0x3678] =	vst v0  }
.LBB2_32:
0x2f8: {  	s11 =	sadd.s32 $0x1, s11  }
0x2f9: {  	p1 =	sne.s32 s11, $0x20  }
.Ltmp21:
0x2fa: {  	_ = 	snop;
	(pc) =	sbr.rel @!p1 .LBB2_33-.Ltmp21, $1  }
0x2fb: {  	_ =	sdelay $0x3  }
.LBB2_25:
0x2fc: {  	v0 =	vld.msk [tilespmem:s11+$0x3658], $0x1;
	_ =	sdelay $0x4  }
0x2fd: {  	(v2sf) =	vpush v0, $0x0;
	_ =	sdelay $0xe  }
0x2fe: {  	s12 =	spop (v2sf)  }
0x2ff: {  	p1 =	seq.s32 s12, $0xFFFFFFFF  }
.Ltmp22:
0x300: {  	_ = 	snop;
	(pc) =	sbr.rel @p1 .LBB2_32-.Ltmp22, $1  }
0x301: {  	_ =	sdelay $0x3  }
0x302: {  	p1 =	slt.s32 s6, $0x1  }
.Ltmp23:
0x303: {  	_ = 	snop;
	(pc) =	sbr.rel @p1 .LBB2_30-.Ltmp23, $1  }
0x304: {  	_ =	sdelay $0x3  }
0x305: {  	s13 =	simm.s32 $0x3658;
	p1 =	por $0x0, $0x0  }
0x306: {  	v1 =	vld.msk @!p1 [tilespmem:s13+$0x0], $0x1;
	_ =	sdelay $0x4  }
0x307: {  	(v2sf) =	vpush @!p1 v1, $0x0;
	_ =	sdelay $0xd  }
0x308: {  	p3 =	sne.s32 s6, $0x1  }
.Ltmp24:
0x309: {  	s0 =	spop @!p1 (v2sf);
	(pc) =	sbr.rel @!p3 .LBB2_29-.Ltmp24, $4  }
0x30a: {  	p2 =	seq.s32 @!p1 s12, s0  }
0x30b: {  	s14 =	simm.s32 $0x0;
	p2 =	por !p2, p1  }
0x30c: {  	s0 =	simm.s32 $0xFFFFFFFF;
	s14 =	simm.s32 @p2 $0xFFFFFFFF  }
0x30d: {  	s15 =	simm.s32 $0x1;
	s14 =	smov.u32 @p1 s0  }
.LBB2_28:
0x30e: {  	s0 =	smov.u32 s14;
	p1 =	sne.s32 s14, $0xFFFFFFFF  }
0x30f: {  	s13 =	sadd.s32 $0x1, s13;
	s14 =	smov.u32 s15;
	s15 =	sadd.s32 $0x1, s15  }
0x310: {  	p2 =	sne.s32 s6, s15;
	v1 =	vld.msk @!p1 [tilespmem:s13+$0x0], $0x1;
	_ =	sdelay $0x4  }
0x311: {  	(v2sf) =	vpush @!p1 v1, $0x0;
	_ =	sdelay $0xe  }
.Ltmp25:
0x312: {  	s2 =	spop @!p1 (v2sf);
	(pc) =	sbr.rel @p2 .LBB2_28-.Ltmp25, $4  }
0x313: {  	p3 =	seq.s32 @!p1 s12, s2  }
0x314: {  	p3 =	por !p3, p1  }
0x315: {  	s14 =	simm.s32 @p3 $0xFFFFFFFF  }
0x316: {  	s14 =	smov.u32 @p1 s0  }
.LBB2_29:
0x317: {  	p1 =	sne.s32 s14, $0xFFFFFFFF  }
.Ltmp26:
0x318: {  	_ = 	snop;
	(pc) =	sbr.rel @!p1 .LBB2_30-.Ltmp26, $1  }
0x319: {  	_ =	sdelay $0x3  }
0x31a: {  	s0 =	sshll.u32 s11, $0x4  }
0x31b: {  	s0 =	sand.u32 $0x3FFFFFF0, s0  }
0x31c: {  	v0 =	vld [tilespmem:s0+$0x3678]  }
.Ltmp27:
0x31d: {  	_ = 	snop;
	(pc) =	sbr.rel .LBB2_32-.Ltmp27, $4  }
0x31e: {  	_ = 	snop  }
0x31f: {  	s31 =	sshll.u32 s14, $0x6  }
0x320: {  	s0 =	sshra.s32 s31, $0x2  }
0x321: {  	[tilespmem:s0+$0x3678] =	vst.add.f32.msk $0xffff, v0  }
.LBB2_33:
0x322: {  	s0 =	simm.s32 $0x6;
	p1 =	seq.s32 s6, $0x0  }
0x323: {  	[sflag:s0] =	ssyncpa.u1 $0x1;
	v0 =	vimm.s32 @p1 $0xFFFFFFFF  }
0x324: {  	s9 =	sadd.s32 $0xFFFFFFFF, s6;
	[tilespmem:$0x3878] =	vst @p1 v0  }
0x325: {  	v0 =	vld.msk @!p1 [tilespmem:s9+$0x3658], $0x1;
	_ =	sdelay $0x1  }
0x326: {  	v1 =	vld.msk @!p1 [tilespmem:$0x3658], $0x1;
	_ =	sdelay $0x2  }
0x327: {  	p2 =	seq.s32 @!p1 s9, $0x0;
	v0 =	vbroadcast @!p1 v0, $0x0  }
0x328: {  	vm0 =	vmmov @!p1 $0x1;
	p2 =	por !p2, p1  }
0x329: {  	v1 =	vnsel @!p1 vm0, $0xFFFFFFFF, v1;
	vm0 =	vcmask @!p1 $0x308;
	v0 =	vpsel !p2, $0xFFFFFFFF, v0  }
0x32a: {  	p2 =	sne.s32 @!p1 s8, s7;
	v0 =	vsel @!p1 vm0, v1, v0  }
0x32b: {  	s0 =	simm.s32 @!p1 $0x3678;
	s2 =	simm.s32 @!p1 $0x0;
	p3 =	por !p2, p1;
	[tilespmem:$0x3878] =	vst @!p1 v0  }
0x32c: {  	[spmem:s2] =	stream.linear.scatter @!p1 [tilespmem:s0], [sflag:$0x1], $0x10, $0x38;
	[tilespmem:$0x1F0F8] =	vst v63  }
0x32d: {  	s0 =	sshll.u32 @!p3 s9, $0x6  }
0x32e: {  	s0 =	sshra.s32 @!p3 s0, $0x2  }
0x32f: {  	s2 =	simm.s32 @!p3 $0x10;
	s0 =	sadd.s32 @!p3 $0x3678, s0  }
0x330: {  	[spmem:s2] =	stream.linear.scatter @!p3 [tilespmem:s0], [sflag:$0x1], $0x10, $0x38;
	[tilespmem:$0x1F0F8] =	vst v63  }
0x331: {  	s0 =	simm.s32 @!p3 $0x1  }
0x332: {  	_ =	swait.ge @!p3 [sflag:s0], $0x20  }
0x333: {  	p1 =	por p2, p1;
	[sflag:s0] =	ssyncset.done @!p3 $0x0  }
0x334: {  	[sflag:s0] =	ssyncadd.s32 @!p3 $0xFFFFFFE0;
	s0 =	simm.s32 @!p1 $0x1  }
0x335: {  	_ =	swait.ge @!p1 [sflag:s0], $0x10  }
0x336: {  	s29 =	simm.s32 $0x3878;
	[sflag:s0] =	ssyncset.done @!p1 $0x0  }
0x337: {  	s30 =	simm.s32 $0x200;
	s31 =	simm.s32 $0x1;
	[sflag:s0] =	ssyncadd.s32 @!p1 $0xFFFFFFF0  }
0x338: {  	[spmem:s30] =	stream.linear.scatter [tilespmem:s29], [sflag:$0x1], $0x10, $0x38;
	[tilespmem:$0x1F0F8] =	vst v63  }
0x339: {  	_ =	swait.ge [sflag:s31], $0x10  }
0x33a: {  	[sflag:s31] =	ssyncset.done $0x0  }
0x33b: {  	p1 =	seq.s32 s17, $0x0;
	s8 =	rddreg [dreg:$0x2];
	[sflag:s31] =	ssyncadd.s32 $0xFFFFFFF0  }
0x33c: {  	s2 =	sshll.u32 @p1 s8, $0xE;
	s7 =	rddreg [dreg:$0x3]  }
0x33d: {  	s0 =	sadd.s32 @p1 $0x15C3C, s2;
	s2 =	sshll.u32 @p1 s7, $0x11  }
0x33e: {  	_ =	sfence.stream.spmem;
	s0 =	sor.u32 @p1 s2, s0  }
0x33f: {  	[sflag:s0] =	ssyncadd.remote.s32 @p1 $0x1;
	s0 =	simm.s32 @p1 $0x4  }
0x340: {  	s3 =	simm.s32 @!p1 $0x3C;
	s2 =	sand.u32 $0xFFFFFFFE, s8;
	_ =	swait.ge @p1 [sflag:s0], $0x6  }
0x341: {  	s4 =	simm.s32 @!p1 $0x0;
	s2 =	sadd.s32 @!p1 $0x4, s2;
	[sflag:s0] =	ssyncset.done @p1 $0x0  }
0x342: {  	s5 =	simm.s32 @!p1 $0x20;
	[sflag:s0] =	ssyncadd.s32 @p1 $0xFFFFFFFA;
	s0 =	sshll.u32 @!p1 s2, $0x1A  }
0x343: {  	s2 =	sshll.u32 @!p1 s2, $0xD;
	s0 =	sor.u32 @!p1 s0, s7;
	_ =	swait.eq @!p1 [sflag:s3], $0x1  }
0x344: {  	s2 =	sor.u32 @!p1 $0x1C04, s2;
	s3 =	simm.s32 @!p1 $0x1C03;
	s0 =	sor.u32 @!p1 $0x80004000, s0  }
0x345: {  	[spmem:s5], [sflag:s2] =	dma.general @!p1 [spmem:s4], [sflag:s3], length:$0x4, [dreg:$0x0], stride_count:$0x0, ici_dest:s0, dma_misc:DstOpCode:WRITE  }
0x346: {  	p2 =	slt.s32 s9, $0x2;
	s4 =	simm.s32 @!p1 $0x40;
	s5 =	simm.s32 @!p1 $0x42  }
0x347: {  	[spmem:s5], [sflag:s2] =	dma.general @!p1 [spmem:s4], [sflag:s3], length:$0x2, [dreg:$0x0], stride_count:$0x0, ici_dest:s0, dma_misc:DstOpCode:WRITE  }
.Ltmp28:
0x348: {  	s0 =	simm.s32 @!p1 $0x3;
	(pc) =	sbr.rel @p2 .LBB2_37-.Ltmp28, $4  }
0x349: {  	s2 =	sshll.u32 @!p1 s8, $0xE;
	_ =	swait.ge @!p1 [sflag:s0], $0x6  }
0x34a: {  	s3 =	sshll.u32 @!p1 s7, $0x11;
	s2 =	sadd.s32 @!p1 $0x11C3C, s2;
	[sflag:s0] =	ssyncset.done @!p1 $0x0  }
0x34b: {  	[sflag:s0] =	ssyncadd.s32 @!p1 $0xFFFFFFFA;
	s0 =	sor.u32 @!p1 s3, s2  }
0x34c: {  	[sflag:s0] =	ssyncadd.remote.s32 @!p1 $0xFFFFFFFF;
	s0 =	simm.s32 $0x0  }
0x34d: {  	s0 =	simm.s32 $0x3659  }
0x34e: {  	v0 =	vld.msk [tilespmem:s0+$0x0], $0x1;
	_ =	sdelay $0x4  }
0x34f: {  	(v2sf) =	vpush v0, $0x0;
	_ =	sdelay $0xd  }
0x350: {  	s3 =	sadd.s32 $0xFFFFFFFE, s6  }
0x351: {  	s3 =	sadd.s32 $0xFFFFFFFF, s3;
	s0 =	spop (v2sf)  }
0x352: {  	p2 =	sne.s32 s3, $0x0;
	p1 =	sgt.u32 s0, $0x1869FF  }
.Ltmp29:
0x353: {  	s4 =	sand.u32 @!p1 $0x1FFFF8, s0;
	(pc) =	sbr.rel @!p2 .LBB2_36-.Ltmp29, $4  }
0x354: {  	s2 =	simm.s32 $0x3688;
	s0 =	sand.u32 @!p1 $0x7, s0;
	s4 =	sadd.s32 @!p1 s1, s4  }
0x355: {  	[hbm4b:s4+s0] =	stream.linear.scatter @!p1 [tilespmem:s2], [sflag:$0x5], $0x8, $0x38;
	[tilespmem:$0x1F0F8] =	vst v63  }
0x356: {  	s0 =	simm.s32 $0x0  }
0x357: {  	s6 =	simm.s32 $0x0;
	s7 =	simm.s32 $0x365A;
	s0 =	simm.s32 @!p1 $0x20  }
.LBB2_35:
0x358: {  	v0 =	vld.msk [tilespmem:s7+$0x0], $0x1;
	s3 =	sadd.s32 $0xFFFFFFFF, s3;
	s6 =	sadd.s32 s6, s0  }
0x359: {  	p1 =	sne.s32 s3, $0x0;
	_ =	sdelay $0x3  }
0x35a: {  	(v2sf) =	vpush v0, $0x0;
	_ =	sdelay $0xe  }
.Ltmp30:
0x35b: {  	s4 =	spop (v2sf);
	(pc) =	sbr.rel @p1 .LBB2_35-.Ltmp30, $4  }
0x35c: {  	s0 =	simm.s32 $0x0;
	p2 =	sgt.u32 s4, $0x1869FF  }
0x35d: {  	s2 =	sadd.s32 $0x10, s2;
	s0 =	simm.s32 @!p2 $0x20;
	s5 =	sand.u32 @!p2 $0x1FFFF8, s4  }
0x35e: {  	s7 =	sadd.s32 $0x1, s7;
	s4 =	sand.u32 @!p2 $0x7, s4;
	s5 =	sadd.s32 @!p2 s1, s5  }
0x35f: {  	[hbm4b:s5+s4] =	stream.linear.scatter @!p2 [tilespmem:s2], [sflag:$0x5], $0x8, $0x38;
	[tilespmem:$0x1F0F8] =	vst v63  }
.LBB2_36:
0x360: {  	s0 =	sadd.s32 s6, s0  }
0x361: {  	s0 =	sshrl.u32 s0, $0x2  }
.LBB2_37:
0x362: {  	s2 =	simm.s32 $0x5  }
0x363: {  	_ =	swait.ge [sflag:s2], s0  }
0x364: {  	s31 =	ssub.s32 $0x0, s0;
	[sflag:s2] =	ssyncset.done $0x0  }
0x365: {  	[sflag:s2] =	ssyncadd.s32 s31  }
0x366: {  	[sflag:s2] =	ssyncpa.u1 $0x1  }
.LBB2_38:
0x367: {  	s0 =	sor.u32 s17, s16  }
0x368: {  	p1 =	sne.s32 s0, $0x0  }
.Ltmp31:
0x369: {  	_ = 	snop;
	(pc) =	sbr.rel @p1 .LBB2_53-.Ltmp31, $3  }
0x36a: {  	_ =	sdelay $0x1  }
0x36b: {  	[bflag:$0x0] =	sbarrier.arrive $0xFFFF  }
0x36c: {  	_ =	sfence  }
0x36d: {  	s0 =	simm.s32 $0x7  }
0x36e: {  	s2 =	simm.s32 $0x200;
	s3 =	simm.s32 $0x3658;
	[sflag:s0] =	ssyncpa.u1 $0x0  }
0x36f: {  	[tilespmem:s3], [sflag:$0x7] =	stream.linear.gather [spmem:s2], $0x20, $0x38;
	[tilespmem:$0x1F0F8] =	vst v63  }
0x370: {  	s30 =	simm.s32 $0x3678;
	s2 =	simm.s32 $0x0  }
0x371: {  	[tilespmem:s30], [sflag:$0x7] =	stream.linear.gather [spmem:s2], $0x200, $0x38;
	[tilespmem:$0x1F0F8] =	vst v63  }
.Ltmp32:
0x372: {  	_ = 	snop;
	(pc) =	sbr.rel .LBB2_40-.Ltmp32, $4  }
0x373: {  	_ =	swait.ge [sflag:s0], $0x220  }
0x374: {  	[sflag:s0] =	ssyncset.done $0x0  }
0x375: {  	s31 =	simm.s32 $0x8;
	[sflag:s0] =	ssyncadd.s32 $0xFFFFFDE0  }
0x376: {  	s3 =	simm.s32 $0x0;
	[sflag:s31] =	ssyncpa.u1 $0x0  }
.LBB2_45:
0x377: {  	p1 =	slt.u32 s4, $0x186A00  }
0x378: {  	s0 =	sand.u32 @p1 $0x1FFFF8, s4  }
0x379: {  	s4 =	sand.u32 @p1 $0x7, s4;
	s5 =	simm.s32 @p1 $0x3638;
	s0 =	sadd.s32 @p1 s1, s0  }
0x37a: {  	[tilespmem:s5], [sflag:$0x8] =	stream.linear.gather @p1 [hbm4b:s0+s4], $0x8, $0x38;
	[tilespmem:$0x1F0F8] =	vst v63  }
0x37b: {  	s0 =	simm.s32 @p1 $0x8  }
0x37c: {  	_ =	swait.ge @p1 [sflag:s0], $0x8  }
0x37d: {  	[sflag:s0] =	ssyncset.done @p1 $0x0  }
0x37e: {  	[sflag:s0] =	ssyncadd.s32 @p1 $0xFFFFFFF8  }
0x37f: {  	v1 =	vld @p1 [tilespmem:$0x3638];
	_ =	sdelay $0x2  }
0x380: {  	s0 =	sshll.u32 @p1 s3, $0x6  }
0x381: {  	s5 =	sshll.u32 @!p1 s3, $0x6;
	s4 =	sshrl.u32 @p1 s0, $0x2  }
0x382: {  	s5 =	smov.u32 @p1 s0;
	[tilespmem:s4+$0x3678] =	vst.add.f32.msk @p1 $0xffff, v1  }
0x383: {  	s0 =	sshrl.u32 s5, $0x2;
	[tilespmem:s2+$0x3658] =	vst.msk $0x1, v0  }
0x384: {  	v0 =	vld [tilespmem:s0+$0x3678];
	_ =	sdelay $0x2  }
0x385: {  	s31 =	sshll.u32 s2, $0x6  }
0x386: {  	s0 =	sshra.s32 s31, $0x2  }
0x387: {  	s2 =	sadd.s32 $0x1, s2;
	[tilespmem:s0+$0x3678] =	vst v0  }
.LBB2_47:
0x388: {  	s3 =	sadd.s32 $0x1, s3  }
0x389: {  	p1 =	sne.s32 s3, $0x20  }
.Ltmp33:
0x38a: {  	_ = 	snop;
	(pc) =	sbr.rel @!p1 .LBB2_48-.Ltmp33, $1  }
0x38b: {  	_ =	sdelay $0x3  }
.LBB2_40:
0x38c: {  	v0 =	vld.msk [tilespmem:s3+$0x3658], $0x1;
	_ =	sdelay $0x4  }
0x38d: {  	(v2sf) =	vpush v0, $0x0;
	_ =	sdelay $0xe  }
0x38e: {  	s4 =	spop (v2sf)  }
0x38f: {  	p1 =	seq.s32 s4, $0xFFFFFFFF  }
.Ltmp34:
0x390: {  	_ = 	snop;
	(pc) =	sbr.rel @p1 .LBB2_47-.Ltmp34, $1  }
0x391: {  	_ =	sdelay $0x3  }
0x392: {  	p1 =	slt.s32 s2, $0x1  }
.Ltmp35:
0x393: {  	_ = 	snop;
	(pc) =	sbr.rel @p1 .LBB2_45-.Ltmp35, $1  }
0x394: {  	_ =	sdelay $0x3  }
0x395: {  	s5 =	simm.s32 $0x3658;
	p1 =	por $0x0, $0x0  }
0x396: {  	v1 =	vld.msk @!p1 [tilespmem:s5+$0x0], $0x1;
	_ =	sdelay $0x4  }
0x397: {  	(v2sf) =	vpush @!p1 v1, $0x0;
	_ =	sdelay $0xd  }
0x398: {  	p3 =	sne.s32 s2, $0x1  }
.Ltmp36:
0x399: {  	s0 =	spop @!p1 (v2sf);
	(pc) =	sbr.rel @!p3 .LBB2_44-.Ltmp36, $4  }
0x39a: {  	p2 =	seq.s32 @!p1 s4, s0  }
0x39b: {  	s6 =	simm.s32 $0x0;
	p2 =	por !p2, p1  }
0x39c: {  	s0 =	simm.s32 $0xFFFFFFFF;
	s6 =	simm.s32 @p2 $0xFFFFFFFF  }
0x39d: {  	s7 =	simm.s32 $0x1;
	s6 =	smov.u32 @p1 s0  }
.LBB2_43:
0x39e: {  	s0 =	smov.u32 s6;
	p1 =	sne.s32 s6, $0xFFFFFFFF  }
0x39f: {  	s5 =	sadd.s32 $0x1, s5;
	s6 =	smov.u32 s7;
	s7 =	sadd.s32 $0x1, s7  }
0x3a0: {  	p2 =	sne.s32 s2, s7;
	v1 =	vld.msk @!p1 [tilespmem:s5+$0x0], $0x1;
	_ =	sdelay $0x4  }
0x3a1: {  	(v2sf) =	vpush @!p1 v1, $0x0;
	_ =	sdelay $0xe  }
.Ltmp37:
0x3a2: {  	s8 =	spop @!p1 (v2sf);
	(pc) =	sbr.rel @p2 .LBB2_43-.Ltmp37, $4  }
0x3a3: {  	p3 =	seq.s32 @!p1 s4, s8  }
0x3a4: {  	p3 =	por !p3, p1  }
0x3a5: {  	s6 =	simm.s32 @p3 $0xFFFFFFFF  }
0x3a6: {  	s6 =	smov.u32 @p1 s0  }
.LBB2_44:
0x3a7: {  	p1 =	sne.s32 s6, $0xFFFFFFFF  }
.Ltmp38:
0x3a8: {  	_ = 	snop;
	(pc) =	sbr.rel @!p1 .LBB2_45-.Ltmp38, $1  }
0x3a9: {  	_ =	sdelay $0x3  }
0x3aa: {  	s0 =	sshll.u32 s3, $0x4  }
0x3ab: {  	s0 =	sand.u32 $0x3FFFFFF0, s0  }
0x3ac: {  	v0 =	vld [tilespmem:s0+$0x3678]  }
.Ltmp39:
0x3ad: {  	_ = 	snop;
	(pc) =	sbr.rel .LBB2_47-.Ltmp39, $4  }
0x3ae: {  	_ = 	snop  }
0x3af: {  	s31 =	sshll.u32 s6, $0x6  }
0x3b0: {  	s0 =	sshra.s32 s31, $0x2  }
0x3b1: {  	[tilespmem:s0+$0x3678] =	vst.add.f32.msk $0xffff, v0  }
.LBB2_48:
0x3b2: {  	p1 =	slt.s32 s2, $0x1  }
.Ltmp40:
0x3b3: {  	_ = 	snop;
	(pc) =	sbr.rel @p1 .LBB2_52-.Ltmp40, $3  }
0x3b4: {  	_ =	sdelay $0x1  }
0x3b5: {  	s0 =	simm.s32 $0x8  }
0x3b6: {  	s3 =	simm.s32 $0x0;
	[sflag:s0] =	ssyncpa.u1 $0x1  }
0x3b7: {  	s0 =	simm.s32 $0x3658  }
0x3b8: {  	v0 =	vld.msk [tilespmem:s0+$0x0], $0x1;
	_ =	sdelay $0x4  }
0x3b9: {  	(v2sf) =	vpush v0, $0x0;
	_ =	sdelay $0xe  }
0x3ba: {  	s2 =	sadd.s32 $0xFFFFFFFF, s2;
	s0 =	spop (v2sf)  }
0x3bb: {  	p2 =	sne.s32 s2, $0x0;
	p1 =	sgt.u32 s0, $0x1869FF  }
.Ltmp41:
0x3bc: {  	s5 =	sand.u32 @!p1 $0x1FFFF8, s0;
	(pc) =	sbr.rel @!p2 .LBB2_51-.Ltmp41, $4  }
0x3bd: {  	s4 =	simm.s32 $0x3678;
	s0 =	sand.u32 @!p1 $0x7, s0;
	s5 =	sadd.s32 @!p1 s1, s5  }
0x3be: {  	[hbm4b:s5+s0] =	stream.linear.scatter @!p1 [tilespmem:s4], [sflag:$0x7], $0x8, $0x38;
	[tilespmem:$0x1F0F8] =	vst v63  }
0x3bf: {  	s0 =	simm.s32 $0x0  }
0x3c0: {  	s5 =	simm.s32 $0x3659;
	s0 =	simm.s32 @!p1 $0x20  }
.LBB2_50:
0x3c1: {  	v0 =	vld.msk [tilespmem:s5+$0x0], $0x1;
	s2 =	sadd.s32 $0xFFFFFFFF, s2;
	s3 =	sadd.s32 s3, s0  }
0x3c2: {  	p1 =	sne.s32 s2, $0x0;
	_ =	sdelay $0x3  }
0x3c3: {  	(v2sf) =	vpush v0, $0x0;
	_ =	sdelay $0xe  }
.Ltmp42:
0x3c4: {  	s6 =	spop (v2sf);
	(pc) =	sbr.rel @p1 .LBB2_50-.Ltmp42, $4  }
0x3c5: {  	s0 =	simm.s32 $0x0;
	p2 =	sgt.u32 s6, $0x1869FF  }
0x3c6: {  	s4 =	sadd.s32 $0x10, s4;
	s0 =	simm.s32 @!p2 $0x20;
	s7 =	sand.u32 @!p2 $0x1FFFF8, s6  }
0x3c7: {  	s5 =	sadd.s32 $0x1, s5;
	s6 =	sand.u32 @!p2 $0x7, s6;
	s7 =	sadd.s32 @!p2 s1, s7  }
0x3c8: {  	[hbm4b:s7+s6] =	stream.linear.scatter @!p2 [tilespmem:s4], [sflag:$0x7], $0x8, $0x38;
	[tilespmem:$0x1F0F8] =	vst v63  }
.LBB2_51:
0x3c9: {  	s0 =	sadd.s32 s3, s0  }
0x3ca: {  	s3 =	sshrl.u32 s0, $0x2  }
.LBB2_52:
0x3cb: {  	s0 =	simm.s32 $0x7  }
0x3cc: {  	_ =	swait.ge [sflag:s0], s3  }
0x3cd: {  	s1 =	ssub.s32 $0x0, s3;
	[sflag:s0] =	ssyncset.done $0x0  }
0x3ce: {  	[sflag:s0] =	ssyncadd.s32 s1  }
0x3cf: {  	[sflag:s0] =	ssyncpa.u1 $0x1  }
.LBB2_53:
0x3d0: {  	_ =	sfence;
	s0 =	simm.s32 $0x1  }
0x3d1: {  	[sflag:s0] =	ssyncpa.u1 $0x1  }
0x3d2: {  	_ =	strace $0x9000005C  }
0x3d3: {  	[bflag:$0x2] =	sbarrier.arrive $0xFFFF  }
0x3d4: {  	s0 =	rddreg [dreg:$0x4]  }
0x3d5: {  	s0 =	sadd.s32 @!p0 $0x100000, s0  }
0x3d6: {  	[sflag:s0] =	ssyncadd.tile.s32 @!p0 $0x1;
	_ =	shalt  }
.Lfunc_end2:
_tile_overlayer_lowered:
.L_overlay_start_2:
0x3d7: {  	(tag) =	ssettag $0x2  }
0x3d8: {  	s0 =	rddreg [dreg:$0x0];
	s2 =	stileid.u32  }
0x3d9: {  	s1 =	rddreg [dreg:$0x1];
	p0 =	sne.s32 s2, $0x0  }
0x3da: {  	s3 =	rddreg [dreg:$0x2];
	[bflag:$0x3] =	sbarrier.arrive $0xFFFF;
	s2 =	simm.s32 @!p0 $0x1C01  }
0x3db: {  	[timem:s3], [sflag:s2] =	dma.local @!p0 [hbm:s0], s1  }
0x3dc: {  	s0 =	simm.s32 @!p0 $0x1  }
0x3dd: {  	_ =	swait.ge @!p0 [sflag:s0], s1  }
0x3de: {  	s1 =	ssub.s32 @!p0 $0x0, s1;
	[sflag:s0] =	ssyncset.done @!p0 $0x0  }
0x3df: {  	[sflag:s0] =	ssyncadd.s32 @!p0 s1  }
0x3e0: {  	[bflag:$0x3] =	sbarrier.arrive $0xFFFF  }
0x3e1: {  	_ =	shalt  }

// kernel: scatter_offload_async_start
scs
__scs_entry_jumppad:
0x0: {  	(pc) =	sbr.rel $0x88, $3  }
0x1: {  	(tag) =	ssettag $0x0;
	lr =	simm.s32 $0x1  }
0x2: {  	[smem:$0x3F66] =	sst lr;
	_ =	strace $0xD0000000  }
0x3: {  	_ = 	snop  }
0x4: {  	_ = 	snop  }
0x5: {  	_ = 	snop  }
0x6: {  	_ = 	snop  }
0x7: {  	_ = 	snop  }
__scs_overlays_trampoline_lowered:
0x8: {  	[smem:$0x3F75] =	sst s0  }
0x9: {  	[smem:$0x3F76] =	sst s1  }
0xa: {  	[smem:$0x3F77] =	sst s2  }
0xb: {  	[smem:$0x3F78] =	sst s3  }
0xc: {  	[smem:$0x3F79] =	sst s4  }
0xd: {  	[smem:$0x3F7A] =	sst s5  }
0xe: {  	[smem:$0x3F7B] =	sst s6  }
0xf: {  	[smem:$0x3F7C] =	sst s7  }
0x10: {  	[smem:$0x3F7D] =	sst s8  }
0x11: {  	[smem:$0x3F7E] =	sst s9;
	s0 =	simm.s32 @!p0 $0x0  }
0x12: {  	s1 =	sld [smem:$0x3F64];
	s0 =	simm.s32 @p0 $0x1  }
0x13: {  	[smem:$0x3F7F] =	sst s0;
	s0 =	simm.s32 @!p1 $0x0  }
0x14: {  	s2 =	sld [smem:$0x3F63];
	s0 =	simm.s32 @p1 $0x1  }
0x15: {  	[smem:$0x3F80] =	sst s0;
	s0 =	simm.s32 @!p2 $0x0  }
0x16: {  	s3 =	sld [smem:$0x3FDB];
	s0 =	simm.s32 @p2 $0x1  }
0x17: {  	s4 =	simm.s32 $0x1BF5;
	[smem:$0x3F82] =	sst s0  }
0x18: {  	s0 =	sld [smem:$0x3F65];
	_ =	swait.ge [sflag:s4], $0x0  }
0x19: {  	s7 =	sld [smem:$0x3F66]  }
0x1a: {  	s8 =	sadd.s32 $0xFFFFE003, lr  }
0x1b: {  	s9 =	sadd.s32 $0xFFFFFEF7, lr;
	s5 =	simm.s32 $0xFFFFFFFF;
	p2 =	slt.u32 s8, $0xFFFFF086  }
0x1c: {  	p1 =	slt.u32 s9, $0xF7A;
	s5 =	simm.s32 @!p2 $0x0  }
0x1d: {  	s5 =	simm.s32 @p1 $0x1;
	p0 =	seq.s32 s7, s2  }
0x1e: {  	s7 =	smul.u32 @!p0 $0xF7A, s2;
	p2 =	seq.s32 @!p0 s5, $0x0  }
0x1f: {  	s9 =	smul.u32 $0xF7A, s1;
	s8 =	simm.s32 @!p0 $0x1BF5;
	p2 =	por !p2, p0  }
0x20: {  	[sflag:s8] =	ssyncset.s32 @!p0 $0xFFFFF086;
	s6 =	sadd.s32 @!p0 s3, s7;
	s7 =	simm.s32 @!p0 $0x108  }
0x21: {  	s3 =	sadd.s32 s3, s9;
	s6 =	sadd.s32 @!p0 $0x88, s6;
	s7 =	simm.s32 @p2 $0x1082  }
0x22: {  	[simem:s7], [sflag:s8] =	dma.local @!p0 [hbm:s6], $0xF7A  }
0x23: {  	s9 =	sor.u32 $0xD0000000, s2;
	s6 =	simm.s32 $0x108;
	_ =	swait.ge @!p0 [sflag:s8], $0x0  }
0x24: {  	s3 =	sadd.s32 $0x88, s3;
	s6 =	simm.s32 @!p1 $0x1082;
	[sflag:s4] =	ssyncset.s32 $0xFFFFF086  }
0x25: {  	[simem:s6], [sflag:s4] =	dma.local [hbm:s3], $0xF7A  }
0x26: {  	[smem:$0x3F66] =	sst s1;
	(tag) =	ssettag s2;
	_ =	strace s9  }
0x27: {  	s1 =	sld [smem:$0x3F76]  }
0x28: {  	s2 =	sld [smem:$0x3F77]  }
0x29: {  	s4 =	sld [smem:$0x3F79]  }
0x2a: {  	p0 =	seq.s32 s5, $0x0;
	s5 =	sld [smem:$0x3F7A]  }
0x2b: {  	s6 =	sld [smem:$0x3F7B]  }
0x2c: {  	s7 =	sld [smem:$0x3F7C]  }
0x2d: {  	s3 =	simm.s32 $0x108;
	s8 =	sld [smem:$0x3F7D]  }
0x2e: {  	s3 =	simm.s32 @!p0 $0x1082;
	s9 =	sld [smem:$0x3F7E]  }
0x2f: {  	lr =	sadd.s32 s0, s3;
	s0 =	sld [smem:$0x3F75]  }
0x30: {  	s3 =	sld [smem:$0x3F78]  }
0x31: {  	[smem:$0x3F81] =	sst s10  }
0x32: {  	s10 =	sld [smem:$0x3F7F];
	_ =	sdelay $0x3  }
0x33: {  	p0 =	seq.s32 s10, $0x1;
	s10 =	sld [smem:$0x3F81];
	_ =	sdelay $0x3  }
0x34: {  	[smem:$0x3F81] =	sst s10  }
0x35: {  	s10 =	sld [smem:$0x3F80];
	_ =	sdelay $0x3  }
0x36: {  	p1 =	seq.s32 s10, $0x1;
	s10 =	sld [smem:$0x3F81];
	_ =	sdelay $0x3  }
0x37: {  	[smem:$0x3F81] =	sst s10  }
0x38: {  	s10 =	sld [smem:$0x3F82]  }
0x39: {  	_ = 	snop;
	(pc) =	sbr.ind lr, $3  }
0x3a: {  	_ = 	snop  }
0x3b: {  	_ = 	snop  }
0x3c: {  	p2 =	seq.s32 s10, $0x1;
	s10 =	sld [smem:$0x3F81]  }
0x3d: {  	_ =	shalt  }
0x3e: {  	_ =	shalt  }
0x3f: {  	_ =	shalt  }
0x40: {  	_ =	shalt  }
0x41: {  	_ =	shalt  }
0x42: {  	_ =	shalt  }
0x43: {  	_ =	shalt  }
0x44: {  	_ =	shalt  }
0x45: {  	_ =	shalt  }
0x46: {  	_ =	shalt  }
0x47: {  	_ =	shalt  }
0x48: {  	_ =	shalt  }
0x49: {  	_ =	shalt  }
0x4a: {  	_ =	shalt  }
0x4b: {  	_ =	shalt  }
0x4c: {  	_ =	shalt  }
0x4d: {  	_ =	shalt  }
0x4e: {  	_ =	shalt  }
0x4f: {  	_ =	shalt  }
0x50: {  	_ =	shalt  }
0x51: {  	_ =	shalt  }
0x52: {  	_ =	shalt  }
0x53: {  	_ =	shalt  }
0x54: {  	_ =	shalt  }
0x55: {  	_ =	shalt  }
0x56: {  	_ =	shalt  }
0x57: {  	_ =	shalt  }
0x58: {  	_ =	shalt  }
0x59: {  	_ =	shalt  }
0x5a: {  	_ =	shalt  }
0x5b: {  	_ =	shalt  }
0x5c: {  	_ =	shalt  }
0x5d: {  	_ =	shalt  }
0x5e: {  	_ =	shalt  }
0x5f: {  	_ =	shalt  }
0x60: {  	_ =	shalt  }
0x61: {  	_ =	shalt  }
0x62: {  	_ =	shalt  }
0x63: {  	_ =	shalt  }
0x64: {  	_ =	shalt  }
0x65: {  	_ =	shalt  }
0x66: {  	_ =	shalt  }
0x67: {  	_ =	shalt  }
0x68: {  	_ =	shalt  }
0x69: {  	_ =	shalt  }
0x6a: {  	_ =	shalt  }
0x6b: {  	_ =	shalt  }
0x6c: {  	_ =	shalt  }
0x6d: {  	_ =	shalt  }
0x6e: {  	_ =	shalt  }
0x6f: {  	_ =	shalt  }
0x70: {  	_ =	shalt  }
0x71: {  	_ =	shalt  }
0x72: {  	_ =	shalt  }
0x73: {  	_ =	shalt  }
0x74: {  	_ =	shalt  }
0x75: {  	_ =	shalt  }
0x76: {  	_ =	shalt  }
0x77: {  	_ =	shalt  }
0x78: {  	_ =	shalt  }
0x79: {  	_ =	shalt  }
0x7a: {  	_ =	shalt  }
0x7b: {  	_ =	shalt  }
0x7c: {  	_ =	shalt  }
0x7d: {  	_ =	shalt  }
0x7e: {  	_ =	shalt  }
0x7f: {  	_ =	shalt  }
0x80: {  	_ =	shalt  }
0x81: {  	_ =	shalt  }
0x82: {  	_ =	shalt  }
0x83: {  	_ =	shalt  }
0x84: {  	_ =	shalt  }
0x85: {  	_ =	shalt  }
0x86: {  	_ =	shalt  }
0x87: {  	_ =	shalt  }
.Lfunc_end0:
.L_simem_size_0:
called_computation_lowered:
.L_overlay_start_0:
0x88: {  	s2 =	sld [smem:$0x3FD9]  }
0x89: {  	s3 =	sld [smem:$0x3FFE];
	_ =	sdelay $0x1  }
0x8a: {  	s1 =	srdreg.scid  }
0x8b: {  	s0 =	sand.u32 $0x1, s1  }
0x8c: {  	s16 =	sshll.u32 s0, $0xA;
	s2 =	sadd.s32 s3, s2  }
0x8d: {  	s2 =	sadd.s32 s2, s16  }
0x8e: {  	[smem:$0x3F8D] =	sst s2  }
0x8f: {  	_ = 	snop  }
0x90: {  	s2 =	sld [smem:$0x3FD0];
	(tm) =	ssettm $0x1  }
0x91: {  	s17 =	sld [smem:$0x3FFB];
	_ =	sdelay $0x3  }
0x92: {  	_ =	strace s17  }
0x93: {  	s3 =	sld [smem:$0x3FFC];
	_ =	sdelay $0x3  }
0x94: {  	_ =	strace s3  }
0x95: {  	s3 =	sld [smem:$0x3FFD];
	_ =	sdelay $0x3  }
0x96: {  	_ =	strace s3  }
0x97: {  	_ =	strace $0x8FFFFFFF  }
0x98: {  	s18 =	sld [smem:$0x3FDB];
	_ =	sdelay $0x1  }
0x99: {  	s4 =	simm.s32 $_scs_section_size  }
0x9a: {  	s5 =	simm.s32 $_size__tile_overlayer_lowered;
	s6 =	simm.s32 $_tile_overlayer_lowered  }
0x9b: {  	s21 =	simm.s32 $0x1BFF;
	s20 =	sshll.u32 s6, $0x1;
	s3 =	sadd.s32 s4, s18  }
0x9c: {  	s7 =	simm.s32 $0x0;
	s19 =	sshll.u32 s5, $0x1;
	s5 =	sadd.s32 s20, s3  }
0x9d: {  	[timem:s7], [sflag:s21] =	dma.local [hbm:s5], s19  }
0x9e: {  	_ =	swait.ge [sflag:s21], s19  }
0x9f: {  	s4 =	ssub.s32 $0x0, s19;
	[sflag:s21] =	ssyncset.done $0x0  }
0xa0: {  	[sflag:s21] =	ssyncadd.s32 s4;
	_ =	sdelay $0x1  }
0xa1: {  	s22 =	simm.s32 $0x1B8B  }
0xa2: {  	_ =	swait.ge [sflag:s22], $0x1  }
0xa3: {  	[sflag:s22] =	ssyncset.done $0x0  }
0xa4: {  	s23 =	sld [smem:$0x3FFE];
	[sflag:s22] =	ssyncadd.s32 $0xFFFFFFFF  }
0xa5: {  	s25 =	simm.s32 $0x1B8E;
	s24 =	sld [smem:$0x0]  }
0xa6: {  	s26 =	simm.s32 $execute0_lowered;
	[smem:$0x3FD2] =	sst s25  }
0xa7: {  	s6 =	sshll.u32 s26, $0x1;
	_ =	strace $0x80000052;
	[dreg:$0x1] =	wrdreg $0xFFFFFFFF  }
0xa8: {  	s28 =	simm.s32 $_size_execute0_lowered;
	s3 =	sadd.s32 s3, s6;
	[dreg:$0x0] =	wrdreg $0x0  }
0xa9: {  	s6 =	sshll.u32 s28, $0x1;
	[dreg:$0x2] =	wrdreg s3  }
0xaa: {  	[dreg:$0x3] =	wrdreg s6  }
0xab: {  	[dreg:$0x4] =	wrdreg $0xC0  }
0xac: {  	_ =	task [dreg:s7], $0x5FFFF  }
0xad: {  	[dreg:$0x1] =	wrdreg $0xFFFFFFFF  }
0xae: {  	[dreg:$0x0] =	wrdreg $0x60  }
0xaf: {  	[dreg:$0x2] =	wrdreg s2  }
0xb0: {  	[dreg:$0x3] =	wrdreg s23  }
0xb1: {  	[dreg:$0x4] =	wrdreg s1  }
0xb2: {  	[dreg:$0x5] =	wrdreg s24  }
0xb3: {  	[dreg:$0x6] =	wrdreg $0x9  }
0xb4: {  	_ =	task.clear_ibuf [dreg:s7], $0x7FFFF;
	_ =	strace $0x90000052  }
0xb5: {  	s29 =	simm.s32 $0x9;
	_ =	strace $0x80000054  }
0xb6: {  	_ =	swait.ge [sflag:s29], $0x1  }
0xb7: {  	[sflag:s29] =	ssyncadd.s32 $0xFFFFFFFF  }
0xb8: {  	_ =	strace $0x90000054  }
0xb9: {  	_ =	sfence  }
0xba: {  	s30 =	sld [smem:$0x0];
	_ =	sdelay $0x2  }
0xbb: {  	s31 =	sshll.u32 s1, $0xD;
	s1 =	sshrl.u32 s1, $0x2  }
0xbc: {  	s3 =	sand.u32 $0x4000, s31;
	s1 =	sadd.s32 s1, s30  }
0xbd: {  	s0 =	sor.u32 s3, s0;
	s1 =	sshll.u32 s1, $0x11  }
0xbe: {  	s0 =	sor.u32 s1, s0  }
0xbf: {  	s0 =	sadd.s32 $0x8F2B, s0  }
0xc0: {  	[sflag:s0] =	ssyncadd.remote.s32 $0x1  }
0xc1: {  	_ =	sfence.sel $0xFFFF  }
0xc2: {  	[dreg:$0x0] =	wrdreg $0xFFFFFFFF;
	(pc) =	sbr.abs _section_cstart, $3  }
0xc3: {  	[dreg:$0x1] =	wrdreg $0xFFFFFFFF  }
0xc4: {  	_ =	task.clear_ibuf [dreg:s7], $0x2FFFF;
	_ =	strace $0x9FFFFFFF  }
0xc5: {  	(tm) =	ssettm $0x7FFFFFFF  }
tec
execute0_lowered:
.L_overlay_start_1:
0x0: {  	(tag) =	ssettag $0x1  }
0x1: {  	s1 =	rddreg [dreg:$0x0]  }
0x2: {  	s11 =	rddreg [dreg:$0x1]  }
0x3: {  	s2 =	rddreg [dreg:$0x2];
	_ =	strace $0x80000053;
	s12 =	simm.s32 $0x1  }
0x4: {  	v0 =	vimm.s32 $0x0;
	[sflag:s12] =	ssyncpa.u1 $0x0  }
0x5: {  	[tilespmem:$0x28] =	vst v0  }
0x6: {  	[tilespmem:$0x38] =	vst v0  }
0x7: {  	[tilespmem:$0x48] =	vst v0  }
0x8: {  	[tilespmem:$0x58] =	vst v0  }
0x9: {  	[tilespmem:$0x68] =	vst v0  }
0xa: {  	[tilespmem:$0x78] =	vst v0  }
0xb: {  	[tilespmem:$0x88] =	vst v0  }
0xc: {  	[tilespmem:$0x98] =	vst v0  }
0xd: {  	[tilespmem:$0xA8] =	vst v0  }
0xe: {  	[tilespmem:$0xB8] =	vst v0  }
0xf: {  	[tilespmem:$0xC8] =	vst v0  }
0x10: {  	[tilespmem:$0xD8] =	vst v0  }
0x11: {  	[tilespmem:$0xE8] =	vst v0  }
0x12: {  	[tilespmem:$0xF8] =	vst v0  }
0x13: {  	[tilespmem:$0x108] =	vst v0  }
0x14: {  	[tilespmem:$0x118] =	vst v0  }
0x15: {  	[tilespmem:$0x128] =	vst v0  }
0x16: {  	[tilespmem:$0x138] =	vst v0  }
0x17: {  	[tilespmem:$0x148] =	vst v0  }
0x18: {  	[tilespmem:$0x158] =	vst v0  }
0x19: {  	[tilespmem:$0x168] =	vst v0  }
0x1a: {  	[tilespmem:$0x178] =	vst v0  }
0x1b: {  	[tilespmem:$0x188] =	vst v0  }
0x1c: {  	[tilespmem:$0x198] =	vst v0  }
0x1d: {  	[tilespmem:$0x1A8] =	vst v0  }
0x1e: {  	[tilespmem:$0x1B8] =	vst v0  }
0x1f: {  	[tilespmem:$0x1C8] =	vst v0  }
0x20: {  	[tilespmem:$0x1D8] =	vst v0  }
0x21: {  	[tilespmem:$0x1E8] =	vst v0  }
0x22: {  	[tilespmem:$0x1F8] =	vst v0  }
0x23: {  	[tilespmem:$0x208] =	vst v0  }
0x24: {  	[tilespmem:$0x218] =	vst v0  }
0x25: {  	[tilespmem:$0x228] =	vst v0  }
0x26: {  	[tilespmem:$0x238] =	vst v0  }
0x27: {  	[tilespmem:$0x248] =	vst v0  }
0x28: {  	[tilespmem:$0x258] =	vst v0  }
0x29: {  	[tilespmem:$0x268] =	vst v0  }
0x2a: {  	[tilespmem:$0x278] =	vst v0  }
0x2b: {  	[tilespmem:$0x288] =	vst v0  }
0x2c: {  	[tilespmem:$0x298] =	vst v0  }
0x2d: {  	[tilespmem:$0x2A8] =	vst v0  }
0x2e: {  	[tilespmem:$0x2B8] =	vst v0  }
0x2f: {  	[tilespmem:$0x2C8] =	vst v0  }
0x30: {  	[tilespmem:$0x2D8] =	vst v0  }
0x31: {  	[tilespmem:$0x2E8] =	vst v0  }
0x32: {  	[tilespmem:$0x2F8] =	vst v0  }
0x33: {  	[tilespmem:$0x308] =	vst v0  }
0x34: {  	[tilespmem:$0x318] =	vst v0  }
0x35: {  	[tilespmem:$0x328] =	vst v0  }
0x36: {  	[tilespmem:$0x338] =	vst v0  }
0x37: {  	[tilespmem:$0x348] =	vst v0  }
0x38: {  	[tilespmem:$0x358] =	vst v0  }
0x39: {  	[tilespmem:$0x368] =	vst v0  }
0x3a: {  	[tilespmem:$0x378] =	vst v0  }
0x3b: {  	[tilespmem:$0x388] =	vst v0  }
0x3c: {  	[tilespmem:$0x398] =	vst v0  }
0x3d: {  	[tilespmem:$0x3A8] =	vst v0  }
0x3e: {  	[tilespmem:$0x3B8] =	vst v0  }
0x3f: {  	[tilespmem:$0x3C8] =	vst v0  }
0x40: {  	[tilespmem:$0x3D8] =	vst v0  }
0x41: {  	[tilespmem:$0x3E8] =	vst v0  }
0x42: {  	[tilespmem:$0x3F8] =	vst v0  }
0x43: {  	[tilespmem:$0x408] =	vst v0  }
0x44: {  	[tilespmem:$0x418] =	vst v0  }
0x45: {  	[tilespmem:$0x428] =	vst v0  }
0x46: {  	[tilespmem:$0x438] =	vst v0  }
0x47: {  	[tilespmem:$0x448] =	vst v0  }
0x48: {  	[tilespmem:$0x458] =	vst v0  }
0x49: {  	[tilespmem:$0x468] =	vst v0  }
0x4a: {  	[tilespmem:$0x478] =	vst v0  }
0x4b: {  	[tilespmem:$0x488] =	vst v0  }
0x4c: {  	[tilespmem:$0x498] =	vst v0  }
0x4d: {  	[tilespmem:$0x4A8] =	vst v0  }
0x4e: {  	[tilespmem:$0x4B8] =	vst v0  }
0x4f: {  	[tilespmem:$0x4C8] =	vst v0  }
0x50: {  	[tilespmem:$0x4D8] =	vst v0  }
0x51: {  	[tilespmem:$0x4E8] =	vst v0  }
0x52: {  	[tilespmem:$0x4F8] =	vst v0  }
0x53: {  	[tilespmem:$0x508] =	vst v0  }
0x54: {  	[tilespmem:$0x518] =	vst v0  }
0x55: {  	[tilespmem:$0x528] =	vst v0  }
0x56: {  	[tilespmem:$0x538] =	vst v0  }
0x57: {  	[tilespmem:$0x548] =	vst v0  }
0x58: {  	[tilespmem:$0x558] =	vst v0  }
0x59: {  	[tilespmem:$0x568] =	vst v0  }
0x5a: {  	[tilespmem:$0x578] =	vst v0  }
0x5b: {  	[tilespmem:$0x588] =	vst v0  }
0x5c: {  	[tilespmem:$0x598] =	vst v0  }
0x5d: {  	[tilespmem:$0x5A8] =	vst v0  }
0x5e: {  	[tilespmem:$0x5B8] =	vst v0  }
0x5f: {  	[tilespmem:$0x5C8] =	vst v0  }
0x60: {  	[tilespmem:$0x5D8] =	vst v0  }
0x61: {  	[tilespmem:$0x5E8] =	vst v0  }
0x62: {  	[tilespmem:$0x5F8] =	vst v0  }
0x63: {  	[tilespmem:$0x608] =	vst v0  }
0x64: {  	[tilespmem:$0x618] =	vst v0  }
0x65: {  	[tilespmem:$0x628] =	vst v0  }
0x66: {  	[tilespmem:$0x638] =	vst v0  }
0x67: {  	[tilespmem:$0x648] =	vst v0  }
0x68: {  	[tilespmem:$0x658] =	vst v0  }
0x69: {  	[tilespmem:$0x668] =	vst v0  }
0x6a: {  	[tilespmem:$0x678] =	vst v0  }
0x6b: {  	[tilespmem:$0x688] =	vst v0  }
0x6c: {  	[tilespmem:$0x698] =	vst v0  }
0x6d: {  	[tilespmem:$0x6A8] =	vst v0  }
0x6e: {  	[tilespmem:$0x6B8] =	vst v0  }
0x6f: {  	[tilespmem:$0x6C8] =	vst v0  }
0x70: {  	[tilespmem:$0x6D8] =	vst v0  }
0x71: {  	[tilespmem:$0x6E8] =	vst v0  }
0x72: {  	[tilespmem:$0x6F8] =	vst v0  }
0x73: {  	[tilespmem:$0x708] =	vst v0  }
0x74: {  	[tilespmem:$0x718] =	vst v0  }
0x75: {  	[tilespmem:$0x728] =	vst v0  }
0x76: {  	[tilespmem:$0x738] =	vst v0  }
0x77: {  	[tilespmem:$0x748] =	vst v0  }
0x78: {  	[tilespmem:$0x758] =	vst v0  }
0x79: {  	[tilespmem:$0x768] =	vst v0  }
0x7a: {  	[tilespmem:$0x778] =	vst v0  }
0x7b: {  	[tilespmem:$0x788] =	vst v0  }
0x7c: {  	[tilespmem:$0x798] =	vst v0  }
0x7d: {  	[tilespmem:$0x7A8] =	vst v0  }
0x7e: {  	[tilespmem:$0x7B8] =	vst v0  }
0x7f: {  	[tilespmem:$0x7C8] =	vst v0  }
0x80: {  	[tilespmem:$0x7D8] =	vst v0  }
0x81: {  	[tilespmem:$0x7E8] =	vst v0  }
0x82: {  	[tilespmem:$0x7F8] =	vst v0  }
0x83: {  	[tilespmem:$0x808] =	vst v0  }
0x84: {  	[tilespmem:$0x818] =	vst v0  }
0x85: {  	[tilespmem:$0x828] =	vst v0  }
0x86: {  	[tilespmem:$0x838] =	vst v0  }
0x87: {  	[tilespmem:$0x848] =	vst v0  }
0x88: {  	[tilespmem:$0x858] =	vst v0  }
0x89: {  	[tilespmem:$0x868] =	vst v0  }
0x8a: {  	[tilespmem:$0x878] =	vst v0  }
0x8b: {  	[tilespmem:$0x888] =	vst v0  }
0x8c: {  	[tilespmem:$0x898] =	vst v0  }
0x8d: {  	[tilespmem:$0x8A8] =	vst v0  }
0x8e: {  	[tilespmem:$0x8B8] =	vst v0  }
0x8f: {  	[tilespmem:$0x8C8] =	vst v0  }
0x90: {  	[tilespmem:$0x8D8] =	vst v0  }
0x91: {  	[tilespmem:$0x8E8] =	vst v0  }
0x92: {  	[tilespmem:$0x8F8] =	vst v0  }
0x93: {  	[tilespmem:$0x908] =	vst v0  }
0x94: {  	[tilespmem:$0x918] =	vst v0  }
0x95: {  	[tilespmem:$0x928] =	vst v0  }
0x96: {  	[tilespmem:$0x938] =	vst v0  }
0x97: {  	[tilespmem:$0x948] =	vst v0  }
0x98: {  	[tilespmem:$0x958] =	vst v0  }
0x99: {  	[tilespmem:$0x968] =	vst v0  }
0x9a: {  	[tilespmem:$0x978] =	vst v0  }
0x9b: {  	[tilespmem:$0x988] =	vst v0  }
0x9c: {  	[tilespmem:$0x998] =	vst v0  }
0x9d: {  	[tilespmem:$0x9A8] =	vst v0  }
0x9e: {  	[tilespmem:$0x9B8] =	vst v0  }
0x9f: {  	[tilespmem:$0x9C8] =	vst v0  }
0xa0: {  	[tilespmem:$0x9D8] =	vst v0  }
0xa1: {  	[tilespmem:$0x9E8] =	vst v0  }
0xa2: {  	[tilespmem:$0x9F8] =	vst v0  }
0xa3: {  	[tilespmem:$0xA08] =	vst v0  }
0xa4: {  	[tilespmem:$0xA18] =	vst v0  }
0xa5: {  	[tilespmem:$0xA28] =	vst v0  }
0xa6: {  	[tilespmem:$0xA38] =	vst v0  }
0xa7: {  	[tilespmem:$0xA48] =	vst v0  }
0xa8: {  	[tilespmem:$0xA58] =	vst v0  }
0xa9: {  	[tilespmem:$0xA68] =	vst v0  }
0xaa: {  	[tilespmem:$0xA78] =	vst v0  }
0xab: {  	[tilespmem:$0xA88] =	vst v0  }
0xac: {  	[tilespmem:$0xA98] =	vst v0  }
0xad: {  	[tilespmem:$0xAA8] =	vst v0  }
0xae: {  	[tilespmem:$0xAB8] =	vst v0  }
0xaf: {  	[tilespmem:$0xAC8] =	vst v0  }
0xb0: {  	[tilespmem:$0xAD8] =	vst v0  }
0xb1: {  	[tilespmem:$0xAE8] =	vst v0  }
0xb2: {  	[tilespmem:$0xAF8] =	vst v0  }
0xb3: {  	[tilespmem:$0xB08] =	vst v0  }
0xb4: {  	[tilespmem:$0xB18] =	vst v0  }
0xb5: {  	[tilespmem:$0xB28] =	vst v0  }
0xb6: {  	[tilespmem:$0xB38] =	vst v0  }
0xb7: {  	[tilespmem:$0xB48] =	vst v0  }
0xb8: {  	[tilespmem:$0xB58] =	vst v0  }
0xb9: {  	[tilespmem:$0xB68] =	vst v0  }
0xba: {  	[tilespmem:$0xB78] =	vst v0  }
0xbb: {  	[tilespmem:$0xB88] =	vst v0  }
0xbc: {  	[tilespmem:$0xB98] =	vst v0  }
0xbd: {  	[tilespmem:$0xBA8] =	vst v0  }
0xbe: {  	[tilespmem:$0xBB8] =	vst v0  }
0xbf: {  	[tilespmem:$0xBC8] =	vst v0  }
0xc0: {  	[tilespmem:$0xBD8] =	vst v0  }
0xc1: {  	[tilespmem:$0xBE8] =	vst v0  }
0xc2: {  	[tilespmem:$0xBF8] =	vst v0  }
0xc3: {  	[tilespmem:$0xC08] =	vst v0  }
0xc4: {  	[tilespmem:$0xC18] =	vst v0  }
0xc5: {  	[tilespmem:$0xC28] =	vst v0  }
0xc6: {  	[tilespmem:$0xC38] =	vst v0  }
0xc7: {  	[tilespmem:$0xC48] =	vst v0  }
0xc8: {  	[tilespmem:$0xC58] =	vst v0  }
0xc9: {  	[tilespmem:$0xC68] =	vst v0  }
0xca: {  	[tilespmem:$0xC78] =	vst v0  }
0xcb: {  	[tilespmem:$0xC88] =	vst v0  }
0xcc: {  	[tilespmem:$0xC98] =	vst v0  }
0xcd: {  	[tilespmem:$0xCA8] =	vst v0  }
0xce: {  	[tilespmem:$0xCB8] =	vst v0  }
0xcf: {  	[tilespmem:$0xCC8] =	vst v0  }
0xd0: {  	[tilespmem:$0xCD8] =	vst v0  }
0xd1: {  	[tilespmem:$0xCE8] =	vst v0  }
0xd2: {  	[tilespmem:$0xCF8] =	vst v0  }
0xd3: {  	[tilespmem:$0xD08] =	vst v0  }
0xd4: {  	[tilespmem:$0xD18] =	vst v0  }
0xd5: {  	[tilespmem:$0xD28] =	vst v0  }
0xd6: {  	[tilespmem:$0xD38] =	vst v0  }
0xd7: {  	[tilespmem:$0xD48] =	vst v0  }
0xd8: {  	[tilespmem:$0xD58] =	vst v0  }
0xd9: {  	[tilespmem:$0xD68] =	vst v0  }
0xda: {  	[tilespmem:$0xD78] =	vst v0  }
0xdb: {  	[tilespmem:$0xD88] =	vst v0  }
0xdc: {  	[tilespmem:$0xD98] =	vst v0  }
0xdd: {  	[tilespmem:$0xDA8] =	vst v0  }
0xde: {  	[tilespmem:$0xDB8] =	vst v0  }
0xdf: {  	[tilespmem:$0xDC8] =	vst v0  }
0xe0: {  	[tilespmem:$0xDD8] =	vst v0  }
0xe1: {  	[tilespmem:$0xDE8] =	vst v0  }
0xe2: {  	[tilespmem:$0xDF8] =	vst v0  }
0xe3: {  	[tilespmem:$0xE08] =	vst v0  }
0xe4: {  	[tilespmem:$0xE18] =	vst v0  }
0xe5: {  	[tilespmem:$0xE28] =	vst v0  }
0xe6: {  	[tilespmem:$0xE38] =	vst v0  }
0xe7: {  	[tilespmem:$0xE48] =	vst v0  }
0xe8: {  	[tilespmem:$0xE58] =	vst v0  }
0xe9: {  	[tilespmem:$0xE68] =	vst v0  }
0xea: {  	[tilespmem:$0xE78] =	vst v0  }
0xeb: {  	[tilespmem:$0xE88] =	vst v0  }
0xec: {  	[tilespmem:$0xE98] =	vst v0  }
0xed: {  	[tilespmem:$0xEA8] =	vst v0  }
0xee: {  	[tilespmem:$0xEB8] =	vst v0  }
0xef: {  	[tilespmem:$0xEC8] =	vst v0  }
0xf0: {  	[tilespmem:$0xED8] =	vst v0  }
0xf1: {  	[tilespmem:$0xEE8] =	vst v0  }
0xf2: {  	[tilespmem:$0xEF8] =	vst v0  }
0xf3: {  	[tilespmem:$0xF08] =	vst v0  }
0xf4: {  	[tilespmem:$0xF18] =	vst v0  }
0xf5: {  	[tilespmem:$0xF28] =	vst v0  }
0xf6: {  	[tilespmem:$0xF38] =	vst v0  }
0xf7: {  	[tilespmem:$0xF48] =	vst v0  }
0xf8: {  	[tilespmem:$0xF58] =	vst v0  }
0xf9: {  	[tilespmem:$0xF68] =	vst v0  }
0xfa: {  	[tilespmem:$0xF78] =	vst v0  }
0xfb: {  	[tilespmem:$0xF88] =	vst v0  }
0xfc: {  	[tilespmem:$0xF98] =	vst v0  }
0xfd: {  	[tilespmem:$0xFA8] =	vst v0  }
0xfe: {  	[tilespmem:$0xFB8] =	vst v0  }
0xff: {  	[tilespmem:$0xFC8] =	vst v0  }
0x100: {  	[tilespmem:$0xFD8] =	vst v0  }
0x101: {  	[tilespmem:$0xFE8] =	vst v0  }
0x102: {  	[tilespmem:$0xFF8] =	vst v0  }
0x103: {  	[tilespmem:$0x1028] =	vst v0  }
0x104: {  	[tilespmem:$0x10A8] =	vst v0  }
0x105: {  	[tilespmem:$0x1038] =	vst v0  }
0x106: {  	[tilespmem:$0x1B28] =	vst v0  }
0x107: {  	[tilespmem:$0x1B18] =	vst v0  }
0x108: {  	[tilespmem:$0x1B08] =	vst v0  }
0x109: {  	[tilespmem:$0x1AF8] =	vst v0  }
0x10a: {  	[tilespmem:$0x1AE8] =	vst v0  }
0x10b: {  	[tilespmem:$0x1AD8] =	vst v0  }
0x10c: {  	[tilespmem:$0x1AC8] =	vst v0  }
0x10d: {  	[tilespmem:$0x1AB8] =	vst v0  }
0x10e: {  	[tilespmem:$0x1AA8] =	vst v0  }
0x10f: {  	[tilespmem:$0x1A98] =	vst v0  }
0x110: {  	[tilespmem:$0x1A88] =	vst v0  }
0x111: {  	[tilespmem:$0x1A78] =	vst v0  }
0x112: {  	[tilespmem:$0x1A68] =	vst v0  }
0x113: {  	[tilespmem:$0x1A58] =	vst v0  }
0x114: {  	[tilespmem:$0x1A48] =	vst v0  }
0x115: {  	[tilespmem:$0x1A38] =	vst v0  }
0x116: {  	[tilespmem:$0x1A28] =	vst v0  }
0x117: {  	[tilespmem:$0x1A18] =	vst v0  }
0x118: {  	[tilespmem:$0x1A08] =	vst v0  }
0x119: {  	[tilespmem:$0x19F8] =	vst v0  }
0x11a: {  	[tilespmem:$0x19E8] =	vst v0  }
0x11b: {  	[tilespmem:$0x19D8] =	vst v0  }
0x11c: {  	[tilespmem:$0x19C8] =	vst v0  }
0x11d: {  	[tilespmem:$0x19B8] =	vst v0  }
0x11e: {  	[tilespmem:$0x19A8] =	vst v0  }
0x11f: {  	[tilespmem:$0x1998] =	vst v0  }
0x120: {  	[tilespmem:$0x1988] =	vst v0  }
0x121: {  	[tilespmem:$0x1978] =	vst v0  }
0x122: {  	[tilespmem:$0x1968] =	vst v0  }
0x123: {  	[tilespmem:$0x1958] =	vst v0  }
0x124: {  	[tilespmem:$0x1948] =	vst v0  }
0x125: {  	[tilespmem:$0x1938] =	vst v0  }
0x126: {  	[tilespmem:$0x1928] =	vst v0  }
0x127: {  	[tilespmem:$0x1918] =	vst v0  }
0x128: {  	[tilespmem:$0x1908] =	vst v0  }
0x129: {  	[tilespmem:$0x18F8] =	vst v0  }
0x12a: {  	[tilespmem:$0x18E8] =	vst v0  }
0x12b: {  	[tilespmem:$0x18D8] =	vst v0  }
0x12c: {  	[tilespmem:$0x18C8] =	vst v0  }
0x12d: {  	[tilespmem:$0x18B8] =	vst v0  }
0x12e: {  	[tilespmem:$0x18A8] =	vst v0  }
0x12f: {  	[tilespmem:$0x1898] =	vst v0  }
0x130: {  	[tilespmem:$0x1888] =	vst v0  }
0x131: {  	[tilespmem:$0x1878] =	vst v0  }
0x132: {  	[tilespmem:$0x1868] =	vst v0  }
0x133: {  	[tilespmem:$0x1858] =	vst v0  }
0x134: {  	[tilespmem:$0x1848] =	vst v0  }
0x135: {  	[tilespmem:$0x1838] =	vst v0  }
0x136: {  	[tilespmem:$0x1828] =	vst v0  }
0x137: {  	[tilespmem:$0x1818] =	vst v0  }
0x138: {  	[tilespmem:$0x1808] =	vst v0  }
0x139: {  	[tilespmem:$0x17F8] =	vst v0  }
0x13a: {  	[tilespmem:$0x17E8] =	vst v0  }
0x13b: {  	[tilespmem:$0x17D8] =	vst v0  }
0x13c: {  	[tilespmem:$0x17C8] =	vst v0  }
0x13d: {  	[tilespmem:$0x17B8] =	vst v0  }
0x13e: {  	[tilespmem:$0x17A8] =	vst v0  }
0x13f: {  	[tilespmem:$0x1798] =	vst v0  }
0x140: {  	[tilespmem:$0x1788] =	vst v0  }
0x141: {  	[tilespmem:$0x1778] =	vst v0  }
0x142: {  	[tilespmem:$0x1768] =	vst v0  }
0x143: {  	[tilespmem:$0x1758] =	vst v0  }
0x144: {  	[tilespmem:$0x1748] =	vst v0  }
0x145: {  	[tilespmem:$0x1738] =	vst v0  }
0x146: {  	[tilespmem:$0x1728] =	vst v0  }
0x147: {  	[tilespmem:$0x1718] =	vst v0  }
0x148: {  	[tilespmem:$0x1708] =	vst v0  }
0x149: {  	[tilespmem:$0x16F8] =	vst v0  }
0x14a: {  	[tilespmem:$0x16E8] =	vst v0  }
0x14b: {  	[tilespmem:$0x16D8] =	vst v0  }
0x14c: {  	[tilespmem:$0x16C8] =	vst v0  }
0x14d: {  	[tilespmem:$0x16B8] =	vst v0  }
0x14e: {  	[tilespmem:$0x16A8] =	vst v0  }
0x14f: {  	[tilespmem:$0x1698] =	vst v0  }
0x150: {  	[tilespmem:$0x1688] =	vst v0  }
0x151: {  	[tilespmem:$0x1678] =	vst v0  }
0x152: {  	[tilespmem:$0x1668] =	vst v0  }
0x153: {  	[tilespmem:$0x1658] =	vst v0  }
0x154: {  	[tilespmem:$0x1648] =	vst v0  }
0x155: {  	[tilespmem:$0x1638] =	vst v0  }
0x156: {  	[tilespmem:$0x1628] =	vst v0  }
0x157: {  	[tilespmem:$0x1618] =	vst v0  }
0x158: {  	[tilespmem:$0x1608] =	vst v0  }
0x159: {  	[tilespmem:$0x15F8] =	vst v0  }
0x15a: {  	[tilespmem:$0x15E8] =	vst v0  }
0x15b: {  	[tilespmem:$0x15D8] =	vst v0  }
0x15c: {  	[tilespmem:$0x15C8] =	vst v0  }
0x15d: {  	[tilespmem:$0x15B8] =	vst v0  }
0x15e: {  	[tilespmem:$0x15A8] =	vst v0  }
0x15f: {  	[tilespmem:$0x1598] =	vst v0  }
0x160: {  	[tilespmem:$0x1588] =	vst v0  }
0x161: {  	[tilespmem:$0x1578] =	vst v0  }
0x162: {  	[tilespmem:$0x1568] =	vst v0  }
0x163: {  	[tilespmem:$0x1558] =	vst v0  }
0x164: {  	[tilespmem:$0x1548] =	vst v0  }
0x165: {  	[tilespmem:$0x1538] =	vst v0  }
0x166: {  	[tilespmem:$0x1528] =	vst v0  }
0x167: {  	[tilespmem:$0x1518] =	vst v0  }
0x168: {  	[tilespmem:$0x1508] =	vst v0  }
0x169: {  	[tilespmem:$0x14F8] =	vst v0  }
0x16a: {  	[tilespmem:$0x14E8] =	vst v0  }
0x16b: {  	[tilespmem:$0x14D8] =	vst v0  }
0x16c: {  	[tilespmem:$0x14C8] =	vst v0  }
0x16d: {  	[tilespmem:$0x14B8] =	vst v0  }
0x16e: {  	[tilespmem:$0x14A8] =	vst v0  }
0x16f: {  	[tilespmem:$0x1498] =	vst v0  }
0x170: {  	[tilespmem:$0x1488] =	vst v0  }
0x171: {  	[tilespmem:$0x1478] =	vst v0  }
0x172: {  	[tilespmem:$0x1468] =	vst v0  }
0x173: {  	[tilespmem:$0x1458] =	vst v0  }
0x174: {  	[tilespmem:$0x1448] =	vst v0  }
0x175: {  	[tilespmem:$0x1438] =	vst v0  }
0x176: {  	[tilespmem:$0x1428] =	vst v0  }
0x177: {  	[tilespmem:$0x1418] =	vst v0  }
0x178: {  	[tilespmem:$0x1408] =	vst v0  }
0x179: {  	[tilespmem:$0x13F8] =	vst v0  }
0x17a: {  	[tilespmem:$0x13E8] =	vst v0  }
0x17b: {  	[tilespmem:$0x13D8] =	vst v0  }
0x17c: {  	[tilespmem:$0x13C8] =	vst v0  }
0x17d: {  	[tilespmem:$0x13B8] =	vst v0  }
0x17e: {  	[tilespmem:$0x13A8] =	vst v0  }
0x17f: {  	[tilespmem:$0x1398] =	vst v0  }
0x180: {  	[tilespmem:$0x1388] =	vst v0  }
0x181: {  	[tilespmem:$0x1378] =	vst v0  }
0x182: {  	[tilespmem:$0x1368] =	vst v0  }
0x183: {  	[tilespmem:$0x1358] =	vst v0  }
0x184: {  	[tilespmem:$0x1348] =	vst v0  }
0x185: {  	[tilespmem:$0x1338] =	vst v0  }
0x186: {  	[tilespmem:$0x1328] =	vst v0  }
0x187: {  	[tilespmem:$0x1318] =	vst v0  }
0x188: {  	[tilespmem:$0x1308] =	vst v0  }
0x189: {  	[tilespmem:$0x12F8] =	vst v0  }
0x18a: {  	[tilespmem:$0x12E8] =	vst v0  }
0x18b: {  	[tilespmem:$0x12D8] =	vst v0  }
0x18c: {  	[tilespmem:$0x12C8] =	vst v0  }
0x18d: {  	[tilespmem:$0x12B8] =	vst v0  }
0x18e: {  	[tilespmem:$0x12A8] =	vst v0  }
0x18f: {  	[tilespmem:$0x1298] =	vst v0  }
0x190: {  	[tilespmem:$0x1288] =	vst v0  }
0x191: {  	[tilespmem:$0x1278] =	vst v0  }
0x192: {  	[tilespmem:$0x1268] =	vst v0  }
0x193: {  	[tilespmem:$0x1258] =	vst v0  }
0x194: {  	[tilespmem:$0x1248] =	vst v0  }
0x195: {  	[tilespmem:$0x1238] =	vst v0  }
0x196: {  	[tilespmem:$0x1228] =	vst v0  }
0x197: {  	[tilespmem:$0x1218] =	vst v0  }
0x198: {  	[tilespmem:$0x1208] =	vst v0  }
0x199: {  	[tilespmem:$0x11F8] =	vst v0  }
0x19a: {  	[tilespmem:$0x11E8] =	vst v0  }
0x19b: {  	[tilespmem:$0x11D8] =	vst v0  }
0x19c: {  	[tilespmem:$0x11C8] =	vst v0  }
0x19d: {  	[tilespmem:$0x11B8] =	vst v0  }
0x19e: {  	[tilespmem:$0x11A8] =	vst v0  }
0x19f: {  	[tilespmem:$0x1198] =	vst v0  }
0x1a0: {  	[tilespmem:$0x1188] =	vst v0  }
0x1a1: {  	[tilespmem:$0x1178] =	vst v0  }
0x1a2: {  	[tilespmem:$0x1168] =	vst v0  }
0x1a3: {  	[tilespmem:$0x1158] =	vst v0  }
0x1a4: {  	[tilespmem:$0x1148] =	vst v0  }
0x1a5: {  	[tilespmem:$0x1138] =	vst v0  }
0x1a6: {  	[tilespmem:$0x1128] =	vst v0  }
0x1a7: {  	[tilespmem:$0x1118] =	vst v0  }
0x1a8: {  	[tilespmem:$0x1108] =	vst v0  }
0x1a9: {  	[tilespmem:$0x10F8] =	vst v0  }
0x1aa: {  	[tilespmem:$0x10E8] =	vst v0  }
0x1ab: {  	s4 =	stileid.u32;
	[tilespmem:$0x10D8] =	vst v0  }
0x1ac: {  	s0 =	simm.s32 $0x2F40;
	s6 =	smul.u32 $0x30F0, s4;
	p0 =	seq.s32 s4, $0xF;
	[tilespmem:$0x10C8] =	vst v0  }
0x1ad: {  	s0 =	simm.s32 @!p0 $0x30F0;
	[tilespmem:$0x10B8] =	vst v0  }
0x1ae: {  	[tilespmem:$0x1048] =	vst v0;
	s0 =	sadd.s32 s6, s0  }
0x1af: {  	s5 =	simm.s32 $0x2;
	s8 =	simm.s32 $0x9;
	[tilespmem:$0x1098] =	vst v0;
	s7 =	smin.u32 s0, $0x30D40  }
0x1b0: {  	s10 =	simm.s32 $0xA;
	s30 =	simm.s32 $0xB;
	[tilespmem:$0x1088] =	vst v0;
	s0 =	ssub.s32 s7, s6  }
0x1b1: {  	s16 =	simm.s32 $0x0;
	p4 =	por $0x0, $0x0;
	[tilespmem:$0x1078] =	vst v0;
	p0 =	sgt.s32 s0, $0x0  }
0x1b2: {  	s17 =	simm.s32 $0xC;
	s21 =	simm.s32 $0x0;
	[tilespmem:$0x1068] =	vst v0;
	s0 =	simm.s32 @!p0 $0x0  }
0x1b3: {  	s18 =	simm.s32 $0x0;
	s3 =	sand.u32 $0x1, s2;
	[tilespmem:$0x1058] =	vst v0;
	s28 =	smulhi.u32 $0x97B426, s0  }
0x1b4: {  	s20 =	simm.s32 $0x0;
	[tilespmem:$0x1018] =	vst v0;
	[dreg:$0x6] =	wrdreg s3;
	s3 =	smul.u32 $0x61A8, s3  }
0x1b5: {  	s31 =	sshll.u32 s4, $0x5;
	[tilespmem:$0x1008] =	vst v0;
	[sflag:s5] =	ssyncpa.u1 $0x0;
	v0 =	vimm.s32 $0xFFFFFFFF;
	s29 =	smul.u32 $0x1B0, s28  }
.Ltmp0:
0x1b6: {  	[dreg:$0x5] =	wrdreg s31;
	[tilespmem:$0x3648] =	vst v0;
	[sflag:s8] =	ssyncpa.u1 $0x0;
	(pc) =	sbr.rel .LBB2_1-.Ltmp0, $4  }
0x1b7: {  	s19 =	smov.u32 s6;
	s3 =	sadd.s32 s3, s11;
	p0 =	sne.s32 s0, s29  }
0x1b8: {  	[sflag:s10] =	ssyncpa.u1 $0x0;
	s11 =	sadd.s32 $0x1CAC00, s11;
	s12 =	simm.s32 @!p0 $0x0  }
0x1b9: {  	[sflag:s30] =	ssyncpa.u1 $0x0;
	s13 =	sadd.s32 $0x7F1800, s3;
	s12 =	sadd.s32 s12, s28  }
0x1ba: {  	v0 =	vlaneseq.u32;
	s14 =	sadd.s32 $0x7E5400, s3;
	p0 =	por $0x1, $0x1;
	s15 =	sadd.s32 $0x1, s12  }
.LBB2_18:
0x1bb: {  	s0 =	simm.s32 $0x2  }
0x1bc: {  	_ =	swait.ge [sflag:s0], $0x0  }
0x1bd: {  	[sflag:s0] =	ssyncset.done $0x0;
	s0 =	simm.s32 $0x0  }
.LBB2_19:
0x1be: {  	_ =	swait.ge [sflag:s17], s0  }
0x1bf: {  	s31 =	ssub.s32 $0x0, s0;
	v1 =	vmov s23;
	vm0 =	veq.s32 v0, $0x0;
	[sflag:s17] =	ssyncset.done $0x0  }
0x1c0: {  	vm15 =	veq.s32 v0, $0x2;
	v1 =	vsel vm0, s28, v1;
	[sflag:s17] =	ssyncadd.s32 s31  }
0x1c1: {  	v1 =	vsel vm15, s21, v1;
	[sflag:s17] =	ssyncpa.u1 $0x1  }
0x1c2: {  	[tilespmem:$0x3648] =	vst v1  }
.LBB2_20:
0x1c3: {  	s0 =	sadd.s32 $0x1B0, s19  }
0x1c4: {  	s2 =	smov.u32 s6;
	p1 =	slt.s32 s0, s7  }
0x1c5: {  	s2 =	smov.u32 @p1 s0;
	p1 =	sne.s32 s20, s15  }
.Ltmp1:
0x1c6: {  	_ = 	snop;
	(pc) =	sbr.rel @!p1 .LBB2_21-.Ltmp1, $4  }
0x1c7: {  	_ = 	snop  }
0x1c8: {  	s21 =	smov.u32 s18  }
0x1c9: {  	s31 =	sadd.s32 $0x1, s20;
	s18 =	smov.u32 s19;
	p0 =	por !p0, !p0  }
0x1ca: {  	p4 =	por !p4, !p4;
	s20 =	smov.u32 s31;
	s19 =	smov.u32 s2  }
.LBB2_1:
0x1cb: {  	p2 =	sge.u32 s20, s12  }
0x1cc: {  	s0 =	smulhi.u32 @!p2 $0xAAAAAAAB, s20  }
0x1cd: {  	s2 =	smov.u32 s19;
	p3 =	sgt.s32 @!p2 s19, $0x30B90  }
0x1ce: {  	s3 =	sshra.s32 @!p2 s19, $0x1F;
	p3 =	por !p3, p2;
	s0 =	sshrl.u32 @!p2 s0, $0x1  }
0x1cf: {  	s3 =	sand.u32 @!p2 s3, s19;
	s2 =	simm.s32 @p3 $0x30B90;
	s0 =	smul.u32 @!p2 $0x3, s0  }
0x1d0: {  	s2 =	ssub.s32 @!p2 s2, s3  }
0x1d1: {  	s23 =	sadd.s32 $0xFFFFFFFF, s20;
	s2 =	sadd.s32 @!p2 $0xFFFCF470, s2;
	s0 =	ssub.s32 @!p2 s20, s0  }
0x1d2: {  	s3 =	sshll.u32 @!p2 s2, $0x2;
	p3 =	sgt.s32 @!p2 s2, $0x1AF;
	s0 =	smul.u32 @!p2 $0x6C0, s0  }
0x1d3: {  	s5 =	sand.u32 @!p2 $0x7, s19;
	s2 =	ssub.s32 @!p2 $0x6C0, s3;
	p3 =	por !p3, p2  }
0x1d4: {  	s3 =	sshrl.u32 @!p2 s19, $0x3;
	s2 =	sshrl.u32 @!p2 s2, $0x2;
	s0 =	sshrl.u32 @!p2 s0, $0x2  }
0x1d5: {  	s3 =	sadd.s32 @!p2 s3, s13;
	s2 =	simm.s32 @!p3 $0x0;
	s0 =	sadd.s32 @!p2 $0x3888, s0  }
0x1d6: {  	[tilespmem:s0], [sflag:$0xA] =	stream.linear.gather @!p2 [hbm4b:s3+s5], s2, $0x38;
	[tilespmem:$0x1F0F8] =	vst v63  }
0x1d7: {  	p2 =	sge.u32 s23, s12  }
0x1d8: {  	p3 =	sgt.s32 @!p2 s18, $0x30B90  }
0x1d9: {  	s0 =	smov.u32 s18;
	s2 =	sshra.s32 @!p2 s18, $0x1F;
	p3 =	por !p3, p2  }
0x1da: {  	s2 =	sand.u32 @!p2 s2, s18;
	s0 =	simm.s32 @p3 $0x30B90  }
0x1db: {  	s0 =	ssub.s32 @!p2 s0, s2  }
0x1dc: {  	s0 =	sadd.s32 @!p2 $0xFFFCF470, s0  }
0x1dd: {  	s2 =	sshll.u32 @!p2 s0, $0x2  }
0x1de: {  	p3 =	sgt.s32 @!p2 s0, $0x1AF;
	s0 =	ssub.s32 @!p2 $0x6C0, s2  }
0x1df: {  	s22 =	ssub.s32 @!p2 $0x30D40, s18;
	p3 =	por !p3, p2;
	s0 =	sshrl.u32 @!p2 s0, $0x2  }
0x1e0: {  	s2 =	sand.u32 @!p2 $0x1, s23;
	s0 =	simm.s32 @!p3 $0x0;
	p3 =	slt.s32 @!p2 s22, $0x1  }
0x1e1: {  	s3 =	simm.s32 @!p2 $0xA;
	s2 =	smul.u32 @!p2 $0x6C0, s2;
	p3 =	por p2, p3  }
.Ltmp2:
0x1e2: {  	_ =	swait.ge @!p2 [sflag:s3], s0;
	(pc) =	sbr.rel @p3 .LBB2_7-.Ltmp2, $4  }
0x1e3: {  	s5 =	ssub.s32 @!p2 $0x0, s0;
	[sflag:s3] =	ssyncset.done @!p2 $0x0  }
0x1e4: {  	s2 =	sshrl.u32 @!p2 s2, $0x2;
	[sflag:s3] =	ssyncadd.s32 @!p2 s5;
	s3 =	sshrl.u32 @!p2 s18, $0x3  }
0x1e5: {  	s2 =	sadd.s32 @!p2 $0x3D98, s2;
	s5 =	sand.u32 @!p2 $0x7, s18;
	s3 =	sadd.s32 @!p2 s3, s14  }
0x1e6: {  	[tilespmem:s2], [sflag:$0xB] =	stream.linear.gather @!p2 [hbm4b:s3+s5], s0, $0x38;
	[tilespmem:$0x1F0F8] =	vst v63  }
0x1e7: {  	s0 =	smulhi.u32 $0xAAAAAAAB, s23;
	_ =	sdelay $0x1  }
0x1e8: {  	s0 =	sshrl.u32 s0, $0x1  }
0x1e9: {  	s0 =	smul.u32 $0x3, s0;
	_ =	sdelay $0x1  }
0x1ea: {  	s0 =	ssub.s32 s23, s0  }
0x1eb: {  	s2 =	simm.s32 $0x1;
	s0 =	smul.u32 $0x6C0, s0  }
.Ltmp3:
0x1ec: {  	s2 =	simm.s32 @!p0 $0x0;
	(pc) =	sbr.rel .LBB2_4-.Ltmp3, $4  }
0x1ed: {  	s2 =	smul.u32 $0x36000, s2  }
0x1ee: {  	p3 =	slt.s32 @!p2 s22, $0x1B0;
	s0 =	sshrl.u32 s0, $0x2  }
0x1ef: {  	p2 =	por !p3, p2;
	s2 =	sshrl.u32 s2, $0x2;
	s0 =	sadd.s32 $0x3888, s0  }
0x1f0: {  	s24 =	simm.s32 $0x0;
	s22 =	simm.s32 @p2 $0x1B0;
	s23 =	sadd.s32 $0x40F8, s2;
	v1 =	vmov s0  }
.LBB2_3:
0x1f1: {  	p2 =	sge.s32 s24, s22  }
.Ltmp4:
0x1f2: {  	_ = 	snop;
	(pc) =	sbr.rel @p2 .LBB2_7-.Ltmp4, $2  }
0x1f3: {  	_ =	sdelay $0x2  }
0x1f4: {  	s23 =	sadd.s32 $0x800, s23  }
.LBB2_4:
0x1f5: {  	p2 =	sle.s32 s22, s24  }
.Ltmp5:
0x1f6: {  	_ = 	snop;
	(pc) =	sbr.rel @p2 .LBB2_3-.Ltmp5, $2  }
0x1f7: {  	_ =	sdelay $0x2  }
0x1f8: {  	s0 =	smov.u32 s24;
	s24 =	sadd.s32 $0x10, s24  }
0x1f9: {  	s2 =	ssub.s32 s22, s0  }
0x1fa: {  	p2 =	slt.s32 s2, $0x10  }
0x1fb: {  	s2 =	simm.s32 @!p2 $0x10  }
0x1fc: {  	v2 =	vmov s2  }
0x1fd: {  	vm0 =	vgt.s32 v2, v0;
	_ =	sdelay $0x5  }
0x1fe: {  	v2 =	vld.idx.msk [tilespmem:v1+s0+$0x0 ss:$0x1], vm0;
	_ =	sdelay $0x2  }
0x1ff: {  	p2 =	slt.s32 s24, s22;
	s2 =	smov.u32 s22  }
0x200: {  	s3 =	smov.u32 s23;
	s25 =	simm.s32 $0x0;
	s2 =	smov.u32 @p2 s24  }
.LBB2_6:
0x201: {  	(v2sf) =	vpush v2, s25;
	_ =	sdelay $0xc  }
0x202: {  	s25 =	sadd.s32 $0x1, s25  }
0x203: {  	s31 =	sadd.s32 s25, s0  }
0x204: {  	p2 =	slt.s32 s31, s2;
	s5 =	spop (v2sf)  }
.Ltmp6:
0x205: {  	s5 =	sshll.u32 s5, $0x4;
	(pc) =	sbr.rel @p2 .LBB2_6-.Ltmp6, $4  }
0x206: {  	s5 =	sand.u32 $0x1FFFFFF0, s5  }
0x207: {  	s5 =	sadd.s32 s11, s5  }
0x208: {  	[tilespmem:s3], [sflag:$0x9] =	stream.linear.gather [hbm4b:s5+s16], $0x8, $0x38;
	[tilespmem:$0x1F0F8] =	vst v63  }
0x209: {  	s3 =	sadd.s32 $0x80, s3  }
.Ltmp7:
0x20a: {  	_ = 	snop;
	(pc) =	sbr.rel .LBB2_3-.Ltmp7, $1  }
0x20b: {  	_ =	sdelay $0x3  }
.LBB2_7:
0x20c: {  	p2 =	slt.u32 s20, $0x2  }
.Ltmp8:
0x20d: {  	_ = 	snop;
	(pc) =	sbr.rel @p2 .LBB2_20-.Ltmp8, $1  }
0x20e: {  	_ =	sdelay $0x3  }
0x20f: {  	p2 =	sgt.s32 s21, $0x30B90  }
0x210: {  	s0 =	smov.u32 s21;
	s2 =	sshra.s32 s21, $0x1F;
	s3 =	ssub.s32 $0x30D40, s21  }
0x211: {  	s0 =	simm.s32 @!p2 $0x30B90;
	s2 =	sand.u32 s2, s21;
	p2 =	slt.s32 s3, $0x1B0  }
0x212: {  	s0 =	ssub.s32 s0, s2;
	s3 =	simm.s32 @!p2 $0x1B0  }
0x213: {  	s0 =	sadd.s32 $0xFFFCF470, s0;
	s24 =	sshll.u32 s3, $0x3  }
0x214: {  	s28 =	simm.s32 $0x9;
	s25 =	sshll.u32 s0, $0x2;
	s2 =	sand.u32 $0x3FFFFFF8, s24  }
0x215: {  	p2 =	sgt.s32 s0, $0x1AF;
	s26 =	ssub.s32 $0x6C0, s25;
	_ =	swait.ge [sflag:s28], s2  }
0x216: {  	s2 =	ssub.s32 $0x0, s2;
	[sflag:s28] =	ssyncset.done $0x0;
	s0 =	sshrl.u32 s26, $0x2  }
0x217: {  	s30 =	simm.s32 $0xB;
	[sflag:s28] =	ssyncadd.s32 s2;
	s0 =	simm.s32 @p2 $0x0  }
0x218: {  	_ =	swait.ge [sflag:s30], s0  }
0x219: {  	s0 =	ssub.s32 $0x0, s0;
	[sflag:s30] =	ssyncset.done $0x0  }
0x21a: {  	[sflag:s30] =	ssyncadd.s32 s0  }
0x21b: {  	v1 =	vld [tilespmem:$0x3648];
	_ =	sdelay $0x4  }
0x21c: {  	(v2sf) =	vpush v1, $0x0  }
0x21d: {  	(v2sf) =	vpush v1, $0x1  }
0x21e: {  	(v2sf) =	vpush v1, $0x2;
	_ =	sdelay $0x3  }
0x21f: {  	s0 =	sadd.s32 $0x1B0, s21  }
0x220: {  	s2 =	ssub.s32 $0x61A80, s21;
	p2 =	slt.s32 s7, s0  }
0x221: {  	s0 =	smov.u32 @p2 s7;
	p2 =	sgt.s32 s2, $0x0  }
0x222: {  	s25 =	ssub.s32 s0, s21;
	s2 =	simm.s32 @!p2 $0x0  }
0x223: {  	p2 =	slt.s32 s2, s25  }
0x224: {  	s25 =	smov.u32 @p2 s2  }
0x225: {  	s24 =	simm.s32 $0x1;
	p2 =	slt.s32 s25, $0x1  }
.Ltmp9:
0x226: {  	s24 =	simm.s32 @!p4 $0x0;
	(pc) =	sbr.rel @p2 .LBB2_12-.Ltmp9, $4  }
0x227: {  	s31 =	smul.u32 $0x6C0, s24  }
0x228: {  	s26 =	spop (v2sf)  }
0x229: {  	s0 =	sshrl.u32 s31, $0x2;
	s29 =	spop (v2sf)  }
0x22a: {  	s22 =	sadd.s32 $0x3D98, s0;
	s21 =	spop (v2sf)  }
0x22b: {  	s0 =	smin.u32 s25, $0x10  }
0x22c: {  	v1 =	vmov s0  }
0x22d: {  	p3 =	sgt.s32 s25, $0x10;
	vm1 =	vgt.u32 v1, v0  }
.Ltmp10:
0x22e: {  	_ = 	snop;
	(pc) =	sbr.rel @!p3 .LBB2_11-.Ltmp10, $2  }
0x22f: {  	_ =	sdelay $0x2  }
0x230: {  	s23 =	simm.s32 $0x10;
	s28 =	sadd.s32 $0xFFFFFFF0, s25;
	s0 =	smov.u32 s22;
	vm0 =	vmmov vm1  }
.LBB2_10:
0x231: {  	s2 =	smin.u32 s28, $0x10;
	s23 =	sadd.s32 $0x10, s23;
	v1 =	vld.msk [tilespmem:s0+$0x0 ss:$0x1], vm1  }
0x232: {  	v2 =	vmov s2;
	p3 =	slt.s32 s23, s25  }
0x233: {  	vm1 =	vgt.u32 v2, v0  }
.Ltmp11:
0x234: {  	(pc) =	sbr.rel @p3 .LBB2_10-.Ltmp11, $3  }
0x235: {  	_ =	sdelay $0x1  }
0x236: {  	v1 =	vshll.u32 v1, $0x4  }
0x237: {  	s28 =	sadd.s32 $0xFFFFFFF0, s28;
	[tilespmem:s0+$0x0] =	vst.msk vm0, v1;
	s0 =	sadd.s32 $0x10, s0;
	vm0 =	vmmov vm1  }
.LBB2_11:
0x238: {  	_ =	sdelay $0x4  }
0x239: {  	v1 =	vld.msk [tilespmem:s0+$0x0 ss:$0x1], vm1;
	_ =	sdelay $0x4  }
0x23a: {  	v1 =	vshll.u32 v1, $0x4  }
0x23b: {  	[tilespmem:s0+$0x0] =	vst.msk vm0, v1  }
.LBB2_12:
0x23c: {  	s0 =	sand.u32 $0x1, s20  }
0x23d: {  	s2 =	smul.u32 $0x1B0, s0  }
0x23e: {  	p3 =	sne.s32 s29, $0xFFFFFFFF  }
0x23f: {  	v1 =	vld.msk @!p3 [tilespmem:s2+$0x3D98], $0x1;
	_ =	sdelay $0x4  }
0x240: {  	(v2sf) =	vpush @!p3 v1, $0x0;
	_ =	sdelay $0x9  }
0x241: {  	s0 =	smul.u32 $0xD800, s0;
	_ =	sdelay $0x1  }
0x242: {  	v1 =	vld.msk @!p3 [tilespmem:s0+$0x40F8], $0xff  }
.Ltmp12:
0x243: {  	_ = 	snop;
	(pc) =	sbr.rel @p2 .LBB2_18-.Ltmp12, $4  }
0x244: {  	_ = 	snop  }
0x245: {  	s28 =	spop @!p3 (v2sf)  }
0x246: {  	s21 =	simm.s32 @!p3 $0x0;
	s0 =	simm.s32 @!p3 $0x28;
	s23 =	smov.u32 s28  }
0x247: {  	[tilespmem:s0+$0x0] =	vst.msk @!p3 $0xff, v1;
	[sflag:s17] =	ssyncpa.u1 $0x0;
	s28 =	smov.u32 @p3 s26;
	s23 =	smov.u32 @p3 s29  }
0x248: {  	v1 =	vld.msk [tilespmem:s22+$0x0], $0x1;
	_ =	sdelay $0x4  }
0x249: {  	(v2sf) =	vpush v1, $0x0;
	_ =	sdelay $0xe  }
0x24a: {  	s0 =	simm.s32 @!p4 $0x0;
	s26 =	smul.u32 $0x36000, s24;
	s31 =	spop (v2sf)  }
0x24b: {  	s29 =	ssub.s32 $0x0, s25;
	s0 =	simm.s32 @p4 $0x1;
	p2 =	seq.s32 s28, s31  }
0x24c: {  	s2 =	smov.u32 s28;
	[smem:$0x7FD] =	sst s0;
	p3 =	sgt.s32 @!p2 s28, $0x0  }
0x24d: {  	s0 =	sshrl.u32 s26, $0x2;
	s26 =	sadd.s32 $0x1, s29;
	p3 =	por !p3, p2  }
0x24e: {  	s2 =	simm.s32 @p3 $0x0;
	p3 =	seq.s32 s26, $0x0  }
.Ltmp13:
0x24f: {  	_ = 	snop;
	(pc) =	sbr.rel @p3 .LBB2_15-.Ltmp13, $4  }
0x250: {  	s25 =	simm.s32 $0x0  }
0x251: {  	s24 =	sadd.s32 $0x40F8, s0;
	s0 =	simm.s32 @!p2 $0x1;
	s3 =	smin.u32 @!p2 s2, $0x1869FF  }
0x252: {  	s30 =	sadd.s32 $0x1, s22;
	s0 =	smov.u32 @p2 s25;
	s5 =	sand.u32 @!p2 $0x1FFFF8, s3  }
0x253: {  	s2 =	simm.s32 @!p2 $0x1B38;
	s3 =	sand.u32 @!p2 $0x7, s3;
	s5 =	sadd.s32 @!p2 s1, s5  }
.LBB2_14:
0x254: {  	s4 =	smov.u32 s0  }
0x255: {  	[tilespmem:s2], [sflag:$0x2] =	stream.linear.gather @!p2 [hbm4b:s5+s3], $0x8, $0x38;
	[tilespmem:$0x1F0F8] =	vst v63  }
0x256: {  	s26 =	sadd.s32 $0x1, s26;
	s3 =	smov.u32 s31;
	v1 =	vld.msk [tilespmem:s30+$0x0], $0x1  }
0x257: {  	p3 =	seq.s32 s26, $0x0;
	_ =	sdelay $0x3  }
0x258: {  	(v2sf) =	vpush v1, $0x0;
	_ =	sdelay $0xe  }
0x259: {  	s31 =	spop (v2sf)  }
0x25a: {  	p2 =	seq.s32 s3, s31  }
0x25b: {  	p4 =	sgt.s32 @!p2 s3, $0x0;
	s2 =	sshll.u32 @!p2 s0, $0x6;
	s0 =	sadd.s32 @!p2 $0x1, s0  }
.Ltmp14:
0x25c: {  	p4 =	por !p4, p2;
	s2 =	sshra.s32 @!p2 s2, $0x2;
	(pc) =	sbr.rel @!p3 .LBB2_14-.Ltmp14, $4  }
0x25d: {  	s0 =	smov.u32 @p2 s4;
	s3 =	simm.s32 @p4 $0x0;
	s2 =	sadd.s32 @!p2 $0x1B38, s2  }
0x25e: {  	s3 =	smin.u32 @!p2 s3, $0x1869FF  }
0x25f: {  	s4 =	sand.u32 @!p2 $0x1FFFF8, s3;
	s3 =	sand.u32 @!p2 $0x7, s3  }
0x260: {  	s30 =	sadd.s32 $0x1, s30;
	s5 =	sadd.s32 @!p2 s1, s4  }
.LBB2_15:
0x261: {  	[tilespmem:s2], [sflag:$0x2] =	stream.linear.gather @!p2 [hbm4b:s5+s3], $0x8, $0x38;
	[tilespmem:$0x1F0F8] =	vst v63  }
0x262: {  	s0 =	sshll.u32 s0, $0x3  }
0x263: {  	s31 =	simm.s32 $0x2;
	s0 =	sand.u32 $0x3FFFFFF8, s0  }
0x264: {  	_ =	swait.ge [sflag:s31], s0  }
0x265: {  	s0 =	ssub.s32 $0x0, s0;
	[sflag:s31] =	ssyncset.done $0x0  }
0x266: {  	[sflag:s31] =	ssyncadd.s32 s0  }
0x267: {  	v1 =	vld.msk [tilespmem:s22+$0x0], $0x1;
	_ =	sdelay $0x4  }
0x268: {  	(v2sf) =	vpush v1, $0x0;
	_ =	sdelay $0xe  }
0x269: {  	s26 =	spop (v2sf)  }
0x26a: {  	p2 =	sne.s32 s28, s26  }
0x26b: {  	p4 =	sne.s32 @p2 s28, s23  }
0x26c: {  	p3 =	por !p4, !p2  }
0x26d: {  	s0 =	sshll.u32 @!p3 s21, $0x6;
	s2 =	simm.s32 @!p3 $0x0  }
0x26e: {  	s0 =	sshra.s32 @!p3 s0, $0x2;
	v1 =	vld.msk @!p3 [tilespmem:s2+$0x1B38], $0xff  }
0x26f: {  	v2 =	vld.msk @!p3 [tilespmem:s0+$0x28], $0xff;
	_ =	sdelay $0x1  }
0x270: {  	p5 =	sgt.u32 @!p3 s28, $0x1869FF  }
0x271: {  	p6 =	por @p2 p5, !p4  }
0x272: {  	p1 =	por p6, !p2;
	p6 =	por p4, !p2  }
0x273: {  	s3 =	sadd.s32 @!p3 $0x28, s0;
	s2 =	sand.u32 @!p1 $0x1FFFF8, s28;
	s4 =	sshll.u32 @!p6 s21, $0x6;
	v1 =	vmax.f32 @!p3 v1, v2  }
0x274: {  	s28 =	sand.u32 @!p1 $0x7, s28;
	s2 =	sadd.s32 @!p1 s1, s2;
	[tilespmem:s0+$0x28] =	vst.msk @!p3 $0xff, v1;
	s0 =	sshra.s32 @!p6 s4, $0x2  }
0x275: {  	[hbm4b:s2+s28] =	stream.linear.scatter @!p1 [tilespmem:s3], [sflag:$0xC], $0x8, $0x38;
	[tilespmem:$0x1F0F8] =	vst v63  }
0x276: {  	s5 =	rddreg [dreg:$0x5];
	s0 =	sadd.s32 @!p6 $0x28, s0;
	s2 =	simm.s32 @!p6 $0x1  }
0x277: {  	[spmem:s5] =	stream.linear.scatter @!p6 [tilespmem:s0], [sflag:$0x1], $0x8, $0x38;
	[tilespmem:$0x1F0F8] =	vst v63  }
0x278: {  	s0 =	sadd.s32 @p2 $0x1, s21;
	_ =	swait.ge @!p6 [sflag:s2], $0x8  }
0x279: {  	s3 =	sshrl.u32 @p2 s0, $0x4;
	[sflag:s2] =	ssyncset.done @!p6 $0x0  }
0x27a: {  	s3 =	smulhi.u32 @p2 $0x97B425F, s3;
	[sflag:s2] =	ssyncadd.s32 @!p6 $0xFFFFFFF8  }
0x27b: {  	v1 =	vld.msk @p2 [tilespmem:s24+$0x0], $0xff  }
0x27c: {  	s28 =	sadd.s32 $0x1, s29;
	p1 =	por @p2 !p5, !p4;
	s2 =	smul.u32 @p2 $0x1B0, s3  }
0x27d: {  	p1 =	por !p1, !p2;
	p6 =	seq.s32 s28, $0x0  }
.Ltmp15:
0x27e: {  	s3 =	simm.s32 @!p3 $0x0;
	s2 =	ssub.s32 @p2 s0, s2;
	(pc) =	sbr.rel @p6 .LBB2_17-.Ltmp15, $4  }
0x27f: {  	s3 =	simm.s32 @!p1 $0x20;
	s4 =	sshll.u32 @p2 s2, $0x4  }
0x280: {  	s29 =	simm.s32 $0x0;
	s0 =	sshll.u32 @!p2 s21, $0x6;
	s3 =	sadd.s32 @!p3 $0x0, s3;
	[tilespmem:s4+$0x28] =	vst.msk @p2 $0xff, v1  }
0x281: {  	s5 =	simm.s32 @p2 $0x1;
	s3 =	smov.u32 @p3 s25;
	s0 =	sshra.s32 @!p2 s0, $0x2;
	v1 =	vld.msk @!p2 [tilespmem:s24+$0x0], $0xff  }
0x282: {  	s29 =	smov.u32 @p2 s5;
	s21 =	smov.u32 @p2 s2;
	s25 =	smov.u32 @p2 s3;
	v2 =	vld.msk @!p2 [tilespmem:s0+$0x28], $0xff  }
.LBB2_16:
0x283: {  	_ =	sdelay $0x3  }
0x284: {  	v1 =	vmax.f32 @!p2 v1, v2  }
0x285: {  	s22 =	sadd.s32 $0x1, s22;
	[tilespmem:s0+$0x28] =	vst.msk @!p2 $0xff, v1  }
0x286: {  	v1 =	vld.msk [tilespmem:s22+$0x0], $0x1;
	_ =	sdelay $0x4  }
0x287: {  	(v2sf) =	vpush v1, $0x0;
	_ =	sdelay $0xe  }
0x288: {  	s30 =	smov.u32 s26;
	s26 =	spop (v2sf)  }
0x289: {  	p2 =	sne.s32 s30, s26  }
0x28a: {  	p5 =	sne.s32 @p2 s30, s23  }
0x28b: {  	s0 =	sadd.s32 @p2 $0x1, s21;
	p4 =	por !p5, !p2  }
0x28c: {  	s31 =	sshll.u32 @!p2 s21, $0x6;
	s3 =	sadd.s32 @p2 $0x1, s29;
	s4 =	sshll.u32 @!p4 s29, $0x6  }
0x28d: {  	s2 =	sshrl.u32 @p2 s0, $0x4;
	s5 =	sshll.u32 @!p4 s21, $0x6;
	s4 =	sshra.s32 @!p4 s4, $0x2  }
0x28e: {  	p1 =	sgt.u32 @!p4 s30, $0x1869FF;
	s2 =	smulhi.u32 @p2 $0x97B425F, s2;
	s5 =	sshra.s32 @!p4 s5, $0x2;
	v1 =	vld.msk @!p4 [tilespmem:s4+$0x1B38], $0xff  }
0x28f: {  	s8 =	simm.s32 @!p4 $0x0;
	s29 =	smov.u32 @p2 s3;
	p6 =	por @p2 p1, !p5;
	v2 =	vld.msk @!p4 [tilespmem:s5+$0x28], $0xff  }
0x290: {  	p1 =	por @p2 !p1, !p5;
	p5 =	por p5, !p2;
	s4 =	sadd.s32 @!p4 $0x28, s5  }
0x291: {  	p6 =	por p6, !p2;
	p1 =	por !p1, !p2;
	s2 =	smul.u32 @p2 $0x1B0, s2  }
0x292: {  	s10 =	sshll.u32 @!p5 s21, $0x6;
	s9 =	sand.u32 @!p6 $0x1FFFF8, s30;
	s8 =	simm.s32 @!p1 $0x20  }
0x293: {  	s30 =	sand.u32 @!p6 $0x7, s30;
	s9 =	sadd.s32 @!p6 s1, s9;
	s3 =	sadd.s32 @!p4 s8, s25  }
0x294: {  	s8 =	rddreg [dreg:$0x5];
	s0 =	ssub.s32 @p2 s0, s2;
	s3 =	smov.u32 @p4 s25;
	v1 =	vmax.f32 @!p4 v1, v2  }
0x295: {  	s2 =	sshll.u32 @p2 s0, $0x4;
	s25 =	smov.u32 @p2 s3;
	s3 =	sshra.s32 @!p5 s10, $0x2;
	[tilespmem:s5+$0x28] =	vst.msk @!p4 $0xff, v1  }
0x296: {  	[hbm4b:s9+s30] =	stream.linear.scatter @!p6 [tilespmem:s4], [sflag:$0xC], $0x8, $0x38;
	[tilespmem:$0x1F0F8] =	vst v63  }
0x297: {  	s21 =	smov.u32 @p2 s0;
	s0 =	sadd.s32 @!p5 $0x28, s3;
	s3 =	simm.s32 @!p5 $0x1  }
0x298: {  	[spmem:s8] =	stream.linear.scatter @!p5 [tilespmem:s0], [sflag:$0x1], $0x8, $0x38;
	[tilespmem:$0x1F0F8] =	vst v63  }
0x299: {  	_ =	swait.ge @!p5 [sflag:s3], $0x8  }
0x29a: {  	[sflag:s3] =	ssyncset.done @!p5 $0x0  }
0x29b: {  	s24 =	sadd.s32 $0x80, s24;
	[sflag:s3] =	ssyncadd.s32 @!p5 $0xFFFFFFF8  }
0x29c: {  	v1 =	vld.msk @p2 [tilespmem:s24+$0x0], $0xff  }
0x29d: {  	s28 =	sadd.s32 $0x1, s28  }
0x29e: {  	p3 =	seq.s32 s28, $0x0  }
.Ltmp16:
0x29f: {  	_ = 	snop;
	(pc) =	sbr.rel @!p3 .LBB2_16-.Ltmp16, $4  }
0x2a0: {  	_ = 	snop  }
0x2a1: {  	[tilespmem:s2+$0x28] =	vst.msk @p2 $0xff, v1  }
0x2a2: {  	s0 =	sshra.s32 @!p2 s31, $0x2;
	v1 =	vld.msk @!p2 [tilespmem:s24+$0x0], $0xff  }
0x2a3: {  	v2 =	vld.msk @!p2 [tilespmem:s0+$0x28], $0xff  }
.LBB2_17:
0x2a4: {  	_ = 	snop  }
.Ltmp17:
0x2a5: {  	_ = 	snop;
	(pc) =	sbr.rel .LBB2_19-.Ltmp17, $3  }
0x2a6: {  	s2 =	sld [smem:$0x7FD];
	_ =	sdelay $0x1  }
0x2a7: {  	v1 =	vmax.f32 @!p2 v1, v2  }
0x2a8: {  	s28 =	smov.u32 s26;
	p4 =	seq.s32 s2, $0x1;
	[tilespmem:s0+$0x28] =	vst.msk @!p2 $0xff, v1;
	s0 =	sshrl.u32 s25, $0x2  }
.LBB2_21:
0x2a9: {  	_ =	sfence.sel $0x180000  }
0x2aa: {  	s0 =	simm.s32 $0x9;
	[bflag:$0x0] =	sbarrier.arrive $0xFFFF  }
0x2ab: {  	s24 =	simm.s32 $0xA;
	[sflag:s0] =	ssyncpa.u1 $0x1  }
0x2ac: {  	s25 =	simm.s32 $0xB;
	[sflag:s24] =	ssyncpa.u1 $0x1  }
0x2ad: {  	s26 =	simm.s32 $0x2;
	[sflag:s25] =	ssyncpa.u1 $0x1  }
0x2ae: {  	[sflag:s26] =	ssyncpa.u1 $0x1  }
0x2af: {  	v0 =	vld [tilespmem:$0x3648];
	_ =	sdelay $0x4  }
0x2b0: {  	(v2sf) =	vpush v0, $0x0  }
0x2b1: {  	(v2sf) =	vpush v0, $0x1;
	_ =	sdelay $0x1  }
0x2b2: {  	(v2sf) =	vpush v0, $0x2;
	_ =	sdelay $0xb  }
0x2b3: {  	s0 =	spop (v2sf)  }
0x2b4: {  	s2 =	spop (v2sf)  }
0x2b5: {  	s3 =	smov.u32 s0;
	p0 =	sne.s32 s0, s2  }
0x2b6: {  	s4 =	spop (v2sf);
	s3 =	simm.s32 @!p0 $0xFFFFFFFF  }
0x2b7: {  	v2 =	vimm.s32 $0x1;
	v3 =	vlaneseq.u32;
	p0 =	seq.s32 s4, $0xFFFFFFFF;
	v1 =	vmov s3  }
0x2b8: {  	s16 =	stileid.u32;
	v0 =	vperm.xlane v0, v2;
	p1 =	sne.s32 @!p0 s0, s2;
	v1 =	vperm.xlane v1, v3  }
0x2b9: {  	vm0 =	vcmask $0x3F04;
	s6 =	simm.s32 $0x3648;
	s0 =	simm.s32 @!p0 $0x1;
	p1 =	por !p1, p0  }
0x2ba: {  	s3 =	sshll.u32 s16, $0x1;
	s2 =	sshll.u32 @!p0 s4, $0x6;
	s0 =	simm.s32 @p1 $0x0;
	v0 =	vsel vm0, v1, v0  }
0x2bb: {  	s5 =	sor.u32 $0x200, s3;
	s2 =	sshra.s32 @!p0 s2, $0x2;
	s0 =	sor.u32 @!p0 s0, s3;
	[tilespmem:$0x3648] =	vst v0  }
0x2bc: {  	[spmem:s5] =	stream.linear.scatter [tilespmem:s6], [sflag:$0x1], $0x2, $0x38;
	[tilespmem:$0x1F0F8] =	vst v63  }
0x2bd: {  	s2 =	sadd.s32 @!p0 $0x28, s2;
	s0 =	sshll.u32 @!p0 s0, $0x4  }
0x2be: {  	[spmem:s0] =	stream.linear.scatter @!p0 [tilespmem:s2], [sflag:$0x1], $0x10, $0x38;
	[tilespmem:$0x1F0F8] =	vst v63  }
0x2bf: {  	s0 =	simm.s32 @!p0 $0x12  }
0x2c0: {  	s28 =	simm.s32 $0x1;
	s0 =	simm.s32 @p0 $0x2  }
0x2c1: {  	_ =	swait.ge [sflag:s28], s0  }
0x2c2: {  	s0 =	ssub.s32 $0x0, s0;
	[sflag:s28] =	ssyncset.done $0x0  }
0x2c3: {  	p0 =	sne.s32 s16, $0x0;
	[sflag:s28] =	ssyncadd.s32 s0  }
.Ltmp18:
0x2c4: {  	_ =	sfence.stream.spmem;
	(pc) =	sbr.rel @p0 .LBB2_38-.Ltmp18, $4  }
0x2c5: {  	s29 =	simm.s32 $0x3;
	[bflag:$0x0] =	sbarrier.arrive $0xFFFF  }
0x2c6: {  	s30 =	simm.s32 $0x4;
	[sflag:s29] =	ssyncpa.u1 $0x1  }
0x2c7: {  	s31 =	simm.s32 $0x3C;
	[sflag:s30] =	ssyncpa.u1 $0x1  }
0x2c8: {  	s17 =	rddreg [dreg:$0x6];
	[sflag:s31] =	ssyncpa.u1 $0x1  }
0x2c9: {  	_ =	sfence.stream.spmem;
	s0 =	simm.s32 $0x5  }
0x2ca: {  	s2 =	simm.s32 $0x200;
	s3 =	simm.s32 $0x3658;
	[sflag:s0] =	ssyncpa.u1 $0x0  }
0x2cb: {  	[tilespmem:s3], [sflag:$0x5] =	stream.linear.gather [spmem:s2], $0x20, $0x38;
	[tilespmem:$0x1F0F8] =	vst v63  }
0x2cc: {  	s26 =	simm.s32 $0x0;
	s28 =	simm.s32 $0x3678  }
0x2cd: {  	[tilespmem:s28], [sflag:$0x5] =	stream.linear.gather [spmem:s26], $0x200, $0x38;
	[tilespmem:$0x1F0F8] =	vst v63  }
0x2ce: {  	_ =	swait.ge [sflag:s0], $0x220  }
0x2cf: {  	[sflag:s0] =	ssyncset.done $0x0  }
0x2d0: {  	s29 =	simm.s32 $0x0;
	[sflag:s0] =	ssyncadd.s32 $0xFFFFFDE0  }
0x2d1: {  	v0 =	vld.msk [tilespmem:s29+$0x3658], $0x1;
	_ =	sdelay $0x1  }
0x2d2: {  	s30 =	simm.s32 $0x1  }
0x2d3: {  	v1 =	vld.msk [tilespmem:s30+$0x3658], $0x1;
	_ =	sdelay $0x1  }
0x2d4: {  	(v2sf) =	vpush v0, $0x0;
	_ =	sdelay $0x2  }
0x2d5: {  	(v2sf) =	vpush v1, $0x0;
	_ =	sdelay $0x2  }
0x2d6: {  	s31 =	simm.s32 $0x2  }
0x2d7: {  	v0 =	vld.msk [tilespmem:s31+$0x3658], $0x1;
	_ =	sdelay $0x2  }
0x2d8: {  	s6 =	simm.s32 $0xFFFFFFFF;
	s2 =	simm.s32 $0xFFFFFFFF;
	s0 =	simm.s32 $0xC  }
.LBB2_23:
0x2d9: {  	s3 =	smov.u32 s6;
	s4 =	smov.u32 s2  }
0x2da: {  	s2 =	sshra.s32 s0, $0x2;
	p1 =	sne.s32 s0, $0x7C;
	s0 =	sadd.s32 $0x4, s0;
	(v2sf) =	vpush v0, $0x0  }
0x2db: {  	v0 =	vld.msk [tilespmem:s2+$0x3658], $0x1  }
.Ltmp19:
0x2dc: {  	(pc) =	sbr.rel @p1 .LBB2_23-.Ltmp19, $4  }
0x2dd: {  	s6 =	spop (v2sf)  }
0x2de: {  	p2 =	sne.s32 s4, $0xFFFFFFFF;
	s2 =	smov.u32 s6  }
0x2df: {  	p3 =	seq.s32 s6, $0xFFFFFFFF;
	s2 =	smov.u32 @p2 s4  }
0x2e0: {  	s6 =	smov.u32 @p3 s3;
	s2 =	smov.u32 @p3 s4  }
0x2e1: {  	(v2sf) =	vpush v0, $0x0;
	_ =	sdelay $0x8  }
0x2e2: {  	s0 =	spop (v2sf)  }
0x2e3: {  	p1 =	sne.s32 s2, $0xFFFFFFFF;
	s3 =	smov.u32 s0  }
0x2e4: {  	s9 =	simm.s32 $0x6;
	p2 =	seq.s32 s0, $0xFFFFFFFF;
	s3 =	smov.u32 @p1 s2  }
0x2e5: {  	s10 =	simm.s32 $0x3638;
	s3 =	smov.u32 @p2 s2;
	s2 =	spop (v2sf)  }
0x2e6: {  	s0 =	smov.u32 @p2 s6;
	p1 =	sne.s32 s3, $0xFFFFFFFF;
	s4 =	smov.u32 s2  }
.Ltmp20:
0x2e7: {  	p2 =	seq.s32 s2, $0xFFFFFFFF;
	s4 =	smov.u32 @p1 s3;
	(pc) =	sbr.rel .LBB2_25-.Ltmp20, $4  }
0x2e8: {  	s11 =	simm.s32 $0x0;
	s4 =	smov.u32 @p2 s3;
	s7 =	spop (v2sf)  }
0x2e9: {  	[sflag:s9] =	ssyncpa.u1 $0x0;
	p1 =	sne.s32 s4, $0xFFFFFFFF;
	s8 =	smov.u32 s7  }
0x2ea: {  	s2 =	smov.u32 @p2 s0;
	p2 =	seq.s32 s7, $0xFFFFFFFF;
	s8 =	smov.u32 @p1 s4  }
0x2eb: {  	s6 =	simm.s32 $0x0;
	s7 =	smov.u32 @p2 s2;
	s8 =	smov.u32 @p2 s4  }
.LBB2_30:
0x2ec: {  	p1 =	sgt.u32 s12, $0x1869FF  }
0x2ed: {  	p2 =	seq.s32 @!p1 s12, s8  }
0x2ee: {  	p1 =	por p1, p2  }
0x2ef: {  	p2 =	sne.s32 @!p1 s12, s7  }
0x2f0: {  	p1 =	por p1, !p2  }
0x2f1: {  	s0 =	sshll.u32 @p1 s11, $0x6  }
0x2f2: {  	s0 =	sand.u32 @!p1 $0x1FFFF8, s12  }
0x2f3: {  	s2 =	sand.u32 @!p1 $0x7, s12;
	s0 =	sadd.s32 @!p1 s1, s0  }
0x2f4: {  	[tilespmem:s10], [sflag:$0x6] =	stream.linear.gather @!p1 [hbm4b:s0+s2], $0x8, $0x38;
	[tilespmem:$0x1F0F8] =	vst v63  }
0x2f5: {  	_ =	swait.ge @!p1 [sflag:s9], $0x8  }
0x2f6: {  	[sflag:s9] =	ssyncset.done @!p1 $0x0  }
0x2f7: {  	s0 =	sshll.u32 @!p1 s11, $0x6;
	[sflag:s9] =	ssyncadd.s32 @!p1 $0xFFFFFFF8  }
0x2f8: {  	s2 =	sshrl.u32 @!p1 s0, $0x2;
	v1 =	vld @!p1 [tilespmem:$0x3638]  }
0x2f9: {  	v2 =	vld @!p1 [tilespmem:s2+$0x3678];
	_ =	sdelay $0x4  }
0x2fa: {  	v1 =	vmax.f32 @!p1 v1, v2  }
0x2fb: {  	[tilespmem:s2+$0x3678] =	vst @!p1 v1  }
0x2fc: {  	s0 =	sshrl.u32 s0, $0x2;
	[tilespmem:s6+$0x3658] =	vst.msk $0x1, v0  }
0x2fd: {  	v0 =	vld [tilespmem:s0+$0x3678];
	_ =	sdelay $0x2  }
0x2fe: {  	s31 =	sshll.u32 s6, $0x6  }
0x2ff: {  	s0 =	sshra.s32 s31, $0x2  }
0x300: {  	s6 =	sadd.s32 $0x1, s6;
	[tilespmem:s0+$0x3678] =	vst v0  }
.LBB2_32:
0x301: {  	s11 =	sadd.s32 $0x1, s11  }
0x302: {  	p1 =	sne.s32 s11, $0x20  }
.Ltmp21:
0x303: {  	_ = 	snop;
	(pc) =	sbr.rel @!p1 .LBB2_33-.Ltmp21, $1  }
0x304: {  	_ =	sdelay $0x3  }
.LBB2_25:
0x305: {  	v0 =	vld.msk [tilespmem:s11+$0x3658], $0x1;
	_ =	sdelay $0x4  }
0x306: {  	(v2sf) =	vpush v0, $0x0;
	_ =	sdelay $0xe  }
0x307: {  	s12 =	spop (v2sf)  }
0x308: {  	p1 =	seq.s32 s12, $0xFFFFFFFF  }
.Ltmp22:
0x309: {  	_ = 	snop;
	(pc) =	sbr.rel @p1 .LBB2_32-.Ltmp22, $1  }
0x30a: {  	_ =	sdelay $0x3  }
0x30b: {  	p1 =	slt.s32 s6, $0x1  }
.Ltmp23:
0x30c: {  	_ = 	snop;
	(pc) =	sbr.rel @p1 .LBB2_30-.Ltmp23, $1  }
0x30d: {  	_ =	sdelay $0x3  }
0x30e: {  	s13 =	simm.s32 $0x3658;
	p1 =	por $0x0, $0x0  }
0x30f: {  	v1 =	vld.msk @!p1 [tilespmem:s13+$0x0], $0x1;
	_ =	sdelay $0x4  }
0x310: {  	(v2sf) =	vpush @!p1 v1, $0x0;
	_ =	sdelay $0xd  }
0x311: {  	p3 =	sne.s32 s6, $0x1  }
.Ltmp24:
0x312: {  	s0 =	spop @!p1 (v2sf);
	(pc) =	sbr.rel @!p3 .LBB2_29-.Ltmp24, $4  }
0x313: {  	p2 =	seq.s32 @!p1 s12, s0  }
0x314: {  	s14 =	simm.s32 $0x0;
	p2 =	por !p2, p1  }
0x315: {  	s0 =	simm.s32 $0xFFFFFFFF;
	s14 =	simm.s32 @p2 $0xFFFFFFFF  }
0x316: {  	s15 =	simm.s32 $0x1;
	s14 =	smov.u32 @p1 s0  }
.LBB2_28:
0x317: {  	s0 =	smov.u32 s14;
	p1 =	sne.s32 s14, $0xFFFFFFFF  }
0x318: {  	s13 =	sadd.s32 $0x1, s13;
	s14 =	smov.u32 s15;
	s15 =	sadd.s32 $0x1, s15  }
0x319: {  	p2 =	sne.s32 s6, s15;
	v1 =	vld.msk @!p1 [tilespmem:s13+$0x0], $0x1;
	_ =	sdelay $0x4  }
0x31a: {  	(v2sf) =	vpush @!p1 v1, $0x0;
	_ =	sdelay $0xe  }
.Ltmp25:
0x31b: {  	s2 =	spop @!p1 (v2sf);
	(pc) =	sbr.rel @p2 .LBB2_28-.Ltmp25, $4  }
0x31c: {  	p3 =	seq.s32 @!p1 s12, s2  }
0x31d: {  	p3 =	por !p3, p1  }
0x31e: {  	s14 =	simm.s32 @p3 $0xFFFFFFFF  }
0x31f: {  	s14 =	smov.u32 @p1 s0  }
.LBB2_29:
0x320: {  	p1 =	sne.s32 s14, $0xFFFFFFFF  }
.Ltmp26:
0x321: {  	_ = 	snop;
	(pc) =	sbr.rel @!p1 .LBB2_30-.Ltmp26, $1  }
0x322: {  	_ =	sdelay $0x3  }
0x323: {  	s0 =	sshll.u32 s11, $0x4  }
0x324: {  	s2 =	sshll.u32 s14, $0x6;
	s0 =	sand.u32 $0x3FFFFFF0, s0  }
0x325: {  	s31 =	sshra.s32 s2, $0x2;
	v0 =	vld [tilespmem:s0+$0x3678]  }
0x326: {  	v1 =	vld [tilespmem:s31+$0x3678];
	_ =	sdelay $0x1  }
.Ltmp27:
0x327: {  	_ = 	snop;
	(pc) =	sbr.rel .LBB2_32-.Ltmp27, $3  }
0x328: {  	_ =	sdelay $0x1  }
0x329: {  	v0 =	vmax.f32 v0, v1  }
0x32a: {  	[tilespmem:s31+$0x3678] =	vst v0  }
.LBB2_33:
0x32b: {  	s0 =	simm.s32 $0x6;
	p1 =	seq.s32 s6, $0x0  }
0x32c: {  	[sflag:s0] =	ssyncpa.u1 $0x1;
	v0 =	vimm.s32 @p1 $0xFFFFFFFF  }
0x32d: {  	s9 =	sadd.s32 $0xFFFFFFFF, s6;
	[tilespmem:$0x3878] =	vst @p1 v0  }
0x32e: {  	v0 =	vld.msk @!p1 [tilespmem:s9+$0x3658], $0x1;
	_ =	sdelay $0x1  }
0x32f: {  	v1 =	vld.msk @!p1 [tilespmem:$0x3658], $0x1;
	_ =	sdelay $0x2  }
0x330: {  	p2 =	seq.s32 @!p1 s9, $0x0;
	v0 =	vbroadcast @!p1 v0, $0x0  }
0x331: {  	vm0 =	vmmov @!p1 $0x1;
	p2 =	por !p2, p1  }
0x332: {  	v1 =	vnsel @!p1 vm0, $0xFFFFFFFF, v1;
	vm0 =	vcmask @!p1 $0x308;
	v0 =	vpsel !p2, $0xFFFFFFFF, v0  }
0x333: {  	p2 =	sne.s32 @!p1 s8, s7;
	v0 =	vsel @!p1 vm0, v1, v0  }
0x334: {  	s0 =	simm.s32 @!p1 $0x3678;
	s2 =	simm.s32 @!p1 $0x0;
	p3 =	por !p2, p1;
	[tilespmem:$0x3878] =	vst @!p1 v0  }
0x335: {  	[spmem:s2] =	stream.linear.scatter @!p1 [tilespmem:s0], [sflag:$0x1], $0x10, $0x38;
	[tilespmem:$0x1F0F8] =	vst v63  }
0x336: {  	s0 =	sshll.u32 @!p3 s9, $0x6  }
0x337: {  	s0 =	sshra.s32 @!p3 s0, $0x2  }
0x338: {  	s2 =	simm.s32 @!p3 $0x10;
	s0 =	sadd.s32 @!p3 $0x3678, s0  }
0x339: {  	[spmem:s2] =	stream.linear.scatter @!p3 [tilespmem:s0], [sflag:$0x1], $0x10, $0x38;
	[tilespmem:$0x1F0F8] =	vst v63  }
0x33a: {  	s0 =	simm.s32 @!p3 $0x1  }
0x33b: {  	_ =	swait.ge @!p3 [sflag:s0], $0x20  }
0x33c: {  	p1 =	por p2, p1;
	[sflag:s0] =	ssyncset.done @!p3 $0x0  }
0x33d: {  	[sflag:s0] =	ssyncadd.s32 @!p3 $0xFFFFFFE0;
	s0 =	simm.s32 @!p1 $0x1  }
0x33e: {  	_ =	swait.ge @!p1 [sflag:s0], $0x10  }
0x33f: {  	s29 =	simm.s32 $0x3878;
	[sflag:s0] =	ssyncset.done @!p1 $0x0  }
0x340: {  	s30 =	simm.s32 $0x200;
	s31 =	simm.s32 $0x1;
	[sflag:s0] =	ssyncadd.s32 @!p1 $0xFFFFFFF0  }
0x341: {  	[spmem:s30] =	stream.linear.scatter [tilespmem:s29], [sflag:$0x1], $0x10, $0x38;
	[tilespmem:$0x1F0F8] =	vst v63  }
0x342: {  	_ =	swait.ge [sflag:s31], $0x10  }
0x343: {  	[sflag:s31] =	ssyncset.done $0x0  }
0x344: {  	p1 =	seq.s32 s17, $0x0;
	s8 =	rddreg [dreg:$0x2];
	[sflag:s31] =	ssyncadd.s32 $0xFFFFFFF0  }
0x345: {  	s2 =	sshll.u32 @p1 s8, $0xE;
	s7 =	rddreg [dreg:$0x3]  }
0x346: {  	s0 =	sadd.s32 @p1 $0x15C3C, s2;
	s2 =	sshll.u32 @p1 s7, $0x11  }
0x347: {  	_ =	sfence.stream.spmem;
	s0 =	sor.u32 @p1 s2, s0  }
0x348: {  	[sflag:s0] =	ssyncadd.remote.s32 @p1 $0x1;
	s0 =	simm.s32 @p1 $0x4  }
0x349: {  	s3 =	simm.s32 @!p1 $0x3C;
	s2 =	sand.u32 $0xFFFFFFFE, s8;
	_ =	swait.ge @p1 [sflag:s0], $0x6  }
0x34a: {  	s4 =	simm.s32 @!p1 $0x0;
	s2 =	sadd.s32 @!p1 $0x4, s2;
	[sflag:s0] =	ssyncset.done @p1 $0x0  }
0x34b: {  	s5 =	simm.s32 @!p1 $0x20;
	[sflag:s0] =	ssyncadd.s32 @p1 $0xFFFFFFFA;
	s0 =	sshll.u32 @!p1 s2, $0x1A  }
0x34c: {  	s2 =	sshll.u32 @!p1 s2, $0xD;
	s0 =	sor.u32 @!p1 s0, s7;
	_ =	swait.eq @!p1 [sflag:s3], $0x1  }
0x34d: {  	s2 =	sor.u32 @!p1 $0x1C04, s2;
	s3 =	simm.s32 @!p1 $0x1C03;
	s0 =	sor.u32 @!p1 $0x80004000, s0  }
0x34e: {  	[spmem:s5], [sflag:s2] =	dma.general @!p1 [spmem:s4], [sflag:s3], length:$0x4, [dreg:$0x0], stride_count:$0x0, ici_dest:s0, dma_misc:DstOpCode:WRITE  }
0x34f: {  	p2 =	slt.s32 s9, $0x2;
	s4 =	simm.s32 @!p1 $0x40;
	s5 =	simm.s32 @!p1 $0x42  }
0x350: {  	[spmem:s5], [sflag:s2] =	dma.general @!p1 [spmem:s4], [sflag:s3], length:$0x2, [dreg:$0x0], stride_count:$0x0, ici_dest:s0, dma_misc:DstOpCode:WRITE  }
.Ltmp28:
0x351: {  	s0 =	simm.s32 @!p1 $0x3;
	(pc) =	sbr.rel @p2 .LBB2_37-.Ltmp28, $4  }
0x352: {  	s2 =	sshll.u32 @!p1 s8, $0xE;
	_ =	swait.ge @!p1 [sflag:s0], $0x6  }
0x353: {  	s3 =	sshll.u32 @!p1 s7, $0x11;
	s2 =	sadd.s32 @!p1 $0x11C3C, s2;
	[sflag:s0] =	ssyncset.done @!p1 $0x0  }
0x354: {  	[sflag:s0] =	ssyncadd.s32 @!p1 $0xFFFFFFFA;
	s0 =	sor.u32 @!p1 s3, s2  }
0x355: {  	[sflag:s0] =	ssyncadd.remote.s32 @!p1 $0xFFFFFFFF;
	s0 =	simm.s32 $0x0  }
0x356: {  	s0 =	simm.s32 $0x3659  }
0x357: {  	v0 =	vld.msk [tilespmem:s0+$0x0], $0x1;
	_ =	sdelay $0x4  }
0x358: {  	(v2sf) =	vpush v0, $0x0;
	_ =	sdelay $0xd  }
0x359: {  	s3 =	sadd.s32 $0xFFFFFFFE, s6  }
0x35a: {  	s3 =	sadd.s32 $0xFFFFFFFF, s3;
	s0 =	spop (v2sf)  }
0x35b: {  	p2 =	sne.s32 s3, $0x0;
	p1 =	sgt.u32 s0, $0x1869FF  }
.Ltmp29:
0x35c: {  	s4 =	sand.u32 @!p1 $0x1FFFF8, s0;
	(pc) =	sbr.rel @!p2 .LBB2_36-.Ltmp29, $4  }
0x35d: {  	s2 =	simm.s32 $0x3688;
	s0 =	sand.u32 @!p1 $0x7, s0;
	s4 =	sadd.s32 @!p1 s1, s4  }
0x35e: {  	[hbm4b:s4+s0] =	stream.linear.scatter @!p1 [tilespmem:s2], [sflag:$0x5], $0x8, $0x38;
	[tilespmem:$0x1F0F8] =	vst v63  }
0x35f: {  	s0 =	simm.s32 $0x0  }
0x360: {  	s6 =	simm.s32 $0x0;
	s7 =	simm.s32 $0x365A;
	s0 =	simm.s32 @!p1 $0x20  }
.LBB2_35:
0x361: {  	v0 =	vld.msk [tilespmem:s7+$0x0], $0x1;
	s3 =	sadd.s32 $0xFFFFFFFF, s3;
	s6 =	sadd.s32 s6, s0  }
0x362: {  	p1 =	sne.s32 s3, $0x0;
	_ =	sdelay $0x3  }
0x363: {  	(v2sf) =	vpush v0, $0x0;
	_ =	sdelay $0xe  }
.Ltmp30:
0x364: {  	s4 =	spop (v2sf);
	(pc) =	sbr.rel @p1 .LBB2_35-.Ltmp30, $4  }
0x365: {  	s0 =	simm.s32 $0x0;
	p2 =	sgt.u32 s4, $0x1869FF  }
0x366: {  	s2 =	sadd.s32 $0x10, s2;
	s0 =	simm.s32 @!p2 $0x20;
	s5 =	sand.u32 @!p2 $0x1FFFF8, s4  }
0x367: {  	s7 =	sadd.s32 $0x1, s7;
	s4 =	sand.u32 @!p2 $0x7, s4;
	s5 =	sadd.s32 @!p2 s1, s5  }
0x368: {  	[hbm4b:s5+s4] =	stream.linear.scatter @!p2 [tilespmem:s2], [sflag:$0x5], $0x8, $0x38;
	[tilespmem:$0x1F0F8] =	vst v63  }
.LBB2_36:
0x369: {  	s0 =	sadd.s32 s6, s0  }
0x36a: {  	s0 =	sshrl.u32 s0, $0x2  }
.LBB2_37:
0x36b: {  	s2 =	simm.s32 $0x5  }
0x36c: {  	_ =	swait.ge [sflag:s2], s0  }
0x36d: {  	s31 =	ssub.s32 $0x0, s0;
	[sflag:s2] =	ssyncset.done $0x0  }
0x36e: {  	[sflag:s2] =	ssyncadd.s32 s31  }
0x36f: {  	[sflag:s2] =	ssyncpa.u1 $0x1  }
.LBB2_38:
0x370: {  	s0 =	sor.u32 s17, s16  }
0x371: {  	p1 =	sne.s32 s0, $0x0  }
.Ltmp31:
0x372: {  	_ = 	snop;
	(pc) =	sbr.rel @p1 .LBB2_53-.Ltmp31, $3  }
0x373: {  	_ =	sdelay $0x1  }
0x374: {  	[bflag:$0x0] =	sbarrier.arrive $0xFFFF  }
0x375: {  	_ =	sfence  }
0x376: {  	s0 =	simm.s32 $0x7  }
0x377: {  	s2 =	simm.s32 $0x200;
	s3 =	simm.s32 $0x3658;
	[sflag:s0] =	ssyncpa.u1 $0x0  }
0x378: {  	[tilespmem:s3], [sflag:$0x7] =	stream.linear.gather [spmem:s2], $0x20, $0x38;
	[tilespmem:$0x1F0F8] =	vst v63  }
0x379: {  	s30 =	simm.s32 $0x3678;
	s2 =	simm.s32 $0x0  }
0x37a: {  	[tilespmem:s30], [sflag:$0x7] =	stream.linear.gather [spmem:s2], $0x200, $0x38;
	[tilespmem:$0x1F0F8] =	vst v63  }
.Ltmp32:
0x37b: {  	_ = 	snop;
	(pc) =	sbr.rel .LBB2_40-.Ltmp32, $4  }
0x37c: {  	_ =	swait.ge [sflag:s0], $0x220  }
0x37d: {  	[sflag:s0] =	ssyncset.done $0x0  }
0x37e: {  	s31 =	simm.s32 $0x8;
	[sflag:s0] =	ssyncadd.s32 $0xFFFFFDE0  }
0x37f: {  	s3 =	simm.s32 $0x0;
	[sflag:s31] =	ssyncpa.u1 $0x0  }
.LBB2_45:
0x380: {  	p1 =	slt.u32 s4, $0x186A00  }
0x381: {  	s0 =	sand.u32 @p1 $0x1FFFF8, s4  }
0x382: {  	s4 =	sand.u32 @p1 $0x7, s4;
	s5 =	simm.s32 @p1 $0x3638;
	s0 =	sadd.s32 @p1 s1, s0  }
0x383: {  	[tilespmem:s5], [sflag:$0x8] =	stream.linear.gather @p1 [hbm4b:s0+s4], $0x8, $0x38;
	[tilespmem:$0x1F0F8] =	vst v63  }
0x384: {  	s0 =	simm.s32 @p1 $0x8  }
0x385: {  	_ =	swait.ge @p1 [sflag:s0], $0x8  }
0x386: {  	[sflag:s0] =	ssyncset.done @p1 $0x0  }
0x387: {  	[sflag:s0] =	ssyncadd.s32 @p1 $0xFFFFFFF8;
	s0 =	sshll.u32 @p1 s3, $0x6  }
0x388: {  	v1 =	vld @p1 [tilespmem:$0x3638];
	s4 =	sshrl.u32 @p1 s0, $0x2  }
0x389: {  	v2 =	vld @p1 [tilespmem:s4+$0x3678];
	_ =	sdelay $0x4  }
0x38a: {  	s5 =	sshll.u32 @!p1 s3, $0x6;
	v1 =	vmax.f32 @p1 v1, v2  }
0x38b: {  	s5 =	smov.u32 @p1 s0;
	[tilespmem:s4+$0x3678] =	vst @p1 v1  }
0x38c: {  	s0 =	sshrl.u32 s5, $0x2;
	[tilespmem:s2+$0x3658] =	vst.msk $0x1, v0  }
0x38d: {  	v0 =	vld [tilespmem:s0+$0x3678];
	_ =	sdelay $0x2  }
0x38e: {  	s31 =	sshll.u32 s2, $0x6  }
0x38f: {  	s0 =	sshra.s32 s31, $0x2  }
0x390: {  	s2 =	sadd.s32 $0x1, s2;
	[tilespmem:s0+$0x3678] =	vst v0  }
.LBB2_47:
0x391: {  	s3 =	sadd.s32 $0x1, s3  }
0x392: {  	p1 =	sne.s32 s3, $0x20  }
.Ltmp33:
0x393: {  	_ = 	snop;
	(pc) =	sbr.rel @!p1 .LBB2_48-.Ltmp33, $1  }
0x394: {  	_ =	sdelay $0x3  }
.LBB2_40:
0x395: {  	v0 =	vld.msk [tilespmem:s3+$0x3658], $0x1;
	_ =	sdelay $0x4  }
0x396: {  	(v2sf) =	vpush v0, $0x0;
	_ =	sdelay $0xe  }
0x397: {  	s4 =	spop (v2sf)  }
0x398: {  	p1 =	seq.s32 s4, $0xFFFFFFFF  }
.Ltmp34:
0x399: {  	_ = 	snop;
	(pc) =	sbr.rel @p1 .LBB2_47-.Ltmp34, $1  }
0x39a: {  	_ =	sdelay $0x3  }
0x39b: {  	p1 =	slt.s32 s2, $0x1  }
.Ltmp35:
0x39c: {  	_ = 	snop;
	(pc) =	sbr.rel @p1 .LBB2_45-.Ltmp35, $1  }
0x39d: {  	_ =	sdelay $0x3  }
0x39e: {  	s5 =	simm.s32 $0x3658;
	p1 =	por $0x0, $0x0  }
0x39f: {  	v1 =	vld.msk @!p1 [tilespmem:s5+$0x0], $0x1;
	_ =	sdelay $0x4  }
0x3a0: {  	(v2sf) =	vpush @!p1 v1, $0x0;
	_ =	sdelay $0xd  }
0x3a1: {  	p3 =	sne.s32 s2, $0x1  }
.Ltmp36:
0x3a2: {  	s0 =	spop @!p1 (v2sf);
	(pc) =	sbr.rel @!p3 .LBB2_44-.Ltmp36, $4  }
0x3a3: {  	p2 =	seq.s32 @!p1 s4, s0  }
0x3a4: {  	s6 =	simm.s32 $0x0;
	p2 =	por !p2, p1  }
0x3a5: {  	s0 =	simm.s32 $0xFFFFFFFF;
	s6 =	simm.s32 @p2 $0xFFFFFFFF  }
0x3a6: {  	s7 =	simm.s32 $0x1;
	s6 =	smov.u32 @p1 s0  }
.LBB2_43:
0x3a7: {  	s0 =	smov.u32 s6;
	p1 =	sne.s32 s6, $0xFFFFFFFF  }
0x3a8: {  	s5 =	sadd.s32 $0x1, s5;
	s6 =	smov.u32 s7;
	s7 =	sadd.s32 $0x1, s7  }
0x3a9: {  	p2 =	sne.s32 s2, s7;
	v1 =	vld.msk @!p1 [tilespmem:s5+$0x0], $0x1;
	_ =	sdelay $0x4  }
0x3aa: {  	(v2sf) =	vpush @!p1 v1, $0x0;
	_ =	sdelay $0xe  }
.Ltmp37:
0x3ab: {  	s8 =	spop @!p1 (v2sf);
	(pc) =	sbr.rel @p2 .LBB2_43-.Ltmp37, $4  }
0x3ac: {  	p3 =	seq.s32 @!p1 s4, s8  }
0x3ad: {  	p3 =	por !p3, p1  }
0x3ae: {  	s6 =	simm.s32 @p3 $0xFFFFFFFF  }
0x3af: {  	s6 =	smov.u32 @p1 s0  }
.LBB2_44:
0x3b0: {  	p1 =	sne.s32 s6, $0xFFFFFFFF  }
.Ltmp38:
0x3b1: {  	_ = 	snop;
	(pc) =	sbr.rel @!p1 .LBB2_45-.Ltmp38, $1  }
0x3b2: {  	_ =	sdelay $0x3  }
0x3b3: {  	s0 =	sshll.u32 s3, $0x4  }
0x3b4: {  	s4 =	sshll.u32 s6, $0x6;
	s0 =	sand.u32 $0x3FFFFFF0, s0  }
0x3b5: {  	s31 =	sshra.s32 s4, $0x2;
	v0 =	vld [tilespmem:s0+$0x3678]  }
0x3b6: {  	v1 =	vld [tilespmem:s31+$0x3678];
	_ =	sdelay $0x1  }
.Ltmp39:
0x3b7: {  	_ = 	snop;
	(pc) =	sbr.rel .LBB2_47-.Ltmp39, $3  }
0x3b8: {  	_ =	sdelay $0x1  }
0x3b9: {  	v0 =	vmax.f32 v0, v1  }
0x3ba: {  	[tilespmem:s31+$0x3678] =	vst v0  }
.LBB2_48:
0x3bb: {  	p1 =	slt.s32 s2, $0x1  }
.Ltmp40:
0x3bc: {  	_ = 	snop;
	(pc) =	sbr.rel @p1 .LBB2_52-.Ltmp40, $3  }
0x3bd: {  	_ =	sdelay $0x1  }
0x3be: {  	s0 =	simm.s32 $0x8  }
0x3bf: {  	s3 =	simm.s32 $0x0;
	[sflag:s0] =	ssyncpa.u1 $0x1  }
0x3c0: {  	s0 =	simm.s32 $0x3658  }
0x3c1: {  	v0 =	vld.msk [tilespmem:s0+$0x0], $0x1;
	_ =	sdelay $0x4  }
0x3c2: {  	(v2sf) =	vpush v0, $0x0;
	_ =	sdelay $0xe  }
0x3c3: {  	s2 =	sadd.s32 $0xFFFFFFFF, s2;
	s0 =	spop (v2sf)  }
0x3c4: {  	p2 =	sne.s32 s2, $0x0;
	p1 =	sgt.u32 s0, $0x1869FF  }
.Ltmp41:
0x3c5: {  	s5 =	sand.u32 @!p1 $0x1FFFF8, s0;
	(pc) =	sbr.rel @!p2 .LBB2_51-.Ltmp41, $4  }
0x3c6: {  	s4 =	simm.s32 $0x3678;
	s0 =	sand.u32 @!p1 $0x7, s0;
	s5 =	sadd.s32 @!p1 s1, s5  }
0x3c7: {  	[hbm4b:s5+s0] =	stream.linear.scatter @!p1 [tilespmem:s4], [sflag:$0x7], $0x8, $0x38;
	[tilespmem:$0x1F0F8] =	vst v63  }
0x3c8: {  	s0 =	simm.s32 $0x0  }
0x3c9: {  	s5 =	simm.s32 $0x3659;
	s0 =	simm.s32 @!p1 $0x20  }
.LBB2_50:
0x3ca: {  	v0 =	vld.msk [tilespmem:s5+$0x0], $0x1;
	s2 =	sadd.s32 $0xFFFFFFFF, s2;
	s3 =	sadd.s32 s3, s0  }
0x3cb: {  	p1 =	sne.s32 s2, $0x0;
	_ =	sdelay $0x3  }
0x3cc: {  	(v2sf) =	vpush v0, $0x0;
	_ =	sdelay $0xe  }
.Ltmp42:
0x3cd: {  	s6 =	spop (v2sf);
	(pc) =	sbr.rel @p1 .LBB2_50-.Ltmp42, $4  }
0x3ce: {  	s0 =	simm.s32 $0x0;
	p2 =	sgt.u32 s6, $0x1869FF  }
0x3cf: {  	s4 =	sadd.s32 $0x10, s4;
	s0 =	simm.s32 @!p2 $0x20;
	s7 =	sand.u32 @!p2 $0x1FFFF8, s6  }
0x3d0: {  	s5 =	sadd.s32 $0x1, s5;
	s6 =	sand.u32 @!p2 $0x7, s6;
	s7 =	sadd.s32 @!p2 s1, s7  }
0x3d1: {  	[hbm4b:s7+s6] =	stream.linear.scatter @!p2 [tilespmem:s4], [sflag:$0x7], $0x8, $0x38;
	[tilespmem:$0x1F0F8] =	vst v63  }
.LBB2_51:
0x3d2: {  	s0 =	sadd.s32 s3, s0  }
0x3d3: {  	s3 =	sshrl.u32 s0, $0x2  }
.LBB2_52:
0x3d4: {  	s0 =	simm.s32 $0x7  }
0x3d5: {  	_ =	swait.ge [sflag:s0], s3  }
0x3d6: {  	s1 =	ssub.s32 $0x0, s3;
	[sflag:s0] =	ssyncset.done $0x0  }
0x3d7: {  	[sflag:s0] =	ssyncadd.s32 s1  }
0x3d8: {  	[sflag:s0] =	ssyncpa.u1 $0x1  }
.LBB2_53:
0x3d9: {  	_ =	sfence;
	s0 =	simm.s32 $0x1  }
0x3da: {  	[sflag:s0] =	ssyncpa.u1 $0x1  }
0x3db: {  	_ =	strace $0x90000053  }
0x3dc: {  	[bflag:$0x2] =	sbarrier.arrive $0xFFFF  }
0x3dd: {  	s0 =	rddreg [dreg:$0x4]  }
0x3de: {  	s0 =	sadd.s32 @!p0 $0x100000, s0  }
0x3df: {  	[sflag:s0] =	ssyncadd.tile.s32 @!p0 $0x1;
	_ =	shalt  }
.Lfunc_end2:
_tile_overlayer_lowered:
.L_overlay_start_2:
0x3e0: {  	(tag) =	ssettag $0x2  }
0x3e1: {  	s0 =	rddreg [dreg:$0x0];
	s2 =	stileid.u32  }
0x3e2: {  	s1 =	rddreg [dreg:$0x1];
	p0 =	sne.s32 s2, $0x0  }
0x3e3: {  	s3 =	rddreg [dreg:$0x2];
	[bflag:$0x3] =	sbarrier.arrive $0xFFFF;
	s2 =	simm.s32 @!p0 $0x1C01  }
0x3e4: {  	[timem:s3], [sflag:s2] =	dma.local @!p0 [hbm:s0], s1  }
0x3e5: {  	s0 =	simm.s32 @!p0 $0x1  }
0x3e6: {  	_ =	swait.ge @!p0 [sflag:s0], s1  }
0x3e7: {  	s1 =	ssub.s32 @!p0 $0x0, s1;
	[sflag:s0] =	ssyncset.done @!p0 $0x0  }
0x3e8: {  	[sflag:s0] =	ssyncadd.s32 @!p0 s1  }
0x3e9: {  	[bflag:$0x3] =	sbarrier.arrive $0xFFFF  }
0x3ea: {  	_ =	shalt  }

// kernel: sparse-core-data-format-call.1.cloned.1.call-start
scs
called_computation.3_lowered:
.L_overlay_start_0:
0x0: {  	s1 =	sld [smem:$0x3FD9]  }
0x1: {  	s2 =	sld [smem:$0x3FFE];
	_ =	sdelay $0x1  }
0x2: {  	s3 =	srdreg.scid  }
0x3: {  	s0 =	sand.u32 $0x1, s3  }
0x4: {  	s17 =	sshll.u32 s0, $0xA;
	s1 =	sadd.s32 s2, s1  }
0x5: {  	s1 =	sadd.s32 s1, s17  }
0x6: {  	[smem:$0x3F8D] =	sst s1  }
0x7: {  	_ = 	snop  }
0x8: {  	(tm) =	ssettm $0x1  }
0x9: {  	s18 =	sld [smem:$0x3FFB];
	_ =	sdelay $0x3  }
0xa: {  	_ =	strace s18  }
0xb: {  	s1 =	sld [smem:$0x3FFC];
	_ =	sdelay $0x3  }
0xc: {  	_ =	strace s1  }
0xd: {  	s1 =	sld [smem:$0x3FFD];
	_ =	sdelay $0x3  }
0xe: {  	_ =	strace s1  }
0xf: {  	_ =	strace $0x8FFFFFFF  }
0x10: {  	s19 =	sld [smem:$0x3FDB];
	_ =	sdelay $0x1  }
0x11: {  	s20 =	simm.s32 $_scs_section_size  }
0x12: {  	s4 =	simm.s32 $_size__tile_overlayer_lowered;
	s5 =	simm.s32 $_tile_overlayer_lowered  }
0x13: {  	s23 =	simm.s32 $0x1BFF;
	s22 =	sshll.u32 s5, $0x1;
	s1 =	sadd.s32 s20, s19  }
0x14: {  	s6 =	simm.s32 $0x0;
	s21 =	sshll.u32 s4, $0x1;
	s4 =	sadd.s32 s22, s1  }
0x15: {  	[timem:s6], [sflag:s23] =	dma.local [hbm:s4], s21  }
0x16: {  	_ =	swait.ge [sflag:s23], s21  }
0x17: {  	s2 =	ssub.s32 $0x0, s21;
	[sflag:s23] =	ssyncset.done $0x0  }
0x18: {  	[sflag:s23] =	ssyncadd.s32 s2;
	_ =	sdelay $0x1  }
0x19: {  	s24 =	simm.s32 $0x1B8B  }
0x1a: {  	_ =	swait.ge [sflag:s24], $0x1  }
0x1b: {  	[sflag:s24] =	ssyncset.done $0x0  }
0x1c: {  	s26 =	simm.s32 $0x1B8E;
	s25 =	sld [smem:$0x3FFE];
	[sflag:s24] =	ssyncadd.s32 $0xFFFFFFFF  }
0x1d: {  	s27 =	simm.s32 $execute0_lowered;
	[smem:$0x3FD2] =	sst s26  }
0x1e: {  	s4 =	sshll.u32 s27, $0x1;
	_ =	strace $0x8000005E;
	[dreg:$0x1] =	wrdreg $0xFFFFFFFF  }
0x1f: {  	s28 =	simm.s32 $_size_execute0_lowered;
	s1 =	sadd.s32 s1, s4;
	[dreg:$0x0] =	wrdreg $0x0  }
0x20: {  	s4 =	sshll.u32 s28, $0x1;
	[dreg:$0x2] =	wrdreg s1  }
0x21: {  	[dreg:$0x3] =	wrdreg s4  }
0x22: {  	[dreg:$0x4] =	wrdreg $0xC0  }
0x23: {  	_ =	task [dreg:s6], $0x5FFFF  }
0x24: {  	[dreg:$0x1] =	wrdreg $0xFFFFFFFF  }
0x25: {  	[dreg:$0x0] =	wrdreg $0x60  }
0x26: {  	[dreg:$0x2] =	wrdreg s25  }
0x27: {  	[dreg:$0x3] =	wrdreg $0x9  }
0x28: {  	_ =	task.clear_ibuf [dreg:s6], $0x4FFFF;
	_ =	strace $0x9000005E  }
0x29: {  	s29 =	simm.s32 $0x9;
	_ =	strace $0x80000060  }
0x2a: {  	_ =	swait.ge [sflag:s29], $0x1  }
0x2b: {  	[sflag:s29] =	ssyncadd.s32 $0xFFFFFFFF  }
0x2c: {  	_ =	strace $0x90000060  }
0x2d: {  	_ =	sfence  }
0x2e: {  	s30 =	sld [smem:$0x0];
	_ =	sdelay $0x2  }
0x2f: {  	s31 =	sshll.u32 s3, $0xD;
	s3 =	sshrl.u32 s3, $0x2  }
0x30: {  	s2 =	sand.u32 $0x4000, s31;
	s1 =	sadd.s32 s3, s30  }
0x31: {  	s0 =	sor.u32 s2, s0;
	s1 =	sshll.u32 s1, $0x11  }
0x32: {  	s0 =	sor.u32 s1, s0  }
0x33: {  	s0 =	sadd.s32 $0x8F2B, s0  }
0x34: {  	[sflag:s0] =	ssyncadd.remote.s32 $0x1  }
0x35: {  	_ =	sfence.sel $0xFFFF  }
0x36: {  	[dreg:$0x0] =	wrdreg $0xFFFFFFFF;
	(pc) =	sbr.abs _section_cstart, $3  }
0x37: {  	[dreg:$0x1] =	wrdreg $0xFFFFFFFF  }
0x38: {  	_ =	task.clear_ibuf [dreg:s6], $0x2FFFF;
	_ =	strace $0x9FFFFFFF  }
0x39: {  	(tm) =	ssettm $0x7FFFFFFF  }
tec
execute0_lowered:
.L_overlay_start_1:
0x0: {  	(tag) =	ssettag $0x1  }
0x1: {  	s0 =	srdreg.scid  }
0x2: {  	s4 =	rddreg [dreg:$0x0];
	s1 =	stileid.u32  }
0x3: {  	s5 =	simm.s32 $0x1;
	s7 =	simm.s32 $0x2;
	s0 =	sshll.u32 s0, $0x4  }
0x4: {  	s11 =	simm.s32 $0x0;
	p0 =	por $0x0, $0x0;
	s2 =	sand.u32 $0x10, s0  }
.Ltmp0:
0x5: {  	s8 =	simm.s32 $0xC3800;
	s3 =	sor.u32 s1, s2;
	(pc) =	sbr.rel .LBB1_1-.Ltmp0, $4  }
0x6: {  	s10 =	simm.s32 $0x0;
	s0 =	rddreg [dreg:$0x1];
	s3 =	sshll.u32 s3, $0x7  }
0x7: {  	_ =	strace $0x8000005F;
	s2 =	sadd.s32 $0x4400, s4;
	s6 =	ssub.s32 $0x18680, s3  }
0x8: {  	s4 =	sadd.s32 $0xC39400, s4;
	[sflag:s5] =	ssyncpa.u1 $0x0;
	s6 =	sshrl.u32 s6, $0xC  }
0x9: {  	[sflag:s7] =	ssyncpa.u1 $0x0;
	s9 =	smov.u32 s3;
	s7 =	sadd.s32 $0x2, s6  }
.LBB1_5:
0xa: {  	s13 =	sadd.s32 $0x1000, s9  }
0xb: {  	p2 =	sgt.s32 s13, $0x1869F  }
0xc: {  	s13 =	smov.u32 @p2 s3;
	p2 =	sne.s32 s10, s7  }
.Ltmp1:
0xd: {  	p1 =	slt.u32 s10, $0x2;
	(pc) =	sbr.rel @!p2 .LBB1_6-.Ltmp1, $4  }
0xe: {  	s12 =	simm.s32 @!p1 $0x2  }
0xf: {  	s14 =	sadd.s32 $0x1, s10;
	_ =	swait.ge @!p1 [sflag:s12], $0x4000  }
0x10: {  	s11 =	smov.u32 s9;
	p0 =	por !p0, !p0;
	[sflag:s12] =	ssyncset.done @!p1 $0x0  }
0x11: {  	s10 =	smov.u32 s14;
	s9 =	smov.u32 s13;
	[sflag:s12] =	ssyncadd.s32 @!p1 $0xFFFFC000  }
.LBB1_1:
0x12: {  	p1 =	sgt.u32 s10, s6  }
0x13: {  	p2 =	sgt.s32 @!p1 s9, $0x18620  }
0x14: {  	s12 =	smov.u32 s9;
	s13 =	sshra.s32 @!p1 s9, $0x1F;
	p2 =	por !p2, p1  }
0x15: {  	s13 =	sand.u32 @!p1 s13, s9;
	s12 =	simm.s32 @p2 $0x18620  }
0x16: {  	s12 =	ssub.s32 @!p1 s12, s13  }
0x17: {  	s14 =	sxor.u32 @!p1 $0xFFFFFFFF, s10;
	s12 =	sadd.s32 @!p1 $0xFFFE79E0, s12  }
0x18: {  	s15 =	simm.s32 @!p1 $0x10;
	s16 =	simm.s32 @!p1 $0x80;
	s13 =	sshll.u32 @!p1 s12, $0x9  }
0x19: {  	p2 =	sgt.s32 @!p1 s12, $0x7F;
	s12 =	ssub.s32 @!p1 $0x10000, s13;
	s13 =	sshll.u32 @!p1 s14, $0xE  }
0x1a: {  	p2 =	por !p2, p1;
	s14 =	sshll.u32 @!p1 s9, $0x7;
	s12 =	sshrl.u32 @!p1 s12, $0x2  }
0x1b: {  	s13 =	sand.u32 @!p1 $0x4000, s13;
	s14 =	sadd.s32 @!p1 s2, s14;
	s12 =	simm.s32 @!p2 $0x0  }
0x1c: {  	[tilespmem:s13], [sflag:$0x1] =	stream.strided.gather @!p1 [hbm4b:s14+s15], s12, s16, s15, $0x38;
	[tilespmem:$0x10100] =	vst v63  }
0x1d: {  	p1 =	seq.s32 s10, $0x0  }
0x1e: {  	p2 =	sge.u32 @!p1 s10, s7  }
0x1f: {  	p1 =	por p1, p2  }
.Ltmp2:
0x20: {  	_ = 	snop;
	(pc) =	sbr.rel @p1 .LBB1_5-.Ltmp2, $1  }
0x21: {  	_ =	sdelay $0x3  }
0x22: {  	p1 =	sgt.s32 s11, $0x18620;
	s12 =	smov.u32 s11;
	s13 =	sshra.s32 s11, $0x1F  }
0x23: {  	s12 =	simm.s32 @!p1 $0x18620;
	s13 =	sand.u32 s13, s11  }
0x24: {  	s12 =	ssub.s32 s12, s13  }
0x25: {  	s12 =	sadd.s32 $0xFFFE79E0, s12  }
0x26: {  	s29 =	sshll.u32 s12, $0x9  }
0x27: {  	s13 =	ssub.s32 $0x10000, s29  }
0x28: {  	p1 =	sgt.s32 s12, $0x7F;
	s12 =	sshrl.u32 s13, $0x2  }
0x29: {  	s13 =	simm.s32 $0x1;
	s12 =	simm.s32 @p1 $0x0  }
0x2a: {  	s13 =	simm.s32 @!p0 $0x0;
	_ =	swait.ge [sflag:s5], s12  }
0x2b: {  	s14 =	sshll.u32 s13, $0xE;
	s12 =	ssub.s32 $0x0, s12;
	[sflag:s5] =	ssyncset.done $0x0  }
0x2c: {  	s15 =	sor.u32 $0x40, s14;
	[sflag:s5] =	ssyncadd.s32 s12  }
0x2d: {  	s30 =	smul.u32 $0x10200, s13;
	v0 =	vld [tilespmem:s15+$0x30]  }
0x2e: {  	v1 =	vld [tilespmem:s15+$0xFFFFFFD0]  }
0x2f: {  	s12 =	sshrl.u32 s30, $0x2;
	v5 =	vld [tilespmem:s15+$0xFFFFFFE0]  }
0x30: {  	s13 =	sor.u32 $0x8000, s12;
	v6 =	vld [tilespmem:s15+$0xFFFFFFF0]  }
0x31: {  	s31 =	sand.u32 $0x1, s10;
	v3 =	vld [tilespmem:s15+$0x0];
	s14 =	sadd.s32 $0x0, s13  }
0x32: {  	s12 =	smul.u32 $0x10200, s31;
	v4 =	vld [tilespmem:s15+$0x10];
	[tilespmem:s14+$0x3870 ss:$0x81] =	vst.msk $0xffff, v0  }
0x33: {  	v2 =	vld [tilespmem:s15+$0x20];
	[tilespmem:s14+$0x810 ss:$0x81] =	vst.msk $0xffff, v1  }
0x34: {  	s12 =	sshrl.u32 s12, $0x2;
	v0 =	vld [tilespmem:s15+$0xFFFFFFC0];
	[tilespmem:s14+$0x1020 ss:$0x81] =	vst.msk $0xffff, v5;
	s15 =	sadd.s32 $0x80, s15  }
0x35: {  	s16 =	simm.s32 $0x4;
	s17 =	simm.s32 $0x8;
	s12 =	sor.u32 $0x8000, s12;
	[tilespmem:s14+$0x1830 ss:$0x81] =	vst.msk $0xffff, v6;
	v1 =	vld [tilespmem:s15+$0x30]  }
.LBB1_3:
0x36: {  	p1 =	sne.s32 s17, $0x1FC;
	v5 =	vld [tilespmem:s15+$0xFFFFFFD0];
	[tilespmem:s14+$0x2040 ss:$0x81] =	vst.msk $0xffff, v3  }
0x37: {  	v6 =	vld [tilespmem:s15+$0xFFFFFFE0];
	[tilespmem:s14+$0x2850 ss:$0x81] =	vst.msk $0xffff, v4  }
0x38: {  	s18 =	sshra.s32 s16, $0x2;
	s16 =	smov.u32 s17;
	v7 =	vld [tilespmem:s15+$0xFFFFFFF0];
	[tilespmem:s14+$0x3060 ss:$0x81] =	vst.msk $0xffff, v2  }
.Ltmp3:
0x39: {  	v3 =	vld [tilespmem:s15+$0x0];
	[tilespmem:s14+$0x0 ss:$0x81] =	vst.msk $0xffff, v0;
	s14 =	sadd.s32 s18, s13;
	(pc) =	sbr.rel @p1 .LBB1_3-.Ltmp3, $4  }
0x3a: {  	v4 =	vld [tilespmem:s15+$0x10];
	[tilespmem:s14+$0x3870 ss:$0x81] =	vst.msk $0xffff, v1  }
0x3b: {  	[tilespmem:s14+$0x810 ss:$0x81] =	vst.msk $0xffff, v5;
	v2 =	vld [tilespmem:s15+$0x20]  }
0x3c: {  	v0 =	vld [tilespmem:s15+$0xFFFFFFC0];
	[tilespmem:s14+$0x1020 ss:$0x81] =	vst.msk $0xffff, v6;
	s15 =	sadd.s32 $0x80, s15  }
0x3d: {  	s17 =	sadd.s32 $0x4, s17;
	v1 =	vld [tilespmem:s15+$0x30];
	[tilespmem:s14+$0x1830 ss:$0x81] =	vst.msk $0xffff, v7  }
0x3e: {  	v5 =	vld [tilespmem:s15+$0xFFFFFFD0];
	[tilespmem:s14+$0x2040 ss:$0x81] =	vst.msk $0xffff, v3;
	s17 =	sshll.u32 s11, $0x3  }
0x3f: {  	v58 =	vld [tilespmem:s15+$0xFFFFFFE0];
	s25 =	sand.u32 $0x7F, s11;
	[tilespmem:s14+$0x2850 ss:$0x81] =	vst.msk $0xffff, v4;
	s17 =	sand.u32 $0xFFFFFC00, s17  }
0x40: {  	s16 =	sshra.s32 s16, $0x2;
	v59 =	vld [tilespmem:s15+$0xFFFFFFF0];
	[tilespmem:s14+$0x3060 ss:$0x81] =	vst.msk $0xffff, v2;
	s11 =	sor.u32 s25, s17  }
0x41: {  	v60 =	vld [tilespmem:s15+$0x0];
	s13 =	sadd.s32 s16, s13;
	[tilespmem:s14+$0x0 ss:$0x81] =	vst.msk $0xffff, v0;
	s26 =	smulhi.u32 $0xA79C7B17, s11  }
0x42: {  	v61 =	vld [tilespmem:s15+$0x10];
	[tilespmem:s13+$0x3870 ss:$0x81] =	vst.msk $0xffff, v1  }
0x43: {  	v62 =	vld [tilespmem:s15+$0x20];
	s27 =	smulhi.u32 $0xA79C7B17, s17;
	[tilespmem:s13+$0x810 ss:$0x81] =	vst.msk $0xffff, v5;
	s14 =	sshrl.u32 s26, $0x10  }
0x44: {  	v63 =	vld [tilespmem:s15+$0xFFFFFFC0];
	[tilespmem:s13+$0x1020 ss:$0x81] =	vst.msk $0xffff, v58;
	s14 =	smul.u32 $0x18700, s14  }
0x45: {  	s28 =	sshrl.u32 s27, $0x10;
	[tilespmem:s13+$0x1830 ss:$0x81] =	vst.msk $0xffff, v59  }
.Ltmp4:
0x46: {  	[tilespmem:s13+$0x2040 ss:$0x81] =	vst.msk $0xffff, v60;
	s29 =	sand.u32 $0xF, s28;
	s11 =	ssub.s32 s11, s14;
	(pc) =	sbr.rel .LBB1_5-.Ltmp4, $4  }
0x47: {  	[tilespmem:s13+$0x2850 ss:$0x81] =	vst.msk $0xffff, v61;
	s14 =	smul.u32 $0x30E0, s29;
	s30 =	sshrl.u32 s11, $0x3;
	s11 =	sand.u32 $0x7, s11  }
0x48: {  	[tilespmem:s13+$0x3060 ss:$0x81] =	vst.msk $0xffff, v62;
	s15 =	sadd.s32 s4, s30;
	s11 =	sshll.u32 s11, $0x12  }
0x49: {  	[tilespmem:s13+$0x0 ss:$0x81] =	vst.msk $0xffff, v63;
	s31 =	sadd.s32 s14, s15;
	s11 =	sor.u32 $0x400, s11  }
0x4a: {  	[hbm4b:s31+s11] =	stream.strided.scatter [tilespmem:s12], [sflag:$0x2], $0x4000, s8, s11, $0x20;
	[tilespmem:$0x10100] =	vst v63  }
.LBB1_6:
0x4b: {  	_ =	sfence.sel $0x180000  }
0x4c: {  	s2 =	simm.s32 $0x1;
	[bflag:$0x0] =	sbarrier.arrive $0xFFFF  }
0x4d: {  	s31 =	simm.s32 $0x2;
	[sflag:s2] =	ssyncpa.u1 $0x1  }
0x4e: {  	[sflag:s31] =	ssyncpa.u1 $0x1  }
0x4f: {  	p0 =	sne.s32 s1, $0x0;
	_ =	strace $0x9000005F  }
0x50: {  	s0 =	sadd.s32 @!p0 $0x100000, s0;
	[bflag:$0x2] =	sbarrier.arrive $0xFFFF  }
0x51: {  	[sflag:s0] =	ssyncadd.tile.s32 @!p0 $0x1;
	_ =	shalt  }
.Lfunc_end1:
_tile_overlayer_lowered:
.L_overlay_start_2:
0x52: {  	(tag) =	ssettag $0x2  }
0x53: {  	s0 =	rddreg [dreg:$0x0];
	s2 =	stileid.u32  }
0x54: {  	s1 =	rddreg [dreg:$0x1];
	p0 =	sne.s32 s2, $0x0  }
0x55: {  	s3 =	rddreg [dreg:$0x2];
	[bflag:$0x3] =	sbarrier.arrive $0xFFFF;
	s2 =	simm.s32 @!p0 $0x1C01  }
0x56: {  	[timem:s3], [sflag:s2] =	dma.local @!p0 [hbm:s0], s1  }
0x57: {  	s0 =	simm.s32 @!p0 $0x1  }
0x58: {  	_ =	swait.ge @!p0 [sflag:s0], s1  }
0x59: {  	s1 =	ssub.s32 @!p0 $0x0, s1;
	[sflag:s0] =	ssyncset.done @!p0 $0x0  }
0x5a: {  	[sflag:s0] =	ssyncadd.s32 @!p0 s1  }
0x5b: {  	[bflag:$0x3] =	sbarrier.arrive $0xFFFF  }
0x5c: {  	_ =	shalt  }

// kernel: sparse-core-data-format-call.2.cloned.1.call-start
scs
called_computation.4_lowered:
.L_overlay_start_0:
0x0: {  	s1 =	sld [smem:$0x3FD9]  }
0x1: {  	s2 =	sld [smem:$0x3FFE];
	_ =	sdelay $0x1  }
0x2: {  	s3 =	srdreg.scid  }
0x3: {  	s0 =	sand.u32 $0x1, s3  }
0x4: {  	s17 =	sshll.u32 s0, $0xA;
	s1 =	sadd.s32 s2, s1  }
0x5: {  	s1 =	sadd.s32 s1, s17  }
0x6: {  	[smem:$0x3F8D] =	sst s1  }
0x7: {  	_ = 	snop  }
0x8: {  	(tm) =	ssettm $0x1  }
0x9: {  	s18 =	sld [smem:$0x3FFB];
	_ =	sdelay $0x3  }
0xa: {  	_ =	strace s18  }
0xb: {  	s1 =	sld [smem:$0x3FFC];
	_ =	sdelay $0x3  }
0xc: {  	_ =	strace s1  }
0xd: {  	s1 =	sld [smem:$0x3FFD];
	_ =	sdelay $0x3  }
0xe: {  	_ =	strace s1  }
0xf: {  	_ =	strace $0x8FFFFFFF  }
0x10: {  	s19 =	sld [smem:$0x3FDB];
	_ =	sdelay $0x1  }
0x11: {  	s20 =	simm.s32 $_scs_section_size  }
0x12: {  	s4 =	simm.s32 $_size__tile_overlayer_lowered;
	s5 =	simm.s32 $_tile_overlayer_lowered  }
0x13: {  	s23 =	simm.s32 $0x1BFF;
	s22 =	sshll.u32 s5, $0x1;
	s1 =	sadd.s32 s20, s19  }
0x14: {  	s6 =	simm.s32 $0x0;
	s21 =	sshll.u32 s4, $0x1;
	s4 =	sadd.s32 s22, s1  }
0x15: {  	[timem:s6], [sflag:s23] =	dma.local [hbm:s4], s21  }
0x16: {  	_ =	swait.ge [sflag:s23], s21  }
0x17: {  	s2 =	ssub.s32 $0x0, s21;
	[sflag:s23] =	ssyncset.done $0x0  }
0x18: {  	[sflag:s23] =	ssyncadd.s32 s2;
	_ =	sdelay $0x1  }
0x19: {  	s24 =	simm.s32 $0x1B8B  }
0x1a: {  	_ =	swait.ge [sflag:s24], $0x1  }
0x1b: {  	[sflag:s24] =	ssyncset.done $0x0  }
0x1c: {  	s26 =	simm.s32 $0x1B8E;
	s25 =	sld [smem:$0x3FFE];
	[sflag:s24] =	ssyncadd.s32 $0xFFFFFFFF  }
0x1d: {  	s27 =	simm.s32 $execute0_lowered;
	[smem:$0x3FD2] =	sst s26  }
0x1e: {  	s4 =	sshll.u32 s27, $0x1;
	_ =	strace $0x80000058;
	[dreg:$0x1] =	wrdreg $0xFFFFFFFF  }
0x1f: {  	s28 =	simm.s32 $_size_execute0_lowered;
	s1 =	sadd.s32 s1, s4;
	[dreg:$0x0] =	wrdreg $0x0  }
0x20: {  	s4 =	sshll.u32 s28, $0x1;
	[dreg:$0x2] =	wrdreg s1  }
0x21: {  	[dreg:$0x3] =	wrdreg s4  }
0x22: {  	[dreg:$0x4] =	wrdreg $0xC0  }
0x23: {  	_ =	task [dreg:s6], $0x5FFFF  }
0x24: {  	[dreg:$0x1] =	wrdreg $0xFFFFFFFF  }
0x25: {  	[dreg:$0x0] =	wrdreg $0x60  }
0x26: {  	[dreg:$0x2] =	wrdreg s25  }
0x27: {  	[dreg:$0x3] =	wrdreg $0xA  }
0x28: {  	_ =	task.clear_ibuf [dreg:s6], $0x4FFFF;
	_ =	strace $0x90000058  }
0x29: {  	s29 =	simm.s32 $0xA;
	_ =	strace $0x8000005A  }
0x2a: {  	_ =	swait.ge [sflag:s29], $0x1  }
0x2b: {  	[sflag:s29] =	ssyncadd.s32 $0xFFFFFFFF  }
0x2c: {  	_ =	strace $0x9000005A  }
0x2d: {  	_ =	sfence  }
0x2e: {  	s30 =	sld [smem:$0x0];
	_ =	sdelay $0x2  }
0x2f: {  	s31 =	sshll.u32 s3, $0xD;
	s3 =	sshrl.u32 s3, $0x2  }
0x30: {  	s2 =	sand.u32 $0x4000, s31;
	s1 =	sadd.s32 s3, s30  }
0x31: {  	s0 =	sor.u32 s2, s0;
	s1 =	sshll.u32 s1, $0x11  }
0x32: {  	s0 =	sor.u32 s1, s0  }
0x33: {  	s0 =	sadd.s32 $0x8F2B, s0  }
0x34: {  	[sflag:s0] =	ssyncadd.remote.s32 $0x1  }
0x35: {  	_ =	sfence.sel $0xFFFF  }
0x36: {  	[dreg:$0x0] =	wrdreg $0xFFFFFFFF;
	(pc) =	sbr.abs _section_cstart, $3  }
0x37: {  	[dreg:$0x1] =	wrdreg $0xFFFFFFFF  }
0x38: {  	_ =	task.clear_ibuf [dreg:s6], $0x2FFFF;
	_ =	strace $0x9FFFFFFF  }
0x39: {  	(tm) =	ssettm $0x7FFFFFFF  }
tec
execute0_lowered:
.L_overlay_start_1:
0x0: {  	(tag) =	ssettag $0x1  }
0x1: {  	s0 =	srdreg.scid;
	s5 =	rddreg [dreg:$0x0];
	s4 =	simm.s32 $0x1  }
0x2: {  	s8 =	simm.s32 $0x2;
	s13 =	simm.s32 $0x0;
	s1 =	sshll.u32 s0, $0x4  }
0x3: {  	s14 =	simm.s32 $0x0;
	s0 =	stileid.u32;
	s1 =	sand.u32 $0x10, s1  }
0x4: {  	s15 =	simm.s32 $0x0;
	s10 =	simm.s32 $0x0;
	s2 =	sor.u32 s0, s1  }
0x5: {  	s11 =	simm.s32 $0x0;
	s3 =	sadd.s32 $0x1CAC00, s5;
	s2 =	sshll.u32 s2, $0x7  }
0x6: {  	s12 =	simm.s32 $0x0;
	s5 =	sadd.s32 $0x12FA600, s5;
	s6 =	ssub.s32 $0x61A80, s2  }
.Ltmp0:
0x7: {  	s1 =	rddreg [dreg:$0x1];
	s7 =	sand.u32 $0xF80, s6;
	(pc) =	sbr.rel .LBB1_1-.Ltmp0, $4  }
0x8: {  	_ =	strace $0x80000059;
	p0 =	sne.s32 s7, $0x0;
	s7 =	simm.s32 $0x1  }
0x9: {  	[sflag:s4] =	ssyncpa.u1 $0x0;
	s6 =	sshrl.u32 s6, $0xC;
	s7 =	simm.s32 @!p0 $0x0  }
0xa: {  	[sflag:s8] =	ssyncpa.u1 $0x0;
	s8 =	simm.s32 $0x80;
	s6 =	sadd.s32 s7, s6  }
0xb: {  	s9 =	smov.u32 s2;
	p0 =	por $0x0, $0x0;
	s7 =	sadd.s32 $0x1, s6  }
.LBB1_7:
0xc: {  	s16 =	sadd.s32 $0x1000, s9  }
0xd: {  	s13 =	sadd.s32 $0x10, s10;
	s17 =	smov.u32 s10;
	p2 =	sgt.s32 s16, $0x61A7F  }
0xe: {  	s17 =	smov.u32 @p2 s13  }
0xf: {  	s19 =	smov.u32 s11;
	s13 =	sadd.s32 $0x8, s11;
	p3 =	sgt.s32 s17, $0xF  }
0x10: {  	s19 =	smov.u32 @p3 s13  }
0x11: {  	s16 =	smov.u32 @p2 s2;
	p2 =	sgt.s32 s19, $0x7  }
0x12: {  	p1 =	slt.u32 s12, $0x2;
	s19 =	simm.s32 @p2 $0x0;
	p2 =	sne.s32 s12, s7  }
.Ltmp1:
0x13: {  	s18 =	simm.s32 @!p1 $0x2;
	(pc) =	sbr.rel @!p2 .LBB1_8-.Ltmp1, $4  }
0x14: {  	s14 =	smov.u32 s10;
	s15 =	smov.u32 s11;
	_ =	swait.ge @!p1 [sflag:s18], $0x4000  }
0x15: {  	p0 =	por !p0, !p0;
	[sflag:s18] =	ssyncset.done @!p1 $0x0;
	s17 =	simm.s32 @p3 $0x0  }
0x16: {  	s13 =	smov.u32 s9;
	[sflag:s18] =	ssyncadd.s32 @!p1 $0xFFFFC000;
	s9 =	smov.u32 s16  }
0x17: {  	s10 =	smov.u32 s17;
	s12 =	sadd.s32 $0x1, s12;
	s11 =	smov.u32 s19  }
.LBB1_1:
0x18: {  	p1 =	sge.u32 s12, s6  }
0x19: {  	s16 =	sshrl.u32 @!p1 s10, $0x3  }
0x1a: {  	s17 =	sshll.u32 @!p1 s9, $0x3;
	s16 =	smul.u32 @!p1 $0x30D400, s16  }
0x1b: {  	s18 =	sshll.u32 @!p1 s10, $0x7;
	s17 =	sand.u32 @!p1 $0xFFFFFC00, s17  }
0x1c: {  	s16 =	sadd.s32 @!p1 s16, s17;
	s17 =	sand.u32 @!p1 $0x380, s18  }
0x1d: {  	s16 =	sor.u32 @!p1 s17, s16  }
0x1e: {  	s17 =	sshrl.u32 @!p1 s16, $0x7  }
0x1f: {  	s17 =	smulhi.u32 @!p1 $0x14F8B59, s17;
	_ =	sdelay $0x1  }
0x20: {  	s31 =	sadd.s32 $0xFFFFFFFF, s12;
	s17 =	sshrl.u32 @!p1 s17, $0x4  }
0x21: {  	s19 =	sand.u32 @!p1 $0x7F, s9;
	s18 =	sxor.u32 @!p1 $0xFFFFFFFF, s12;
	s20 =	smul.u32 @!p1 $0x61A80, s17  }
0x22: {  	s16 =	sor.u32 @!p1 s19, s16;
	s19 =	smul.u32 @!p1 $0xC3500, s11;
	s17 =	sand.u32 @!p1 $0xF, s17  }
0x23: {  	s18 =	sshll.u32 @!p1 s18, $0xE;
	s17 =	smul.u32 @!p1 $0xC350, s17;
	s16 =	ssub.s32 @!p1 s16, s20  }
0x24: {  	s18 =	sand.u32 @!p1 $0x4000, s18;
	s19 =	sadd.s32 @!p1 s3, s19;
	s20 =	sand.u32 @!p1 $0x7, s16  }
0x25: {  	s16 =	sshrl.u32 @!p1 s16, $0x3;
	s17 =	sadd.s32 @!p1 s17, s19;
	s19 =	sshll.u32 @!p1 s20, $0x12  }
0x26: {  	s16 =	sadd.s32 @!p1 s16, s17;
	s17 =	sor.u32 @!p1 $0x400, s19;
	s19 =	simm.s32 @!p1 $0x30D400  }
0x27: {  	[tilespmem:s18], [sflag:$0x1] =	stream.strided.gather @!p1 [hbm4b:s16+s17], $0x4000, s19, s17, $0x38;
	[tilespmem:$0x10800] =	vst v63  }
0x28: {  	p1 =	sge.u32 s31, s6  }
.Ltmp2:
0x29: {  	_ = 	snop;
	(pc) =	sbr.rel @p1 .LBB1_7-.Ltmp2, $1  }
0x2a: {  	_ =	sdelay $0x3  }
0x2b: {  	s16 =	simm.s32 $0x1;
	s18 =	sand.u32 $0x1, s12  }
0x2c: {  	_ =	swait.ge [sflag:s4], $0x4000;
	s16 =	simm.s32 @!p0 $0x0;
	s19 =	smul.u32 $0x11000, s18  }
0x2d: {  	[sflag:s4] =	ssyncset.done $0x0;
	s17 =	smul.u32 $0x11000, s16  }
0x2e: {  	s16 =	sshll.u32 s16, $0xE;
	[sflag:s4] =	ssyncadd.s32 $0xFFFFC000  }
0x2f: {  	s18 =	sor.u32 $0x40, s16;
	s31 =	sshrl.u32 s19, $0x2;
	s17 =	sshrl.u32 s17, $0x2  }
0x30: {  	s19 =	simm.s32 $0x0;
	s16 =	sor.u32 $0x8000, s31;
	s17 =	sor.u32 $0x8000, s17  }
.LBB1_3:
0x31: {  	v0 =	vld [tilespmem:s18+$0x30]  }
0x32: {  	v1 =	vld [tilespmem:s18+$0xFFFFFFD0]  }
0x33: {  	v5 =	vld [tilespmem:s18+$0xFFFFFFE0]  }
0x34: {  	v6 =	vld [tilespmem:s18+$0xFFFFFFF0]  }
0x35: {  	s20 =	sadd.s32 $0x0, s17;
	v2 =	vld [tilespmem:s18+$0x0]  }
0x36: {  	v3 =	vld [tilespmem:s18+$0x10];
	[tilespmem:s20+$0x3B80 ss:$0x88] =	vst.msk $0xffff, v0  }
0x37: {  	v4 =	vld [tilespmem:s18+$0x20];
	[tilespmem:s20+$0x880 ss:$0x88] =	vst.msk $0xffff, v1  }
0x38: {  	s21 =	sadd.s32 $0x80, s18;
	v0 =	vld [tilespmem:s18+$0xFFFFFFC0];
	[tilespmem:s20+$0x1100 ss:$0x88] =	vst.msk $0xffff, v5  }
0x39: {  	s22 =	simm.s32 $0x4;
	s23 =	simm.s32 $0x8;
	v1 =	vld [tilespmem:s21+$0x30];
	[tilespmem:s20+$0x1980 ss:$0x88] =	vst.msk $0xffff, v6  }
.LBB1_4:
0x3a: {  	p1 =	sne.s32 s23, $0x3C;
	v5 =	vld [tilespmem:s21+$0xFFFFFFD0];
	[tilespmem:s20+$0x2200 ss:$0x88] =	vst.msk $0xffff, v2  }
0x3b: {  	v6 =	vld [tilespmem:s21+$0xFFFFFFE0];
	[tilespmem:s20+$0x2A80 ss:$0x88] =	vst.msk $0xffff, v3  }
0x3c: {  	s24 =	sshra.s32 s22, $0x2;
	s22 =	smov.u32 s23;
	v7 =	vld [tilespmem:s21+$0xFFFFFFF0];
	[tilespmem:s20+$0x3300 ss:$0x88] =	vst.msk $0xffff, v4  }
.Ltmp3:
0x3d: {  	v2 =	vld [tilespmem:s21+$0x0];
	[tilespmem:s20+$0x0 ss:$0x88] =	vst.msk $0xffff, v0;
	s20 =	sadd.s32 s24, s17;
	(pc) =	sbr.rel @p1 .LBB1_4-.Ltmp3, $4  }
0x3e: {  	v3 =	vld [tilespmem:s21+$0x10];
	[tilespmem:s20+$0x3B80 ss:$0x88] =	vst.msk $0xffff, v1  }
0x3f: {  	[tilespmem:s20+$0x880 ss:$0x88] =	vst.msk $0xffff, v5;
	v4 =	vld [tilespmem:s21+$0x20]  }
0x40: {  	v0 =	vld [tilespmem:s21+$0xFFFFFFC0];
	[tilespmem:s20+$0x1100 ss:$0x88] =	vst.msk $0xffff, v6;
	s21 =	sadd.s32 $0x80, s21  }
0x41: {  	s23 =	sadd.s32 $0x4, s23;
	v1 =	vld [tilespmem:s21+$0x30];
	[tilespmem:s20+$0x1980 ss:$0x88] =	vst.msk $0xffff, v7  }
0x42: {  	v5 =	vld [tilespmem:s21+$0xFFFFFFD0];
	[tilespmem:s20+$0x2200 ss:$0x88] =	vst.msk $0xffff, v2  }
0x43: {  	v58 =	vld [tilespmem:s21+$0xFFFFFFE0];
	[tilespmem:s20+$0x2A80 ss:$0x88] =	vst.msk $0xffff, v3  }
0x44: {  	s22 =	sshra.s32 s22, $0x2;
	v59 =	vld [tilespmem:s21+$0xFFFFFFF0];
	[tilespmem:s20+$0x3300 ss:$0x88] =	vst.msk $0xffff, v4  }
0x45: {  	v60 =	vld [tilespmem:s21+$0x0];
	s22 =	sadd.s32 s22, s17;
	[tilespmem:s20+$0x0 ss:$0x88] =	vst.msk $0xffff, v0  }
0x46: {  	v61 =	vld [tilespmem:s21+$0x10];
	[tilespmem:s22+$0x3B80 ss:$0x88] =	vst.msk $0xffff, v1  }
0x47: {  	v62 =	vld [tilespmem:s21+$0x20];
	s19 =	sadd.s32 $0x1, s19;
	[tilespmem:s22+$0x880 ss:$0x88] =	vst.msk $0xffff, v5  }
0x48: {  	v63 =	vld [tilespmem:s21+$0xFFFFFFC0];
	p1 =	sne.s32 s19, $0x8;
	[tilespmem:s22+$0x1100 ss:$0x88] =	vst.msk $0xffff, v58  }
.Ltmp4:
0x49: {  	[tilespmem:s22+$0x1980 ss:$0x88] =	vst.msk $0xffff, v59;
	(pc) =	sbr.rel @p1 .LBB1_3-.Ltmp4, $4  }
0x4a: {  	[tilespmem:s22+$0x2200 ss:$0x88] =	vst.msk $0xffff, v60  }
0x4b: {  	[tilespmem:s22+$0x2A80 ss:$0x88] =	vst.msk $0xffff, v61  }
0x4c: {  	[tilespmem:s22+$0x3300 ss:$0x88] =	vst.msk $0xffff, v62  }
0x4d: {  	s18 =	sadd.s32 $0x800, s18;
	s17 =	sadd.s32 $0x11, s17;
	[tilespmem:s22+$0x0 ss:$0x88] =	vst.msk $0xffff, v63  }
0x4e: {  	s15 =	sshll.u32 s15, $0x4  }
.Ltmp5:
0x4f: {  	s13 =	sshll.u32 s13, $0x7;
	s15 =	sand.u32 $0x70, s15;
	(pc) =	sbr.rel .LBB1_7-.Ltmp5, $4  }
0x50: {  	s17 =	sshrl.u32 s14, $0x3;
	s31 =	sand.u32 $0x7, s14;
	s15 =	sadd.s32 s5, s15  }
0x51: {  	s17 =	sand.u32 $0xF, s17;
	s14 =	sshll.u32 s31, $0x12;
	s13 =	sadd.s32 s13, s15  }
0x52: {  	s14 =	sor.u32 $0x10, s14;
	s13 =	sadd.s32 s17, s13  }
0x53: {  	[hbm4b:s13+s14] =	stream.strided.scatter [tilespmem:s16], [sflag:$0x2], $0x4000, s8, s14, $0x8;
	[tilespmem:$0x10800] =	vst v63  }
.LBB1_8:
0x54: {  	_ =	sfence.sel $0x180000  }
0x55: {  	s2 =	simm.s32 $0x1;
	[bflag:$0x0] =	sbarrier.arrive $0xFFFF  }
0x56: {  	s31 =	simm.s32 $0x2;
	[sflag:s2] =	ssyncpa.u1 $0x1  }
0x57: {  	[sflag:s31] =	ssyncpa.u1 $0x1  }
0x58: {  	p0 =	sne.s32 s0, $0x0;
	_ =	strace $0x90000059  }
0x59: {  	s0 =	sadd.s32 @!p0 $0x100000, s1;
	[bflag:$0x2] =	sbarrier.arrive $0xFFFF  }
0x5a: {  	[sflag:s0] =	ssyncadd.tile.s32 @!p0 $0x1;
	_ =	shalt  }
.Lfunc_end1:
_tile_overlayer_lowered:
.L_overlay_start_2:
0x5b: {  	(tag) =	ssettag $0x2  }
0x5c: {  	s0 =	rddreg [dreg:$0x0];
	s2 =	stileid.u32  }
0x5d: {  	s1 =	rddreg [dreg:$0x1];
	p0 =	sne.s32 s2, $0x0  }
0x5e: {  	s3 =	rddreg [dreg:$0x2];
	[bflag:$0x3] =	sbarrier.arrive $0xFFFF;
	s2 =	simm.s32 @!p0 $0x1C01  }
0x5f: {  	[timem:s3], [sflag:s2] =	dma.local @!p0 [hbm:s0], s1  }
0x60: {  	s0 =	simm.s32 @!p0 $0x1  }
0x61: {  	_ =	swait.ge @!p0 [sflag:s0], s1  }
0x62: {  	s1 =	ssub.s32 @!p0 $0x0, s1;
	[sflag:s0] =	ssyncset.done @!p0 $0x0  }
0x63: {  	[sflag:s0] =	ssyncadd.s32 @!p0 s1  }
0x64: {  	[bflag:$0x3] =	sbarrier.arrive $0xFFFF  }
0x65: {  	_ =	shalt  }

// kernel: sparse-core-data-format-call.3.cloned.1.call-start
scs
called_computation.5_lowered:
.L_overlay_start_0:
0x0: {  	s1 =	sld [smem:$0x3FD9]  }
0x1: {  	s2 =	sld [smem:$0x3FFE];
	_ =	sdelay $0x1  }
0x2: {  	s3 =	srdreg.scid  }
0x3: {  	s0 =	sand.u32 $0x1, s3  }
0x4: {  	s17 =	sshll.u32 s0, $0xA;
	s1 =	sadd.s32 s2, s1  }
0x5: {  	s1 =	sadd.s32 s1, s17  }
0x6: {  	[smem:$0x3F8D] =	sst s1  }
0x7: {  	_ = 	snop  }
0x8: {  	(tm) =	ssettm $0x1  }
0x9: {  	s18 =	sld [smem:$0x3FFB];
	_ =	sdelay $0x3  }
0xa: {  	_ =	strace s18  }
0xb: {  	s1 =	sld [smem:$0x3FFC];
	_ =	sdelay $0x3  }
0xc: {  	_ =	strace s1  }
0xd: {  	s1 =	sld [smem:$0x3FFD];
	_ =	sdelay $0x3  }
0xe: {  	_ =	strace s1  }
0xf: {  	_ =	strace $0x8FFFFFFF  }
0x10: {  	s19 =	sld [smem:$0x3FDB];
	_ =	sdelay $0x1  }
0x11: {  	s20 =	simm.s32 $_scs_section_size  }
0x12: {  	s4 =	simm.s32 $_size__tile_overlayer_lowered;
	s5 =	simm.s32 $_tile_overlayer_lowered  }
0x13: {  	s23 =	simm.s32 $0x1BFF;
	s22 =	sshll.u32 s5, $0x1;
	s1 =	sadd.s32 s20, s19  }
0x14: {  	s6 =	simm.s32 $0x0;
	s21 =	sshll.u32 s4, $0x1;
	s4 =	sadd.s32 s22, s1  }
0x15: {  	[timem:s6], [sflag:s23] =	dma.local [hbm:s4], s21  }
0x16: {  	_ =	swait.ge [sflag:s23], s21  }
0x17: {  	s2 =	ssub.s32 $0x0, s21;
	[sflag:s23] =	ssyncset.done $0x0  }
0x18: {  	[sflag:s23] =	ssyncadd.s32 s2;
	_ =	sdelay $0x1  }
0x19: {  	s24 =	simm.s32 $0x1B8B  }
0x1a: {  	_ =	swait.ge [sflag:s24], $0x1  }
0x1b: {  	[sflag:s24] =	ssyncset.done $0x0  }
0x1c: {  	s26 =	simm.s32 $0x1B8E;
	s25 =	sld [smem:$0x3FFE];
	[sflag:s24] =	ssyncadd.s32 $0xFFFFFFFF  }
0x1d: {  	s27 =	simm.s32 $execute0_lowered;
	[smem:$0x3FD2] =	sst s26  }
0x1e: {  	s4 =	sshll.u32 s27, $0x1;
	_ =	strace $0x8000004F;
	[dreg:$0x1] =	wrdreg $0xFFFFFFFF  }
0x1f: {  	s28 =	simm.s32 $_size_execute0_lowered;
	s1 =	sadd.s32 s1, s4;
	[dreg:$0x0] =	wrdreg $0x0  }
0x20: {  	s4 =	sshll.u32 s28, $0x1;
	[dreg:$0x2] =	wrdreg s1  }
0x21: {  	[dreg:$0x3] =	wrdreg s4  }
0x22: {  	[dreg:$0x4] =	wrdreg $0xC0  }
0x23: {  	_ =	task [dreg:s6], $0x5FFFF  }
0x24: {  	[dreg:$0x1] =	wrdreg $0xFFFFFFFF  }
0x25: {  	[dreg:$0x0] =	wrdreg $0x60  }
0x26: {  	[dreg:$0x2] =	wrdreg s25  }
0x27: {  	[dreg:$0x3] =	wrdreg $0x9  }
0x28: {  	_ =	task.clear_ibuf [dreg:s6], $0x4FFFF;
	_ =	strace $0x9000004F  }
0x29: {  	s29 =	simm.s32 $0x9;
	_ =	strace $0x80000051  }
0x2a: {  	_ =	swait.ge [sflag:s29], $0x1  }
0x2b: {  	[sflag:s29] =	ssyncadd.s32 $0xFFFFFFFF  }
0x2c: {  	_ =	strace $0x90000051  }
0x2d: {  	_ =	sfence  }
0x2e: {  	s30 =	sld [smem:$0x0];
	_ =	sdelay $0x2  }
0x2f: {  	s31 =	sshll.u32 s3, $0xD;
	s3 =	sshrl.u32 s3, $0x2  }
0x30: {  	s2 =	sand.u32 $0x4000, s31;
	s1 =	sadd.s32 s3, s30  }
0x31: {  	s0 =	sor.u32 s2, s0;
	s1 =	sshll.u32 s1, $0x11  }
0x32: {  	s0 =	sor.u32 s1, s0  }
0x33: {  	s0 =	sadd.s32 $0x8F2B, s0  }
0x34: {  	[sflag:s0] =	ssyncadd.remote.s32 $0x1  }
0x35: {  	_ =	sfence.sel $0xFFFF  }
0x36: {  	[dreg:$0x0] =	wrdreg $0xFFFFFFFF;
	(pc) =	sbr.abs _section_cstart, $3  }
0x37: {  	[dreg:$0x1] =	wrdreg $0xFFFFFFFF  }
0x38: {  	_ =	task.clear_ibuf [dreg:s6], $0x2FFFF;
	_ =	strace $0x9FFFFFFF  }
0x39: {  	(tm) =	ssettm $0x7FFFFFFF  }
tec
execute0_lowered:
.L_overlay_start_1:
0x0: {  	(tag) =	ssettag $0x1  }
0x1: {  	s0 =	srdreg.scid  }
0x2: {  	s1 =	sshll.u32 s0, $0x4  }
0x3: {  	s4 =	rddreg [dreg:$0x0];
	s0 =	stileid.u32;
	s1 =	sand.u32 $0x10, s1  }
0x4: {  	s7 =	simm.s32 $0x1;
	s8 =	simm.s32 $0x2;
	s2 =	sor.u32 s0, s1  }
0x5: {  	s11 =	simm.s32 $0x0;
	s3 =	sadd.s32 $0x1CAC00, s4;
	s2 =	sshll.u32 s2, $0x7  }
0x6: {  	s10 =	simm.s32 $0x0;
	s4 =	sadd.s32 $0x12FA600, s4;
	s6 =	ssub.s32 $0x61A80, s2  }
.Ltmp0:
0x7: {  	s1 =	rddreg [dreg:$0x1];
	s5 =	sand.u32 $0xF80, s6;
	(pc) =	sbr.rel .LBB1_1-.Ltmp0, $4  }
0x8: {  	_ =	strace $0x80000050;
	s9 =	smov.u32 s2;
	p0 =	sne.s32 s5, $0x0  }
0x9: {  	s6 =	sshrl.u32 s6, $0xC;
	s5 =	simm.s32 $0x1;
	s7 =	simm.s32 @!p0 $0x0  }
0xa: {  	[sflag:s5] =	ssyncpa.u1 $0x0;
	p0 =	por $0x0, $0x0;
	s6 =	sadd.s32 s7, s6  }
0xb: {  	[sflag:s8] =	ssyncpa.u1 $0x0;
	s8 =	simm.s32 $0x30D400;
	s7 =	sadd.s32 $0x1, s6  }
.LBB1_4:
0xc: {  	v5 =	vld [tilespmem:s15+$0xFFFFFFD0];
	[tilespmem:s14+$0x2040 ss:$0x81] =	vst.msk $0xffff, v3;
	s17 =	sshll.u32 s11, $0x3  }
0xd: {  	v58 =	vld [tilespmem:s15+$0xFFFFFFE0];
	[tilespmem:s14+$0x2850 ss:$0x81] =	vst.msk $0xffff, v4;
	s17 =	sand.u32 $0xFFFFFC00, s17  }
0xe: {  	s16 =	sshra.s32 s16, $0x2;
	v59 =	vld [tilespmem:s15+$0xFFFFFFF0];
	[tilespmem:s14+$0x3060 ss:$0x81] =	vst.msk $0xffff, v2;
	s18 =	sshrl.u32 s17, $0x7  }
0xf: {  	[tilespmem:s14+$0x0 ss:$0x81] =	vst.msk $0xffff, v0;
	v60 =	vld [tilespmem:s15+$0x0];
	s13 =	sadd.s32 s16, s13;
	s28 =	smulhi.u32 $0x14F8B59, s18  }
0x10: {  	v61 =	vld [tilespmem:s15+$0x10];
	[tilespmem:s13+$0x3870 ss:$0x81] =	vst.msk $0xffff, v1  }
0x11: {  	v62 =	vld [tilespmem:s15+$0x20];
	[tilespmem:s13+$0x810 ss:$0x81] =	vst.msk $0xffff, v5;
	s14 =	sshrl.u32 s28, $0x4  }
0x12: {  	v63 =	vld [tilespmem:s15+$0xFFFFFFC0];
	s29 =	sand.u32 $0x7F, s11;
	[tilespmem:s13+$0x1020 ss:$0x81] =	vst.msk $0xffff, v58;
	s30 =	smul.u32 $0x61A80, s14  }
0x13: {  	s11 =	sor.u32 s29, s17;
	[tilespmem:s13+$0x1830 ss:$0x81] =	vst.msk $0xffff, v59  }
0x14: {  	[tilespmem:s13+$0x2040 ss:$0x81] =	vst.msk $0xffff, v60;
	s14 =	sand.u32 $0x7F, s14;
	s11 =	ssub.s32 s11, s30  }
0x15: {  	[tilespmem:s13+$0x2850 ss:$0x81] =	vst.msk $0xffff, v61;
	s14 =	smul.u32 $0xC350, s14;
	s15 =	sshrl.u32 s11, $0x3;
	s11 =	sand.u32 $0x7, s11  }
0x16: {  	[tilespmem:s13+$0x3060 ss:$0x81] =	vst.msk $0xffff, v62;
	s15 =	sadd.s32 s4, s15;
	s11 =	sshll.u32 s11, $0x12  }
0x17: {  	[tilespmem:s13+$0x0 ss:$0x81] =	vst.msk $0xffff, v63;
	s31 =	sadd.s32 s14, s15;
	s11 =	sor.u32 $0x400, s11  }
0x18: {  	[hbm4b:s31+s11] =	stream.strided.scatter [tilespmem:s12], [sflag:$0x2], $0x4000, s8, s11, $0x20;
	[tilespmem:$0x10100] =	vst v63  }
.LBB1_5:
0x19: {  	s13 =	sadd.s32 $0x1000, s9  }
0x1a: {  	p2 =	sgt.s32 s13, $0x61A7F  }
0x1b: {  	s13 =	smov.u32 @p2 s2;
	p2 =	sne.s32 s10, s7  }
.Ltmp1:
0x1c: {  	p1 =	slt.u32 s10, $0x2;
	(pc) =	sbr.rel @!p2 .LBB1_6-.Ltmp1, $4  }
0x1d: {  	s12 =	simm.s32 @!p1 $0x2  }
0x1e: {  	s14 =	sadd.s32 $0x1, s10;
	_ =	swait.ge @!p1 [sflag:s12], $0x4000  }
0x1f: {  	s11 =	smov.u32 s9;
	p0 =	por !p0, !p0;
	[sflag:s12] =	ssyncset.done @!p1 $0x0  }
0x20: {  	s10 =	smov.u32 s14;
	s9 =	smov.u32 s13;
	[sflag:s12] =	ssyncadd.s32 @!p1 $0xFFFFC000  }
.LBB1_1:
0x21: {  	p1 =	sge.u32 s10, s6  }
0x22: {  	s12 =	sand.u32 @!p1 $0x1FFFFFF, s9  }
0x23: {  	s13 =	smulhi.u32 @!p1 $0x14F8B59, s12;
	_ =	sdelay $0x1  }
0x24: {  	s13 =	sshrl.u32 @!p1 s13, $0xB  }
0x25: {  	s13 =	smul.u32 @!p1 $0x61A80, s13;
	_ =	sdelay $0x1  }
0x26: {  	s14 =	sxor.u32 @!p1 $0xFFFFFFFF, s10;
	s12 =	ssub.s32 @!p1 s12, s13  }
0x27: {  	s31 =	sadd.s32 $0xFFFFFFFF, s10;
	s13 =	sshll.u32 @!p1 s14, $0xE;
	s12 =	sshll.u32 @!p1 s12, $0x4  }
0x28: {  	s14 =	simm.s32 @!p1 $0x0;
	s13 =	sand.u32 @!p1 $0x4000, s13;
	s12 =	sadd.s32 @!p1 s3, s12  }
0x29: {  	[tilespmem:s13], [sflag:$0x1] =	stream.linear.gather @!p1 [hbm4b:s12+s14], $0x4000, $0x38;
	[tilespmem:$0x10100] =	vst v63  }
0x2a: {  	p1 =	sge.u32 s31, s6  }
.Ltmp2:
0x2b: {  	_ = 	snop;
	(pc) =	sbr.rel @p1 .LBB1_5-.Ltmp2, $1  }
0x2c: {  	_ =	sdelay $0x3  }
0x2d: {  	s12 =	simm.s32 $0x1  }
0x2e: {  	_ =	swait.ge [sflag:s5], $0x4000;
	s12 =	simm.s32 @!p0 $0x0  }
0x2f: {  	[sflag:s5] =	ssyncset.done $0x0;
	s13 =	sshll.u32 s12, $0xE  }
0x30: {  	[sflag:s5] =	ssyncadd.s32 $0xFFFFC000;
	s15 =	sor.u32 $0x40, s13  }
0x31: {  	s12 =	smul.u32 $0x10200, s12;
	v0 =	vld [tilespmem:s15+$0x30]  }
0x32: {  	v1 =	vld [tilespmem:s15+$0xFFFFFFD0]  }
0x33: {  	s12 =	sshrl.u32 s12, $0x2;
	v5 =	vld [tilespmem:s15+$0xFFFFFFE0]  }
0x34: {  	v6 =	vld [tilespmem:s15+$0xFFFFFFF0];
	s13 =	sor.u32 $0x8000, s12  }
0x35: {  	s31 =	sand.u32 $0x1, s10;
	v3 =	vld [tilespmem:s15+$0x0];
	s14 =	sadd.s32 $0x0, s13  }
0x36: {  	v4 =	vld [tilespmem:s15+$0x10];
	s12 =	smul.u32 $0x10200, s31;
	[tilespmem:s14+$0x3870 ss:$0x81] =	vst.msk $0xffff, v0  }
0x37: {  	v2 =	vld [tilespmem:s15+$0x20];
	[tilespmem:s14+$0x810 ss:$0x81] =	vst.msk $0xffff, v1  }
0x38: {  	s12 =	sshrl.u32 s12, $0x2;
	v0 =	vld [tilespmem:s15+$0xFFFFFFC0];
	[tilespmem:s14+$0x1020 ss:$0x81] =	vst.msk $0xffff, v5;
	s15 =	sadd.s32 $0x80, s15  }
0x39: {  	s16 =	simm.s32 $0x4;
	s17 =	simm.s32 $0x8;
	s12 =	sor.u32 $0x8000, s12;
	[tilespmem:s14+$0x1830 ss:$0x81] =	vst.msk $0xffff, v6;
	v1 =	vld [tilespmem:s15+$0x30]  }
.LBB1_3:
0x3a: {  	p1 =	sne.s32 s17, $0x1FC;
	v5 =	vld [tilespmem:s15+$0xFFFFFFD0];
	[tilespmem:s14+$0x2040 ss:$0x81] =	vst.msk $0xffff, v3  }
0x3b: {  	v6 =	vld [tilespmem:s15+$0xFFFFFFE0];
	[tilespmem:s14+$0x2850 ss:$0x81] =	vst.msk $0xffff, v4  }
0x3c: {  	s18 =	sshra.s32 s16, $0x2;
	s16 =	smov.u32 s17;
	v7 =	vld [tilespmem:s15+$0xFFFFFFF0];
	[tilespmem:s14+$0x3060 ss:$0x81] =	vst.msk $0xffff, v2  }
.Ltmp3:
0x3d: {  	v3 =	vld [tilespmem:s15+$0x0];
	[tilespmem:s14+$0x0 ss:$0x81] =	vst.msk $0xffff, v0;
	s14 =	sadd.s32 s18, s13;
	(pc) =	sbr.rel @p1 .LBB1_3-.Ltmp3, $4  }
0x3e: {  	v4 =	vld [tilespmem:s15+$0x10];
	[tilespmem:s14+$0x3870 ss:$0x81] =	vst.msk $0xffff, v1  }
0x3f: {  	[tilespmem:s14+$0x810 ss:$0x81] =	vst.msk $0xffff, v5;
	v2 =	vld [tilespmem:s15+$0x20]  }
0x40: {  	v0 =	vld [tilespmem:s15+$0xFFFFFFC0];
	[tilespmem:s14+$0x1020 ss:$0x81] =	vst.msk $0xffff, v6;
	s15 =	sadd.s32 $0x80, s15  }
0x41: {  	s17 =	sadd.s32 $0x4, s17;
	v1 =	vld [tilespmem:s15+$0x30];
	[tilespmem:s14+$0x1830 ss:$0x81] =	vst.msk $0xffff, v7  }
.Ltmp4:
0x42: {  	_ = 	snop;
	(pc) =	sbr.rel .LBB1_4-.Ltmp4, $1  }
0x43: {  	_ =	sdelay $0x3  }
.LBB1_6:
0x44: {  	_ =	sfence.sel $0x180000  }
0x45: {  	s2 =	simm.s32 $0x1;
	[bflag:$0x0] =	sbarrier.arrive $0xFFFF  }
0x46: {  	s31 =	simm.s32 $0x2;
	[sflag:s2] =	ssyncpa.u1 $0x1  }
0x47: {  	[sflag:s31] =	ssyncpa.u1 $0x1  }
0x48: {  	p0 =	sne.s32 s0, $0x0;
	_ =	strace $0x90000050  }
0x49: {  	s0 =	sadd.s32 @!p0 $0x100000, s1;
	[bflag:$0x2] =	sbarrier.arrive $0xFFFF  }
0x4a: {  	[sflag:s0] =	ssyncadd.tile.s32 @!p0 $0x1;
	_ =	shalt  }
.Lfunc_end1:
_tile_overlayer_lowered:
.L_overlay_start_2:
0x4b: {  	(tag) =	ssettag $0x2  }
0x4c: {  	s0 =	rddreg [dreg:$0x0];
	s2 =	stileid.u32  }
0x4d: {  	s1 =	rddreg [dreg:$0x1];
	p0 =	sne.s32 s2, $0x0  }
0x4e: {  	s3 =	rddreg [dreg:$0x2];
	[bflag:$0x3] =	sbarrier.arrive $0xFFFF;
	s2 =	simm.s32 @!p0 $0x1C01  }
0x4f: {  	[timem:s3], [sflag:s2] =	dma.local @!p0 [hbm:s0], s1  }
0x50: {  	s0 =	simm.s32 @!p0 $0x1  }
0x51: {  	_ =	swait.ge @!p0 [sflag:s0], s1  }
0x52: {  	s1 =	ssub.s32 @!p0 $0x0, s1;
	[sflag:s0] =	ssyncset.done @!p0 $0x0  }
0x53: {  	[sflag:s0] =	ssyncadd.s32 @!p0 s1  }
0x54: {  	[bflag:$0x3] =	sbarrier.arrive $0xFFFF  }
0x55: {  	_ =	shalt  }

// kernel: sparse-core-data-format-call.4.cloned.1.call-start
scs
called_computation.6_lowered:
.L_overlay_start_0:
0x0: {  	s2 =	sld [smem:$0x3FD9]  }
0x1: {  	s3 =	sld [smem:$0x3FFE];
	_ =	sdelay $0x1  }
0x2: {  	s1 =	srdreg.scid  }
0x3: {  	s0 =	sand.u32 $0x1, s1  }
0x4: {  	s18 =	sshll.u32 s0, $0xA;
	s2 =	sadd.s32 s3, s2  }
0x5: {  	s2 =	sadd.s32 s2, s18  }
0x6: {  	[smem:$0x3F8D] =	sst s2  }
0x7: {  	_ = 	snop  }
0x8: {  	(tm) =	ssettm $0x1  }
0x9: {  	s19 =	sld [smem:$0x3FFB];
	_ =	sdelay $0x3  }
0xa: {  	_ =	strace s19  }
0xb: {  	s2 =	sld [smem:$0x3FFC];
	_ =	sdelay $0x3  }
0xc: {  	_ =	strace s2  }
0xd: {  	s2 =	sld [smem:$0x3FFD];
	_ =	sdelay $0x3  }
0xe: {  	_ =	strace s2  }
0xf: {  	_ =	strace $0x8FFFFFFF  }
0x10: {  	s20 =	sld [smem:$0x3FDB];
	_ =	sdelay $0x1  }
0x11: {  	s21 =	simm.s32 $_scs_section_size  }
0x12: {  	s4 =	simm.s32 $_size__tile_overlayer_lowered;
	s5 =	simm.s32 $_tile_overlayer_lowered  }
0x13: {  	s6 =	simm.s32 $0x1BFF;
	s22 =	sshll.u32 s5, $0x1;
	s3 =	sadd.s32 s21, s20  }
0x14: {  	s23 =	simm.s32 $0x0;
	s4 =	sshll.u32 s4, $0x1;
	s5 =	sadd.s32 s22, s3  }
0x15: {  	[timem:s23], [sflag:s6] =	dma.local [hbm:s5], s4  }
0x16: {  	_ =	swait.ge [sflag:s6], s4  }
0x17: {  	s4 =	ssub.s32 $0x0, s4;
	[sflag:s6] =	ssyncset.done $0x0  }
0x18: {  	[sflag:s6] =	ssyncadd.s32 s4;
	_ =	sdelay $0x1  }
0x19: {  	s24 =	simm.s32 $0x1B8B  }
0x1a: {  	_ =	swait.ge [sflag:s24], $0x1  }
0x1b: {  	[sflag:s24] =	ssyncset.done $0x0  }
0x1c: {  	[sflag:s24] =	ssyncadd.s32 $0xFFFFFFFF  }
0x1d: {  	s4 =	sld [smem:$0x0]  }
0x1e: {  	s5 =	sand.u32 $0xFFFFFFFE, s1  }
0x1f: {  	p0 =	sne.s32 s1, s5  }
0x20: {  	s5 =	sshll.u32 @p0 s5, $0xE  }
0x21: {  	s5 =	sadd.s32 @p0 $0x11B8D, s5;
	s6 =	sshll.u32 @p0 s4, $0x11  }
0x22: {  	s5 =	sor.u32 @p0 s6, s5  }
0x23: {  	[sflag:s5] =	ssyncadd.remote.s32 @p0 $0x1;
	_ =	sdelay $0x1  }
0x24: {  	s5 =	simm.s32 @p0 $0x1B8D  }
0x25: {  	_ =	swait.eq @p0 [sflag:s5], $0x1  }
0x26: {  	[sflag:s5] =	ssyncadd.s32 @p0 $0xFFFFFFFF  }
0x27: {  	s6 =	sshll.u32 @!p0 s1, $0xE  }
0x28: {  	s6 =	sor.u32 @!p0 $0x4000, s6;
	s5 =	simm.s32 @!p0 $0x1B8D  }
0x29: {  	s4 =	sshll.u32 @!p0 s4, $0x11;
	s6 =	sadd.s32 @!p0 $0x11B8D, s6;
	_ =	swait.eq @!p0 [sflag:s5], $0x1  }
0x2a: {  	s4 =	sor.u32 @!p0 s4, s6;
	[sflag:s5] =	ssyncadd.s32 @!p0 $0xFFFFFFFF  }
0x2b: {  	s26 =	simm.s32 $0x1B8E;
	s25 =	sld [smem:$0x3FFE];
	[sflag:s4] =	ssyncadd.remote.s32 @!p0 $0x1  }
0x2c: {  	s27 =	simm.s32 $execute0_lowered;
	[smem:$0x3FD2] =	sst s26  }
0x2d: {  	s5 =	sshll.u32 s27, $0x1;
	_ =	strace $0x80000055;
	[dreg:$0x1] =	wrdreg $0xFFFFFFFF  }
0x2e: {  	s28 =	simm.s32 $_size_execute0_lowered;
	s3 =	sadd.s32 s3, s5;
	[dreg:$0x0] =	wrdreg $0x0  }
0x2f: {  	s5 =	sshll.u32 s28, $0x1;
	[dreg:$0x2] =	wrdreg s3  }
0x30: {  	[dreg:$0x3] =	wrdreg s5  }
0x31: {  	[dreg:$0x4] =	wrdreg $0xC0  }
0x32: {  	_ =	task [dreg:s23], $0x5FFFF  }
0x33: {  	[dreg:$0x1] =	wrdreg $0xFFFFFFFF  }
0x34: {  	[dreg:$0x0] =	wrdreg $0x60  }
0x35: {  	[dreg:$0x2] =	wrdreg s25  }
0x36: {  	[dreg:$0x3] =	wrdreg $0xA  }
0x37: {  	_ =	task.clear_ibuf [dreg:s23], $0x4FFFF;
	_ =	strace $0x90000055  }
0x38: {  	s29 =	simm.s32 $0xA;
	_ =	strace $0x80000057  }
0x39: {  	_ =	swait.ge [sflag:s29], $0x1  }
0x3a: {  	[sflag:s29] =	ssyncadd.s32 $0xFFFFFFFF  }
0x3b: {  	_ =	strace $0x90000057  }
0x3c: {  	_ =	sfence  }
0x3d: {  	s30 =	sld [smem:$0x0];
	_ =	sdelay $0x2  }
0x3e: {  	s31 =	sshll.u32 s1, $0xD;
	s1 =	sshrl.u32 s1, $0x2  }
0x3f: {  	s4 =	sand.u32 $0x4000, s31;
	s1 =	sadd.s32 s1, s30  }
0x40: {  	s0 =	sor.u32 s4, s0;
	s1 =	sshll.u32 s1, $0x11  }
0x41: {  	s0 =	sor.u32 s1, s0  }
0x42: {  	s0 =	sadd.s32 $0x8F2B, s0  }
0x43: {  	[sflag:s0] =	ssyncadd.remote.s32 $0x1  }
0x44: {  	_ =	sfence.sel $0xFFFF  }
0x45: {  	[dreg:$0x0] =	wrdreg $0xFFFFFFFF;
	(pc) =	sbr.abs _section_cstart, $3  }
0x46: {  	[dreg:$0x1] =	wrdreg $0xFFFFFFFF  }
0x47: {  	_ =	task.clear_ibuf [dreg:s23], $0x2FFFF;
	_ =	strace $0x9FFFFFFF  }
0x48: {  	(tm) =	ssettm $0x7FFFFFFF  }
0x49: {  	_ =	shalt  }
tec
execute0_lowered:
.L_overlay_start_1:
0x0: {  	(tag) =	ssettag $0x1  }
0x1: {  	s0 =	srdreg.scid  }
0x2: {  	s1 =	sshll.u32 s0, $0x4  }
0x3: {  	s4 =	rddreg [dreg:$0x0];
	s0 =	stileid.u32;
	s1 =	sand.u32 $0x10, s1  }
0x4: {  	s7 =	simm.s32 $0x1;
	s8 =	simm.s32 $0x2;
	s2 =	sor.u32 s0, s1  }
0x5: {  	s11 =	simm.s32 $0x0;
	s3 =	sadd.s32 $0x12FA600, s4;
	s2 =	sshll.u32 s2, $0x7  }
0x6: {  	s10 =	simm.s32 $0x0;
	s4 =	sadd.s32 $0x7FDC00, s4;
	s6 =	ssub.s32 $0x61A80, s2  }
.Ltmp0:
0x7: {  	s1 =	rddreg [dreg:$0x1];
	s5 =	sand.u32 $0xF80, s6;
	(pc) =	sbr.rel .LBB1_1-.Ltmp0, $4  }
0x8: {  	_ =	strace $0x80000056;
	s9 =	smov.u32 s2;
	p0 =	sne.s32 s5, $0x0  }
0x9: {  	s6 =	sshrl.u32 s6, $0xC;
	s5 =	simm.s32 $0x1;
	s7 =	simm.s32 @!p0 $0x0  }
0xa: {  	[sflag:s5] =	ssyncpa.u1 $0x0;
	p0 =	por $0x0, $0x0;
	s6 =	sadd.s32 s7, s6  }
0xb: {  	[sflag:s8] =	ssyncpa.u1 $0x0;
	s8 =	simm.s32 $0x30D400;
	s7 =	sadd.s32 $0x1, s6  }
.LBB1_4:
0xc: {  	v5 =	vld [tilespmem:s15+$0xFFFFFFD0];
	[tilespmem:s14+$0x2040 ss:$0x81] =	vst.msk $0xffff, v3;
	s17 =	sshll.u32 s11, $0x3  }
0xd: {  	v58 =	vld [tilespmem:s15+$0xFFFFFFE0];
	[tilespmem:s14+$0x2850 ss:$0x81] =	vst.msk $0xffff, v4;
	s17 =	sand.u32 $0xFFFFFC00, s17  }
0xe: {  	s16 =	sshra.s32 s16, $0x2;
	v59 =	vld [tilespmem:s15+$0xFFFFFFF0];
	[tilespmem:s14+$0x3060 ss:$0x81] =	vst.msk $0xffff, v2;
	s18 =	sshrl.u32 s17, $0x7  }
0xf: {  	[tilespmem:s14+$0x0 ss:$0x81] =	vst.msk $0xffff, v0;
	v60 =	vld [tilespmem:s15+$0x0];
	s13 =	sadd.s32 s16, s13;
	s28 =	smulhi.u32 $0x14F8B59, s18  }
0x10: {  	v61 =	vld [tilespmem:s15+$0x10];
	[tilespmem:s13+$0x3870 ss:$0x81] =	vst.msk $0xffff, v1  }
0x11: {  	v62 =	vld [tilespmem:s15+$0x20];
	[tilespmem:s13+$0x810 ss:$0x81] =	vst.msk $0xffff, v5;
	s14 =	sshrl.u32 s28, $0x4  }
0x12: {  	v63 =	vld [tilespmem:s15+$0xFFFFFFC0];
	s29 =	sand.u32 $0x7F, s11;
	[tilespmem:s13+$0x1020 ss:$0x81] =	vst.msk $0xffff, v58;
	s30 =	smul.u32 $0x61A80, s14  }
0x13: {  	s11 =	sor.u32 s29, s17;
	[tilespmem:s13+$0x1830 ss:$0x81] =	vst.msk $0xffff, v59  }
0x14: {  	[tilespmem:s13+$0x2040 ss:$0x81] =	vst.msk $0xffff, v60;
	s14 =	sand.u32 $0x7F, s14;
	s11 =	ssub.s32 s11, s30  }
0x15: {  	[tilespmem:s13+$0x2850 ss:$0x81] =	vst.msk $0xffff, v61;
	s14 =	smul.u32 $0xC350, s14;
	s15 =	sshrl.u32 s11, $0x3;
	s11 =	sand.u32 $0x7, s11  }
0x16: {  	[tilespmem:s13+$0x3060 ss:$0x81] =	vst.msk $0xffff, v62;
	s15 =	sadd.s32 s4, s15;
	s11 =	sshll.u32 s11, $0x12  }
0x17: {  	[tilespmem:s13+$0x0 ss:$0x81] =	vst.msk $0xffff, v63;
	s31 =	sadd.s32 s14, s15;
	s11 =	sor.u32 $0x400, s11  }
0x18: {  	[hbm4b:s31+s11] =	stream.strided.scatter [tilespmem:s12], [sflag:$0x2], $0x4000, s8, s11, $0x20;
	[tilespmem:$0x10100] =	vst v63  }
.LBB1_5:
0x19: {  	s13 =	sadd.s32 $0x1000, s9  }
0x1a: {  	p2 =	sgt.s32 s13, $0x61A7F  }
0x1b: {  	s13 =	smov.u32 @p2 s2;
	p2 =	sne.s32 s10, s7  }
.Ltmp1:
0x1c: {  	p1 =	slt.u32 s10, $0x2;
	(pc) =	sbr.rel @!p2 .LBB1_6-.Ltmp1, $4  }
0x1d: {  	s12 =	simm.s32 @!p1 $0x2  }
0x1e: {  	s14 =	sadd.s32 $0x1, s10;
	_ =	swait.ge @!p1 [sflag:s12], $0x4000  }
0x1f: {  	s11 =	smov.u32 s9;
	p0 =	por !p0, !p0;
	[sflag:s12] =	ssyncset.done @!p1 $0x0  }
0x20: {  	s10 =	smov.u32 s14;
	s9 =	smov.u32 s13;
	[sflag:s12] =	ssyncadd.s32 @!p1 $0xFFFFC000  }
.LBB1_1:
0x21: {  	p1 =	sge.u32 s10, s6  }
0x22: {  	s12 =	sand.u32 @!p1 $0x1FFFFFF, s9  }
0x23: {  	s13 =	smulhi.u32 @!p1 $0x14F8B59, s12;
	_ =	sdelay $0x1  }
0x24: {  	s13 =	sshrl.u32 @!p1 s13, $0xB  }
0x25: {  	s13 =	smul.u32 @!p1 $0x61A80, s13;
	_ =	sdelay $0x1  }
0x26: {  	s14 =	sxor.u32 @!p1 $0xFFFFFFFF, s10;
	s12 =	ssub.s32 @!p1 s12, s13  }
0x27: {  	s31 =	sadd.s32 $0xFFFFFFFF, s10;
	s13 =	sshll.u32 @!p1 s14, $0xE;
	s12 =	sshll.u32 @!p1 s12, $0x4  }
0x28: {  	s14 =	simm.s32 @!p1 $0x0;
	s13 =	sand.u32 @!p1 $0x4000, s13;
	s12 =	sadd.s32 @!p1 s3, s12  }
0x29: {  	[tilespmem:s13], [sflag:$0x1] =	stream.linear.gather @!p1 [hbm4b:s12+s14], $0x4000, $0x38;
	[tilespmem:$0x10100] =	vst v63  }
0x2a: {  	p1 =	sge.u32 s31, s6  }
.Ltmp2:
0x2b: {  	_ = 	snop;
	(pc) =	sbr.rel @p1 .LBB1_5-.Ltmp2, $1  }
0x2c: {  	_ =	sdelay $0x3  }
0x2d: {  	s12 =	simm.s32 $0x1  }
0x2e: {  	_ =	swait.ge [sflag:s5], $0x4000;
	s12 =	simm.s32 @!p0 $0x0  }
0x2f: {  	[sflag:s5] =	ssyncset.done $0x0;
	s13 =	sshll.u32 s12, $0xE  }
0x30: {  	[sflag:s5] =	ssyncadd.s32 $0xFFFFC000;
	s15 =	sor.u32 $0x40, s13  }
0x31: {  	s12 =	smul.u32 $0x10200, s12;
	v0 =	vld [tilespmem:s15+$0x30]  }
0x32: {  	v1 =	vld [tilespmem:s15+$0xFFFFFFD0]  }
0x33: {  	s12 =	sshrl.u32 s12, $0x2;
	v5 =	vld [tilespmem:s15+$0xFFFFFFE0]  }
0x34: {  	v6 =	vld [tilespmem:s15+$0xFFFFFFF0];
	s13 =	sor.u32 $0x8000, s12  }
0x35: {  	s31 =	sand.u32 $0x1, s10;
	v3 =	vld [tilespmem:s15+$0x0];
	s14 =	sadd.s32 $0x0, s13  }
0x36: {  	v4 =	vld [tilespmem:s15+$0x10];
	s12 =	smul.u32 $0x10200, s31;
	[tilespmem:s14+$0x3870 ss:$0x81] =	vst.msk $0xffff, v0  }
0x37: {  	v2 =	vld [tilespmem:s15+$0x20];
	[tilespmem:s14+$0x810 ss:$0x81] =	vst.msk $0xffff, v1  }
0x38: {  	s12 =	sshrl.u32 s12, $0x2;
	v0 =	vld [tilespmem:s15+$0xFFFFFFC0];
	[tilespmem:s14+$0x1020 ss:$0x81] =	vst.msk $0xffff, v5;
	s15 =	sadd.s32 $0x80, s15  }
0x39: {  	s16 =	simm.s32 $0x4;
	s17 =	simm.s32 $0x8;
	s12 =	sor.u32 $0x8000, s12;
	[tilespmem:s14+$0x1830 ss:$0x81] =	vst.msk $0xffff, v6;
	v1 =	vld [tilespmem:s15+$0x30]  }
.LBB1_3:
0x3a: {  	p1 =	sne.s32 s17, $0x1FC;
	v5 =	vld [tilespmem:s15+$0xFFFFFFD0];
	[tilespmem:s14+$0x2040 ss:$0x81] =	vst.msk $0xffff, v3  }
0x3b: {  	v6 =	vld [tilespmem:s15+$0xFFFFFFE0];
	[tilespmem:s14+$0x2850 ss:$0x81] =	vst.msk $0xffff, v4  }
0x3c: {  	s18 =	sshra.s32 s16, $0x2;
	s16 =	smov.u32 s17;
	v7 =	vld [tilespmem:s15+$0xFFFFFFF0];
	[tilespmem:s14+$0x3060 ss:$0x81] =	vst.msk $0xffff, v2  }
.Ltmp3:
0x3d: {  	v3 =	vld [tilespmem:s15+$0x0];
	[tilespmem:s14+$0x0 ss:$0x81] =	vst.msk $0xffff, v0;
	s14 =	sadd.s32 s18, s13;
	(pc) =	sbr.rel @p1 .LBB1_3-.Ltmp3, $4  }
0x3e: {  	v4 =	vld [tilespmem:s15+$0x10];
	[tilespmem:s14+$0x3870 ss:$0x81] =	vst.msk $0xffff, v1  }
0x3f: {  	[tilespmem:s14+$0x810 ss:$0x81] =	vst.msk $0xffff, v5;
	v2 =	vld [tilespmem:s15+$0x20]  }
0x40: {  	v0 =	vld [tilespmem:s15+$0xFFFFFFC0];
	[tilespmem:s14+$0x1020 ss:$0x81] =	vst.msk $0xffff, v6;
	s15 =	sadd.s32 $0x80, s15  }
0x41: {  	s17 =	sadd.s32 $0x4, s17;
	v1 =	vld [tilespmem:s15+$0x30];
	[tilespmem:s14+$0x1830 ss:$0x81] =	vst.msk $0xffff, v7  }
.Ltmp4:
0x42: {  	_ = 	snop;
	(pc) =	sbr.rel .LBB1_4-.Ltmp4, $1  }
0x43: {  	_ =	sdelay $0x3  }
.LBB1_6:
0x44: {  	_ =	sfence.sel $0x180000  }
0x45: {  	s2 =	simm.s32 $0x1;
	[bflag:$0x0] =	sbarrier.arrive $0xFFFF  }
0x46: {  	s31 =	simm.s32 $0x2;
	[sflag:s2] =	ssyncpa.u1 $0x1  }
0x47: {  	[sflag:s31] =	ssyncpa.u1 $0x1  }
0x48: {  	p0 =	sne.s32 s0, $0x0;
	_ =	strace $0x90000056  }
0x49: {  	s0 =	sadd.s32 @!p0 $0x100000, s1;
	[bflag:$0x2] =	sbarrier.arrive $0xFFFF  }
0x4a: {  	[sflag:s0] =	ssyncadd.tile.s32 @!p0 $0x1;
	_ =	shalt  }
.Lfunc_end1:
_tile_overlayer_lowered:
.L_overlay_start_2:
0x4b: {  	(tag) =	ssettag $0x2  }
0x4c: {  	s0 =	rddreg [dreg:$0x0];
	s2 =	stileid.u32  }
0x4d: {  	s1 =	rddreg [dreg:$0x1];
	p0 =	sne.s32 s2, $0x0  }
0x4e: {  	s3 =	rddreg [dreg:$0x2];
	[bflag:$0x3] =	sbarrier.arrive $0xFFFF;
	s2 =	simm.s32 @!p0 $0x1C01  }
0x4f: {  	[timem:s3], [sflag:s2] =	dma.local @!p0 [hbm:s0], s1  }
0x50: {  	s0 =	simm.s32 @!p0 $0x1  }
0x51: {  	_ =	swait.ge @!p0 [sflag:s0], s1  }
0x52: {  	s1 =	ssub.s32 @!p0 $0x0, s1;
	[sflag:s0] =	ssyncset.done @!p0 $0x0  }
0x53: {  	[sflag:s0] =	ssyncadd.s32 @!p0 s1  }
0x54: {  	[bflag:$0x3] =	sbarrier.arrive $0xFFFF  }
0x55: {  	_ =	shalt  }

// kernel: sparse-core-data-format-call.cloned.1.call-start
scs
called_computation.2_lowered:
.L_overlay_start_0:
0x0: {  	s1 =	sld [smem:$0x3FD9]  }
0x1: {  	s2 =	sld [smem:$0x3FFE];
	_ =	sdelay $0x1  }
0x2: {  	s3 =	srdreg.scid  }
0x3: {  	s0 =	sand.u32 $0x1, s3  }
0x4: {  	s17 =	sshll.u32 s0, $0xA;
	s1 =	sadd.s32 s2, s1  }
0x5: {  	s1 =	sadd.s32 s1, s17  }
0x6: {  	[smem:$0x3F8D] =	sst s1  }
0x7: {  	_ = 	snop  }
0x8: {  	(tm) =	ssettm $0x1  }
0x9: {  	s18 =	sld [smem:$0x3FFB];
	_ =	sdelay $0x3  }
0xa: {  	_ =	strace s18  }
0xb: {  	s1 =	sld [smem:$0x3FFC];
	_ =	sdelay $0x3  }
0xc: {  	_ =	strace s1  }
0xd: {  	s1 =	sld [smem:$0x3FFD];
	_ =	sdelay $0x3  }
0xe: {  	_ =	strace s1  }
0xf: {  	_ =	strace $0x8FFFFFFF  }
0x10: {  	s19 =	sld [smem:$0x3FDB];
	_ =	sdelay $0x1  }
0x11: {  	s20 =	simm.s32 $_scs_section_size  }
0x12: {  	s4 =	simm.s32 $_size__tile_overlayer_lowered;
	s5 =	simm.s32 $_tile_overlayer_lowered  }
0x13: {  	s23 =	simm.s32 $0x1BFF;
	s22 =	sshll.u32 s5, $0x1;
	s1 =	sadd.s32 s20, s19  }
0x14: {  	s6 =	simm.s32 $0x0;
	s21 =	sshll.u32 s4, $0x1;
	s4 =	sadd.s32 s22, s1  }
0x15: {  	[timem:s6], [sflag:s23] =	dma.local [hbm:s4], s21  }
0x16: {  	_ =	swait.ge [sflag:s23], s21  }
0x17: {  	s2 =	ssub.s32 $0x0, s21;
	[sflag:s23] =	ssyncset.done $0x0  }
0x18: {  	[sflag:s23] =	ssyncadd.s32 s2;
	_ =	sdelay $0x1  }
0x19: {  	s24 =	simm.s32 $0x1B8B  }
0x1a: {  	_ =	swait.ge [sflag:s24], $0x1  }
0x1b: {  	[sflag:s24] =	ssyncset.done $0x0  }
0x1c: {  	s26 =	simm.s32 $0x1B8E;
	s25 =	sld [smem:$0x3FFE];
	[sflag:s24] =	ssyncadd.s32 $0xFFFFFFFF  }
0x1d: {  	s27 =	simm.s32 $execute0_lowered;
	[smem:$0x3FD2] =	sst s26  }
0x1e: {  	s4 =	sshll.u32 s27, $0x1;
	_ =	strace $0x80000061;
	[dreg:$0x1] =	wrdreg $0xFFFFFFFF  }
0x1f: {  	s28 =	simm.s32 $_size_execute0_lowered;
	s1 =	sadd.s32 s1, s4;
	[dreg:$0x0] =	wrdreg $0x0  }
0x20: {  	s4 =	sshll.u32 s28, $0x1;
	[dreg:$0x2] =	wrdreg s1  }
0x21: {  	[dreg:$0x3] =	wrdreg s4  }
0x22: {  	[dreg:$0x4] =	wrdreg $0xC0  }
0x23: {  	_ =	task [dreg:s6], $0x5FFFF  }
0x24: {  	[dreg:$0x1] =	wrdreg $0xFFFFFFFF  }
0x25: {  	[dreg:$0x0] =	wrdreg $0x60  }
0x26: {  	[dreg:$0x2] =	wrdreg s25  }
0x27: {  	[dreg:$0x3] =	wrdreg $0x9  }
0x28: {  	_ =	task.clear_ibuf [dreg:s6], $0x4FFFF;
	_ =	strace $0x90000061  }
0x29: {  	s29 =	simm.s32 $0x9;
	_ =	strace $0x80000063  }
0x2a: {  	_ =	swait.ge [sflag:s29], $0x1  }
0x2b: {  	[sflag:s29] =	ssyncadd.s32 $0xFFFFFFFF  }
0x2c: {  	_ =	strace $0x90000063  }
0x2d: {  	_ =	sfence  }
0x2e: {  	s30 =	sld [smem:$0x0];
	_ =	sdelay $0x2  }
0x2f: {  	s31 =	sshll.u32 s3, $0xD;
	s3 =	sshrl.u32 s3, $0x2  }
0x30: {  	s2 =	sand.u32 $0x4000, s31;
	s1 =	sadd.s32 s3, s30  }
0x31: {  	s0 =	sor.u32 s2, s0;
	s1 =	sshll.u32 s1, $0x11  }
0x32: {  	s0 =	sor.u32 s1, s0  }
0x33: {  	s0 =	sadd.s32 $0x8F2B, s0  }
0x34: {  	[sflag:s0] =	ssyncadd.remote.s32 $0x1  }
0x35: {  	_ =	sfence.sel $0xFFFF  }
0x36: {  	[dreg:$0x0] =	wrdreg $0xFFFFFFFF;
	(pc) =	sbr.abs _section_cstart, $3  }
0x37: {  	[dreg:$0x1] =	wrdreg $0xFFFFFFFF  }
0x38: {  	_ =	task.clear_ibuf [dreg:s6], $0x2FFFF;
	_ =	strace $0x9FFFFFFF  }
0x39: {  	(tm) =	ssettm $0x7FFFFFFF  }
tec
execute0_lowered:
.L_overlay_start_1:
0x0: {  	(tag) =	ssettag $0x1  }
0x1: {  	s0 =	srdreg.scid  }
0x2: {  	s4 =	rddreg [dreg:$0x0];
	s1 =	stileid.u32  }
0x3: {  	s5 =	simm.s32 $0x1;
	s7 =	simm.s32 $0x2;
	s14 =	simm.s32 $0x0  }
0x4: {  	p0 =	por $0x0, $0x0;
	s13 =	simm.s32 $0x0;
	s0 =	sshll.u32 s0, $0x4  }
0x5: {  	s8 =	simm.s32 $0x0;
	s9 =	simm.s32 $0x0;
	s2 =	sand.u32 $0x10, s0  }
.Ltmp0:
0x6: {  	s11 =	simm.s32 $0x0;
	s3 =	sor.u32 s1, s2;
	(pc) =	sbr.rel .LBB1_1-.Ltmp0, $4  }
0x7: {  	s0 =	rddreg [dreg:$0x1];
	_ =	strace $0x80000062;
	s3 =	sshll.u32 s3, $0x7  }
0x8: {  	s12 =	simm.s32 $0x0;
	s2 =	sadd.s32 $0xC39400, s4;
	s6 =	ssub.s32 $0x18680, s3  }
0x9: {  	s4 =	sadd.s32 $0xDC0400, s4;
	[sflag:s5] =	ssyncpa.u1 $0x0;
	s6 =	sshrl.u32 s6, $0xC  }
0xa: {  	[sflag:s7] =	ssyncpa.u1 $0x0;
	s10 =	smov.u32 s3;
	s7 =	sadd.s32 $0x2, s6  }
.LBB1_5:
0xb: {  	p1 =	slt.u32 s12, $0x2  }
0xc: {  	p2 =	sgt.s32 @!p1 s14, $0x18620  }
0xd: {  	s15 =	smov.u32 s14;
	s16 =	sshra.s32 @!p1 s14, $0x1F;
	p2 =	por !p2, p1  }
0xe: {  	s14 =	sand.u32 @!p1 s16, s14;
	s15 =	simm.s32 @p2 $0x18620  }
0xf: {  	s14 =	ssub.s32 @!p1 s15, s14;
	s15 =	ssub.s32 @!p1 $0x0, s13  }
0x10: {  	s17 =	smov.u32 s11;
	s16 =	sadd.s32 @!p1 $0xFFFE79E0, s14;
	s13 =	smin.u32 @!p1 s13, s15  }
0x11: {  	s14 =	ssub.s32 @!p1 $0x186A0, s14;
	p2 =	sgt.s32 @!p1 s16, $0x7F;
	p3 =	sgt.s32 @!p1 s13, $0x7F  }
0x12: {  	s13 =	ssub.s32 @!p1 $0x80, s13;
	p2 =	por !p2, p1;
	p3 =	por !p3, p1  }
0x13: {  	s15 =	sadd.s32 $0x1000, s10;
	s14 =	simm.s32 @!p2 $0x0;
	s13 =	simm.s32 @!p3 $0x0  }
0x14: {  	p2 =	sgt.s32 s15, $0x1869F;
	s13 =	smul.u32 @!p1 s13, s14;
	s14 =	sadd.s32 $0x80, s11  }
0x15: {  	s17 =	smov.u32 @p2 s14  }
0x16: {  	s15 =	smov.u32 @p2 s3;
	p2 =	sgt.s32 s17, $0x7F  }
0x17: {  	s17 =	simm.s32 @p2 $0x0;
	p2 =	sne.s32 s12, s7  }
.Ltmp1:
0x18: {  	p0 =	por !p0, !p0;
	s16 =	simm.s32 @!p1 $0x2;
	(pc) =	sbr.rel @!p2 .LBB1_6-.Ltmp1, $4  }
0x19: {  	s14 =	smov.u32 s8;
	s8 =	smov.u32 s10;
	s13 =	sand.u32 @!p1 $0x3FFFFFFF, s13  }
0x1a: {  	s10 =	smov.u32 s15;
	_ =	swait.ge @!p1 [sflag:s16], s13;
	s18 =	ssub.s32 @!p1 $0x0, s13  }
0x1b: {  	s13 =	smov.u32 s9;
	s12 =	sadd.s32 $0x1, s12;
	[sflag:s16] =	ssyncset.done @!p1 $0x0  }
0x1c: {  	s9 =	smov.u32 s11;
	s11 =	smov.u32 s17;
	[sflag:s16] =	ssyncadd.s32 @!p1 s18  }
.LBB1_1:
0x1d: {  	p1 =	sgt.u32 s12, s6  }
0x1e: {  	s15 =	sshrl.u32 @!p1 s11, $0x3  }
0x1f: {  	s16 =	sshll.u32 @!p1 s10, $0x3;
	s15 =	smul.u32 @!p1 $0xC3800, s15  }
0x20: {  	s17 =	sshll.u32 @!p1 s11, $0x7;
	s16 =	sand.u32 @!p1 $0xFFFFFC00, s16  }
0x21: {  	s15 =	sadd.s32 @!p1 s15, s16;
	s16 =	sand.u32 @!p1 $0x380, s17  }
0x22: {  	s17 =	sand.u32 @!p1 $0x7F, s10;
	s15 =	sor.u32 @!p1 s16, s15  }
0x23: {  	s16 =	sor.u32 @!p1 s17, s15  }
0x24: {  	s17 =	smulhi.u32 @!p1 $0xA79C7B17, s16;
	_ =	sdelay $0x1  }
0x25: {  	s15 =	smulhi.u32 @!p1 $0xA79C7B17, s15;
	s17 =	sshrl.u32 @!p1 s17, $0x10  }
0x26: {  	s17 =	smul.u32 @!p1 $0x18700, s17  }
0x27: {  	s18 =	sxor.u32 @!p1 $0xFFFFFFFF, s12;
	s15 =	sshrl.u32 @!p1 s15, $0x10  }
0x28: {  	s18 =	sshll.u32 @!p1 s18, $0xE;
	s15 =	sand.u32 @!p1 $0x7F, s15;
	s16 =	ssub.s32 @!p1 s16, s17  }
0x29: {  	s15 =	smul.u32 @!p1 $0x30E0, s15;
	s17 =	sshrl.u32 @!p1 s16, $0x3;
	s16 =	sand.u32 @!p1 $0x7, s16  }
0x2a: {  	s18 =	sand.u32 @!p1 $0x4000, s18;
	s17 =	sadd.s32 @!p1 s2, s17;
	s16 =	sshll.u32 @!p1 s16, $0x12  }
0x2b: {  	s15 =	sadd.s32 @!p1 s15, s17;
	s16 =	sor.u32 @!p1 $0x400, s16;
	s17 =	simm.s32 @!p1 $0xC3800  }
0x2c: {  	[tilespmem:s18], [sflag:$0x1] =	stream.strided.gather @!p1 [hbm4b:s15+s16], $0x4000, s17, s16, $0x38;
	[tilespmem:$0x10100] =	vst v63  }
0x2d: {  	p1 =	seq.s32 s12, $0x0  }
0x2e: {  	p2 =	sge.u32 @!p1 s12, s7  }
0x2f: {  	p1 =	por p1, p2  }
.Ltmp2:
0x30: {  	_ = 	snop;
	(pc) =	sbr.rel @p1 .LBB1_5-.Ltmp2, $1  }
0x31: {  	_ =	sdelay $0x3  }
0x32: {  	s15 =	simm.s32 $0x1  }
0x33: {  	_ =	swait.ge [sflag:s5], $0x4000;
	s15 =	simm.s32 @!p0 $0x0  }
0x34: {  	[sflag:s5] =	ssyncset.done $0x0;
	s16 =	sshll.u32 s15, $0xE  }
0x35: {  	[sflag:s5] =	ssyncadd.s32 $0xFFFFC000;
	s16 =	sor.u32 $0x40, s16  }
0x36: {  	s15 =	smul.u32 $0x10200, s15;
	v0 =	vld [tilespmem:s16+$0x30]  }
0x37: {  	v1 =	vld [tilespmem:s16+$0xFFFFFFD0]  }
0x38: {  	s15 =	sshrl.u32 s15, $0x2;
	v5 =	vld [tilespmem:s16+$0xFFFFFFE0]  }
0x39: {  	v6 =	vld [tilespmem:s16+$0xFFFFFFF0];
	s18 =	sor.u32 $0x8000, s15  }
0x3a: {  	s31 =	sand.u32 $0x1, s12;
	v4 =	vld [tilespmem:s16+$0x0];
	s17 =	sadd.s32 $0x0, s18  }
0x3b: {  	v3 =	vld [tilespmem:s16+$0x10];
	s15 =	smul.u32 $0x10200, s31;
	[tilespmem:s17+$0x3870 ss:$0x81] =	vst.msk $0xffff, v0  }
0x3c: {  	v2 =	vld [tilespmem:s16+$0x20];
	[tilespmem:s17+$0x810 ss:$0x81] =	vst.msk $0xffff, v1  }
0x3d: {  	s15 =	sshrl.u32 s15, $0x2;
	v0 =	vld [tilespmem:s16+$0xFFFFFFC0];
	[tilespmem:s17+$0x1020 ss:$0x81] =	vst.msk $0xffff, v5;
	s16 =	sadd.s32 $0x80, s16  }
0x3e: {  	s19 =	simm.s32 $0x4;
	s20 =	simm.s32 $0x8;
	s15 =	sor.u32 $0x8000, s15;
	[tilespmem:s17+$0x1830 ss:$0x81] =	vst.msk $0xffff, v6;
	v1 =	vld [tilespmem:s16+$0x30]  }
.LBB1_3:
0x3f: {  	p1 =	sne.s32 s20, $0x1FC;
	v5 =	vld [tilespmem:s16+$0xFFFFFFD0];
	[tilespmem:s17+$0x2040 ss:$0x81] =	vst.msk $0xffff, v4  }
0x40: {  	v6 =	vld [tilespmem:s16+$0xFFFFFFE0];
	[tilespmem:s17+$0x2850 ss:$0x81] =	vst.msk $0xffff, v3  }
0x41: {  	s21 =	sshra.s32 s19, $0x2;
	s19 =	smov.u32 s20;
	v7 =	vld [tilespmem:s16+$0xFFFFFFF0];
	[tilespmem:s17+$0x3060 ss:$0x81] =	vst.msk $0xffff, v2  }
.Ltmp3:
0x42: {  	v4 =	vld [tilespmem:s16+$0x0];
	[tilespmem:s17+$0x0 ss:$0x81] =	vst.msk $0xffff, v0;
	s17 =	sadd.s32 s21, s18;
	(pc) =	sbr.rel @p1 .LBB1_3-.Ltmp3, $4  }
0x43: {  	v3 =	vld [tilespmem:s16+$0x10];
	[tilespmem:s17+$0x3870 ss:$0x81] =	vst.msk $0xffff, v1  }
0x44: {  	[tilespmem:s17+$0x810 ss:$0x81] =	vst.msk $0xffff, v5;
	v2 =	vld [tilespmem:s16+$0x20]  }
0x45: {  	v0 =	vld [tilespmem:s16+$0xFFFFFFC0];
	[tilespmem:s17+$0x1020 ss:$0x81] =	vst.msk $0xffff, v6;
	s16 =	sadd.s32 $0x80, s16  }
0x46: {  	s20 =	sadd.s32 $0x4, s20;
	v1 =	vld [tilespmem:s16+$0x30];
	[tilespmem:s17+$0x1830 ss:$0x81] =	vst.msk $0xffff, v7  }
0x47: {  	s20 =	sshll.u32 s8, $0x7;
	s21 =	sshll.u32 s9, $0x3;
	s19 =	sshra.s32 s19, $0x2  }
0x48: {  	v5 =	vld [tilespmem:s16+$0xFFFFFFD0];
	[tilespmem:s17+$0x2040 ss:$0x81] =	vst.msk $0xffff, v4;
	p1 =	sgt.s32 s8, $0x18620;
	s22 =	sand.u32 $0xFFFFFC00, s20;
	s21 =	sand.u32 $0xFFFFFC00, s21  }
0x49: {  	v58 =	vld [tilespmem:s16+$0xFFFFFFE0];
	s24 =	sshra.s32 s8, $0x1F;
	s20 =	sand.u32 $0x380, s20;
	[tilespmem:s17+$0x2850 ss:$0x81] =	vst.msk $0xffff, v3;
	s21 =	sadd.s32 s21, s22  }
0x4a: {  	v59 =	vld [tilespmem:s16+$0xFFFFFFF0];
	s26 =	ssub.s32 $0x0, s9;
	s18 =	sadd.s32 s19, s18;
	[tilespmem:s17+$0x3060 ss:$0x81] =	vst.msk $0xffff, v2;
	s23 =	sor.u32 s20, s21  }
0x4b: {  	v60 =	vld [tilespmem:s16+$0x0];
	s28 =	smin.u32 s9, s26;
	s20 =	smov.u32 s8;
	[tilespmem:s17+$0x0 ss:$0x81] =	vst.msk $0xffff, v0;
	s19 =	sshrl.u32 s23, $0x7  }
0x4c: {  	v61 =	vld [tilespmem:s16+$0x10];
	s21 =	sand.u32 s24, s8;
	s20 =	simm.s32 @!p1 $0x18620;
	[tilespmem:s18+$0x3870 ss:$0x81] =	vst.msk $0xffff, v1;
	s25 =	smulhi.u32 $0x14F8B59, s19  }
0x4d: {  	v62 =	vld [tilespmem:s16+$0x20];
	s29 =	sshrl.u32 s9, $0x3;
	p2 =	sgt.s32 s28, $0x7F;
	s20 =	ssub.s32 s20, s21;
	[tilespmem:s18+$0x810 ss:$0x81] =	vst.msk $0xffff, v5  }
0x4e: {  	v63 =	vld [tilespmem:s16+$0xFFFFFFC0];
	[tilespmem:s18+$0x1020 ss:$0x81] =	vst.msk $0xffff, v58;
	s21 =	sadd.s32 $0xFFFE79E0, s20;
	s20 =	ssub.s32 $0x186A0, s20;
	s17 =	sshrl.u32 s25, $0x9  }
0x4f: {  	[tilespmem:s18+$0x1830 ss:$0x81] =	vst.msk $0xffff, v59;
	p1 =	sgt.s32 s21, $0x7F;
	s27 =	smul.u32 $0x186A0, s17;
	s17 =	ssub.s32 $0x80, s28  }
.Ltmp4:
0x50: {  	[tilespmem:s18+$0x2040 ss:$0x81] =	vst.msk $0xffff, v60;
	s20 =	simm.s32 @p1 $0x0;
	s17 =	simm.s32 @p2 $0x0;
	(pc) =	sbr.rel .LBB1_5-.Ltmp4, $4  }
0x51: {  	s30 =	sand.u32 $0xF, s29;
	[tilespmem:s18+$0x2850 ss:$0x81] =	vst.msk $0xffff, v61;
	s16 =	ssub.s32 s19, s27;
	s17 =	smul.u32 s17, s20  }
0x52: {  	[tilespmem:s18+$0x3060 ss:$0x81] =	vst.msk $0xffff, v62;
	s19 =	sadd.s32 s4, s30;
	s16 =	sshll.u32 s16, $0x4  }
0x53: {  	s31 =	sand.u32 $0x7, s9;
	[tilespmem:s18+$0x0 ss:$0x81] =	vst.msk $0xffff, v63;
	s17 =	sand.u32 $0x3FFFFFFF, s17;
	s16 =	sadd.s32 s16, s19  }
0x54: {  	[hbm4b:s16+s31] =	stream.linear.scatter [tilespmem:s15], [sflag:$0x2], s17, $0x20;
	[tilespmem:$0x10100] =	vst v63  }
.LBB1_6:
0x55: {  	_ =	sfence.sel $0x180000  }
0x56: {  	s2 =	simm.s32 $0x1;
	[bflag:$0x0] =	sbarrier.arrive $0xFFFF  }
0x57: {  	s31 =	simm.s32 $0x2;
	[sflag:s2] =	ssyncpa.u1 $0x1  }
0x58: {  	[sflag:s31] =	ssyncpa.u1 $0x1  }
0x59: {  	p0 =	sne.s32 s1, $0x0;
	_ =	strace $0x90000062  }
0x5a: {  	s0 =	sadd.s32 @!p0 $0x100000, s0;
	[bflag:$0x2] =	sbarrier.arrive $0xFFFF  }
0x5b: {  	[sflag:s0] =	ssyncadd.tile.s32 @!p0 $0x1;
	_ =	shalt  }
.Lfunc_end1:
_tile_overlayer_lowered:
.L_overlay_start_2:
0x5c: {  	(tag) =	ssettag $0x2  }
0x5d: {  	s0 =	rddreg [dreg:$0x0];
	s2 =	stileid.u32  }
0x5e: {  	s1 =	rddreg [dreg:$0x1];
	p0 =	sne.s32 s2, $0x0  }
0x5f: {  	s3 =	rddreg [dreg:$0x2];
	[bflag:$0x3] =	sbarrier.arrive $0xFFFF;
	s2 =	simm.s32 @!p0 $0x1C01  }
0x60: {  	[timem:s3], [sflag:s2] =	dma.local @!p0 [hbm:s0], s1  }
0x61: {  	s0 =	simm.s32 @!p0 $0x1  }
0x62: {  	_ =	swait.ge @!p0 [sflag:s0], s1  }
0x63: {  	s1 =	ssub.s32 @!p0 $0x0, s1;
	[sflag:s0] =	ssyncset.done @!p0 $0x0  }
0x64: {  	[sflag:s0] =	ssyncadd.s32 @!p0 s1  }
0x65: {  	[bflag:$0x3] =	sbarrier.arrive $0xFFFF  }
0x66: {  	_ =	shalt  }

</sc_bundles>
